<compile_context>
chip_gen: v7x
topology: tpu7x:2x2x1
jax: 0.10.2.dev20260603
libtpu: 0.0.44.dev20260713+nightly
codegen_flags: <defaults>
</compile_context>

<pallas_src>
import dataclasses
import functools

import jax
import jax.numpy as jnp
from jax import lax
from jax.experimental import pallas as pl
from jax.experimental.pallas import tpu as pltpu
from jax.experimental.pallas import tpu_sc as plsc

_N = 4096
_D = 768
_H = 16384
_K = 64

_RB = 128
_HB = 2048
_NR = _N // _RB
_NH = _H // _HB

_NW = 32
_RPT = _N // _NW
_LANES = 16
_CAPL = 192
_NEG = -3.0e38



def _encode_body(x_ref, w_ref, b_ref, pre_ref, invn_ref):
    r = pl.program_id(1)
    pre = lax.dot_general(
        x_ref[...], w_ref[...], (((1,), (1,)), ((), ())),
        preferred_element_type=jnp.float32,
    )
    pre_ref[...] = pre + b_ref[...][None, :]

    @pl.when(r == 0)
    def _():
        w = w_ref[...]
        n2 = jnp.sum(w * w, axis=1)
        invn_ref[...] = 1.0 / jnp.maximum(jnp.sqrt(n2), 1e-12)


def _encode(x, w, b):
    return pl.pallas_call(
        _encode_body,
        grid=(_NH, _NR),
        in_specs=[
            pl.BlockSpec((_RB, _D), lambda h, r: (r, 0)),
            pl.BlockSpec((_HB, _D), lambda h, r: (h, 0)),
            pl.BlockSpec((_HB,), lambda h, r: (h,)),
        ],
        out_specs=[
            pl.BlockSpec((_RB, _HB), lambda h, r: (r, h)),
            pl.BlockSpec((_HB,), lambda h, r: (h,)),
        ],
        out_shape=[
            jax.ShapeDtypeStruct((_N, _H), jnp.float32),
            jax.ShapeDtypeStruct((_H,), jnp.float32),
        ],
        compiler_params=pltpu.CompilerParams(
            dimension_semantics=("arbitrary", "arbitrary"),
        ),
    )(x, w, b)



def _vsort(k, v):
    return plsc.sort_key_val(k, v, descending=True)


def _ce(ka, va, kb, vb):
    m = ka >= kb
    return (jnp.where(m, ka, kb), jnp.where(m, va, vb),
            jnp.where(m, kb, ka), jnp.where(m, vb, va))


def _rev(x):
    return lax.rev(x, (0,))


def _bitonic_cleanup(ks, vs):
    n = len(ks)
    if n == 1:
        k, v = _vsort(ks[0], vs[0])
        return [k], [v]
    h = n // 2
    ks, vs = list(ks), list(vs)
    for i in range(h):
        ks[i], vs[i], ks[i + h], vs[i + h] = _ce(
            ks[i], vs[i], ks[i + h], vs[i + h])
    k1, v1 = _bitonic_cleanup(ks[:h], vs[:h])
    k2, v2 = _bitonic_cleanup(ks[h:], vs[h:])
    return k1 + k2, v1 + v2


def _merge_sorted(ak, av, bk, bv):
    n = len(ak)
    hi_k, hi_v, lo_k, lo_v = [], [], [], []
    for i in range(n):
        rk, rv = _rev(bk[n - 1 - i]), _rev(bv[n - 1 - i])
        hk, hv, lk, lv = _ce(ak[i], av[i], rk, rv)
        hi_k.append(hk)
        hi_v.append(hv)
        lo_k.append(lk)
        lo_v.append(lv)
    hk, hv = _bitonic_cleanup(hi_k, hi_v)
    lk, lv = _bitonic_cleanup(lo_k, lo_v)
    return hk + lk, hv + lv


def _sort64(ks, vs):
    s = [_vsort(ks[i], vs[i]) for i in range(4)]
    ak, av = _merge_sorted([s[0][0]], [s[0][1]], [s[1][0]], [s[1][1]])
    bk, bv = _merge_sorted([s[2][0]], [s[2][1]], [s[3][0]], [s[3][1]])
    return _merge_sorted(ak, av, bk, bv)


def _top64_merge(ak, av, bk, bv):
    hi_k, hi_v = [], []
    for i in range(4):
        rk, rv = _rev(bk[3 - i]), _rev(bv[3 - i])
        hk, hv, _, _ = _ce(ak[i], av[i], rk, rv)
        hi_k.append(hk)
        hi_v.append(hv)
    return _bitonic_cleanup(hi_k, hi_v)


def _topk_sc(pre):
    mesh = plsc.VectorSubcoreMesh(core_axis_name="c", subcore_axis_name="s")
    cp = pltpu.CompilerParams()
    if "needs_layout_passes" in pltpu.CompilerParams.__dataclass_fields__:
        cp = dataclasses.replace(cp, needs_layout_passes=False)

    @functools.partial(
        pl.kernel,
        compiler_params=cp,
        out_type=(
            jax.ShapeDtypeStruct((_N * _K,), jnp.int32),
            jax.ShapeDtypeStruct((_N,), jnp.float32),
        ),
        mesh=mesh,
        scratch_types=[
            pltpu.VMEM((_H,), jnp.float32),
            pltpu.VMEM((_H,), jnp.float32),
            pltpu.VMEM((_CAPL * _LANES,), jnp.int32),
            pltpu.VMEM((_RPT * _K,), jnp.int32),
            pltpu.VMEM((_RPT,), jnp.float32),
            pltpu.SemaphoreType.DMA,
            pltpu.SemaphoreType.DMA,
        ],
    )
    def k2(pre_hbm, idx_hbm, thr_hbm, row0, row1, cand, idxout, throut,
           sem0, sem1):
        cid = lax.axis_index("c")
        sid = lax.axis_index("s")
        wid = sid * 2 + cid
        base = wid * _RPT
        sems = (sem0, sem1)
        rows = (row0, row1)

        lane = lax.iota(jnp.int32, 16)
        negv = jnp.full((16,), _NEG, jnp.float32)
        ziv = jnp.zeros((16,), jnp.int32)

        pltpu.async_copy(pre_hbm.at[base], row0, sem0)
        pltpu.async_copy(pre_hbm.at[base + 1], row1, sem1)

        def process_row(row, r):
            def p1(j, carry):
                m = list(carry)
                s = j * 256
                vs = [row[pl.ds(s + 16 * u, 16)] for u in range(16)]
                for u in range(16):
                    m[u % 4] = jnp.maximum(m[u % 4], vs[u])
                return tuple(m)
            m0, m1, m2, m3 = lax.fori_loop(0, _H // 256, p1,
                                           (negv, negv, negv, negv))
            t = jnp.min(jnp.minimum(jnp.minimum(m0, m1), jnp.minimum(m2, m3)))
            tv = jnp.full((16,), t, jnp.float32)

            limit = jnp.full((16,), _CAPL * _LANES, jnp.int32)

            sixteen = jnp.full((16,), 16, jnp.int32)
            zero = jnp.zeros((16,), jnp.int32)

            def p2(j, c16):
                s = j * 256
                iv = jnp.full((16,), s, jnp.int32) + lane
                for u in range(16):
                    v = row[pl.ds(s + 16 * u, 16)]
                    msk = v >= tv
                    ok = msk & (c16 < limit)
                    plsc.store_scatter(cand, [c16], iv, mask=ok)
                    c16 = c16 + jnp.where(msk, sixteen, zero)
                    iv = iv + 16
                return c16
            c16 = lax.fori_loop(0, _H // 256, p2, lane)

            qmax = jnp.max(c16 - lane) // 16
            ng = (qmax + 3) // 4

            def load_group(g):
                gk, gv = [], []
                for i in range(4):
                    fb = g * 64 + 16 * i
                    iv_raw = cand[pl.ds(fb, 16)]
                    ivc = iv_raw & (_H - 1)
                    kv = plsc.load_gather(row, [ivc])
                    qflat = jnp.full((16,), 0, jnp.int32) + fb + lane
                    valid = qflat < c16
                    gk.append(jnp.where(valid, kv, negv))
                    gv.append(ivc)
                return gk, gv

            def p3(g, carry):
                rk = list(carry[0:4])
                rv = list(carry[4:8])
                sk, sv = _sort64(*load_group(g))
                nk, nv = _top64_merge(rk, rv, sk, sv)
                return tuple(nk) + tuple(nv)

            ik, iv0 = _sort64(*load_group(jnp.int32(0)))
            res = lax.fori_loop(1, ng, p3, tuple(ik) + tuple(iv0))
            rk3 = res[3]
            for i in range(4):
                idxout[pl.ds(r * _K + 16 * i, 16)] = res[4 + i]
            t64 = jnp.min(rk3)
            plsc.store_scatter(
                throut, [jnp.full((16,), r, jnp.int32)],
                jnp.full((16,), t64, jnp.float32), mask=lane == 0)

        @pl.loop(0, _RPT, step=2)
        def _(rr):
            for bbuf in range(2):
                r = rr + bbuf
                pltpu.make_async_copy(
                    pre_hbm.at[base + r], rows[bbuf], sems[bbuf]).wait()
                process_row(rows[bbuf], r)

                @pl.when(r + 2 < _RPT)
                def _():
                    pltpu.async_copy(
                        pre_hbm.at[base + r + 2], rows[bbuf], sems[bbuf])

        pltpu.sync_copy(idxout, idx_hbm.at[pl.ds(base * _K, _RPT * _K)])
        pltpu.sync_copy(throut, thr_hbm.at[pl.ds(base, _RPT)])

    return k2(pre)



def _decode_body(pre_ref, thr_ref, w_ref, invn_ref, enc_ref, dec_ref, acc_ref):
    h = pl.program_id(0)
    r = pl.program_id(1)
    pre = pre_ref[...]
    enc = jnp.where(pre >= thr_ref[...], pre, 0.0)
    enc_ref[...] = enc
    part = lax.dot_general(
        enc * invn_ref[...][None, :], w_ref[...],
        (((1,), (0,)), ((), ())), preferred_element_type=jnp.float32,
    )
    sl = pl.ds(r * _RB, _RB)

    @pl.when(h == 0)
    def _():
        acc_ref[sl, :] = part

    @pl.when(h > 0)
    def _():
        acc_ref[sl, :] += part

    @pl.when(h == _NH - 1)
    def _():
        dec_ref[...] = acc_ref[sl, :]


def _decode(pre, thr, w, invn):
    return pl.pallas_call(
        _decode_body,
        grid=(_NH, _NR),
        in_specs=[
            pl.BlockSpec((_RB, _HB), lambda h, r: (r, h)),
            pl.BlockSpec((_RB, 1), lambda h, r: (r, 0)),
            pl.BlockSpec((_HB, _D), lambda h, r: (h, 0)),
            pl.BlockSpec((_HB,), lambda h, r: (h,)),
        ],
        out_specs=[
            pl.BlockSpec((_RB, _HB), lambda h, r: (r, h)),
            pl.BlockSpec((_RB, _D), lambda h, r: (r, 0)),
        ],
        out_shape=[
            jax.ShapeDtypeStruct((_N, _H), jnp.float32),
            jax.ShapeDtypeStruct((_N, _D), jnp.float32),
        ],
        scratch_shapes=[pltpu.VMEM((_N, _D), jnp.float32)],
        compiler_params=pltpu.CompilerParams(
            dimension_semantics=("arbitrary", "arbitrary"),
        ),
    )(pre, thr, w, invn)



def kernel(x, W, b):
    pre, invn = _encode(x, W, b)
    idx_flat, thr_flat = _topk_sc(pre)
    idx = idx_flat.reshape(_N, _K)
    thr = thr_flat.reshape(_N, 1)
    enc, dec = _decode(pre, thr, W, invn)
    return (dec, enc, idx)

# --- scband reference (transcript-rebuilt; emitter-appended) ---
"""Pipeline reference for scband-neural-sparse-autoencoder-15874199126651 (READ-ONLY COPY).

The authoritative reference and input builder live on the scoring server;
editing this copy changes nothing except your own understanding.
"""

import jax, jax.numpy as jnp
import numpy as np

INPUT_SIZE = 768
HIDDEN_SIZE = 16384
K_SPARSE = 64
N_TOKENS = 4096


def setup_inputs(seed: int = 0) -> dict:
    key = jax.random.key(seed)
    k1, k2 = jax.random.split(key)
    x = jax.random.normal(k1, (N_TOKENS, INPUT_SIZE), dtype=jnp.float32)
    # xavier_uniform init for Linear(input_size, hidden_size): weight [hidden, input]
    limit = float(np.sqrt(6.0 / (HIDDEN_SIZE + INPUT_SIZE)))
    W = jax.random.uniform(k2, (HIDDEN_SIZE, INPUT_SIZE), minval=-limit, maxval=limit, dtype=jnp.float32)
    b = jnp.zeros((HIDDEN_SIZE,), dtype=jnp.float32)
    return {"x": x, "W": W, "b": b}


def reference(x, W, b):
    # single SAE (num_saes=1): encoder linear
    pre = x @ W.T + b  # [N, hidden]
    # top-k activation: keep values >= k-th largest per row
    top_vals, indices = jax.lax.top_k(pre, K_SPARSE)  # [N, k]
    threshold = top_vals[:, -1:]  # [N, 1]
    mask = pre >= threshold
    encoded = pre * mask
    # decoder uses row-L2-normalized encoder weights (tied, normalized)
    norms = jnp.sqrt(jnp.sum(W * W, axis=1, keepdims=True))
    normalized = W / jnp.maximum(norms, 1e-12)
    # F.linear(encoded, normalized.t()) == encoded @ normalized
    decoded = encoded @ normalized  # [N, input]
    # forward_with_encoded returns ([decoded], [encoded], [indices]); num_saes=1
    return (decoded, encoded, indices)

if __name__ == "__main__":
    import jax
    _d = setup_inputs()
    print(jax.jit(kernel)(*tuple(_d.values())))

</pallas_src>

<mosaic_0001>
#map = affine_map<(d0, d1) -> (0, 0)>
#map1 = affine_map<(d0, d1) -> (0)>
module attributes {stable_mosaic.version = 14 : i64} {
  func.func @k2(%arg0: i32, %arg1: i32, %arg2: memref<4096x16384xf32, #tpu.memory_space<hbm>>, %arg3: memref<262144xi32, #tpu.memory_space<hbm>>, %arg4: memref<4096xf32, #tpu.memory_space<hbm>>, %arg5: memref<16384xf32, #tpu.memory_space<vmem>>, %arg6: memref<16384xf32, #tpu.memory_space<vmem>>, %arg7: memref<3072xi32, #tpu.memory_space<vmem>>, %arg8: memref<8192xi32, #tpu.memory_space<vmem>>, %arg9: memref<128xf32, #tpu.memory_space<vmem>>, %arg10: memref<!tpu.dma_semaphore, #tpu.memory_space<semaphore_mem>>, %arg11: memref<!tpu.dma_semaphore, #tpu.memory_space<semaphore_mem>>) attributes {dimension_semantics = [#tpu.dimension_semantics<core_parallel>, #tpu.dimension_semantics<subcore_parallel>], iteration_bounds = array<i64: 2, 16>, scalar_prefetch = 0 : i64, scratch_operands = 7 : i64, tpu.core_type = #tpu.core_type<sc_vector_subcore>, window_params = [{transform_indices = #map}, {transform_indices = #map1}, {transform_indices = #map1}]} {
    %mul3A = arith.constant 2 : i32
    %mul3A_0 = arith.muli %arg1, %mul3A : i32
    %add3A = arith.addi %mul3A_0, %arg0 : i32
    %mul3A_1 = arith.constant 128 : i32
    %mul3A_2 = arith.muli %add3A, %mul3A_1 : i32
    %iota3A = tpu.iota {dimensions = array<i32: 0>} : vector<16xi32>
    %broadcast_in_dim3A = arith.constant -3.000000e+38 : f32
    %broadcast_in_dim3A_3 = vector.broadcast %broadcast_in_dim3A : f32 to vector<16xf32>
    %broadcast_in_dim3A_4 = arith.constant 0 : i32
    %broadcast_in_dim3A_5 = vector.broadcast %broadcast_in_dim3A_4 : i32 to vector<16xi32>
    %dma_start3A = arith.constant 0 : i32
    %dma_start3A_6 = tpu.memref_slice %arg2[%mul3A_2, %dma_start3A] : memref<4096x16384xf32, #tpu.memory_space<hbm>> -> memref<1x16384xf32, #tpu.memory_space<hbm>>
    %dma_start3A_7 = tpu.memref_squeeze %dma_start3A_6 : memref<1x16384xf32, #tpu.memory_space<hbm>> -> memref<16384xf32, #tpu.memory_space<hbm>>
    %dma_start3A_8 = arith.constant 0 : i32
    %dma_start3A_9 = tpu.memref_slice %arg2[%mul3A_2, %dma_start3A_8] : memref<4096x16384xf32, #tpu.memory_space<hbm>> -> memref<1x16384xf32, #tpu.memory_space<hbm>>
    %dma_start3A_10 = tpu.memref_squeeze %dma_start3A_9 : memref<1x16384xf32, #tpu.memory_space<hbm>> -> memref<16384xf32, #tpu.memory_space<hbm>>
    tpu.enqueue_dma source(%dma_start3A_10 : memref<16384xf32, #tpu.memory_space<hbm>>) target(%arg5 : memref<16384xf32, #tpu.memory_space<vmem>>) target_semaphore(%arg10 : memref<!tpu.dma_semaphore, #tpu.memory_space<semaphore_mem>>)
    %add3A_11 = arith.constant 1 : i32
    %add3A_12 = arith.addi %mul3A_2, %add3A_11 : i32
    %dma_start3A_13 = arith.constant 0 : i32
    %dma_start3A_14 = tpu.memref_slice %arg2[%add3A_12, %dma_start3A_13] : memref<4096x16384xf32, #tpu.memory_space<hbm>> -> memref<1x16384xf32, #tpu.memory_space<hbm>>
    %dma_start3A_15 = tpu.memref_squeeze %dma_start3A_14 : memref<1x16384xf32, #tpu.memory_space<hbm>> -> memref<16384xf32, #tpu.memory_space<hbm>>
    %dma_start3A_16 = arith.constant 0 : i32
    %dma_start3A_17 = tpu.memref_slice %arg2[%add3A_12, %dma_start3A_16] : memref<4096x16384xf32, #tpu.memory_space<hbm>> -> memref<1x16384xf32, #tpu.memory_space<hbm>>
    %dma_start3A_18 = tpu.memref_squeeze %dma_start3A_17 : memref<1x16384xf32, #tpu.memory_space<hbm>> -> memref<16384xf32, #tpu.memory_space<hbm>>
    tpu.enqueue_dma source(%dma_start3A_18 : memref<16384xf32, #tpu.memory_space<hbm>>) target(%arg6 : memref<16384xf32, #tpu.memory_space<vmem>>) target_semaphore(%arg11 : memref<!tpu.dma_semaphore, #tpu.memory_space<semaphore_mem>>)
    %scan3A = arith.constant 0 : i32
    %scan3A_19 = arith.constant 64 : i32
    %scan3A_20 = arith.addi %scan3A, %scan3A_19 : i32
    %scan3A_21 = arith.constant 1 : i32
    scf.for %scan3A_25 = %scan3A to %scan3A_20 step %scan3A_21  : i32 {
      %mul3A_26 = arith.constant 2 : i32
      %mul3A_27 = arith.muli %scan3A_25, %mul3A_26 : i32
      %add3A_28 = arith.constant 0 : i32
      %add3A_29 = arith.addi %add3A_28, %mul3A_27 : i32
      %add3A_30 = arith.constant 0 : i32
      %add3A_31 = arith.addi %add3A_29, %add3A_30 : i32
      %add3A_32 = arith.addi %mul3A_2, %add3A_31 : i32
      %dma_wait3A = arith.constant 0 : i32
      %dma_wait3A_33 = tpu.memref_slice %arg2[%add3A_32, %dma_wait3A] : memref<4096x16384xf32, #tpu.memory_space<hbm>> -> memref<1x16384xf32, #tpu.memory_space<hbm>>
      %dma_wait3A_34 = tpu.memref_squeeze %dma_wait3A_33 : memref<1x16384xf32, #tpu.memory_space<hbm>> -> memref<16384xf32, #tpu.memory_space<hbm>>
      %dma_wait3A_35 = arith.constant 0 : i32
      %dma_wait3A_36 = tpu.memref_slice %arg2[%add3A_32, %dma_wait3A_35] : memref<4096x16384xf32, #tpu.memory_space<hbm>> -> memref<1x16384xf32, #tpu.memory_space<hbm>>
      %dma_wait3A_37 = tpu.memref_squeeze %dma_wait3A_36 : memref<1x16384xf32, #tpu.memory_space<hbm>> -> memref<16384xf32, #tpu.memory_space<hbm>>
      tpu.wait_dma2 semaphore(%arg10 : memref<!tpu.dma_semaphore, #tpu.memory_space<semaphore_mem>>) src(%dma_wait3A_37 : memref<16384xf32, #tpu.memory_space<hbm>>) dst(%arg5 : memref<16384xf32, #tpu.memory_space<vmem>>)
      %scan3A_38 = arith.constant 0 : i32
      %scan3A_39 = arith.constant 64 : i32
      %scan3A_40 = arith.addi %scan3A_38, %scan3A_39 : i32
      %scan3A_41 = arith.constant 1 : i32
      %scan3A_42:4 = scf.for %scan3A_677 = %scan3A_38 to %scan3A_40 step %scan3A_41 iter_args(%scan3A_678 = %broadcast_in_dim3A_3, %scan3A_679 = %broadcast_in_dim3A_3, %scan3A_680 = %broadcast_in_dim3A_3, %scan3A_681 = %broadcast_in_dim3A_3) -> (vector<16xf32>, vector<16xf32>, vector<16xf32>, vector<16xf32>)  : i32 {
        %mul3A_682 = arith.constant 256 : i32
        %mul3A_683 = arith.muli %scan3A_677, %mul3A_682 : i32
        %add3A_684 = arith.constant 0 : i32
        %add3A_685 = arith.addi %mul3A_683, %add3A_684 : i32
        %get3A_686 = arith.index_cast %add3A_685 : i32 to index
        %get3A_687 = tpu.vector_load %arg5[%get3A_686] {strides = array<i32>} : memref<16384xf32, #tpu.memory_space<vmem>>, vector<16xf32>,
        %add3A_688 = arith.constant 16 : i32
        %add3A_689 = arith.addi %mul3A_683, %add3A_688 : i32
        %get3A_690 = arith.index_cast %add3A_689 : i32 to index
        %get3A_691 = tpu.vector_load %arg5[%get3A_690] {strides = array<i32>} : memref<16384xf32, #tpu.memory_space<vmem>>, vector<16xf32>,
        %add3A_692 = arith.constant 32 : i32
        %add3A_693 = arith.addi %mul3A_683, %add3A_692 : i32
        %get3A_694 = arith.index_cast %add3A_693 : i32 to index
        %get3A_695 = tpu.vector_load %arg5[%get3A_694] {strides = array<i32>} : memref<16384xf32, #tpu.memory_space<vmem>>, vector<16xf32>,
        %add3A_696 = arith.constant 48 : i32
        %add3A_697 = arith.addi %mul3A_683, %add3A_696 : i32
        %get3A_698 = arith.index_cast %add3A_697 : i32 to index
        %get3A_699 = tpu.vector_load %arg5[%get3A_698] {strides = array<i32>} : memref<16384xf32, #tpu.memory_space<vmem>>, vector<16xf32>,
        %add3A_700 = arith.constant 64 : i32
        %add3A_701 = arith.addi %mul3A_683, %add3A_700 : i32
        %get3A_702 = arith.index_cast %add3A_701 : i32 to index
        %get3A_703 = tpu.vector_load %arg5[%get3A_702] {strides = array<i32>} : memref<16384xf32, #tpu.memory_space<vmem>>, vector<16xf32>,
        %add3A_704 = arith.constant 80 : i32
        %add3A_705 = arith.addi %mul3A_683, %add3A_704 : i32
        %get3A_706 = arith.index_cast %add3A_705 : i32 to index
        %get3A_707 = tpu.vector_load %arg5[%get3A_706] {strides = array<i32>} : memref<16384xf32, #tpu.memory_space<vmem>>, vector<16xf32>,
        %add3A_708 = arith.constant 96 : i32
        %add3A_709 = arith.addi %mul3A_683, %add3A_708 : i32
        %get3A_710 = arith.index_cast %add3A_709 : i32 to index
        %get3A_711 = tpu.vector_load %arg5[%get3A_710] {strides = array<i32>} : memref<16384xf32, #tpu.memory_space<vmem>>, vector<16xf32>,
        %add3A_712 = arith.constant 112 : i32
        %add3A_713 = arith.addi %mul3A_683, %add3A_712 : i32
        %get3A_714 = arith.index_cast %add3A_713 : i32 to index
        %get3A_715 = tpu.vector_load %arg5[%get3A_714] {strides = array<i32>} : memref<16384xf32, #tpu.memory_space<vmem>>, vector<16xf32>,
        %add3A_716 = arith.constant 128 : i32
        %add3A_717 = arith.addi %mul3A_683, %add3A_716 : i32
        %get3A_718 = arith.index_cast %add3A_717 : i32 to index
        %get3A_719 = tpu.vector_load %arg5[%get3A_718] {strides = array<i32>} : memref<16384xf32, #tpu.memory_space<vmem>>, vector<16xf32>,
        %add3A_720 = arith.constant 144 : i32
        %add3A_721 = arith.addi %mul3A_683, %add3A_720 : i32
        %get3A_722 = arith.index_cast %add3A_721 : i32 to index
        %get3A_723 = tpu.vector_load %arg5[%get3A_722] {strides = array<i32>} : memref<16384xf32, #tpu.memory_space<vmem>>, vector<16xf32>,
        %add3A_724 = arith.constant 160 : i32
        %add3A_725 = arith.addi %mul3A_683, %add3A_724 : i32
        %get3A_726 = arith.index_cast %add3A_725 : i32 to index
        %get3A_727 = tpu.vector_load %arg5[%get3A_726] {strides = array<i32>} : memref<16384xf32, #tpu.memory_space<vmem>>, vector<16xf32>,
        %add3A_728 = arith.constant 176 : i32
        %add3A_729 = arith.addi %mul3A_683, %add3A_728 : i32
        %get3A_730 = arith.index_cast %add3A_729 : i32 to index
        %get3A_731 = tpu.vector_load %arg5[%get3A_730] {strides = array<i32>} : memref<16384xf32, #tpu.memory_space<vmem>>, vector<16xf32>,
        %add3A_732 = arith.constant 192 : i32
        %add3A_733 = arith.addi %mul3A_683, %add3A_732 : i32
        %get3A_734 = arith.index_cast %add3A_733 : i32 to index
        %get3A_735 = tpu.vector_load %arg5[%get3A_734] {strides = array<i32>} : memref<16384xf32, #tpu.memory_space<vmem>>, vector<16xf32>,
        %add3A_736 = arith.constant 208 : i32
        %add3A_737 = arith.addi %mul3A_683, %add3A_736 : i32
        %get3A_738 = arith.index_cast %add3A_737 : i32 to index
        %get3A_739 = tpu.vector_load %arg5[%get3A_738] {strides = array<i32>} : memref<16384xf32, #tpu.memory_space<vmem>>, vector<16xf32>,
        %add3A_740 = arith.constant 224 : i32
        %add3A_741 = arith.addi %mul3A_683, %add3A_740 : i32
        %get3A_742 = arith.index_cast %add3A_741 : i32 to index
        %get3A_743 = tpu.vector_load %arg5[%get3A_742] {strides = array<i32>} : memref<16384xf32, #tpu.memory_space<vmem>>, vector<16xf32>,
        %add3A_744 = arith.constant 240 : i32
        %add3A_745 = arith.addi %mul3A_683, %add3A_744 : i32
        %get3A_746 = arith.index_cast %add3A_745 : i32 to index
        %get3A_747 = tpu.vector_load %arg5[%get3A_746] {strides = array<i32>} : memref<16384xf32, #tpu.memory_space<vmem>>, vector<16xf32>,
        %max3A = arith.maximumf %scan3A_678, %get3A_687 : vector<16xf32>
        %max3A_748 = arith.maximumf %scan3A_679, %get3A_691 : vector<16xf32>
        %max3A_749 = arith.maximumf %scan3A_680, %get3A_695 : vector<16xf32>
        %max3A_750 = arith.maximumf %scan3A_681, %get3A_699 : vector<16xf32>
        %max3A_751 = arith.maximumf %max3A, %get3A_703 : vector<16xf32>
        %max3A_752 = arith.maximumf %max3A_748, %get3A_707 : vector<16xf32>
        %max3A_753 = arith.maximumf %max3A_749, %get3A_711 : vector<16xf32>
        %max3A_754 = arith.maximumf %max3A_750, %get3A_715 : vector<16xf32>
        %max3A_755 = arith.maximumf %max3A_751, %get3A_719 : vector<16xf32>
        %max3A_756 = arith.maximumf %max3A_752, %get3A_723 : vector<16xf32>
        %max3A_757 = arith.maximumf %max3A_753, %get3A_727 : vector<16xf32>
        %max3A_758 = arith.maximumf %max3A_754, %get3A_731 : vector<16xf32>
        %max3A_759 = arith.maximumf %max3A_755, %get3A_735 : vector<16xf32>
        %max3A_760 = arith.maximumf %max3A_756, %get3A_739 : vector<16xf32>
        %max3A_761 = arith.maximumf %max3A_757, %get3A_743 : vector<16xf32>
        %max3A_762 = arith.maximumf %max3A_758, %get3A_747 : vector<16xf32>
        scf.yield %max3A_759, %max3A_760, %max3A_761, %max3A_762 : vector<16xf32>, vector<16xf32>, vector<16xf32>, vector<16xf32>
      }
      %scan3A_43 = arith.constant 64 : i32
      %min3A = arith.minimumf %scan3A_42#0, %scan3A_42#1 : vector<16xf32>
      %min3A_44 = arith.minimumf %scan3A_42#2, %scan3A_42#3 : vector<16xf32>
      %min3A_45 = arith.minimumf %min3A, %min3A_44 : vector<16xf32>
      %reduce_min3A = arith.constant true
      %reduce_min3A_46 = vector.broadcast %reduce_min3A : i1 to vector<16xi1>
      %reduce_min3A_47 = tpu.scan <min>, %min3A_45 masked %reduce_min3A_46 : vector<16xf32>, vector<16xi1> -> vector<16xf32>
      %reduce_min3A_48 = vector.extract %reduce_min3A_47[15] : f32 from vector<16xf32>
      %broadcast_in_dim3A_49 = vector.broadcast %reduce_min3A_48 : f32 to vector<16xf32>
      %broadcast_in_dim3A_50 = arith.constant 3072 : i32
      %broadcast_in_dim3A_51 = vector.broadcast %broadcast_in_dim3A_50 : i32 to vector<16xi32>
      %broadcast_in_dim3A_52 = arith.constant 16 : i32
      %broadcast_in_dim3A_53 = vector.broadcast %broadcast_in_dim3A_52 : i32 to vector<16xi32>
      %broadcast_in_dim3A_54 = arith.constant 0 : i32
      %broadcast_in_dim3A_55 = vector.broadcast %broadcast_in_dim3A_54 : i32 to vector<16xi32>
      %scan3A_56 = arith.constant 0 : i32
      %scan3A_57 = arith.constant 64 : i32
      %scan3A_58 = arith.addi %scan3A_56, %scan3A_57 : i32
      %scan3A_59 = arith.constant 1 : i32
      %scan3A_60 = scf.for %scan3A_677 = %scan3A_56 to %scan3A_58 step %scan3A_59 iter_args(%scan3A_678 = %iota3A) -> (vector<16xi32>)  : i32 {
        %mul3A_679 = arith.constant 256 : i32
        %mul3A_680 = arith.muli %scan3A_677, %mul3A_679 : i32
        %broadcast_in_dim3A_681 = vector.broadcast %mul3A_680 : i32 to vector<16xi32>
        %add3A_682 = arith.addi %broadcast_in_dim3A_681, %iota3A : vector<16xi32>
        %add3A_683 = arith.constant 0 : i32
        %add3A_684 = arith.addi %mul3A_680, %add3A_683 : i32
        %get3A_685 = arith.index_cast %add3A_684 : i32 to index
        %get3A_686 = tpu.vector_load %arg5[%get3A_685] {strides = array<i32>} : memref<16384xf32, #tpu.memory_space<vmem>>, vector<16xf32>,
        %ge3A_687 = arith.cmpf oge, %get3A_686, %broadcast_in_dim3A_49 : vector<16xf32>
        %lt3A_688 = arith.cmpi slt, %scan3A_678, %broadcast_in_dim3A_51 : vector<16xi32>
        %and3A_689 = arith.andi %ge3A_687, %lt3A_688 : vector<16xi1>
        tpu.vector_store_idx %arg7[%scan3A_678], %add3A_682 masked %and3A_689 : memref<3072xi32, #tpu.memory_space<vmem>>[vector<16xi32>], vector<16xi32>, vector<16xi1>
        %select_n3A_690 = arith.select %ge3A_687, %broadcast_in_dim3A_53, %broadcast_in_dim3A_55 : vector<16xi1>, vector<16xi32>
        %add3A_691 = arith.addi %scan3A_678, %select_n3A_690 : vector<16xi32>
        %add3A_692 = arith.constant 16 : i32
        %add3A_693 = vector.broadcast %add3A_692 : i32 to vector<16xi32>
        %add3A_694 = arith.addi %add3A_682, %add3A_693 : vector<16xi32>
        %add3A_695 = arith.constant 16 : i32
        %add3A_696 = arith.addi %mul3A_680, %add3A_695 : i32
        %get3A_697 = arith.index_cast %add3A_696 : i32 to index
        %get3A_698 = tpu.vector_load %arg5[%get3A_697] {strides = array<i32>} : memref<16384xf32, #tpu.memory_space<vmem>>, vector<16xf32>,
        %ge3A_699 = arith.cmpf oge, %get3A_698, %broadcast_in_dim3A_49 : vector<16xf32>
        %lt3A_700 = arith.cmpi slt, %add3A_691, %broadcast_in_dim3A_51 : vector<16xi32>
        %and3A_701 = arith.andi %ge3A_699, %lt3A_700 : vector<16xi1>
        tpu.vector_store_idx %arg7[%add3A_691], %add3A_694 masked %and3A_701 : memref<3072xi32, #tpu.memory_space<vmem>>[vector<16xi32>], vector<16xi32>, vector<16xi1>
        %select_n3A_702 = arith.select %ge3A_699, %broadcast_in_dim3A_53, %broadcast_in_dim3A_55 : vector<16xi1>, vector<16xi32>
        %add3A_703 = arith.addi %add3A_691, %select_n3A_702 : vector<16xi32>
        %add3A_704 = arith.constant 16 : i32
        %add3A_705 = vector.broadcast %add3A_704 : i32 to vector<16xi32>
        %add3A_706 = arith.addi %add3A_694, %add3A_705 : vector<16xi32>
        %add3A_707 = arith.constant 32 : i32
        %add3A_708 = arith.addi %mul3A_680, %add3A_707 : i32
        %get3A_709 = arith.index_cast %add3A_708 : i32 to index
        %get3A_710 = tpu.vector_load %arg5[%get3A_709] {strides = array<i32>} : memref<16384xf32, #tpu.memory_space<vmem>>, vector<16xf32>,
        %ge3A_711 = arith.cmpf oge, %get3A_710, %broadcast_in_dim3A_49 : vector<16xf32>
        %lt3A_712 = arith.cmpi slt, %add3A_703, %broadcast_in_dim3A_51 : vector<16xi32>
        %and3A_713 = arith.andi %ge3A_711, %lt3A_712 : vector<16xi1>
        tpu.vector_store_idx %arg7[%add3A_703], %add3A_706 masked %and3A_713 : memref<3072xi32, #tpu.memory_space<vmem>>[vector<16xi32>], vector<16xi32>, vector<16xi1>
        %select_n3A_714 = arith.select %ge3A_711, %broadcast_in_dim3A_53, %broadcast_in_dim3A_55 : vector<16xi1>, vector<16xi32>
        %add3A_715 = arith.addi %add3A_703, %select_n3A_714 : vector<16xi32>
        %add3A_716 = arith.constant 16 : i32
        %add3A_717 = vector.broadcast %add3A_716 : i32 to vector<16xi32>
        %add3A_718 = arith.addi %add3A_706, %add3A_717 : vector<16xi32>
        %add3A_719 = arith.constant 48 : i32
        %add3A_720 = arith.addi %mul3A_680, %add3A_719 : i32
        %get3A_721 = arith.index_cast %add3A_720 : i32 to index
        %get3A_722 = tpu.vector_load %arg5[%get3A_721] {strides = array<i32>} : memref<16384xf32, #tpu.memory_space<vmem>>, vector<16xf32>,
        %ge3A_723 = arith.cmpf oge, %get3A_722, %broadcast_in_dim3A_49 : vector<16xf32>
        %lt3A_724 = arith.cmpi slt, %add3A_715, %broadcast_in_dim3A_51 : vector<16xi32>
        %and3A_725 = arith.andi %ge3A_723, %lt3A_724 : vector<16xi1>
        tpu.vector_store_idx %arg7[%add3A_715], %add3A_718 masked %and3A_725 : memref<3072xi32, #tpu.memory_space<vmem>>[vector<16xi32>], vector<16xi32>, vector<16xi1>
        %select_n3A_726 = arith.select %ge3A_723, %broadcast_in_dim3A_53, %broadcast_in_dim3A_55 : vector<16xi1>, vector<16xi32>
        %add3A_727 = arith.addi %add3A_715, %select_n3A_726 : vector<16xi32>
        %add3A_728 = arith.constant 16 : i32
        %add3A_729 = vector.broadcast %add3A_728 : i32 to vector<16xi32>
        %add3A_730 = arith.addi %add3A_718, %add3A_729 : vector<16xi32>
        %add3A_731 = arith.constant 64 : i32
        %add3A_732 = arith.addi %mul3A_680, %add3A_731 : i32
        %get3A_733 = arith.index_cast %add3A_732 : i32 to index
        %get3A_734 = tpu.vector_load %arg5[%get3A_733] {strides = array<i32>} : memref<16384xf32, #tpu.memory_space<vmem>>, vector<16xf32>,
        %ge3A_735 = arith.cmpf oge, %get3A_734, %broadcast_in_dim3A_49 : vector<16xf32>
        %lt3A_736 = arith.cmpi slt, %add3A_727, %broadcast_in_dim3A_51 : vector<16xi32>
        %and3A_737 = arith.andi %ge3A_735, %lt3A_736 : vector<16xi1>
        tpu.vector_store_idx %arg7[%add3A_727], %add3A_730 masked %and3A_737 : memref<3072xi32, #tpu.memory_space<vmem>>[vector<16xi32>], vector<16xi32>, vector<16xi1>
        %select_n3A_738 = arith.select %ge3A_735, %broadcast_in_dim3A_53, %broadcast_in_dim3A_55 : vector<16xi1>, vector<16xi32>
        %add3A_739 = arith.addi %add3A_727, %select_n3A_738 : vector<16xi32>
        %add3A_740 = arith.constant 16 : i32
        %add3A_741 = vector.broadcast %add3A_740 : i32 to vector<16xi32>
        %add3A_742 = arith.addi %add3A_730, %add3A_741 : vector<16xi32>
        %add3A_743 = arith.constant 80 : i32
        %add3A_744 = arith.addi %mul3A_680, %add3A_743 : i32
        %get3A_745 = arith.index_cast %add3A_744 : i32 to index
        %get3A_746 = tpu.vector_load %arg5[%get3A_745] {strides = array<i32>} : memref<16384xf32, #tpu.memory_space<vmem>>, vector<16xf32>,
        %ge3A_747 = arith.cmpf oge, %get3A_746, %broadcast_in_dim3A_49 : vector<16xf32>
        %lt3A_748 = arith.cmpi slt, %add3A_739, %broadcast_in_dim3A_51 : vector<16xi32>
        %and3A_749 = arith.andi %ge3A_747, %lt3A_748 : vector<16xi1>
        tpu.vector_store_idx %arg7[%add3A_739], %add3A_742 masked %and3A_749 : memref<3072xi32, #tpu.memory_space<vmem>>[vector<16xi32>], vector<16xi32>, vector<16xi1>
        %select_n3A_750 = arith.select %ge3A_747, %broadcast_in_dim3A_53, %broadcast_in_dim3A_55 : vector<16xi1>, vector<16xi32>
        %add3A_751 = arith.addi %add3A_739, %select_n3A_750 : vector<16xi32>
        %add3A_752 = arith.constant 16 : i32
        %add3A_753 = vector.broadcast %add3A_752 : i32 to vector<16xi32>
        %add3A_754 = arith.addi %add3A_742, %add3A_753 : vector<16xi32>
        %add3A_755 = arith.constant 96 : i32
        %add3A_756 = arith.addi %mul3A_680, %add3A_755 : i32
        %get3A_757 = arith.index_cast %add3A_756 : i32 to index
        %get3A_758 = tpu.vector_load %arg5[%get3A_757] {strides = array<i32>} : memref<16384xf32, #tpu.memory_space<vmem>>, vector<16xf32>,
        %ge3A_759 = arith.cmpf oge, %get3A_758, %broadcast_in_dim3A_49 : vector<16xf32>
        %lt3A_760 = arith.cmpi slt, %add3A_751, %broadcast_in_dim3A_51 : vector<16xi32>
        %and3A_761 = arith.andi %ge3A_759, %lt3A_760 : vector<16xi1>
        tpu.vector_store_idx %arg7[%add3A_751], %add3A_754 masked %and3A_761 : memref<3072xi32, #tpu.memory_space<vmem>>[vector<16xi32>], vector<16xi32>, vector<16xi1>
        %select_n3A_762 = arith.select %ge3A_759, %broadcast_in_dim3A_53, %broadcast_in_dim3A_55 : vector<16xi1>, vector<16xi32>
        %add3A_763 = arith.addi %add3A_751, %select_n3A_762 : vector<16xi32>
        %add3A_764 = arith.constant 16 : i32
        %add3A_765 = vector.broadcast %add3A_764 : i32 to vector<16xi32>
        %add3A_766 = arith.addi %add3A_754, %add3A_765 : vector<16xi32>
        %add3A_767 = arith.constant 112 : i32
        %add3A_768 = arith.addi %mul3A_680, %add3A_767 : i32
        %get3A_769 = arith.index_cast %add3A_768 : i32 to index
        %get3A_770 = tpu.vector_load %arg5[%get3A_769] {strides = array<i32>} : memref<16384xf32, #tpu.memory_space<vmem>>, vector<16xf32>,
        %ge3A_771 = arith.cmpf oge, %get3A_770, %broadcast_in_dim3A_49 : vector<16xf32>
        %lt3A_772 = arith.cmpi slt, %add3A_763, %broadcast_in_dim3A_51 : vector<16xi32>
        %and3A_773 = arith.andi %ge3A_771, %lt3A_772 : vector<16xi1>
        tpu.vector_store_idx %arg7[%add3A_763], %add3A_766 masked %and3A_773 : memref<3072xi32, #tpu.memory_space<vmem>>[vector<16xi32>], vector<16xi32>, vector<16xi1>
        %select_n3A_774 = arith.select %ge3A_771, %broadcast_in_dim3A_53, %broadcast_in_dim3A_55 : vector<16xi1>, vector<16xi32>
        %add3A_775 = arith.addi %add3A_763, %select_n3A_774 : vector<16xi32>
        %add3A_776 = arith.constant 16 : i32
        %add3A_777 = vector.broadcast %add3A_776 : i32 to vector<16xi32>
        %add3A_778 = arith.addi %add3A_766, %add3A_777 : vector<16xi32>
        %add3A_779 = arith.constant 128 : i32
        %add3A_780 = arith.addi %mul3A_680, %add3A_779 : i32
        %get3A_781 = arith.index_cast %add3A_780 : i32 to index
        %get3A_782 = tpu.vector_load %arg5[%get3A_781] {strides = array<i32>} : memref<16384xf32, #tpu.memory_space<vmem>>, vector<16xf32>,
        %ge3A_783 = arith.cmpf oge, %get3A_782, %broadcast_in_dim3A_49 : vector<16xf32>
        %lt3A_784 = arith.cmpi slt, %add3A_775, %broadcast_in_dim3A_51 : vector<16xi32>
        %and3A_785 = arith.andi %ge3A_783, %lt3A_784 : vector<16xi1>
        tpu.vector_store_idx %arg7[%add3A_775], %add3A_778 masked %and3A_785 : memref<3072xi32, #tpu.memory_space<vmem>>[vector<16xi32>], vector<16xi32>, vector<16xi1>
        %select_n3A_786 = arith.select %ge3A_783, %broadcast_in_dim3A_53, %broadcast_in_dim3A_55 : vector<16xi1>, vector<16xi32>
        %add3A_787 = arith.addi %add3A_775, %select_n3A_786 : vector<16xi32>
        %add3A_788 = arith.constant 16 : i32
        %add3A_789 = vector.broadcast %add3A_788 : i32 to vector<16xi32>
        %add3A_790 = arith.addi %add3A_778, %add3A_789 : vector<16xi32>
        %add3A_791 = arith.constant 144 : i32
        %add3A_792 = arith.addi %mul3A_680, %add3A_791 : i32
        %get3A_793 = arith.index_cast %add3A_792 : i32 to index
        %get3A_794 = tpu.vector_load %arg5[%get3A_793] {strides = array<i32>} : memref<16384xf32, #tpu.memory_space<vmem>>, vector<16xf32>,
        %ge3A_795 = arith.cmpf oge, %get3A_794, %broadcast_in_dim3A_49 : vector<16xf32>
        %lt3A_796 = arith.cmpi slt, %add3A_787, %broadcast_in_dim3A_51 : vector<16xi32>
        %and3A_797 = arith.andi %ge3A_795, %lt3A_796 : vector<16xi1>
        tpu.vector_store_idx %arg7[%add3A_787], %add3A_790 masked %and3A_797 : memref<3072xi32, #tpu.memory_space<vmem>>[vector<16xi32>], vector<16xi32>, vector<16xi1>
        %select_n3A_798 = arith.select %ge3A_795, %broadcast_in_dim3A_53, %broadcast_in_dim3A_55 : vector<16xi1>, vector<16xi32>
        %add3A_799 = arith.addi %add3A_787, %select_n3A_798 : vector<16xi32>
        %add3A_800 = arith.constant 16 : i32
        %add3A_801 = vector.broadcast %add3A_800 : i32 to vector<16xi32>
        %add3A_802 = arith.addi %add3A_790, %add3A_801 : vector<16xi32>
        %add3A_803 = arith.constant 160 : i32
        %add3A_804 = arith.addi %mul3A_680, %add3A_803 : i32
        %get3A_805 = arith.index_cast %add3A_804 : i32 to index
        %get3A_806 = tpu.vector_load %arg5[%get3A_805] {strides = array<i32>} : memref<16384xf32, #tpu.memory_space<vmem>>, vector<16xf32>,
        %ge3A_807 = arith.cmpf oge, %get3A_806, %broadcast_in_dim3A_49 : vector<16xf32>
        %lt3A_808 = arith.cmpi slt, %add3A_799, %broadcast_in_dim3A_51 : vector<16xi32>
        %and3A_809 = arith.andi %ge3A_807, %lt3A_808 : vector<16xi1>
        tpu.vector_store_idx %arg7[%add3A_799], %add3A_802 masked %and3A_809 : memref<3072xi32, #tpu.memory_space<vmem>>[vector<16xi32>], vector<16xi32>, vector<16xi1>
        %select_n3A_810 = arith.select %ge3A_807, %broadcast_in_dim3A_53, %broadcast_in_dim3A_55 : vector<16xi1>, vector<16xi32>
        %add3A_811 = arith.addi %add3A_799, %select_n3A_810 : vector<16xi32>
        %add3A_812 = arith.constant 16 : i32
        %add3A_813 = vector.broadcast %add3A_812 : i32 to vector<16xi32>
        %add3A_814 = arith.addi %add3A_802, %add3A_813 : vector<16xi32>
        %add3A_815 = arith.constant 176 : i32
        %add3A_816 = arith.addi %mul3A_680, %add3A_815 : i32
        %get3A_817 = arith.index_cast %add3A_816 : i32 to index
        %get3A_818 = tpu.vector_load %arg5[%get3A_817] {strides = array<i32>} : memref<16384xf32, #tpu.memory_space<vmem>>, vector<16xf32>,
        %ge3A_819 = arith.cmpf oge, %get3A_818, %broadcast_in_dim3A_49 : vector<16xf32>
        %lt3A_820 = arith.cmpi slt, %add3A_811, %broadcast_in_dim3A_51 : vector<16xi32>
        %and3A_821 = arith.andi %ge3A_819, %lt3A_820 : vector<16xi1>
        tpu.vector_store_idx %arg7[%add3A_811], %add3A_814 masked %and3A_821 : memref<3072xi32, #tpu.memory_space<vmem>>[vector<16xi32>], vector<16xi32>, vector<16xi1>
        %select_n3A_822 = arith.select %ge3A_819, %broadcast_in_dim3A_53, %broadcast_in_dim3A_55 : vector<16xi1>, vector<16xi32>
        %add3A_823 = arith.addi %add3A_811, %select_n3A_822 : vector<16xi32>
        %add3A_824 = arith.constant 16 : i32
        %add3A_825 = vector.broadcast %add3A_824 : i32 to vector<16xi32>
        %add3A_826 = arith.addi %add3A_814, %add3A_825 : vector<16xi32>
        %add3A_827 = arith.constant 192 : i32
        %add3A_828 = arith.addi %mul3A_680, %add3A_827 : i32
        %get3A_829 = arith.index_cast %add3A_828 : i32 to index
        %get3A_830 = tpu.vector_load %arg5[%get3A_829] {strides = array<i32>} : memref<16384xf32, #tpu.memory_space<vmem>>, vector<16xf32>,
        %ge3A_831 = arith.cmpf oge, %get3A_830, %broadcast_in_dim3A_49 : vector<16xf32>
        %lt3A_832 = arith.cmpi slt, %add3A_823, %broadcast_in_dim3A_51 : vector<16xi32>
        %and3A_833 = arith.andi %ge3A_831, %lt3A_832 : vector<16xi1>
        tpu.vector_store_idx %arg7[%add3A_823], %add3A_826 masked %and3A_833 : memref<3072xi32, #tpu.memory_space<vmem>>[vector<16xi32>], vector<16xi32>, vector<16xi1>
        %select_n3A_834 = arith.select %ge3A_831, %broadcast_in_dim3A_53, %broadcast_in_dim3A_55 : vector<16xi1>, vector<16xi32>
        %add3A_835 = arith.addi %add3A_823, %select_n3A_834 : vector<16xi32>
        %add3A_836 = arith.constant 16 : i32
        %add3A_837 = vector.broadcast %add3A_836 : i32 to vector<16xi32>
        %add3A_838 = arith.addi %add3A_826, %add3A_837 : vector<16xi32>
        %add3A_839 = arith.constant 208 : i32
        %add3A_840 = arith.addi %mul3A_680, %add3A_839 : i32
        %get3A_841 = arith.index_cast %add3A_840 : i32 to index
        %get3A_842 = tpu.vector_load %arg5[%get3A_841] {strides = array<i32>} : memref<16384xf32, #tpu.memory_space<vmem>>, vector<16xf32>,
        %ge3A_843 = arith.cmpf oge, %get3A_842, %broadcast_in_dim3A_49 : vector<16xf32>
        %lt3A_844 = arith.cmpi slt, %add3A_835, %broadcast_in_dim3A_51 : vector<16xi32>
        %and3A_845 = arith.andi %ge3A_843, %lt3A_844 : vector<16xi1>
        tpu.vector_store_idx %arg7[%add3A_835], %add3A_838 masked %and3A_845 : memref<3072xi32, #tpu.memory_space<vmem>>[vector<16xi32>], vector<16xi32>, vector<16xi1>
        %select_n3A_846 = arith.select %ge3A_843, %broadcast_in_dim3A_53, %broadcast_in_dim3A_55 : vector<16xi1>, vector<16xi32>
        %add3A_847 = arith.addi %add3A_835, %select_n3A_846 : vector<16xi32>
        %add3A_848 = arith.constant 16 : i32
        %add3A_849 = vector.broadcast %add3A_848 : i32 to vector<16xi32>
        %add3A_850 = arith.addi %add3A_838, %add3A_849 : vector<16xi32>
        %add3A_851 = arith.constant 224 : i32
        %add3A_852 = arith.addi %mul3A_680, %add3A_851 : i32
        %get3A_853 = arith.index_cast %add3A_852 : i32 to index
        %get3A_854 = tpu.vector_load %arg5[%get3A_853] {strides = array<i32>} : memref<16384xf32, #tpu.memory_space<vmem>>, vector<16xf32>,
        %ge3A_855 = arith.cmpf oge, %get3A_854, %broadcast_in_dim3A_49 : vector<16xf32>
        %lt3A_856 = arith.cmpi slt, %add3A_847, %broadcast_in_dim3A_51 : vector<16xi32>
        %and3A_857 = arith.andi %ge3A_855, %lt3A_856 : vector<16xi1>
        tpu.vector_store_idx %arg7[%add3A_847], %add3A_850 masked %and3A_857 : memref<3072xi32, #tpu.memory_space<vmem>>[vector<16xi32>], vector<16xi32>, vector<16xi1>
        %select_n3A_858 = arith.select %ge3A_855, %broadcast_in_dim3A_53, %broadcast_in_dim3A_55 : vector<16xi1>, vector<16xi32>
        %add3A_859 = arith.addi %add3A_847, %select_n3A_858 : vector<16xi32>
        %add3A_860 = arith.constant 16 : i32
        %add3A_861 = vector.broadcast %add3A_860 : i32 to vector<16xi32>
        %add3A_862 = arith.addi %add3A_850, %add3A_861 : vector<16xi32>
        %add3A_863 = arith.constant 240 : i32
        %add3A_864 = arith.addi %mul3A_680, %add3A_863 : i32
        %get3A_865 = arith.index_cast %add3A_864 : i32 to index
        %get3A_866 = tpu.vector_load %arg5[%get3A_865] {strides = array<i32>} : memref<16384xf32, #tpu.memory_space<vmem>>, vector<16xf32>,
        %ge3A_867 = arith.cmpf oge, %get3A_866, %broadcast_in_dim3A_49 : vector<16xf32>
        %lt3A_868 = arith.cmpi slt, %add3A_859, %broadcast_in_dim3A_51 : vector<16xi32>
        %and3A_869 = arith.andi %ge3A_867, %lt3A_868 : vector<16xi1>
        tpu.vector_store_idx %arg7[%add3A_859], %add3A_862 masked %and3A_869 : memref<3072xi32, #tpu.memory_space<vmem>>[vector<16xi32>], vector<16xi32>, vector<16xi1>
        %select_n3A_870 = arith.select %ge3A_867, %broadcast_in_dim3A_53, %broadcast_in_dim3A_55 : vector<16xi1>, vector<16xi32>
        %add3A_871 = arith.addi %add3A_859, %select_n3A_870 : vector<16xi32>
        %add3A_872 = arith.constant 16 : i32
        %add3A_873 = vector.broadcast %add3A_872 : i32 to vector<16xi32>
        %add3A_874 = arith.addi %add3A_862, %add3A_873 : vector<16xi32>
        scf.yield %add3A_871 : vector<16xi32>
      }
      %scan3A_61 = arith.constant 64 : i32
      %sub3A = arith.subi %scan3A_60, %iota3A : vector<16xi32>
      %reduce_max3A = arith.constant true
      %reduce_max3A_62 = vector.broadcast %reduce_max3A : i1 to vector<16xi1>
      %reduce_max3A_63 = arith.constant -2147483648 : i32
      %reduce_max3A_64 = vector.broadcast %reduce_max3A_63 : i32 to vector<16xi32>
      %reduce_max3A_65 = arith.xori %sub3A, %reduce_max3A_64 : vector<16xi32>
      %reduce_max3A_66 = tpu.scan <max>, %reduce_max3A_65 masked %reduce_max3A_62 : vector<16xi32>, vector<16xi1> -> vector<16xi32>
      %reduce_max3A_67 = arith.xori %reduce_max3A_66, %reduce_max3A_64 : vector<16xi32>
      %reduce_max3A_68 = vector.extract %reduce_max3A_67[15] : i32 from vector<16xi32>
      %jit3A = arith.constant 16 : i32
      %div3A = arith.divsi %reduce_max3A_68, %jit3A : i32
      %sign3A = arith.constant 0 : i32
      %sign3A_69 = arith.cmpi sgt, %reduce_max3A_68, %sign3A : i32
      %sign3A_70 = arith.extui %sign3A_69 : i1 to i32
      %sign3A_71 = arith.constant 0 : i32
      %sign3A_72 = arith.cmpi slt, %reduce_max3A_68, %sign3A_71 : i32
      %sign3A_73 = arith.extui %sign3A_72 : i1 to i32
      %sign3A_74 = arith.subi %sign3A_70, %sign3A_73 : i32
      %sign3A_75 = arith.constant 0 : i32
      %sign3A_76 = arith.cmpi sgt, %jit3A, %sign3A_75 : i32
      %sign3A_77 = arith.extui %sign3A_76 : i1 to i32
      %sign3A_78 = arith.constant 0 : i32
      %sign3A_79 = arith.cmpi slt, %jit3A, %sign3A_78 : i32
      %sign3A_80 = arith.extui %sign3A_79 : i1 to i32
      %sign3A_81 = arith.subi %sign3A_77, %sign3A_80 : i32
      %ne3A = arith.cmpi ne, %sign3A_74, %sign3A_81 : i32
      %rem3A = arith.remsi %reduce_max3A_68, %jit3A : i32
      %ne3A_82 = arith.constant 0 : i32
      %ne3A_83 = arith.cmpi ne, %rem3A, %ne3A_82 : i32
      %and3A = arith.andi %ne3A, %ne3A_83 : i1
      %sub3A_84 = arith.constant 1 : i32
      %sub3A_85 = arith.subi %div3A, %sub3A_84 : i32
      %select_n3A = arith.select %and3A, %sub3A_85, %div3A : i32
      %add3A_86 = arith.constant 3 : i32
      %add3A_87 = arith.addi %select_n3A, %add3A_86 : i32
      %jit3A_88 = arith.constant 4 : i32
      %div3A_89 = arith.divsi %add3A_87, %jit3A_88 : i32
      %sign3A_90 = arith.constant 0 : i32
      %sign3A_91 = arith.cmpi sgt, %add3A_87, %sign3A_90 : i32
      %sign3A_92 = arith.extui %sign3A_91 : i1 to i32
      %sign3A_93 = arith.constant 0 : i32
      %sign3A_94 = arith.cmpi slt, %add3A_87, %sign3A_93 : i32
      %sign3A_95 = arith.extui %sign3A_94 : i1 to i32
      %sign3A_96 = arith.subi %sign3A_92, %sign3A_95 : i32
      %sign3A_97 = arith.constant 0 : i32
      %sign3A_98 = arith.cmpi sgt, %jit3A_88, %sign3A_97 : i32
      %sign3A_99 = arith.extui %sign3A_98 : i1 to i32
      %sign3A_100 = arith.constant 0 : i32
      %sign3A_101 = arith.cmpi slt, %jit3A_88, %sign3A_100 : i32
      %sign3A_102 = arith.extui %sign3A_101 : i1 to i32
      %sign3A_103 = arith.subi %sign3A_99, %sign3A_102 : i32
      %ne3A_104 = arith.cmpi ne, %sign3A_96, %sign3A_103 : i32
      %rem3A_105 = arith.remsi %add3A_87, %jit3A_88 : i32
      %ne3A_106 = arith.constant 0 : i32
      %ne3A_107 = arith.cmpi ne, %rem3A_105, %ne3A_106 : i32
      %and3A_108 = arith.andi %ne3A_104, %ne3A_107 : i1
      %sub3A_109 = arith.constant 1 : i32
      %sub3A_110 = arith.subi %div3A_89, %sub3A_109 : i32
      %select_n3A_111 = arith.select %and3A_108, %sub3A_110, %div3A_89 : i32
      %mul3A_112 = arith.constant 0 : i32
      %mul3A_113 = arith.constant 64 : i32
      %mul3A_114 = arith.muli %mul3A_112, %mul3A_113 : i32
      %add3A_115 = arith.constant 0 : i32
      %add3A_116 = arith.addi %mul3A_114, %add3A_115 : i32
      %get3A = arith.index_cast %add3A_116 : i32 to index
      %get3A_117 = tpu.vector_load %arg7[%get3A] {strides = array<i32>} : memref<3072xi32, #tpu.memory_space<vmem>>, vector<16xi32>,
      %and3A_118 = arith.constant 16383 : i32
      %and3A_119 = vector.broadcast %and3A_118 : i32 to vector<16xi32>
      %and3A_120 = arith.andi %get3A_117, %and3A_119 : vector<16xi32>
      %gather3A = tpu.vector_load_idx %arg5[%and3A_120] : memref<16384xf32, #tpu.memory_space<vmem>>[vector<16xi32>], vector<16xf32>,
      %broadcast_in_dim3A_121 = arith.constant 0 : i32
      %broadcast_in_dim3A_122 = vector.broadcast %broadcast_in_dim3A_121 : i32 to vector<16xi32>
      %add3A_123 = vector.broadcast %add3A_116 : i32 to vector<16xi32>
      %add3A_124 = arith.addi %broadcast_in_dim3A_122, %add3A_123 : vector<16xi32>
      %add3A_125 = arith.addi %add3A_124, %iota3A : vector<16xi32>
      %lt3A = arith.cmpi slt, %add3A_125, %scan3A_60 : vector<16xi32>
      %select_n3A_126 = arith.select %lt3A, %gather3A, %broadcast_in_dim3A_3 : vector<16xi1>, vector<16xf32>
      %mul3A_127 = arith.constant 0 : i32
      %mul3A_128 = arith.constant 64 : i32
      %mul3A_129 = arith.muli %mul3A_127, %mul3A_128 : i32
      %add3A_130 = arith.constant 16 : i32
      %add3A_131 = arith.addi %mul3A_129, %add3A_130 : i32
      %get3A_132 = arith.index_cast %add3A_131 : i32 to index
      %get3A_133 = tpu.vector_load %arg7[%get3A_132] {strides = array<i32>} : memref<3072xi32, #tpu.memory_space<vmem>>, vector<16xi32>,
      %and3A_134 = arith.constant 16383 : i32
      %and3A_135 = vector.broadcast %and3A_134 : i32 to vector<16xi32>
      %and3A_136 = arith.andi %get3A_133, %and3A_135 : vector<16xi32>
      %gather3A_137 = tpu.vector_load_idx %arg5[%and3A_136] : memref<16384xf32, #tpu.memory_space<vmem>>[vector<16xi32>], vector<16xf32>,
      %broadcast_in_dim3A_138 = arith.constant 0 : i32
      %broadcast_in_dim3A_139 = vector.broadcast %broadcast_in_dim3A_138 : i32 to vector<16xi32>
      %add3A_140 = vector.broadcast %add3A_131 : i32 to vector<16xi32>
      %add3A_141 = arith.addi %broadcast_in_dim3A_139, %add3A_140 : vector<16xi32>
      %add3A_142 = arith.addi %add3A_141, %iota3A : vector<16xi32>
      %lt3A_143 = arith.cmpi slt, %add3A_142, %scan3A_60 : vector<16xi32>
      %select_n3A_144 = arith.select %lt3A_143, %gather3A_137, %broadcast_in_dim3A_3 : vector<16xi1>, vector<16xf32>
      %mul3A_145 = arith.constant 0 : i32
      %mul3A_146 = arith.constant 64 : i32
      %mul3A_147 = arith.muli %mul3A_145, %mul3A_146 : i32
      %add3A_148 = arith.constant 32 : i32
      %add3A_149 = arith.addi %mul3A_147, %add3A_148 : i32
      %get3A_150 = arith.index_cast %add3A_149 : i32 to index
      %get3A_151 = tpu.vector_load %arg7[%get3A_150] {strides = array<i32>} : memref<3072xi32, #tpu.memory_space<vmem>>, vector<16xi32>,
      %and3A_152 = arith.constant 16383 : i32
      %and3A_153 = vector.broadcast %and3A_152 : i32 to vector<16xi32>
      %and3A_154 = arith.andi %get3A_151, %and3A_153 : vector<16xi32>
      %gather3A_155 = tpu.vector_load_idx %arg5[%and3A_154] : memref<16384xf32, #tpu.memory_space<vmem>>[vector<16xi32>], vector<16xf32>,
      %broadcast_in_dim3A_156 = arith.constant 0 : i32
      %broadcast_in_dim3A_157 = vector.broadcast %broadcast_in_dim3A_156 : i32 to vector<16xi32>
      %add3A_158 = vector.broadcast %add3A_149 : i32 to vector<16xi32>
      %add3A_159 = arith.addi %broadcast_in_dim3A_157, %add3A_158 : vector<16xi32>
      %add3A_160 = arith.addi %add3A_159, %iota3A : vector<16xi32>
      %lt3A_161 = arith.cmpi slt, %add3A_160, %scan3A_60 : vector<16xi32>
      %select_n3A_162 = arith.select %lt3A_161, %gather3A_155, %broadcast_in_dim3A_3 : vector<16xi1>, vector<16xf32>
      %mul3A_163 = arith.constant 0 : i32
      %mul3A_164 = arith.constant 64 : i32
      %mul3A_165 = arith.muli %mul3A_163, %mul3A_164 : i32
      %add3A_166 = arith.constant 48 : i32
      %add3A_167 = arith.addi %mul3A_165, %add3A_166 : i32
      %get3A_168 = arith.index_cast %add3A_167 : i32 to index
      %get3A_169 = tpu.vector_load %arg7[%get3A_168] {strides = array<i32>} : memref<3072xi32, #tpu.memory_space<vmem>>, vector<16xi32>,
      %and3A_170 = arith.constant 16383 : i32
      %and3A_171 = vector.broadcast %and3A_170 : i32 to vector<16xi32>
      %and3A_172 = arith.andi %get3A_169, %and3A_171 : vector<16xi32>
      %gather3A_173 = tpu.vector_load_idx %arg5[%and3A_172] : memref<16384xf32, #tpu.memory_space<vmem>>[vector<16xi32>], vector<16xf32>,
      %broadcast_in_dim3A_174 = arith.constant 0 : i32
      %broadcast_in_dim3A_175 = vector.broadcast %broadcast_in_dim3A_174 : i32 to vector<16xi32>
      %add3A_176 = vector.broadcast %add3A_167 : i32 to vector<16xi32>
      %add3A_177 = arith.addi %broadcast_in_dim3A_175, %add3A_176 : vector<16xi32>
      %add3A_178 = arith.addi %add3A_177, %iota3A : vector<16xi32>
      %lt3A_179 = arith.cmpi slt, %add3A_178, %scan3A_60 : vector<16xi32>
      %select_n3A_180 = arith.select %lt3A_179, %gather3A_173, %broadcast_in_dim3A_3 : vector<16xi1>, vector<16xf32>
      %masked_sort3A = arith.constant dense<true> : vector<16xi1>
      %masked_sort3A_181, %masked_sort3A_182, %masked_sort3A_183 = tpu.sort %select_n3A_126, %and3A_120 masked %masked_sort3A {descending = true} : (vector<16xf32>, vector<16xi32>, vector<16xi1>) -> (vector<16xi1>, vector<16xf32>, vector<16xi32>)
      %masked_sort3A_184 = arith.constant dense<true> : vector<16xi1>
      %masked_sort3A_185, %masked_sort3A_186, %masked_sort3A_187 = tpu.sort %select_n3A_144, %and3A_136 masked %masked_sort3A_184 {descending = true} : (vector<16xf32>, vector<16xi32>, vector<16xi1>) -> (vector<16xi1>, vector<16xf32>, vector<16xi32>)
      %masked_sort3A_188 = arith.constant dense<true> : vector<16xi1>
      %masked_sort3A_189, %masked_sort3A_190, %masked_sort3A_191 = tpu.sort %select_n3A_162, %and3A_154 masked %masked_sort3A_188 {descending = true} : (vector<16xf32>, vector<16xi32>, vector<16xi1>) -> (vector<16xi1>, vector<16xf32>, vector<16xi32>)
      %masked_sort3A_192 = arith.constant dense<true> : vector<16xi1>
      %masked_sort3A_193, %masked_sort3A_194, %masked_sort3A_195 = tpu.sort %select_n3A_180, %and3A_172 masked %masked_sort3A_192 {descending = true} : (vector<16xf32>, vector<16xi32>, vector<16xi1>) -> (vector<16xi1>, vector<16xf32>, vector<16xi32>)
      %rev3A = arith.constant 15 : i32
      %rev3A_196 = vector.broadcast %rev3A : i32 to vector<16xi32>
      %rev3A_197 = tpu.iota {dimensions = array<i32: 0>} : vector<16xi32>
      %rev3A_198 = arith.subi %rev3A_196, %rev3A_197 : vector<16xi32>
      %rev3A_199 = tpu.dynamic_gather %masked_sort3A_186[%rev3A_198] in [0] : vector<16xf32>, vector<16xi32> -> vector<16xf32>
      %rev3A_200 = arith.constant 15 : i32
      %rev3A_201 = vector.broadcast %rev3A_200 : i32 to vector<16xi32>
      %rev3A_202 = tpu.iota {dimensions = array<i32: 0>} : vector<16xi32>
      %rev3A_203 = arith.subi %rev3A_201, %rev3A_202 : vector<16xi32>
      %rev3A_204 = tpu.dynamic_gather %masked_sort3A_187[%rev3A_203] in [0] : vector<16xi32>, vector<16xi32> -> vector<16xi32>
      %ge3A = arith.cmpf oge, %masked_sort3A_182, %rev3A_199 : vector<16xf32>
      %select_n3A_205 = arith.select %ge3A, %masked_sort3A_182, %rev3A_199 : vector<16xi1>, vector<16xf32>
      %select_n3A_206 = arith.select %ge3A, %masked_sort3A_183, %rev3A_204 : vector<16xi1>, vector<16xi32>
      %select_n3A_207 = arith.select %ge3A, %rev3A_199, %masked_sort3A_182 : vector<16xi1>, vector<16xf32>
      %select_n3A_208 = arith.select %ge3A, %rev3A_204, %masked_sort3A_183 : vector<16xi1>, vector<16xi32>
      %masked_sort3A_209 = arith.constant dense<true> : vector<16xi1>
      %masked_sort3A_210, %masked_sort3A_211, %masked_sort3A_212 = tpu.sort %select_n3A_205, %select_n3A_206 masked %masked_sort3A_209 {descending = true} : (vector<16xf32>, vector<16xi32>, vector<16xi1>) -> (vector<16xi1>, vector<16xf32>, vector<16xi32>)
      %masked_sort3A_213 = arith.constant dense<true> : vector<16xi1>
      %masked_sort3A_214, %masked_sort3A_215, %masked_sort3A_216 = tpu.sort %select_n3A_207, %select_n3A_208 masked %masked_sort3A_213 {descending = true} : (vector<16xf32>, vector<16xi32>, vector<16xi1>) -> (vector<16xi1>, vector<16xf32>, vector<16xi32>)
      %rev3A_217 = arith.constant 15 : i32
      %rev3A_218 = vector.broadcast %rev3A_217 : i32 to vector<16xi32>
      %rev3A_219 = tpu.iota {dimensions = array<i32: 0>} : vector<16xi32>
      %rev3A_220 = arith.subi %rev3A_218, %rev3A_219 : vector<16xi32>
      %rev3A_221 = tpu.dynamic_gather %masked_sort3A_194[%rev3A_220] in [0] : vector<16xf32>, vector<16xi32> -> vector<16xf32>
      %rev3A_222 = arith.constant 15 : i32
      %rev3A_223 = vector.broadcast %rev3A_222 : i32 to vector<16xi32>
      %rev3A_224 = tpu.iota {dimensions = array<i32: 0>} : vector<16xi32>
      %rev3A_225 = arith.subi %rev3A_223, %rev3A_224 : vector<16xi32>
      %rev3A_226 = tpu.dynamic_gather %masked_sort3A_195[%rev3A_225] in [0] : vector<16xi32>, vector<16xi32> -> vector<16xi32>
      %ge3A_227 = arith.cmpf oge, %masked_sort3A_190, %rev3A_221 : vector<16xf32>
      %select_n3A_228 = arith.select %ge3A_227, %masked_sort3A_190, %rev3A_221 : vector<16xi1>, vector<16xf32>
      %select_n3A_229 = arith.select %ge3A_227, %masked_sort3A_191, %rev3A_226 : vector<16xi1>, vector<16xi32>
      %select_n3A_230 = arith.select %ge3A_227, %rev3A_221, %masked_sort3A_190 : vector<16xi1>, vector<16xf32>
      %select_n3A_231 = arith.select %ge3A_227, %rev3A_226, %masked_sort3A_191 : vector<16xi1>, vector<16xi32>
      %masked_sort3A_232 = arith.constant dense<true> : vector<16xi1>
      %masked_sort3A_233, %masked_sort3A_234, %masked_sort3A_235 = tpu.sort %select_n3A_228, %select_n3A_229 masked %masked_sort3A_232 {descending = true} : (vector<16xf32>, vector<16xi32>, vector<16xi1>) -> (vector<16xi1>, vector<16xf32>, vector<16xi32>)
      %masked_sort3A_236 = arith.constant dense<true> : vector<16xi1>
      %masked_sort3A_237, %masked_sort3A_238, %masked_sort3A_239 = tpu.sort %select_n3A_230, %select_n3A_231 masked %masked_sort3A_236 {descending = true} : (vector<16xf32>, vector<16xi32>, vector<16xi1>) -> (vector<16xi1>, vector<16xf32>, vector<16xi32>)
      %rev3A_240 = arith.constant 15 : i32
      %rev3A_241 = vector.broadcast %rev3A_240 : i32 to vector<16xi32>
      %rev3A_242 = tpu.iota {dimensions = array<i32: 0>} : vector<16xi32>
      %rev3A_243 = arith.subi %rev3A_241, %rev3A_242 : vector<16xi32>
      %rev3A_244 = tpu.dynamic_gather %masked_sort3A_238[%rev3A_243] in [0] : vector<16xf32>, vector<16xi32> -> vector<16xf32>
      %rev3A_245 = arith.constant 15 : i32
      %rev3A_246 = vector.broadcast %rev3A_245 : i32 to vector<16xi32>
      %rev3A_247 = tpu.iota {dimensions = array<i32: 0>} : vector<16xi32>
      %rev3A_248 = arith.subi %rev3A_246, %rev3A_247 : vector<16xi32>
      %rev3A_249 = tpu.dynamic_gather %masked_sort3A_239[%rev3A_248] in [0] : vector<16xi32>, vector<16xi32> -> vector<16xi32>
      %ge3A_250 = arith.cmpf oge, %masked_sort3A_211, %rev3A_244 : vector<16xf32>
      %select_n3A_251 = arith.select %ge3A_250, %masked_sort3A_211, %rev3A_244 : vector<16xi1>, vector<16xf32>
      %select_n3A_252 = arith.select %ge3A_250, %masked_sort3A_212, %rev3A_249 : vector<16xi1>, vector<16xi32>
      %select_n3A_253 = arith.select %ge3A_250, %rev3A_244, %masked_sort3A_211 : vector<16xi1>, vector<16xf32>
      %select_n3A_254 = arith.select %ge3A_250, %rev3A_249, %masked_sort3A_212 : vector<16xi1>, vector<16xi32>
      %rev3A_255 = arith.constant 15 : i32
      %rev3A_256 = vector.broadcast %rev3A_255 : i32 to vector<16xi32>
      %rev3A_257 = tpu.iota {dimensions = array<i32: 0>} : vector<16xi32>
      %rev3A_258 = arith.subi %rev3A_256, %rev3A_257 : vector<16xi32>
      %rev3A_259 = tpu.dynamic_gather %masked_sort3A_234[%rev3A_258] in [0] : vector<16xf32>, vector<16xi32> -> vector<16xf32>
      %rev3A_260 = arith.constant 15 : i32
      %rev3A_261 = vector.broadcast %rev3A_260 : i32 to vector<16xi32>
      %rev3A_262 = tpu.iota {dimensions = array<i32: 0>} : vector<16xi32>
      %rev3A_263 = arith.subi %rev3A_261, %rev3A_262 : vector<16xi32>
      %rev3A_264 = tpu.dynamic_gather %masked_sort3A_235[%rev3A_263] in [0] : vector<16xi32>, vector<16xi32> -> vector<16xi32>
      %ge3A_265 = arith.cmpf oge, %masked_sort3A_215, %rev3A_259 : vector<16xf32>
      %select_n3A_266 = arith.select %ge3A_265, %masked_sort3A_215, %rev3A_259 : vector<16xi1>, vector<16xf32>
      %select_n3A_267 = arith.select %ge3A_265, %masked_sort3A_216, %rev3A_264 : vector<16xi1>, vector<16xi32>
      %select_n3A_268 = arith.select %ge3A_265, %rev3A_259, %masked_sort3A_215 : vector<16xi1>, vector<16xf32>
      %select_n3A_269 = arith.select %ge3A_265, %rev3A_264, %masked_sort3A_216 : vector<16xi1>, vector<16xi32>
      %ge3A_270 = arith.cmpf oge, %select_n3A_251, %select_n3A_266 : vector<16xf32>
      %select_n3A_271 = arith.select %ge3A_270, %select_n3A_251, %select_n3A_266 : vector<16xi1>, vector<16xf32>
      %select_n3A_272 = arith.select %ge3A_270, %select_n3A_252, %select_n3A_267 : vector<16xi1>, vector<16xi32>
      %select_n3A_273 = arith.select %ge3A_270, %select_n3A_266, %select_n3A_251 : vector<16xi1>, vector<16xf32>
      %select_n3A_274 = arith.select %ge3A_270, %select_n3A_267, %select_n3A_252 : vector<16xi1>, vector<16xi32>
      %masked_sort3A_275 = arith.constant dense<true> : vector<16xi1>
      %masked_sort3A_276, %masked_sort3A_277, %masked_sort3A_278 = tpu.sort %select_n3A_271, %select_n3A_272 masked %masked_sort3A_275 {descending = true} : (vector<16xf32>, vector<16xi32>, vector<16xi1>) -> (vector<16xi1>, vector<16xf32>, vector<16xi32>)
      %masked_sort3A_279 = arith.constant dense<true> : vector<16xi1>
      %masked_sort3A_280, %masked_sort3A_281, %masked_sort3A_282 = tpu.sort %select_n3A_273, %select_n3A_274 masked %masked_sort3A_279 {descending = true} : (vector<16xf32>, vector<16xi32>, vector<16xi1>) -> (vector<16xi1>, vector<16xf32>, vector<16xi32>)
      %ge3A_283 = arith.cmpf oge, %select_n3A_253, %select_n3A_268 : vector<16xf32>
      %select_n3A_284 = arith.select %ge3A_283, %select_n3A_253, %select_n3A_268 : vector<16xi1>, vector<16xf32>
      %select_n3A_285 = arith.select %ge3A_283, %select_n3A_254, %select_n3A_269 : vector<16xi1>, vector<16xi32>
      %select_n3A_286 = arith.select %ge3A_283, %select_n3A_268, %select_n3A_253 : vector<16xi1>, vector<16xf32>
      %select_n3A_287 = arith.select %ge3A_283, %select_n3A_269, %select_n3A_254 : vector<16xi1>, vector<16xi32>
      %masked_sort3A_288 = arith.constant dense<true> : vector<16xi1>
      %masked_sort3A_289, %masked_sort3A_290, %masked_sort3A_291 = tpu.sort %select_n3A_284, %select_n3A_285 masked %masked_sort3A_288 {descending = true} : (vector<16xf32>, vector<16xi32>, vector<16xi1>) -> (vector<16xi1>, vector<16xf32>, vector<16xi32>)
      %masked_sort3A_292 = arith.constant dense<true> : vector<16xi1>
      %masked_sort3A_293, %masked_sort3A_294, %masked_sort3A_295 = tpu.sort %select_n3A_286, %select_n3A_287 masked %masked_sort3A_292 {descending = true} : (vector<16xf32>, vector<16xi32>, vector<16xi1>) -> (vector<16xi1>, vector<16xf32>, vector<16xi32>)
      %while3A = arith.constant 1 : i32
      %while3A_296 = arith.subi %select_n3A_111, %while3A : i32
      %while3A_297 = arith.addi %while3A, %while3A_296 : i32
      %while3A_298 = arith.constant 1 : i32
      %while3A_299 = arith.divsi %while3A_296, %while3A_298 : i32
      %while3A_300 = arith.muli %while3A_299, %while3A_298 : i32
      %while3A_301 = arith.addi %while3A, %while3A_300 : i32
      %while3A_302 = arith.constant 1 : i32
      %while3A_303:8 = scf.for %while3A_677 = %while3A to %while3A_301 step %while3A_302 iter_args(%while3A_678 = %masked_sort3A_277, %while3A_679 = %masked_sort3A_281, %while3A_680 = %masked_sort3A_290, %while3A_681 = %masked_sort3A_294, %while3A_682 = %masked_sort3A_278, %while3A_683 = %masked_sort3A_282, %while3A_684 = %masked_sort3A_291, %while3A_685 = %masked_sort3A_295) -> (vector<16xf32>, vector<16xf32>, vector<16xf32>, vector<16xf32>, vector<16xi32>, vector<16xi32>, vector<16xi32>, vector<16xi32>)  : i32 {
        %mul3A_686 = arith.constant 64 : i32
        %mul3A_687 = arith.muli %while3A_677, %mul3A_686 : i32
        %add3A_688 = arith.constant 0 : i32
        %add3A_689 = arith.addi %mul3A_687, %add3A_688 : i32
        %get3A_690 = arith.index_cast %add3A_689 : i32 to index
        %get3A_691 = tpu.vector_load %arg7[%get3A_690] {strides = array<i32>} : memref<3072xi32, #tpu.memory_space<vmem>>, vector<16xi32>,
        %and3A_692 = arith.constant 16383 : i32
        %and3A_693 = vector.broadcast %and3A_692 : i32 to vector<16xi32>
        %and3A_694 = arith.andi %get3A_691, %and3A_693 : vector<16xi32>
        %gather3A_695 = tpu.vector_load_idx %arg5[%and3A_694] : memref<16384xf32, #tpu.memory_space<vmem>>[vector<16xi32>], vector<16xf32>,
        %broadcast_in_dim3A_696 = arith.constant 0 : i32
        %broadcast_in_dim3A_697 = vector.broadcast %broadcast_in_dim3A_696 : i32 to vector<16xi32>
        %add3A_698 = vector.broadcast %add3A_689 : i32 to vector<16xi32>
        %add3A_699 = arith.addi %broadcast_in_dim3A_697, %add3A_698 : vector<16xi32>
        %add3A_700 = arith.addi %add3A_699, %iota3A : vector<16xi32>
        %lt3A_701 = arith.cmpi slt, %add3A_700, %scan3A_60 : vector<16xi32>
        %select_n3A_702 = arith.select %lt3A_701, %gather3A_695, %broadcast_in_dim3A_3 : vector<16xi1>, vector<16xf32>
        %mul3A_703 = arith.constant 64 : i32
        %mul3A_704 = arith.muli %while3A_677, %mul3A_703 : i32
        %add3A_705 = arith.constant 16 : i32
        %add3A_706 = arith.addi %mul3A_704, %add3A_705 : i32
        %get3A_707 = arith.index_cast %add3A_706 : i32 to index
        %get3A_708 = tpu.vector_load %arg7[%get3A_707] {strides = array<i32>} : memref<3072xi32, #tpu.memory_space<vmem>>, vector<16xi32>,
        %and3A_709 = arith.constant 16383 : i32
        %and3A_710 = vector.broadcast %and3A_709 : i32 to vector<16xi32>
        %and3A_711 = arith.andi %get3A_708, %and3A_710 : vector<16xi32>
        %gather3A_712 = tpu.vector_load_idx %arg5[%and3A_711] : memref<16384xf32, #tpu.memory_space<vmem>>[vector<16xi32>], vector<16xf32>,
        %broadcast_in_dim3A_713 = arith.constant 0 : i32
        %broadcast_in_dim3A_714 = vector.broadcast %broadcast_in_dim3A_713 : i32 to vector<16xi32>
        %add3A_715 = vector.broadcast %add3A_706 : i32 to vector<16xi32>
        %add3A_716 = arith.addi %broadcast_in_dim3A_714, %add3A_715 : vector<16xi32>
        %add3A_717 = arith.addi %add3A_716, %iota3A : vector<16xi32>
        %lt3A_718 = arith.cmpi slt, %add3A_717, %scan3A_60 : vector<16xi32>
        %select_n3A_719 = arith.select %lt3A_718, %gather3A_712, %broadcast_in_dim3A_3 : vector<16xi1>, vector<16xf32>
        %mul3A_720 = arith.constant 64 : i32
        %mul3A_721 = arith.muli %while3A_677, %mul3A_720 : i32
        %add3A_722 = arith.constant 32 : i32
        %add3A_723 = arith.addi %mul3A_721, %add3A_722 : i32
        %get3A_724 = arith.index_cast %add3A_723 : i32 to index
        %get3A_725 = tpu.vector_load %arg7[%get3A_724] {strides = array<i32>} : memref<3072xi32, #tpu.memory_space<vmem>>, vector<16xi32>,
        %and3A_726 = arith.constant 16383 : i32
        %and3A_727 = vector.broadcast %and3A_726 : i32 to vector<16xi32>
        %and3A_728 = arith.andi %get3A_725, %and3A_727 : vector<16xi32>
        %gather3A_729 = tpu.vector_load_idx %arg5[%and3A_728] : memref<16384xf32, #tpu.memory_space<vmem>>[vector<16xi32>], vector<16xf32>,
        %broadcast_in_dim3A_730 = arith.constant 0 : i32
        %broadcast_in_dim3A_731 = vector.broadcast %broadcast_in_dim3A_730 : i32 to vector<16xi32>
        %add3A_732 = vector.broadcast %add3A_723 : i32 to vector<16xi32>
        %add3A_733 = arith.addi %broadcast_in_dim3A_731, %add3A_732 : vector<16xi32>
        %add3A_734 = arith.addi %add3A_733, %iota3A : vector<16xi32>
        %lt3A_735 = arith.cmpi slt, %add3A_734, %scan3A_60 : vector<16xi32>
        %select_n3A_736 = arith.select %lt3A_735, %gather3A_729, %broadcast_in_dim3A_3 : vector<16xi1>, vector<16xf32>
        %mul3A_737 = arith.constant 64 : i32
        %mul3A_738 = arith.muli %while3A_677, %mul3A_737 : i32
        %add3A_739 = arith.constant 48 : i32
        %add3A_740 = arith.addi %mul3A_738, %add3A_739 : i32
        %get3A_741 = arith.index_cast %add3A_740 : i32 to index
        %get3A_742 = tpu.vector_load %arg7[%get3A_741] {strides = array<i32>} : memref<3072xi32, #tpu.memory_space<vmem>>, vector<16xi32>,
        %and3A_743 = arith.constant 16383 : i32
        %and3A_744 = vector.broadcast %and3A_743 : i32 to vector<16xi32>
        %and3A_745 = arith.andi %get3A_742, %and3A_744 : vector<16xi32>
        %gather3A_746 = tpu.vector_load_idx %arg5[%and3A_745] : memref<16384xf32, #tpu.memory_space<vmem>>[vector<16xi32>], vector<16xf32>,
        %broadcast_in_dim3A_747 = arith.constant 0 : i32
        %broadcast_in_dim3A_748 = vector.broadcast %broadcast_in_dim3A_747 : i32 to vector<16xi32>
        %add3A_749 = vector.broadcast %add3A_740 : i32 to vector<16xi32>
        %add3A_750 = arith.addi %broadcast_in_dim3A_748, %add3A_749 : vector<16xi32>
        %add3A_751 = arith.addi %add3A_750, %iota3A : vector<16xi32>
        %lt3A_752 = arith.cmpi slt, %add3A_751, %scan3A_60 : vector<16xi32>
        %select_n3A_753 = arith.select %lt3A_752, %gather3A_746, %broadcast_in_dim3A_3 : vector<16xi1>, vector<16xf32>
        %masked_sort3A_754 = arith.constant dense<true> : vector<16xi1>
        %masked_sort3A_755, %masked_sort3A_756, %masked_sort3A_757 = tpu.sort %select_n3A_702, %and3A_694 masked %masked_sort3A_754 {descending = true} : (vector<16xf32>, vector<16xi32>, vector<16xi1>) -> (vector<16xi1>, vector<16xf32>, vector<16xi32>)
        %masked_sort3A_758 = arith.constant dense<true> : vector<16xi1>
        %masked_sort3A_759, %masked_sort3A_760, %masked_sort3A_761 = tpu.sort %select_n3A_719, %and3A_711 masked %masked_sort3A_758 {descending = true} : (vector<16xf32>, vector<16xi32>, vector<16xi1>) -> (vector<16xi1>, vector<16xf32>, vector<16xi32>)
        %masked_sort3A_762 = arith.constant dense<true> : vector<16xi1>
        %masked_sort3A_763, %masked_sort3A_764, %masked_sort3A_765 = tpu.sort %select_n3A_736, %and3A_728 masked %masked_sort3A_762 {descending = true} : (vector<16xf32>, vector<16xi32>, vector<16xi1>) -> (vector<16xi1>, vector<16xf32>, vector<16xi32>)
        %masked_sort3A_766 = arith.constant dense<true> : vector<16xi1>
        %masked_sort3A_767, %masked_sort3A_768, %masked_sort3A_769 = tpu.sort %select_n3A_753, %and3A_745 masked %masked_sort3A_766 {descending = true} : (vector<16xf32>, vector<16xi32>, vector<16xi1>) -> (vector<16xi1>, vector<16xf32>, vector<16xi32>)
        %rev3A_770 = arith.constant 15 : i32
        %rev3A_771 = vector.broadcast %rev3A_770 : i32 to vector<16xi32>
        %rev3A_772 = tpu.iota {dimensions = array<i32: 0>} : vector<16xi32>
        %rev3A_773 = arith.subi %rev3A_771, %rev3A_772 : vector<16xi32>
        %rev3A_774 = tpu.dynamic_gather %masked_sort3A_760[%rev3A_773] in [0] : vector<16xf32>, vector<16xi32> -> vector<16xf32>
        %rev3A_775 = arith.constant 15 : i32
        %rev3A_776 = vector.broadcast %rev3A_775 : i32 to vector<16xi32>
        %rev3A_777 = tpu.iota {dimensions = array<i32: 0>} : vector<16xi32>
        %rev3A_778 = arith.subi %rev3A_776, %rev3A_777 : vector<16xi32>
        %rev3A_779 = tpu.dynamic_gather %masked_sort3A_761[%rev3A_778] in [0] : vector<16xi32>, vector<16xi32> -> vector<16xi32>
        %ge3A_780 = arith.cmpf oge, %masked_sort3A_756, %rev3A_774 : vector<16xf32>
        %select_n3A_781 = arith.select %ge3A_780, %masked_sort3A_756, %rev3A_774 : vector<16xi1>, vector<16xf32>
        %select_n3A_782 = arith.select %ge3A_780, %masked_sort3A_757, %rev3A_779 : vector<16xi1>, vector<16xi32>
        %select_n3A_783 = arith.select %ge3A_780, %rev3A_774, %masked_sort3A_756 : vector<16xi1>, vector<16xf32>
        %select_n3A_784 = arith.select %ge3A_780, %rev3A_779, %masked_sort3A_757 : vector<16xi1>, vector<16xi32>
        %masked_sort3A_785 = arith.constant dense<true> : vector<16xi1>
        %masked_sort3A_786, %masked_sort3A_787, %masked_sort3A_788 = tpu.sort %select_n3A_781, %select_n3A_782 masked %masked_sort3A_785 {descending = true} : (vector<16xf32>, vector<16xi32>, vector<16xi1>) -> (vector<16xi1>, vector<16xf32>, vector<16xi32>)
        %masked_sort3A_789 = arith.constant dense<true> : vector<16xi1>
        %masked_sort3A_790, %masked_sort3A_791, %masked_sort3A_792 = tpu.sort %select_n3A_783, %select_n3A_784 masked %masked_sort3A_789 {descending = true} : (vector<16xf32>, vector<16xi32>, vector<16xi1>) -> (vector<16xi1>, vector<16xf32>, vector<16xi32>)
        %rev3A_793 = arith.constant 15 : i32
        %rev3A_794 = vector.broadcast %rev3A_793 : i32 to vector<16xi32>
        %rev3A_795 = tpu.iota {dimensions = array<i32: 0>} : vector<16xi32>
        %rev3A_796 = arith.subi %rev3A_794, %rev3A_795 : vector<16xi32>
        %rev3A_797 = tpu.dynamic_gather %masked_sort3A_768[%rev3A_796] in [0] : vector<16xf32>, vector<16xi32> -> vector<16xf32>
        %rev3A_798 = arith.constant 15 : i32
        %rev3A_799 = vector.broadcast %rev3A_798 : i32 to vector<16xi32>
        %rev3A_800 = tpu.iota {dimensions = array<i32: 0>} : vector<16xi32>
        %rev3A_801 = arith.subi %rev3A_799, %rev3A_800 : vector<16xi32>
        %rev3A_802 = tpu.dynamic_gather %masked_sort3A_769[%rev3A_801] in [0] : vector<16xi32>, vector<16xi32> -> vector<16xi32>
        %ge3A_803 = arith.cmpf oge, %masked_sort3A_764, %rev3A_797 : vector<16xf32>
        %select_n3A_804 = arith.select %ge3A_803, %masked_sort3A_764, %rev3A_797 : vector<16xi1>, vector<16xf32>
        %select_n3A_805 = arith.select %ge3A_803, %masked_sort3A_765, %rev3A_802 : vector<16xi1>, vector<16xi32>
        %select_n3A_806 = arith.select %ge3A_803, %rev3A_797, %masked_sort3A_764 : vector<16xi1>, vector<16xf32>
        %select_n3A_807 = arith.select %ge3A_803, %rev3A_802, %masked_sort3A_765 : vector<16xi1>, vector<16xi32>
        %masked_sort3A_808 = arith.constant dense<true> : vector<16xi1>
        %masked_sort3A_809, %masked_sort3A_810, %masked_sort3A_811 = tpu.sort %select_n3A_804, %select_n3A_805 masked %masked_sort3A_808 {descending = true} : (vector<16xf32>, vector<16xi32>, vector<16xi1>) -> (vector<16xi1>, vector<16xf32>, vector<16xi32>)
        %masked_sort3A_812 = arith.constant dense<true> : vector<16xi1>
        %masked_sort3A_813, %masked_sort3A_814, %masked_sort3A_815 = tpu.sort %select_n3A_806, %select_n3A_807 masked %masked_sort3A_812 {descending = true} : (vector<16xf32>, vector<16xi32>, vector<16xi1>) -> (vector<16xi1>, vector<16xf32>, vector<16xi32>)
        %rev3A_816 = arith.constant 15 : i32
        %rev3A_817 = vector.broadcast %rev3A_816 : i32 to vector<16xi32>
        %rev3A_818 = tpu.iota {dimensions = array<i32: 0>} : vector<16xi32>
        %rev3A_819 = arith.subi %rev3A_817, %rev3A_818 : vector<16xi32>
        %rev3A_820 = tpu.dynamic_gather %masked_sort3A_814[%rev3A_819] in [0] : vector<16xf32>, vector<16xi32> -> vector<16xf32>
        %rev3A_821 = arith.constant 15 : i32
        %rev3A_822 = vector.broadcast %rev3A_821 : i32 to vector<16xi32>
        %rev3A_823 = tpu.iota {dimensions = array<i32: 0>} : vector<16xi32>
        %rev3A_824 = arith.subi %rev3A_822, %rev3A_823 : vector<16xi32>
        %rev3A_825 = tpu.dynamic_gather %masked_sort3A_815[%rev3A_824] in [0] : vector<16xi32>, vector<16xi32> -> vector<16xi32>
        %ge3A_826 = arith.cmpf oge, %masked_sort3A_787, %rev3A_820 : vector<16xf32>
        %select_n3A_827 = arith.select %ge3A_826, %masked_sort3A_787, %rev3A_820 : vector<16xi1>, vector<16xf32>
        %select_n3A_828 = arith.select %ge3A_826, %masked_sort3A_788, %rev3A_825 : vector<16xi1>, vector<16xi32>
        %select_n3A_829 = arith.select %ge3A_826, %rev3A_820, %masked_sort3A_787 : vector<16xi1>, vector<16xf32>
        %select_n3A_830 = arith.select %ge3A_826, %rev3A_825, %masked_sort3A_788 : vector<16xi1>, vector<16xi32>
        %rev3A_831 = arith.constant 15 : i32
        %rev3A_832 = vector.broadcast %rev3A_831 : i32 to vector<16xi32>
        %rev3A_833 = tpu.iota {dimensions = array<i32: 0>} : vector<16xi32>
        %rev3A_834 = arith.subi %rev3A_832, %rev3A_833 : vector<16xi32>
        %rev3A_835 = tpu.dynamic_gather %masked_sort3A_810[%rev3A_834] in [0] : vector<16xf32>, vector<16xi32> -> vector<16xf32>
        %rev3A_836 = arith.constant 15 : i32
        %rev3A_837 = vector.broadcast %rev3A_836 : i32 to vector<16xi32>
        %rev3A_838 = tpu.iota {dimensions = array<i32: 0>} : vector<16xi32>
        %rev3A_839 = arith.subi %rev3A_837, %rev3A_838 : vector<16xi32>
        %rev3A_840 = tpu.dynamic_gather %masked_sort3A_811[%rev3A_839] in [0] : vector<16xi32>, vector<16xi32> -> vector<16xi32>
        %ge3A_841 = arith.cmpf oge, %masked_sort3A_791, %rev3A_835 : vector<16xf32>
        %select_n3A_842 = arith.select %ge3A_841, %masked_sort3A_791, %rev3A_835 : vector<16xi1>, vector<16xf32>
        %select_n3A_843 = arith.select %ge3A_841, %masked_sort3A_792, %rev3A_840 : vector<16xi1>, vector<16xi32>
        %select_n3A_844 = arith.select %ge3A_841, %rev3A_835, %masked_sort3A_791 : vector<16xi1>, vector<16xf32>
        %select_n3A_845 = arith.select %ge3A_841, %rev3A_840, %masked_sort3A_792 : vector<16xi1>, vector<16xi32>
        %ge3A_846 = arith.cmpf oge, %select_n3A_827, %select_n3A_842 : vector<16xf32>
        %select_n3A_847 = arith.select %ge3A_846, %select_n3A_827, %select_n3A_842 : vector<16xi1>, vector<16xf32>
        %select_n3A_848 = arith.select %ge3A_846, %select_n3A_828, %select_n3A_843 : vector<16xi1>, vector<16xi32>
        %select_n3A_849 = arith.select %ge3A_846, %select_n3A_842, %select_n3A_827 : vector<16xi1>, vector<16xf32>
        %select_n3A_850 = arith.select %ge3A_846, %select_n3A_843, %select_n3A_828 : vector<16xi1>, vector<16xi32>
        %masked_sort3A_851 = arith.constant dense<true> : vector<16xi1>
        %masked_sort3A_852, %masked_sort3A_853, %masked_sort3A_854 = tpu.sort %select_n3A_847, %select_n3A_848 masked %masked_sort3A_851 {descending = true} : (vector<16xf32>, vector<16xi32>, vector<16xi1>) -> (vector<16xi1>, vector<16xf32>, vector<16xi32>)
        %masked_sort3A_855 = arith.constant dense<true> : vector<16xi1>
        %masked_sort3A_856, %masked_sort3A_857, %masked_sort3A_858 = tpu.sort %select_n3A_849, %select_n3A_850 masked %masked_sort3A_855 {descending = true} : (vector<16xf32>, vector<16xi32>, vector<16xi1>) -> (vector<16xi1>, vector<16xf32>, vector<16xi32>)
        %ge3A_859 = arith.cmpf oge, %select_n3A_829, %select_n3A_844 : vector<16xf32>
        %select_n3A_860 = arith.select %ge3A_859, %select_n3A_829, %select_n3A_844 : vector<16xi1>, vector<16xf32>
        %select_n3A_861 = arith.select %ge3A_859, %select_n3A_830, %select_n3A_845 : vector<16xi1>, vector<16xi32>
        %select_n3A_862 = arith.select %ge3A_859, %select_n3A_844, %select_n3A_829 : vector<16xi1>, vector<16xf32>
        %select_n3A_863 = arith.select %ge3A_859, %select_n3A_845, %select_n3A_830 : vector<16xi1>, vector<16xi32>
        %masked_sort3A_864 = arith.constant dense<true> : vector<16xi1>
        %masked_sort3A_865, %masked_sort3A_866, %masked_sort3A_867 = tpu.sort %select_n3A_860, %select_n3A_861 masked %masked_sort3A_864 {descending = true} : (vector<16xf32>, vector<16xi32>, vector<16xi1>) -> (vector<16xi1>, vector<16xf32>, vector<16xi32>)
        %masked_sort3A_868 = arith.constant dense<true> : vector<16xi1>
        %masked_sort3A_869, %masked_sort3A_870, %masked_sort3A_871 = tpu.sort %select_n3A_862, %select_n3A_863 masked %masked_sort3A_868 {descending = true} : (vector<16xf32>, vector<16xi32>, vector<16xi1>) -> (vector<16xi1>, vector<16xf32>, vector<16xi32>)
        %rev3A_872 = arith.constant 15 : i32
        %rev3A_873 = vector.broadcast %rev3A_872 : i32 to vector<16xi32>
        %rev3A_874 = tpu.iota {dimensions = array<i32: 0>} : vector<16xi32>
        %rev3A_875 = arith.subi %rev3A_873, %rev3A_874 : vector<16xi32>
        %rev3A_876 = tpu.dynamic_gather %masked_sort3A_870[%rev3A_875] in [0] : vector<16xf32>, vector<16xi32> -> vector<16xf32>
        %rev3A_877 = arith.constant 15 : i32
        %rev3A_878 = vector.broadcast %rev3A_877 : i32 to vector<16xi32>
        %rev3A_879 = tpu.iota {dimensions = array<i32: 0>} : vector<16xi32>
        %rev3A_880 = arith.subi %rev3A_878, %rev3A_879 : vector<16xi32>
        %rev3A_881 = tpu.dynamic_gather %masked_sort3A_871[%rev3A_880] in [0] : vector<16xi32>, vector<16xi32> -> vector<16xi32>
        %ge3A_882 = arith.cmpf oge, %while3A_678, %rev3A_876 : vector<16xf32>
        %select_n3A_883 = arith.select %ge3A_882, %while3A_678, %rev3A_876 : vector<16xi1>, vector<16xf32>
        %select_n3A_884 = arith.select %ge3A_882, %while3A_682, %rev3A_881 : vector<16xi1>, vector<16xi32>
        %select_n3A_885 = arith.select %ge3A_882, %rev3A_876, %while3A_678 : vector<16xi1>, vector<16xf32>
        %select_n3A_886 = arith.select %ge3A_882, %rev3A_881, %while3A_682 : vector<16xi1>, vector<16xi32>
        %rev3A_887 = arith.constant 15 : i32
        %rev3A_888 = vector.broadcast %rev3A_887 : i32 to vector<16xi32>
        %rev3A_889 = tpu.iota {dimensions = array<i32: 0>} : vector<16xi32>
        %rev3A_890 = arith.subi %rev3A_888, %rev3A_889 : vector<16xi32>
        %rev3A_891 = tpu.dynamic_gather %masked_sort3A_866[%rev3A_890] in [0] : vector<16xf32>, vector<16xi32> -> vector<16xf32>
        %rev3A_892 = arith.constant 15 : i32
        %rev3A_893 = vector.broadcast %rev3A_892 : i32 to vector<16xi32>
        %rev3A_894 = tpu.iota {dimensions = array<i32: 0>} : vector<16xi32>
        %rev3A_895 = arith.subi %rev3A_893, %rev3A_894 : vector<16xi32>
        %rev3A_896 = tpu.dynamic_gather %masked_sort3A_867[%rev3A_895] in [0] : vector<16xi32>, vector<16xi32> -> vector<16xi32>
        %ge3A_897 = arith.cmpf oge, %while3A_679, %rev3A_891 : vector<16xf32>
        %select_n3A_898 = arith.select %ge3A_897, %while3A_679, %rev3A_891 : vector<16xi1>, vector<16xf32>
        %select_n3A_899 = arith.select %ge3A_897, %while3A_683, %rev3A_896 : vector<16xi1>, vector<16xi32>
        %select_n3A_900 = arith.select %ge3A_897, %rev3A_891, %while3A_679 : vector<16xi1>, vector<16xf32>
        %select_n3A_901 = arith.select %ge3A_897, %rev3A_896, %while3A_683 : vector<16xi1>, vector<16xi32>
        %rev3A_902 = arith.constant 15 : i32
        %rev3A_903 = vector.broadcast %rev3A_902 : i32 to vector<16xi32>
        %rev3A_904 = tpu.iota {dimensions = array<i32: 0>} : vector<16xi32>
        %rev3A_905 = arith.subi %rev3A_903, %rev3A_904 : vector<16xi32>
        %rev3A_906 = tpu.dynamic_gather %masked_sort3A_857[%rev3A_905] in [0] : vector<16xf32>, vector<16xi32> -> vector<16xf32>
        %rev3A_907 = arith.constant 15 : i32
        %rev3A_908 = vector.broadcast %rev3A_907 : i32 to vector<16xi32>
        %rev3A_909 = tpu.iota {dimensions = array<i32: 0>} : vector<16xi32>
        %rev3A_910 = arith.subi %rev3A_908, %rev3A_909 : vector<16xi32>
        %rev3A_911 = tpu.dynamic_gather %masked_sort3A_858[%rev3A_910] in [0] : vector<16xi32>, vector<16xi32> -> vector<16xi32>
        %ge3A_912 = arith.cmpf oge, %while3A_680, %rev3A_906 : vector<16xf32>
        %select_n3A_913 = arith.select %ge3A_912, %while3A_680, %rev3A_906 : vector<16xi1>, vector<16xf32>
        %select_n3A_914 = arith.select %ge3A_912, %while3A_684, %rev3A_911 : vector<16xi1>, vector<16xi32>
        %select_n3A_915 = arith.select %ge3A_912, %rev3A_906, %while3A_680 : vector<16xi1>, vector<16xf32>
        %select_n3A_916 = arith.select %ge3A_912, %rev3A_911, %while3A_684 : vector<16xi1>, vector<16xi32>
        %rev3A_917 = arith.constant 15 : i32
        %rev3A_918 = vector.broadcast %rev3A_917 : i32 to vector<16xi32>
        %rev3A_919 = tpu.iota {dimensions = array<i32: 0>} : vector<16xi32>
        %rev3A_920 = arith.subi %rev3A_918, %rev3A_919 : vector<16xi32>
        %rev3A_921 = tpu.dynamic_gather %masked_sort3A_853[%rev3A_920] in [0] : vector<16xf32>, vector<16xi32> -> vector<16xf32>
        %rev3A_922 = arith.constant 15 : i32
        %rev3A_923 = vector.broadcast %rev3A_922 : i32 to vector<16xi32>
        %rev3A_924 = tpu.iota {dimensions = array<i32: 0>} : vector<16xi32>
        %rev3A_925 = arith.subi %rev3A_923, %rev3A_924 : vector<16xi32>
        %rev3A_926 = tpu.dynamic_gather %masked_sort3A_854[%rev3A_925] in [0] : vector<16xi32>, vector<16xi32> -> vector<16xi32>
        %ge3A_927 = arith.cmpf oge, %while3A_681, %rev3A_921 : vector<16xf32>
        %select_n3A_928 = arith.select %ge3A_927, %while3A_681, %rev3A_921 : vector<16xi1>, vector<16xf32>
        %select_n3A_929 = arith.select %ge3A_927, %while3A_685, %rev3A_926 : vector<16xi1>, vector<16xi32>
        %select_n3A_930 = arith.select %ge3A_927, %rev3A_921, %while3A_681 : vector<16xi1>, vector<16xf32>
        %select_n3A_931 = arith.select %ge3A_927, %rev3A_926, %while3A_685 : vector<16xi1>, vector<16xi32>
        %ge3A_932 = arith.cmpf oge, %select_n3A_883, %select_n3A_913 : vector<16xf32>
        %select_n3A_933 = arith.select %ge3A_932, %select_n3A_883, %select_n3A_913 : vector<16xi1>, vector<16xf32>
        %select_n3A_934 = arith.select %ge3A_932, %select_n3A_884, %select_n3A_914 : vector<16xi1>, vector<16xi32>
        %select_n3A_935 = arith.select %ge3A_932, %select_n3A_913, %select_n3A_883 : vector<16xi1>, vector<16xf32>
        %select_n3A_936 = arith.select %ge3A_932, %select_n3A_914, %select_n3A_884 : vector<16xi1>, vector<16xi32>
        %ge3A_937 = arith.cmpf oge, %select_n3A_898, %select_n3A_928 : vector<16xf32>
        %select_n3A_938 = arith.select %ge3A_937, %select_n3A_898, %select_n3A_928 : vector<16xi1>, vector<16xf32>
        %select_n3A_939 = arith.select %ge3A_937, %select_n3A_899, %select_n3A_929 : vector<16xi1>, vector<16xi32>
        %select_n3A_940 = arith.select %ge3A_937, %select_n3A_928, %select_n3A_898 : vector<16xi1>, vector<16xf32>
        %select_n3A_941 = arith.select %ge3A_937, %select_n3A_929, %select_n3A_899 : vector<16xi1>, vector<16xi32>
        %ge3A_942 = arith.cmpf oge, %select_n3A_933, %select_n3A_938 : vector<16xf32>
        %select_n3A_943 = arith.select %ge3A_942, %select_n3A_933, %select_n3A_938 : vector<16xi1>, vector<16xf32>
        %select_n3A_944 = arith.select %ge3A_942, %select_n3A_934, %select_n3A_939 : vector<16xi1>, vector<16xi32>
        %select_n3A_945 = arith.select %ge3A_942, %select_n3A_938, %select_n3A_933 : vector<16xi1>, vector<16xf32>
        %select_n3A_946 = arith.select %ge3A_942, %select_n3A_939, %select_n3A_934 : vector<16xi1>, vector<16xi32>
        %masked_sort3A_947 = arith.constant dense<true> : vector<16xi1>
        %masked_sort3A_948, %masked_sort3A_949, %masked_sort3A_950 = tpu.sort %select_n3A_943, %select_n3A_944 masked %masked_sort3A_947 {descending = true} : (vector<16xf32>, vector<16xi32>, vector<16xi1>) -> (vector<16xi1>, vector<16xf32>, vector<16xi32>)
        %masked_sort3A_951 = arith.constant dense<true> : vector<16xi1>
        %masked_sort3A_952, %masked_sort3A_953, %masked_sort3A_954 = tpu.sort %select_n3A_945, %select_n3A_946 masked %masked_sort3A_951 {descending = true} : (vector<16xf32>, vector<16xi32>, vector<16xi1>) -> (vector<16xi1>, vector<16xf32>, vector<16xi32>)
        %ge3A_955 = arith.cmpf oge, %select_n3A_935, %select_n3A_940 : vector<16xf32>
        %select_n3A_956 = arith.select %ge3A_955, %select_n3A_935, %select_n3A_940 : vector<16xi1>, vector<16xf32>
        %select_n3A_957 = arith.select %ge3A_955, %select_n3A_936, %select_n3A_941 : vector<16xi1>, vector<16xi32>
        %select_n3A_958 = arith.select %ge3A_955, %select_n3A_940, %select_n3A_935 : vector<16xi1>, vector<16xf32>
        %select_n3A_959 = arith.select %ge3A_955, %select_n3A_941, %select_n3A_936 : vector<16xi1>, vector<16xi32>
        %masked_sort3A_960 = arith.constant dense<true> : vector<16xi1>
        %masked_sort3A_961, %masked_sort3A_962, %masked_sort3A_963 = tpu.sort %select_n3A_956, %select_n3A_957 masked %masked_sort3A_960 {descending = true} : (vector<16xf32>, vector<16xi32>, vector<16xi1>) -> (vector<16xi1>, vector<16xf32>, vector<16xi32>)
        %masked_sort3A_964 = arith.constant dense<true> : vector<16xi1>
        %masked_sort3A_965, %masked_sort3A_966, %masked_sort3A_967 = tpu.sort %select_n3A_958, %select_n3A_959 masked %masked_sort3A_964 {descending = true} : (vector<16xf32>, vector<16xi32>, vector<16xi1>) -> (vector<16xi1>, vector<16xf32>, vector<16xi32>)
        scf.yield %masked_sort3A_949, %masked_sort3A_953, %masked_sort3A_962, %masked_sort3A_966, %masked_sort3A_950, %masked_sort3A_954, %masked_sort3A_963, %masked_sort3A_967 : vector<16xf32>, vector<16xf32>, vector<16xf32>, vector<16xf32>, vector<16xi32>, vector<16xi32>, vector<16xi32>, vector<16xi32>
      }
      %while3A_304 = arith.constant 1 : i32
      %while3A_305:8 = scf.for %while3A_677 = %while3A_301 to %while3A_297 step %while3A_304 iter_args(%while3A_678 = %while3A_303#0, %while3A_679 = %while3A_303#1, %while3A_680 = %while3A_303#2, %while3A_681 = %while3A_303#3, %while3A_682 = %while3A_303#4, %while3A_683 = %while3A_303#5, %while3A_684 = %while3A_303#6, %while3A_685 = %while3A_303#7) -> (vector<16xf32>, vector<16xf32>, vector<16xf32>, vector<16xf32>, vector<16xi32>, vector<16xi32>, vector<16xi32>, vector<16xi32>)  : i32 {
        %mul3A_686 = arith.constant 64 : i32
        %mul3A_687 = arith.muli %while3A_677, %mul3A_686 : i32
        %add3A_688 = arith.constant 0 : i32
        %add3A_689 = arith.addi %mul3A_687, %add3A_688 : i32
        %get3A_690 = arith.index_cast %add3A_689 : i32 to index
        %get3A_691 = tpu.vector_load %arg7[%get3A_690] {strides = array<i32>} : memref<3072xi32, #tpu.memory_space<vmem>>, vector<16xi32>,
        %and3A_692 = arith.constant 16383 : i32
        %and3A_693 = vector.broadcast %and3A_692 : i32 to vector<16xi32>
        %and3A_694 = arith.andi %get3A_691, %and3A_693 : vector<16xi32>
        %gather3A_695 = tpu.vector_load_idx %arg5[%and3A_694] : memref<16384xf32, #tpu.memory_space<vmem>>[vector<16xi32>], vector<16xf32>,
        %broadcast_in_dim3A_696 = arith.constant 0 : i32
        %broadcast_in_dim3A_697 = vector.broadcast %broadcast_in_dim3A_696 : i32 to vector<16xi32>
        %add3A_698 = vector.broadcast %add3A_689 : i32 to vector<16xi32>
        %add3A_699 = arith.addi %broadcast_in_dim3A_697, %add3A_698 : vector<16xi32>
        %add3A_700 = arith.addi %add3A_699, %iota3A : vector<16xi32>
        %lt3A_701 = arith.cmpi slt, %add3A_700, %scan3A_60 : vector<16xi32>
        %select_n3A_702 = arith.select %lt3A_701, %gather3A_695, %broadcast_in_dim3A_3 : vector<16xi1>, vector<16xf32>
        %mul3A_703 = arith.constant 64 : i32
        %mul3A_704 = arith.muli %while3A_677, %mul3A_703 : i32
        %add3A_705 = arith.constant 16 : i32
        %add3A_706 = arith.addi %mul3A_704, %add3A_705 : i32
        %get3A_707 = arith.index_cast %add3A_706 : i32 to index
        %get3A_708 = tpu.vector_load %arg7[%get3A_707] {strides = array<i32>} : memref<3072xi32, #tpu.memory_space<vmem>>, vector<16xi32>,
        %and3A_709 = arith.constant 16383 : i32
        %and3A_710 = vector.broadcast %and3A_709 : i32 to vector<16xi32>
        %and3A_711 = arith.andi %get3A_708, %and3A_710 : vector<16xi32>
        %gather3A_712 = tpu.vector_load_idx %arg5[%and3A_711] : memref<16384xf32, #tpu.memory_space<vmem>>[vector<16xi32>], vector<16xf32>,
        %broadcast_in_dim3A_713 = arith.constant 0 : i32
        %broadcast_in_dim3A_714 = vector.broadcast %broadcast_in_dim3A_713 : i32 to vector<16xi32>
        %add3A_715 = vector.broadcast %add3A_706 : i32 to vector<16xi32>
        %add3A_716 = arith.addi %broadcast_in_dim3A_714, %add3A_715 : vector<16xi32>
        %add3A_717 = arith.addi %add3A_716, %iota3A : vector<16xi32>
        %lt3A_718 = arith.cmpi slt, %add3A_717, %scan3A_60 : vector<16xi32>
        %select_n3A_719 = arith.select %lt3A_718, %gather3A_712, %broadcast_in_dim3A_3 : vector<16xi1>, vector<16xf32>
        %mul3A_720 = arith.constant 64 : i32
        %mul3A_721 = arith.muli %while3A_677, %mul3A_720 : i32
        %add3A_722 = arith.constant 32 : i32
        %add3A_723 = arith.addi %mul3A_721, %add3A_722 : i32
        %get3A_724 = arith.index_cast %add3A_723 : i32 to index
        %get3A_725 = tpu.vector_load %arg7[%get3A_724] {strides = array<i32>} : memref<3072xi32, #tpu.memory_space<vmem>>, vector<16xi32>,
        %and3A_726 = arith.constant 16383 : i32
        %and3A_727 = vector.broadcast %and3A_726 : i32 to vector<16xi32>
        %and3A_728 = arith.andi %get3A_725, %and3A_727 : vector<16xi32>
        %gather3A_729 = tpu.vector_load_idx %arg5[%and3A_728] : memref<16384xf32, #tpu.memory_space<vmem>>[vector<16xi32>], vector<16xf32>,
        %broadcast_in_dim3A_730 = arith.constant 0 : i32
        %broadcast_in_dim3A_731 = vector.broadcast %broadcast_in_dim3A_730 : i32 to vector<16xi32>
        %add3A_732 = vector.broadcast %add3A_723 : i32 to vector<16xi32>
        %add3A_733 = arith.addi %broadcast_in_dim3A_731, %add3A_732 : vector<16xi32>
        %add3A_734 = arith.addi %add3A_733, %iota3A : vector<16xi32>
        %lt3A_735 = arith.cmpi slt, %add3A_734, %scan3A_60 : vector<16xi32>
        %select_n3A_736 = arith.select %lt3A_735, %gather3A_729, %broadcast_in_dim3A_3 : vector<16xi1>, vector<16xf32>
        %mul3A_737 = arith.constant 64 : i32
        %mul3A_738 = arith.muli %while3A_677, %mul3A_737 : i32
        %add3A_739 = arith.constant 48 : i32
        %add3A_740 = arith.addi %mul3A_738, %add3A_739 : i32
        %get3A_741 = arith.index_cast %add3A_740 : i32 to index
        %get3A_742 = tpu.vector_load %arg7[%get3A_741] {strides = array<i32>} : memref<3072xi32, #tpu.memory_space<vmem>>, vector<16xi32>,
        %and3A_743 = arith.constant 16383 : i32
        %and3A_744 = vector.broadcast %and3A_743 : i32 to vector<16xi32>
        %and3A_745 = arith.andi %get3A_742, %and3A_744 : vector<16xi32>
        %gather3A_746 = tpu.vector_load_idx %arg5[%and3A_745] : memref<16384xf32, #tpu.memory_space<vmem>>[vector<16xi32>], vector<16xf32>,
        %broadcast_in_dim3A_747 = arith.constant 0 : i32
        %broadcast_in_dim3A_748 = vector.broadcast %broadcast_in_dim3A_747 : i32 to vector<16xi32>
        %add3A_749 = vector.broadcast %add3A_740 : i32 to vector<16xi32>
        %add3A_750 = arith.addi %broadcast_in_dim3A_748, %add3A_749 : vector<16xi32>
        %add3A_751 = arith.addi %add3A_750, %iota3A : vector<16xi32>
        %lt3A_752 = arith.cmpi slt, %add3A_751, %scan3A_60 : vector<16xi32>
        %select_n3A_753 = arith.select %lt3A_752, %gather3A_746, %broadcast_in_dim3A_3 : vector<16xi1>, vector<16xf32>
        %masked_sort3A_754 = arith.constant dense<true> : vector<16xi1>
        %masked_sort3A_755, %masked_sort3A_756, %masked_sort3A_757 = tpu.sort %select_n3A_702, %and3A_694 masked %masked_sort3A_754 {descending = true} : (vector<16xf32>, vector<16xi32>, vector<16xi1>) -> (vector<16xi1>, vector<16xf32>, vector<16xi32>)
        %masked_sort3A_758 = arith.constant dense<true> : vector<16xi1>
        %masked_sort3A_759, %masked_sort3A_760, %masked_sort3A_761 = tpu.sort %select_n3A_719, %and3A_711 masked %masked_sort3A_758 {descending = true} : (vector<16xf32>, vector<16xi32>, vector<16xi1>) -> (vector<16xi1>, vector<16xf32>, vector<16xi32>)
        %masked_sort3A_762 = arith.constant dense<true> : vector<16xi1>
        %masked_sort3A_763, %masked_sort3A_764, %masked_sort3A_765 = tpu.sort %select_n3A_736, %and3A_728 masked %masked_sort3A_762 {descending = true} : (vector<16xf32>, vector<16xi32>, vector<16xi1>) -> (vector<16xi1>, vector<16xf32>, vector<16xi32>)
        %masked_sort3A_766 = arith.constant dense<true> : vector<16xi1>
        %masked_sort3A_767, %masked_sort3A_768, %masked_sort3A_769 = tpu.sort %select_n3A_753, %and3A_745 masked %masked_sort3A_766 {descending = true} : (vector<16xf32>, vector<16xi32>, vector<16xi1>) -> (vector<16xi1>, vector<16xf32>, vector<16xi32>)
        %rev3A_770 = arith.constant 15 : i32
        %rev3A_771 = vector.broadcast %rev3A_770 : i32 to vector<16xi32>
        %rev3A_772 = tpu.iota {dimensions = array<i32: 0>} : vector<16xi32>
        %rev3A_773 = arith.subi %rev3A_771, %rev3A_772 : vector<16xi32>
        %rev3A_774 = tpu.dynamic_gather %masked_sort3A_760[%rev3A_773] in [0] : vector<16xf32>, vector<16xi32> -> vector<16xf32>
        %rev3A_775 = arith.constant 15 : i32
        %rev3A_776 = vector.broadcast %rev3A_775 : i32 to vector<16xi32>
        %rev3A_777 = tpu.iota {dimensions = array<i32: 0>} : vector<16xi32>
        %rev3A_778 = arith.subi %rev3A_776, %rev3A_777 : vector<16xi32>
        %rev3A_779 = tpu.dynamic_gather %masked_sort3A_761[%rev3A_778] in [0] : vector<16xi32>, vector<16xi32> -> vector<16xi32>
        %ge3A_780 = arith.cmpf oge, %masked_sort3A_756, %rev3A_774 : vector<16xf32>
        %select_n3A_781 = arith.select %ge3A_780, %masked_sort3A_756, %rev3A_774 : vector<16xi1>, vector<16xf32>
        %select_n3A_782 = arith.select %ge3A_780, %masked_sort3A_757, %rev3A_779 : vector<16xi1>, vector<16xi32>
        %select_n3A_783 = arith.select %ge3A_780, %rev3A_774, %masked_sort3A_756 : vector<16xi1>, vector<16xf32>
        %select_n3A_784 = arith.select %ge3A_780, %rev3A_779, %masked_sort3A_757 : vector<16xi1>, vector<16xi32>
        %masked_sort3A_785 = arith.constant dense<true> : vector<16xi1>
        %masked_sort3A_786, %masked_sort3A_787, %masked_sort3A_788 = tpu.sort %select_n3A_781, %select_n3A_782 masked %masked_sort3A_785 {descending = true} : (vector<16xf32>, vector<16xi32>, vector<16xi1>) -> (vector<16xi1>, vector<16xf32>, vector<16xi32>)
        %masked_sort3A_789 = arith.constant dense<true> : vector<16xi1>
        %masked_sort3A_790, %masked_sort3A_791, %masked_sort3A_792 = tpu.sort %select_n3A_783, %select_n3A_784 masked %masked_sort3A_789 {descending = true} : (vector<16xf32>, vector<16xi32>, vector<16xi1>) -> (vector<16xi1>, vector<16xf32>, vector<16xi32>)
        %rev3A_793 = arith.constant 15 : i32
        %rev3A_794 = vector.broadcast %rev3A_793 : i32 to vector<16xi32>
        %rev3A_795 = tpu.iota {dimensions = array<i32: 0>} : vector<16xi32>
        %rev3A_796 = arith.subi %rev3A_794, %rev3A_795 : vector<16xi32>
        %rev3A_797 = tpu.dynamic_gather %masked_sort3A_768[%rev3A_796] in [0] : vector<16xf32>, vector<16xi32> -> vector<16xf32>
        %rev3A_798 = arith.constant 15 : i32
        %rev3A_799 = vector.broadcast %rev3A_798 : i32 to vector<16xi32>
        %rev3A_800 = tpu.iota {dimensions = array<i32: 0>} : vector<16xi32>
        %rev3A_801 = arith.subi %rev3A_799, %rev3A_800 : vector<16xi32>
        %rev3A_802 = tpu.dynamic_gather %masked_sort3A_769[%rev3A_801] in [0] : vector<16xi32>, vector<16xi32> -> vector<16xi32>
        %ge3A_803 = arith.cmpf oge, %masked_sort3A_764, %rev3A_797 : vector<16xf32>
        %select_n3A_804 = arith.select %ge3A_803, %masked_sort3A_764, %rev3A_797 : vector<16xi1>, vector<16xf32>
        %select_n3A_805 = arith.select %ge3A_803, %masked_sort3A_765, %rev3A_802 : vector<16xi1>, vector<16xi32>
        %select_n3A_806 = arith.select %ge3A_803, %rev3A_797, %masked_sort3A_764 : vector<16xi1>, vector<16xf32>
        %select_n3A_807 = arith.select %ge3A_803, %rev3A_802, %masked_sort3A_765 : vector<16xi1>, vector<16xi32>
        %masked_sort3A_808 = arith.constant dense<true> : vector<16xi1>
        %masked_sort3A_809, %masked_sort3A_810, %masked_sort3A_811 = tpu.sort %select_n3A_804, %select_n3A_805 masked %masked_sort3A_808 {descending = true} : (vector<16xf32>, vector<16xi32>, vector<16xi1>) -> (vector<16xi1>, vector<16xf32>, vector<16xi32>)
        %masked_sort3A_812 = arith.constant dense<true> : vector<16xi1>
        %masked_sort3A_813, %masked_sort3A_814, %masked_sort3A_815 = tpu.sort %select_n3A_806, %select_n3A_807 masked %masked_sort3A_812 {descending = true} : (vector<16xf32>, vector<16xi32>, vector<16xi1>) -> (vector<16xi1>, vector<16xf32>, vector<16xi32>)
        %rev3A_816 = arith.constant 15 : i32
        %rev3A_817 = vector.broadcast %rev3A_816 : i32 to vector<16xi32>
        %rev3A_818 = tpu.iota {dimensions = array<i32: 0>} : vector<16xi32>
        %rev3A_819 = arith.subi %rev3A_817, %rev3A_818 : vector<16xi32>
        %rev3A_820 = tpu.dynamic_gather %masked_sort3A_814[%rev3A_819] in [0] : vector<16xf32>, vector<16xi32> -> vector<16xf32>
        %rev3A_821 = arith.constant 15 : i32
        %rev3A_822 = vector.broadcast %rev3A_821 : i32 to vector<16xi32>
        %rev3A_823 = tpu.iota {dimensions = array<i32: 0>} : vector<16xi32>
        %rev3A_824 = arith.subi %rev3A_822, %rev3A_823 : vector<16xi32>
        %rev3A_825 = tpu.dynamic_gather %masked_sort3A_815[%rev3A_824] in [0] : vector<16xi32>, vector<16xi32> -> vector<16xi32>
        %ge3A_826 = arith.cmpf oge, %masked_sort3A_787, %rev3A_820 : vector<16xf32>
        %select_n3A_827 = arith.select %ge3A_826, %masked_sort3A_787, %rev3A_820 : vector<16xi1>, vector<16xf32>
        %select_n3A_828 = arith.select %ge3A_826, %masked_sort3A_788, %rev3A_825 : vector<16xi1>, vector<16xi32>
        %select_n3A_829 = arith.select %ge3A_826, %rev3A_820, %masked_sort3A_787 : vector<16xi1>, vector<16xf32>
        %select_n3A_830 = arith.select %ge3A_826, %rev3A_825, %masked_sort3A_788 : vector<16xi1>, vector<16xi32>
        %rev3A_831 = arith.constant 15 : i32
        %rev3A_832 = vector.broadcast %rev3A_831 : i32 to vector<16xi32>
        %rev3A_833 = tpu.iota {dimensions = array<i32: 0>} : vector<16xi32>
        %rev3A_834 = arith.subi %rev3A_832, %rev3A_833 : vector<16xi32>
        %rev3A_835 = tpu.dynamic_gather %masked_sort3A_810[%rev3A_834] in [0] : vector<16xf32>, vector<16xi32> -> vector<16xf32>
        %rev3A_836 = arith.constant 15 : i32
        %rev3A_837 = vector.broadcast %rev3A_836 : i32 to vector<16xi32>
        %rev3A_838 = tpu.iota {dimensions = array<i32: 0>} : vector<16xi32>
        %rev3A_839 = arith.subi %rev3A_837, %rev3A_838 : vector<16xi32>
        %rev3A_840 = tpu.dynamic_gather %masked_sort3A_811[%rev3A_839] in [0] : vector<16xi32>, vector<16xi32> -> vector<16xi32>
        %ge3A_841 = arith.cmpf oge, %masked_sort3A_791, %rev3A_835 : vector<16xf32>
        %select_n3A_842 = arith.select %ge3A_841, %masked_sort3A_791, %rev3A_835 : vector<16xi1>, vector<16xf32>
        %select_n3A_843 = arith.select %ge3A_841, %masked_sort3A_792, %rev3A_840 : vector<16xi1>, vector<16xi32>
        %select_n3A_844 = arith.select %ge3A_841, %rev3A_835, %masked_sort3A_791 : vector<16xi1>, vector<16xf32>
        %select_n3A_845 = arith.select %ge3A_841, %rev3A_840, %masked_sort3A_792 : vector<16xi1>, vector<16xi32>
        %ge3A_846 = arith.cmpf oge, %select_n3A_827, %select_n3A_842 : vector<16xf32>
        %select_n3A_847 = arith.select %ge3A_846, %select_n3A_827, %select_n3A_842 : vector<16xi1>, vector<16xf32>
        %select_n3A_848 = arith.select %ge3A_846, %select_n3A_828, %select_n3A_843 : vector<16xi1>, vector<16xi32>
        %select_n3A_849 = arith.select %ge3A_846, %select_n3A_842, %select_n3A_827 : vector<16xi1>, vector<16xf32>
        %select_n3A_850 = arith.select %ge3A_846, %select_n3A_843, %select_n3A_828 : vector<16xi1>, vector<16xi32>
        %masked_sort3A_851 = arith.constant dense<true> : vector<16xi1>
        %masked_sort3A_852, %masked_sort3A_853, %masked_sort3A_854 = tpu.sort %select_n3A_847, %select_n3A_848 masked %masked_sort3A_851 {descending = true} : (vector<16xf32>, vector<16xi32>, vector<16xi1>) -> (vector<16xi1>, vector<16xf32>, vector<16xi32>)
        %masked_sort3A_855 = arith.constant dense<true> : vector<16xi1>
        %masked_sort3A_856, %masked_sort3A_857, %masked_sort3A_858 = tpu.sort %select_n3A_849, %select_n3A_850 masked %masked_sort3A_855 {descending = true} : (vector<16xf32>, vector<16xi32>, vector<16xi1>) -> (vector<16xi1>, vector<16xf32>, vector<16xi32>)
        %ge3A_859 = arith.cmpf oge, %select_n3A_829, %select_n3A_844 : vector<16xf32>
        %select_n3A_860 = arith.select %ge3A_859, %select_n3A_829, %select_n3A_844 : vector<16xi1>, vector<16xf32>
        %select_n3A_861 = arith.select %ge3A_859, %select_n3A_830, %select_n3A_845 : vector<16xi1>, vector<16xi32>
        %select_n3A_862 = arith.select %ge3A_859, %select_n3A_844, %select_n3A_829 : vector<16xi1>, vector<16xf32>
        %select_n3A_863 = arith.select %ge3A_859, %select_n3A_845, %select_n3A_830 : vector<16xi1>, vector<16xi32>
        %masked_sort3A_864 = arith.constant dense<true> : vector<16xi1>
        %masked_sort3A_865, %masked_sort3A_866, %masked_sort3A_867 = tpu.sort %select_n3A_860, %select_n3A_861 masked %masked_sort3A_864 {descending = true} : (vector<16xf32>, vector<16xi32>, vector<16xi1>) -> (vector<16xi1>, vector<16xf32>, vector<16xi32>)
        %masked_sort3A_868 = arith.constant dense<true> : vector<16xi1>
        %masked_sort3A_869, %masked_sort3A_870, %masked_sort3A_871 = tpu.sort %select_n3A_862, %select_n3A_863 masked %masked_sort3A_868 {descending = true} : (vector<16xf32>, vector<16xi32>, vector<16xi1>) -> (vector<16xi1>, vector<16xf32>, vector<16xi32>)
        %rev3A_872 = arith.constant 15 : i32
        %rev3A_873 = vector.broadcast %rev3A_872 : i32 to vector<16xi32>
        %rev3A_874 = tpu.iota {dimensions = array<i32: 0>} : vector<16xi32>
        %rev3A_875 = arith.subi %rev3A_873, %rev3A_874 : vector<16xi32>
        %rev3A_876 = tpu.dynamic_gather %masked_sort3A_870[%rev3A_875] in [0] : vector<16xf32>, vector<16xi32> -> vector<16xf32>
        %rev3A_877 = arith.constant 15 : i32
        %rev3A_878 = vector.broadcast %rev3A_877 : i32 to vector<16xi32>
        %rev3A_879 = tpu.iota {dimensions = array<i32: 0>} : vector<16xi32>
        %rev3A_880 = arith.subi %rev3A_878, %rev3A_879 : vector<16xi32>
        %rev3A_881 = tpu.dynamic_gather %masked_sort3A_871[%rev3A_880] in [0] : vector<16xi32>, vector<16xi32> -> vector<16xi32>
        %ge3A_882 = arith.cmpf oge, %while3A_678, %rev3A_876 : vector<16xf32>
        %select_n3A_883 = arith.select %ge3A_882, %while3A_678, %rev3A_876 : vector<16xi1>, vector<16xf32>
        %select_n3A_884 = arith.select %ge3A_882, %while3A_682, %rev3A_881 : vector<16xi1>, vector<16xi32>
        %select_n3A_885 = arith.select %ge3A_882, %rev3A_876, %while3A_678 : vector<16xi1>, vector<16xf32>
        %select_n3A_886 = arith.select %ge3A_882, %rev3A_881, %while3A_682 : vector<16xi1>, vector<16xi32>
        %rev3A_887 = arith.constant 15 : i32
        %rev3A_888 = vector.broadcast %rev3A_887 : i32 to vector<16xi32>
        %rev3A_889 = tpu.iota {dimensions = array<i32: 0>} : vector<16xi32>
        %rev3A_890 = arith.subi %rev3A_888, %rev3A_889 : vector<16xi32>
        %rev3A_891 = tpu.dynamic_gather %masked_sort3A_866[%rev3A_890] in [0] : vector<16xf32>, vector<16xi32> -> vector<16xf32>
        %rev3A_892 = arith.constant 15 : i32
        %rev3A_893 = vector.broadcast %rev3A_892 : i32 to vector<16xi32>
        %rev3A_894 = tpu.iota {dimensions = array<i32: 0>} : vector<16xi32>
        %rev3A_895 = arith.subi %rev3A_893, %rev3A_894 : vector<16xi32>
        %rev3A_896 = tpu.dynamic_gather %masked_sort3A_867[%rev3A_895] in [0] : vector<16xi32>, vector<16xi32> -> vector<16xi32>
        %ge3A_897 = arith.cmpf oge, %while3A_679, %rev3A_891 : vector<16xf32>
        %select_n3A_898 = arith.select %ge3A_897, %while3A_679, %rev3A_891 : vector<16xi1>, vector<16xf32>
        %select_n3A_899 = arith.select %ge3A_897, %while3A_683, %rev3A_896 : vector<16xi1>, vector<16xi32>
        %select_n3A_900 = arith.select %ge3A_897, %rev3A_891, %while3A_679 : vector<16xi1>, vector<16xf32>
        %select_n3A_901 = arith.select %ge3A_897, %rev3A_896, %while3A_683 : vector<16xi1>, vector<16xi32>
        %rev3A_902 = arith.constant 15 : i32
        %rev3A_903 = vector.broadcast %rev3A_902 : i32 to vector<16xi32>
        %rev3A_904 = tpu.iota {dimensions = array<i32: 0>} : vector<16xi32>
        %rev3A_905 = arith.subi %rev3A_903, %rev3A_904 : vector<16xi32>
        %rev3A_906 = tpu.dynamic_gather %masked_sort3A_857[%rev3A_905] in [0] : vector<16xf32>, vector<16xi32> -> vector<16xf32>
        %rev3A_907 = arith.constant 15 : i32
        %rev3A_908 = vector.broadcast %rev3A_907 : i32 to vector<16xi32>
        %rev3A_909 = tpu.iota {dimensions = array<i32: 0>} : vector<16xi32>
        %rev3A_910 = arith.subi %rev3A_908, %rev3A_909 : vector<16xi32>
        %rev3A_911 = tpu.dynamic_gather %masked_sort3A_858[%rev3A_910] in [0] : vector<16xi32>, vector<16xi32> -> vector<16xi32>
        %ge3A_912 = arith.cmpf oge, %while3A_680, %rev3A_906 : vector<16xf32>
        %select_n3A_913 = arith.select %ge3A_912, %while3A_680, %rev3A_906 : vector<16xi1>, vector<16xf32>
        %select_n3A_914 = arith.select %ge3A_912, %while3A_684, %rev3A_911 : vector<16xi1>, vector<16xi32>
        %select_n3A_915 = arith.select %ge3A_912, %rev3A_906, %while3A_680 : vector<16xi1>, vector<16xf32>
        %select_n3A_916 = arith.select %ge3A_912, %rev3A_911, %while3A_684 : vector<16xi1>, vector<16xi32>
        %rev3A_917 = arith.constant 15 : i32
        %rev3A_918 = vector.broadcast %rev3A_917 : i32 to vector<16xi32>
        %rev3A_919 = tpu.iota {dimensions = array<i32: 0>} : vector<16xi32>
        %rev3A_920 = arith.subi %rev3A_918, %rev3A_919 : vector<16xi32>
        %rev3A_921 = tpu.dynamic_gather %masked_sort3A_853[%rev3A_920] in [0] : vector<16xf32>, vector<16xi32> -> vector<16xf32>
        %rev3A_922 = arith.constant 15 : i32
        %rev3A_923 = vector.broadcast %rev3A_922 : i32 to vector<16xi32>
        %rev3A_924 = tpu.iota {dimensions = array<i32: 0>} : vector<16xi32>
        %rev3A_925 = arith.subi %rev3A_923, %rev3A_924 : vector<16xi32>
        %rev3A_926 = tpu.dynamic_gather %masked_sort3A_854[%rev3A_925] in [0] : vector<16xi32>, vector<16xi32> -> vector<16xi32>
        %ge3A_927 = arith.cmpf oge, %while3A_681, %rev3A_921 : vector<16xf32>
        %select_n3A_928 = arith.select %ge3A_927, %while3A_681, %rev3A_921 : vector<16xi1>, vector<16xf32>
        %select_n3A_929 = arith.select %ge3A_927, %while3A_685, %rev3A_926 : vector<16xi1>, vector<16xi32>
        %select_n3A_930 = arith.select %ge3A_927, %rev3A_921, %while3A_681 : vector<16xi1>, vector<16xf32>
        %select_n3A_931 = arith.select %ge3A_927, %rev3A_926, %while3A_685 : vector<16xi1>, vector<16xi32>
        %ge3A_932 = arith.cmpf oge, %select_n3A_883, %select_n3A_913 : vector<16xf32>
        %select_n3A_933 = arith.select %ge3A_932, %select_n3A_883, %select_n3A_913 : vector<16xi1>, vector<16xf32>
        %select_n3A_934 = arith.select %ge3A_932, %select_n3A_884, %select_n3A_914 : vector<16xi1>, vector<16xi32>
        %select_n3A_935 = arith.select %ge3A_932, %select_n3A_913, %select_n3A_883 : vector<16xi1>, vector<16xf32>
        %select_n3A_936 = arith.select %ge3A_932, %select_n3A_914, %select_n3A_884 : vector<16xi1>, vector<16xi32>
        %ge3A_937 = arith.cmpf oge, %select_n3A_898, %select_n3A_928 : vector<16xf32>
        %select_n3A_938 = arith.select %ge3A_937, %select_n3A_898, %select_n3A_928 : vector<16xi1>, vector<16xf32>
        %select_n3A_939 = arith.select %ge3A_937, %select_n3A_899, %select_n3A_929 : vector<16xi1>, vector<16xi32>
        %select_n3A_940 = arith.select %ge3A_937, %select_n3A_928, %select_n3A_898 : vector<16xi1>, vector<16xf32>
        %select_n3A_941 = arith.select %ge3A_937, %select_n3A_929, %select_n3A_899 : vector<16xi1>, vector<16xi32>
        %ge3A_942 = arith.cmpf oge, %select_n3A_933, %select_n3A_938 : vector<16xf32>
        %select_n3A_943 = arith.select %ge3A_942, %select_n3A_933, %select_n3A_938 : vector<16xi1>, vector<16xf32>
        %select_n3A_944 = arith.select %ge3A_942, %select_n3A_934, %select_n3A_939 : vector<16xi1>, vector<16xi32>
        %select_n3A_945 = arith.select %ge3A_942, %select_n3A_938, %select_n3A_933 : vector<16xi1>, vector<16xf32>
        %select_n3A_946 = arith.select %ge3A_942, %select_n3A_939, %select_n3A_934 : vector<16xi1>, vector<16xi32>
        %masked_sort3A_947 = arith.constant dense<true> : vector<16xi1>
        %masked_sort3A_948, %masked_sort3A_949, %masked_sort3A_950 = tpu.sort %select_n3A_943, %select_n3A_944 masked %masked_sort3A_947 {descending = true} : (vector<16xf32>, vector<16xi32>, vector<16xi1>) -> (vector<16xi1>, vector<16xf32>, vector<16xi32>)
        %masked_sort3A_951 = arith.constant dense<true> : vector<16xi1>
        %masked_sort3A_952, %masked_sort3A_953, %masked_sort3A_954 = tpu.sort %select_n3A_945, %select_n3A_946 masked %masked_sort3A_951 {descending = true} : (vector<16xf32>, vector<16xi32>, vector<16xi1>) -> (vector<16xi1>, vector<16xf32>, vector<16xi32>)
        %ge3A_955 = arith.cmpf oge, %select_n3A_935, %select_n3A_940 : vector<16xf32>
        %select_n3A_956 = arith.select %ge3A_955, %select_n3A_935, %select_n3A_940 : vector<16xi1>, vector<16xf32>
        %select_n3A_957 = arith.select %ge3A_955, %select_n3A_936, %select_n3A_941 : vector<16xi1>, vector<16xi32>
        %select_n3A_958 = arith.select %ge3A_955, %select_n3A_940, %select_n3A_935 : vector<16xi1>, vector<16xf32>
        %select_n3A_959 = arith.select %ge3A_955, %select_n3A_941, %select_n3A_936 : vector<16xi1>, vector<16xi32>
        %masked_sort3A_960 = arith.constant dense<true> : vector<16xi1>
        %masked_sort3A_961, %masked_sort3A_962, %masked_sort3A_963 = tpu.sort %select_n3A_956, %select_n3A_957 masked %masked_sort3A_960 {descending = true} : (vector<16xf32>, vector<16xi32>, vector<16xi1>) -> (vector<16xi1>, vector<16xf32>, vector<16xi32>)
        %masked_sort3A_964 = arith.constant dense<true> : vector<16xi1>
        %masked_sort3A_965, %masked_sort3A_966, %masked_sort3A_967 = tpu.sort %select_n3A_958, %select_n3A_959 masked %masked_sort3A_964 {descending = true} : (vector<16xf32>, vector<16xi32>, vector<16xi1>) -> (vector<16xi1>, vector<16xf32>, vector<16xi32>)
        scf.yield %masked_sort3A_949, %masked_sort3A_953, %masked_sort3A_962, %masked_sort3A_966, %masked_sort3A_950, %masked_sort3A_954, %masked_sort3A_963, %masked_sort3A_967 : vector<16xf32>, vector<16xf32>, vector<16xf32>, vector<16xf32>, vector<16xi32>, vector<16xi32>, vector<16xi32>, vector<16xi32>
      }
      %mul3A_306 = arith.constant 64 : i32
      %mul3A_307 = arith.muli %add3A_31, %mul3A_306 : i32
      %add3A_308 = arith.constant 0 : i32
      %add3A_309 = arith.addi %mul3A_307, %add3A_308 : i32
      %swap3A = arith.index_cast %add3A_309 : i32 to index
      %swap3A_310 = tpu.vector_load %arg8[%swap3A] {strides = array<i32>} : memref<8192xi32, #tpu.memory_space<vmem>>, vector<16xi32>,
      tpu.vector_store %arg8[%swap3A], %while3A_305#4 {strides = array<i32>} : memref<8192xi32, #tpu.memory_space<vmem>>, vector<16xi32>,
      %mul3A_311 = arith.constant 64 : i32
      %mul3A_312 = arith.muli %add3A_31, %mul3A_311 : i32
      %add3A_313 = arith.constant 16 : i32
      %add3A_314 = arith.addi %mul3A_312, %add3A_313 : i32
      %swap3A_315 = arith.index_cast %add3A_314 : i32 to index
      %swap3A_316 = tpu.vector_load %arg8[%swap3A_315] {strides = array<i32>} : memref<8192xi32, #tpu.memory_space<vmem>>, vector<16xi32>,
      tpu.vector_store %arg8[%swap3A_315], %while3A_305#5 {strides = array<i32>} : memref<8192xi32, #tpu.memory_space<vmem>>, vector<16xi32>,
      %mul3A_317 = arith.constant 64 : i32
      %mul3A_318 = arith.muli %add3A_31, %mul3A_317 : i32
      %add3A_319 = arith.constant 32 : i32
      %add3A_320 = arith.addi %mul3A_318, %add3A_319 : i32
      %swap3A_321 = arith.index_cast %add3A_320 : i32 to index
      %swap3A_322 = tpu.vector_load %arg8[%swap3A_321] {strides = array<i32>} : memref<8192xi32, #tpu.memory_space<vmem>>, vector<16xi32>,
      tpu.vector_store %arg8[%swap3A_321], %while3A_305#6 {strides = array<i32>} : memref<8192xi32, #tpu.memory_space<vmem>>, vector<16xi32>,
      %mul3A_323 = arith.constant 64 : i32
      %mul3A_324 = arith.muli %add3A_31, %mul3A_323 : i32
      %add3A_325 = arith.constant 48 : i32
      %add3A_326 = arith.addi %mul3A_324, %add3A_325 : i32
      %swap3A_327 = arith.index_cast %add3A_326 : i32 to index
      %swap3A_328 = tpu.vector_load %arg8[%swap3A_327] {strides = array<i32>} : memref<8192xi32, #tpu.memory_space<vmem>>, vector<16xi32>,
      tpu.vector_store %arg8[%swap3A_327], %while3A_305#7 {strides = array<i32>} : memref<8192xi32, #tpu.memory_space<vmem>>, vector<16xi32>,
      %reduce_min3A_329 = arith.constant true
      %reduce_min3A_330 = vector.broadcast %reduce_min3A_329 : i1 to vector<16xi1>
      %reduce_min3A_331 = tpu.scan <min>, %while3A_305#3 masked %reduce_min3A_330 : vector<16xf32>, vector<16xi1> -> vector<16xf32>
      %reduce_min3A_332 = vector.extract %reduce_min3A_331[15] : f32 from vector<16xf32>
      %broadcast_in_dim3A_333 = vector.broadcast %add3A_31 : i32 to vector<16xi32>
      %broadcast_in_dim3A_334 = vector.broadcast %reduce_min3A_332 : f32 to vector<16xf32>
      %eq3A = arith.constant 0 : i32
      %eq3A_335 = vector.broadcast %eq3A : i32 to vector<16xi32>
      %eq3A_336 = arith.cmpi eq, %iota3A, %eq3A_335 : vector<16xi32>
      tpu.vector_store_idx %arg9[%broadcast_in_dim3A_333], %broadcast_in_dim3A_334 masked %eq3A_336 : memref<128xf32, #tpu.memory_space<vmem>>[vector<16xi32>], vector<16xf32>, vector<16xi1>
      %add3A_337 = arith.constant 2 : i32
      %add3A_338 = arith.addi %add3A_31, %add3A_337 : i32
      %lt3A_339 = arith.constant 128 : i32
      %lt3A_340 = arith.cmpi slt, %add3A_338, %lt3A_339 : i32
      %convert_element_type3A = arith.extui %lt3A_340 : i1 to i32
      %cond3A = arith.constant 0 : i32
      %cond3A_341 = arith.cmpi ne, %convert_element_type3A, %cond3A : i32
      scf.if %cond3A_341 {
        %add3A_677 = arith.addi %mul3A_2, %add3A_31 : i32
        %add3A_678 = arith.constant 2 : i32
        %add3A_679 = arith.addi %add3A_677, %add3A_678 : i32
        %dma_start3A_680 = arith.constant 0 : i32
        %dma_start3A_681 = tpu.memref_slice %arg2[%add3A_679, %dma_start3A_680] : memref<4096x16384xf32, #tpu.memory_space<hbm>> -> memref<1x16384xf32, #tpu.memory_space<hbm>>
        %dma_start3A_682 = tpu.memref_squeeze %dma_start3A_681 : memref<1x16384xf32, #tpu.memory_space<hbm>> -> memref<16384xf32, #tpu.memory_space<hbm>>
        %dma_start3A_683 = arith.constant 0 : i32
        %dma_start3A_684 = tpu.memref_slice %arg2[%add3A_679, %dma_start3A_683] : memref<4096x16384xf32, #tpu.memory_space<hbm>> -> memref<1x16384xf32, #tpu.memory_space<hbm>>
        %dma_start3A_685 = tpu.memref_squeeze %dma_start3A_684 : memref<1x16384xf32, #tpu.memory_space<hbm>> -> memref<16384xf32, #tpu.memory_space<hbm>>
        tpu.enqueue_dma source(%dma_start3A_685 : memref<16384xf32, #tpu.memory_space<hbm>>) target(%arg5 : memref<16384xf32, #tpu.memory_space<vmem>>) target_semaphore(%arg10 : memref<!tpu.dma_semaphore, #tpu.memory_space<semaphore_mem>>)
      } else {
      }
      %add3A_342 = arith.constant 1 : i32
      %add3A_343 = arith.addi %add3A_29, %add3A_342 : i32
      %add3A_344 = arith.addi %mul3A_2, %add3A_343 : i32
      %dma_wait3A_345 = arith.constant 0 : i32
      %dma_wait3A_346 = tpu.memref_slice %arg2[%add3A_344, %dma_wait3A_345] : memref<4096x16384xf32, #tpu.memory_space<hbm>> -> memref<1x16384xf32, #tpu.memory_space<hbm>>
      %dma_wait3A_347 = tpu.memref_squeeze %dma_wait3A_346 : memref<1x16384xf32, #tpu.memory_space<hbm>> -> memref<16384xf32, #tpu.memory_space<hbm>>
      %dma_wait3A_348 = arith.constant 0 : i32
      %dma_wait3A_349 = tpu.memref_slice %arg2[%add3A_344, %dma_wait3A_348] : memref<4096x16384xf32, #tpu.memory_space<hbm>> -> memref<1x16384xf32, #tpu.memory_space<hbm>>
      %dma_wait3A_350 = tpu.memref_squeeze %dma_wait3A_349 : memref<1x16384xf32, #tpu.memory_space<hbm>> -> memref<16384xf32, #tpu.memory_space<hbm>>
      tpu.wait_dma2 semaphore(%arg11 : memref<!tpu.dma_semaphore, #tpu.memory_space<semaphore_mem>>) src(%dma_wait3A_350 : memref<16384xf32, #tpu.memory_space<hbm>>) dst(%arg6 : memref<16384xf32, #tpu.memory_space<vmem>>)
      %scan3A_351 = arith.constant 0 : i32
      %scan3A_352 = arith.constant 64 : i32
      %scan3A_353 = arith.addi %scan3A_351, %scan3A_352 : i32
      %scan3A_354 = arith.constant 1 : i32
      %scan3A_355:4 = scf.for %scan3A_677 = %scan3A_351 to %scan3A_353 step %scan3A_354 iter_args(%scan3A_678 = %broadcast_in_dim3A_3, %scan3A_679 = %broadcast_in_dim3A_3, %scan3A_680 = %broadcast_in_dim3A_3, %scan3A_681 = %broadcast_in_dim3A_3) -> (vector<16xf32>, vector<16xf32>, vector<16xf32>, vector<16xf32>)  : i32 {
        %mul3A_682 = arith.constant 256 : i32
        %mul3A_683 = arith.muli %scan3A_677, %mul3A_682 : i32
        %add3A_684 = arith.constant 0 : i32
        %add3A_685 = arith.addi %mul3A_683, %add3A_684 : i32
        %get3A_686 = arith.index_cast %add3A_685 : i32 to index
        %get3A_687 = tpu.vector_load %arg6[%get3A_686] {strides = array<i32>} : memref<16384xf32, #tpu.memory_space<vmem>>, vector<16xf32>,
        %add3A_688 = arith.constant 16 : i32
        %add3A_689 = arith.addi %mul3A_683, %add3A_688 : i32
        %get3A_690 = arith.index_cast %add3A_689 : i32 to index
        %get3A_691 = tpu.vector_load %arg6[%get3A_690] {strides = array<i32>} : memref<16384xf32, #tpu.memory_space<vmem>>, vector<16xf32>,
        %add3A_692 = arith.constant 32 : i32
        %add3A_693 = arith.addi %mul3A_683, %add3A_692 : i32
        %get3A_694 = arith.index_cast %add3A_693 : i32 to index
        %get3A_695 = tpu.vector_load %arg6[%get3A_694] {strides = array<i32>} : memref<16384xf32, #tpu.memory_space<vmem>>, vector<16xf32>,
        %add3A_696 = arith.constant 48 : i32
        %add3A_697 = arith.addi %mul3A_683, %add3A_696 : i32
        %get3A_698 = arith.index_cast %add3A_697 : i32 to index
        %get3A_699 = tpu.vector_load %arg6[%get3A_698] {strides = array<i32>} : memref<16384xf32, #tpu.memory_space<vmem>>, vector<16xf32>,
        %add3A_700 = arith.constant 64 : i32
        %add3A_701 = arith.addi %mul3A_683, %add3A_700 : i32
        %get3A_702 = arith.index_cast %add3A_701 : i32 to index
        %get3A_703 = tpu.vector_load %arg6[%get3A_702] {strides = array<i32>} : memref<16384xf32, #tpu.memory_space<vmem>>, vector<16xf32>,
        %add3A_704 = arith.constant 80 : i32
        %add3A_705 = arith.addi %mul3A_683, %add3A_704 : i32
        %get3A_706 = arith.index_cast %add3A_705 : i32 to index
        %get3A_707 = tpu.vector_load %arg6[%get3A_706] {strides = array<i32>} : memref<16384xf32, #tpu.memory_space<vmem>>, vector<16xf32>,
        %add3A_708 = arith.constant 96 : i32
        %add3A_709 = arith.addi %mul3A_683, %add3A_708 : i32
        %get3A_710 = arith.index_cast %add3A_709 : i32 to index
        %get3A_711 = tpu.vector_load %arg6[%get3A_710] {strides = array<i32>} : memref<16384xf32, #tpu.memory_space<vmem>>, vector<16xf32>,
        %add3A_712 = arith.constant 112 : i32
        %add3A_713 = arith.addi %mul3A_683, %add3A_712 : i32
        %get3A_714 = arith.index_cast %add3A_713 : i32 to index
        %get3A_715 = tpu.vector_load %arg6[%get3A_714] {strides = array<i32>} : memref<16384xf32, #tpu.memory_space<vmem>>, vector<16xf32>,
        %add3A_716 = arith.constant 128 : i32
        %add3A_717 = arith.addi %mul3A_683, %add3A_716 : i32
        %get3A_718 = arith.index_cast %add3A_717 : i32 to index
        %get3A_719 = tpu.vector_load %arg6[%get3A_718] {strides = array<i32>} : memref<16384xf32, #tpu.memory_space<vmem>>, vector<16xf32>,
        %add3A_720 = arith.constant 144 : i32
        %add3A_721 = arith.addi %mul3A_683, %add3A_720 : i32
        %get3A_722 = arith.index_cast %add3A_721 : i32 to index
        %get3A_723 = tpu.vector_load %arg6[%get3A_722] {strides = array<i32>} : memref<16384xf32, #tpu.memory_space<vmem>>, vector<16xf32>,
        %add3A_724 = arith.constant 160 : i32
        %add3A_725 = arith.addi %mul3A_683, %add3A_724 : i32
        %get3A_726 = arith.index_cast %add3A_725 : i32 to index
        %get3A_727 = tpu.vector_load %arg6[%get3A_726] {strides = array<i32>} : memref<16384xf32, #tpu.memory_space<vmem>>, vector<16xf32>,
        %add3A_728 = arith.constant 176 : i32
        %add3A_729 = arith.addi %mul3A_683, %add3A_728 : i32
        %get3A_730 = arith.index_cast %add3A_729 : i32 to index
        %get3A_731 = tpu.vector_load %arg6[%get3A_730] {strides = array<i32>} : memref<16384xf32, #tpu.memory_space<vmem>>, vector<16xf32>,
        %add3A_732 = arith.constant 192 : i32
        %add3A_733 = arith.addi %mul3A_683, %add3A_732 : i32
        %get3A_734 = arith.index_cast %add3A_733 : i32 to index
        %get3A_735 = tpu.vector_load %arg6[%get3A_734] {strides = array<i32>} : memref<16384xf32, #tpu.memory_space<vmem>>, vector<16xf32>,
        %add3A_736 = arith.constant 208 : i32
        %add3A_737 = arith.addi %mul3A_683, %add3A_736 : i32
        %get3A_738 = arith.index_cast %add3A_737 : i32 to index
        %get3A_739 = tpu.vector_load %arg6[%get3A_738] {strides = array<i32>} : memref<16384xf32, #tpu.memory_space<vmem>>, vector<16xf32>,
        %add3A_740 = arith.constant 224 : i32
        %add3A_741 = arith.addi %mul3A_683, %add3A_740 : i32
        %get3A_742 = arith.index_cast %add3A_741 : i32 to index
        %get3A_743 = tpu.vector_load %arg6[%get3A_742] {strides = array<i32>} : memref<16384xf32, #tpu.memory_space<vmem>>, vector<16xf32>,
        %add3A_744 = arith.constant 240 : i32
        %add3A_745 = arith.addi %mul3A_683, %add3A_744 : i32
        %get3A_746 = arith.index_cast %add3A_745 : i32 to index
        %get3A_747 = tpu.vector_load %arg6[%get3A_746] {strides = array<i32>} : memref<16384xf32, #tpu.memory_space<vmem>>, vector<16xf32>,
        %max3A = arith.maximumf %scan3A_678, %get3A_687 : vector<16xf32>
        %max3A_748 = arith.maximumf %scan3A_679, %get3A_691 : vector<16xf32>
        %max3A_749 = arith.maximumf %scan3A_680, %get3A_695 : vector<16xf32>
        %max3A_750 = arith.maximumf %scan3A_681, %get3A_699 : vector<16xf32>
        %max3A_751 = arith.maximumf %max3A, %get3A_703 : vector<16xf32>
        %max3A_752 = arith.maximumf %max3A_748, %get3A_707 : vector<16xf32>
        %max3A_753 = arith.maximumf %max3A_749, %get3A_711 : vector<16xf32>
        %max3A_754 = arith.maximumf %max3A_750, %get3A_715 : vector<16xf32>
        %max3A_755 = arith.maximumf %max3A_751, %get3A_719 : vector<16xf32>
        %max3A_756 = arith.maximumf %max3A_752, %get3A_723 : vector<16xf32>
        %max3A_757 = arith.maximumf %max3A_753, %get3A_727 : vector<16xf32>
        %max3A_758 = arith.maximumf %max3A_754, %get3A_731 : vector<16xf32>
        %max3A_759 = arith.maximumf %max3A_755, %get3A_735 : vector<16xf32>
        %max3A_760 = arith.maximumf %max3A_756, %get3A_739 : vector<16xf32>
        %max3A_761 = arith.maximumf %max3A_757, %get3A_743 : vector<16xf32>
        %max3A_762 = arith.maximumf %max3A_758, %get3A_747 : vector<16xf32>
        scf.yield %max3A_759, %max3A_760, %max3A_761, %max3A_762 : vector<16xf32>, vector<16xf32>, vector<16xf32>, vector<16xf32>
      }
      %scan3A_356 = arith.constant 64 : i32
      %min3A_357 = arith.minimumf %scan3A_355#0, %scan3A_355#1 : vector<16xf32>
      %min3A_358 = arith.minimumf %scan3A_355#2, %scan3A_355#3 : vector<16xf32>
      %min3A_359 = arith.minimumf %min3A_357, %min3A_358 : vector<16xf32>
      %reduce_min3A_360 = arith.constant true
      %reduce_min3A_361 = vector.broadcast %reduce_min3A_360 : i1 to vector<16xi1>
      %reduce_min3A_362 = tpu.scan <min>, %min3A_359 masked %reduce_min3A_361 : vector<16xf32>, vector<16xi1> -> vector<16xf32>
      %reduce_min3A_363 = vector.extract %reduce_min3A_362[15] : f32 from vector<16xf32>
      %broadcast_in_dim3A_364 = vector.broadcast %reduce_min3A_363 : f32 to vector<16xf32>
      %broadcast_in_dim3A_365 = arith.constant 3072 : i32
      %broadcast_in_dim3A_366 = vector.broadcast %broadcast_in_dim3A_365 : i32 to vector<16xi32>
      %broadcast_in_dim3A_367 = arith.constant 16 : i32
      %broadcast_in_dim3A_368 = vector.broadcast %broadcast_in_dim3A_367 : i32 to vector<16xi32>
      %broadcast_in_dim3A_369 = arith.constant 0 : i32
      %broadcast_in_dim3A_370 = vector.broadcast %broadcast_in_dim3A_369 : i32 to vector<16xi32>
      %scan3A_371 = arith.constant 0 : i32
      %scan3A_372 = arith.constant 64 : i32
      %scan3A_373 = arith.addi %scan3A_371, %scan3A_372 : i32
      %scan3A_374 = arith.constant 1 : i32
      %scan3A_375 = scf.for %scan3A_677 = %scan3A_371 to %scan3A_373 step %scan3A_374 iter_args(%scan3A_678 = %iota3A) -> (vector<16xi32>)  : i32 {
        %mul3A_679 = arith.constant 256 : i32
        %mul3A_680 = arith.muli %scan3A_677, %mul3A_679 : i32
        %broadcast_in_dim3A_681 = vector.broadcast %mul3A_680 : i32 to vector<16xi32>
        %add3A_682 = arith.addi %broadcast_in_dim3A_681, %iota3A : vector<16xi32>
        %add3A_683 = arith.constant 0 : i32
        %add3A_684 = arith.addi %mul3A_680, %add3A_683 : i32
        %get3A_685 = arith.index_cast %add3A_684 : i32 to index
        %get3A_686 = tpu.vector_load %arg6[%get3A_685] {strides = array<i32>} : memref<16384xf32, #tpu.memory_space<vmem>>, vector<16xf32>,
        %ge3A_687 = arith.cmpf oge, %get3A_686, %broadcast_in_dim3A_364 : vector<16xf32>
        %lt3A_688 = arith.cmpi slt, %scan3A_678, %broadcast_in_dim3A_366 : vector<16xi32>
        %and3A_689 = arith.andi %ge3A_687, %lt3A_688 : vector<16xi1>
        tpu.vector_store_idx %arg7[%scan3A_678], %add3A_682 masked %and3A_689 : memref<3072xi32, #tpu.memory_space<vmem>>[vector<16xi32>], vector<16xi32>, vector<16xi1>
        %select_n3A_690 = arith.select %ge3A_687, %broadcast_in_dim3A_368, %broadcast_in_dim3A_370 : vector<16xi1>, vector<16xi32>
        %add3A_691 = arith.addi %scan3A_678, %select_n3A_690 : vector<16xi32>
        %add3A_692 = arith.constant 16 : i32
        %add3A_693 = vector.broadcast %add3A_692 : i32 to vector<16xi32>
        %add3A_694 = arith.addi %add3A_682, %add3A_693 : vector<16xi32>
        %add3A_695 = arith.constant 16 : i32
        %add3A_696 = arith.addi %mul3A_680, %add3A_695 : i32
        %get3A_697 = arith.index_cast %add3A_696 : i32 to index
        %get3A_698 = tpu.vector_load %arg6[%get3A_697] {strides = array<i32>} : memref<16384xf32, #tpu.memory_space<vmem>>, vector<16xf32>,
        %ge3A_699 = arith.cmpf oge, %get3A_698, %broadcast_in_dim3A_364 : vector<16xf32>
        %lt3A_700 = arith.cmpi slt, %add3A_691, %broadcast_in_dim3A_366 : vector<16xi32>
        %and3A_701 = arith.andi %ge3A_699, %lt3A_700 : vector<16xi1>
        tpu.vector_store_idx %arg7[%add3A_691], %add3A_694 masked %and3A_701 : memref<3072xi32, #tpu.memory_space<vmem>>[vector<16xi32>], vector<16xi32>, vector<16xi1>
        %select_n3A_702 = arith.select %ge3A_699, %broadcast_in_dim3A_368, %broadcast_in_dim3A_370 : vector<16xi1>, vector<16xi32>
        %add3A_703 = arith.addi %add3A_691, %select_n3A_702 : vector<16xi32>
        %add3A_704 = arith.constant 16 : i32
        %add3A_705 = vector.broadcast %add3A_704 : i32 to vector<16xi32>
        %add3A_706 = arith.addi %add3A_694, %add3A_705 : vector<16xi32>
        %add3A_707 = arith.constant 32 : i32
        %add3A_708 = arith.addi %mul3A_680, %add3A_707 : i32
        %get3A_709 = arith.index_cast %add3A_708 : i32 to index
        %get3A_710 = tpu.vector_load %arg6[%get3A_709] {strides = array<i32>} : memref<16384xf32, #tpu.memory_space<vmem>>, vector<16xf32>,
        %ge3A_711 = arith.cmpf oge, %get3A_710, %broadcast_in_dim3A_364 : vector<16xf32>
        %lt3A_712 = arith.cmpi slt, %add3A_703, %broadcast_in_dim3A_366 : vector<16xi32>
        %and3A_713 = arith.andi %ge3A_711, %lt3A_712 : vector<16xi1>
        tpu.vector_store_idx %arg7[%add3A_703], %add3A_706 masked %and3A_713 : memref<3072xi32, #tpu.memory_space<vmem>>[vector<16xi32>], vector<16xi32>, vector<16xi1>
        %select_n3A_714 = arith.select %ge3A_711, %broadcast_in_dim3A_368, %broadcast_in_dim3A_370 : vector<16xi1>, vector<16xi32>
        %add3A_715 = arith.addi %add3A_703, %select_n3A_714 : vector<16xi32>
        %add3A_716 = arith.constant 16 : i32
        %add3A_717 = vector.broadcast %add3A_716 : i32 to vector<16xi32>
        %add3A_718 = arith.addi %add3A_706, %add3A_717 : vector<16xi32>
        %add3A_719 = arith.constant 48 : i32
        %add3A_720 = arith.addi %mul3A_680, %add3A_719 : i32
        %get3A_721 = arith.index_cast %add3A_720 : i32 to index
        %get3A_722 = tpu.vector_load %arg6[%get3A_721] {strides = array<i32>} : memref<16384xf32, #tpu.memory_space<vmem>>, vector<16xf32>,
        %ge3A_723 = arith.cmpf oge, %get3A_722, %broadcast_in_dim3A_364 : vector<16xf32>
        %lt3A_724 = arith.cmpi slt, %add3A_715, %broadcast_in_dim3A_366 : vector<16xi32>
        %and3A_725 = arith.andi %ge3A_723, %lt3A_724 : vector<16xi1>
        tpu.vector_store_idx %arg7[%add3A_715], %add3A_718 masked %and3A_725 : memref<3072xi32, #tpu.memory_space<vmem>>[vector<16xi32>], vector<16xi32>, vector<16xi1>
        %select_n3A_726 = arith.select %ge3A_723, %broadcast_in_dim3A_368, %broadcast_in_dim3A_370 : vector<16xi1>, vector<16xi32>
        %add3A_727 = arith.addi %add3A_715, %select_n3A_726 : vector<16xi32>
        %add3A_728 = arith.constant 16 : i32
        %add3A_729 = vector.broadcast %add3A_728 : i32 to vector<16xi32>
        %add3A_730 = arith.addi %add3A_718, %add3A_729 : vector<16xi32>
        %add3A_731 = arith.constant 64 : i32
        %add3A_732 = arith.addi %mul3A_680, %add3A_731 : i32
        %get3A_733 = arith.index_cast %add3A_732 : i32 to index
        %get3A_734 = tpu.vector_load %arg6[%get3A_733] {strides = array<i32>} : memref<16384xf32, #tpu.memory_space<vmem>>, vector<16xf32>,
        %ge3A_735 = arith.cmpf oge, %get3A_734, %broadcast_in_dim3A_364 : vector<16xf32>
        %lt3A_736 = arith.cmpi slt, %add3A_727, %broadcast_in_dim3A_366 : vector<16xi32>
        %and3A_737 = arith.andi %ge3A_735, %lt3A_736 : vector<16xi1>
        tpu.vector_store_idx %arg7[%add3A_727], %add3A_730 masked %and3A_737 : memref<3072xi32, #tpu.memory_space<vmem>>[vector<16xi32>], vector<16xi32>, vector<16xi1>
        %select_n3A_738 = arith.select %ge3A_735, %broadcast_in_dim3A_368, %broadcast_in_dim3A_370 : vector<16xi1>, vector<16xi32>
        %add3A_739 = arith.addi %add3A_727, %select_n3A_738 : vector<16xi32>
        %add3A_740 = arith.constant 16 : i32
        %add3A_741 = vector.broadcast %add3A_740 : i32 to vector<16xi32>
        %add3A_742 = arith.addi %add3A_730, %add3A_741 : vector<16xi32>
        %add3A_743 = arith.constant 80 : i32
        %add3A_744 = arith.addi %mul3A_680, %add3A_743 : i32
        %get3A_745 = arith.index_cast %add3A_744 : i32 to index
        %get3A_746 = tpu.vector_load %arg6[%get3A_745] {strides = array<i32>} : memref<16384xf32, #tpu.memory_space<vmem>>, vector<16xf32>,
        %ge3A_747 = arith.cmpf oge, %get3A_746, %broadcast_in_dim3A_364 : vector<16xf32>
        %lt3A_748 = arith.cmpi slt, %add3A_739, %broadcast_in_dim3A_366 : vector<16xi32>
        %and3A_749 = arith.andi %ge3A_747, %lt3A_748 : vector<16xi1>
        tpu.vector_store_idx %arg7[%add3A_739], %add3A_742 masked %and3A_749 : memref<3072xi32, #tpu.memory_space<vmem>>[vector<16xi32>], vector<16xi32>, vector<16xi1>
        %select_n3A_750 = arith.select %ge3A_747, %broadcast_in_dim3A_368, %broadcast_in_dim3A_370 : vector<16xi1>, vector<16xi32>
        %add3A_751 = arith.addi %add3A_739, %select_n3A_750 : vector<16xi32>
        %add3A_752 = arith.constant 16 : i32
        %add3A_753 = vector.broadcast %add3A_752 : i32 to vector<16xi32>
        %add3A_754 = arith.addi %add3A_742, %add3A_753 : vector<16xi32>
        %add3A_755 = arith.constant 96 : i32
        %add3A_756 = arith.addi %mul3A_680, %add3A_755 : i32
        %get3A_757 = arith.index_cast %add3A_756 : i32 to index
        %get3A_758 = tpu.vector_load %arg6[%get3A_757] {strides = array<i32>} : memref<16384xf32, #tpu.memory_space<vmem>>, vector<16xf32>,
        %ge3A_759 = arith.cmpf oge, %get3A_758, %broadcast_in_dim3A_364 : vector<16xf32>
        %lt3A_760 = arith.cmpi slt, %add3A_751, %broadcast_in_dim3A_366 : vector<16xi32>
        %and3A_761 = arith.andi %ge3A_759, %lt3A_760 : vector<16xi1>
        tpu.vector_store_idx %arg7[%add3A_751], %add3A_754 masked %and3A_761 : memref<3072xi32, #tpu.memory_space<vmem>>[vector<16xi32>], vector<16xi32>, vector<16xi1>
        %select_n3A_762 = arith.select %ge3A_759, %broadcast_in_dim3A_368, %broadcast_in_dim3A_370 : vector<16xi1>, vector<16xi32>
        %add3A_763 = arith.addi %add3A_751, %select_n3A_762 : vector<16xi32>
        %add3A_764 = arith.constant 16 : i32
        %add3A_765 = vector.broadcast %add3A_764 : i32 to vector<16xi32>
        %add3A_766 = arith.addi %add3A_754, %add3A_765 : vector<16xi32>
        %add3A_767 = arith.constant 112 : i32
        %add3A_768 = arith.addi %mul3A_680, %add3A_767 : i32
        %get3A_769 = arith.index_cast %add3A_768 : i32 to index
        %get3A_770 = tpu.vector_load %arg6[%get3A_769] {strides = array<i32>} : memref<16384xf32, #tpu.memory_space<vmem>>, vector<16xf32>,
        %ge3A_771 = arith.cmpf oge, %get3A_770, %broadcast_in_dim3A_364 : vector<16xf32>
        %lt3A_772 = arith.cmpi slt, %add3A_763, %broadcast_in_dim3A_366 : vector<16xi32>
        %and3A_773 = arith.andi %ge3A_771, %lt3A_772 : vector<16xi1>
        tpu.vector_store_idx %arg7[%add3A_763], %add3A_766 masked %and3A_773 : memref<3072xi32, #tpu.memory_space<vmem>>[vector<16xi32>], vector<16xi32>, vector<16xi1>
        %select_n3A_774 = arith.select %ge3A_771, %broadcast_in_dim3A_368, %broadcast_in_dim3A_370 : vector<16xi1>, vector<16xi32>
        %add3A_775 = arith.addi %add3A_763, %select_n3A_774 : vector<16xi32>
        %add3A_776 = arith.constant 16 : i32
        %add3A_777 = vector.broadcast %add3A_776 : i32 to vector<16xi32>
        %add3A_778 = arith.addi %add3A_766, %add3A_777 : vector<16xi32>
        %add3A_779 = arith.constant 128 : i32
        %add3A_780 = arith.addi %mul3A_680, %add3A_779 : i32
        %get3A_781 = arith.index_cast %add3A_780 : i32 to index
        %get3A_782 = tpu.vector_load %arg6[%get3A_781] {strides = array<i32>} : memref<16384xf32, #tpu.memory_space<vmem>>, vector<16xf32>,
        %ge3A_783 = arith.cmpf oge, %get3A_782, %broadcast_in_dim3A_364 : vector<16xf32>
        %lt3A_784 = arith.cmpi slt, %add3A_775, %broadcast_in_dim3A_366 : vector<16xi32>
        %and3A_785 = arith.andi %ge3A_783, %lt3A_784 : vector<16xi1>
        tpu.vector_store_idx %arg7[%add3A_775], %add3A_778 masked %and3A_785 : memref<3072xi32, #tpu.memory_space<vmem>>[vector<16xi32>], vector<16xi32>, vector<16xi1>
        %select_n3A_786 = arith.select %ge3A_783, %broadcast_in_dim3A_368, %broadcast_in_dim3A_370 : vector<16xi1>, vector<16xi32>
        %add3A_787 = arith.addi %add3A_775, %select_n3A_786 : vector<16xi32>
        %add3A_788 = arith.constant 16 : i32
        %add3A_789 = vector.broadcast %add3A_788 : i32 to vector<16xi32>
        %add3A_790 = arith.addi %add3A_778, %add3A_789 : vector<16xi32>
        %add3A_791 = arith.constant 144 : i32
        %add3A_792 = arith.addi %mul3A_680, %add3A_791 : i32
        %get3A_793 = arith.index_cast %add3A_792 : i32 to index
        %get3A_794 = tpu.vector_load %arg6[%get3A_793] {strides = array<i32>} : memref<16384xf32, #tpu.memory_space<vmem>>, vector<16xf32>,
        %ge3A_795 = arith.cmpf oge, %get3A_794, %broadcast_in_dim3A_364 : vector<16xf32>
        %lt3A_796 = arith.cmpi slt, %add3A_787, %broadcast_in_dim3A_366 : vector<16xi32>
        %and3A_797 = arith.andi %ge3A_795, %lt3A_796 : vector<16xi1>
        tpu.vector_store_idx %arg7[%add3A_787], %add3A_790 masked %and3A_797 : memref<3072xi32, #tpu.memory_space<vmem>>[vector<16xi32>], vector<16xi32>, vector<16xi1>
        %select_n3A_798 = arith.select %ge3A_795, %broadcast_in_dim3A_368, %broadcast_in_dim3A_370 : vector<16xi1>, vector<16xi32>
        %add3A_799 = arith.addi %add3A_787, %select_n3A_798 : vector<16xi32>
        %add3A_800 = arith.constant 16 : i32
        %add3A_801 = vector.broadcast %add3A_800 : i32 to vector<16xi32>
        %add3A_802 = arith.addi %add3A_790, %add3A_801 : vector<16xi32>
        %add3A_803 = arith.constant 160 : i32
        %add3A_804 = arith.addi %mul3A_680, %add3A_803 : i32
        %get3A_805 = arith.index_cast %add3A_804 : i32 to index
        %get3A_806 = tpu.vector_load %arg6[%get3A_805] {strides = array<i32>} : memref<16384xf32, #tpu.memory_space<vmem>>, vector<16xf32>,
        %ge3A_807 = arith.cmpf oge, %get3A_806, %broadcast_in_dim3A_364 : vector<16xf32>
        %lt3A_808 = arith.cmpi slt, %add3A_799, %broadcast_in_dim3A_366 : vector<16xi32>
        %and3A_809 = arith.andi %ge3A_807, %lt3A_808 : vector<16xi1>
        tpu.vector_store_idx %arg7[%add3A_799], %add3A_802 masked %and3A_809 : memref<3072xi32, #tpu.memory_space<vmem>>[vector<16xi32>], vector<16xi32>, vector<16xi1>
        %select_n3A_810 = arith.select %ge3A_807, %broadcast_in_dim3A_368, %broadcast_in_dim3A_370 : vector<16xi1>, vector<16xi32>
        %add3A_811 = arith.addi %add3A_799, %select_n3A_810 : vector<16xi32>
        %add3A_812 = arith.constant 16 : i32
        %add3A_813 = vector.broadcast %add3A_812 : i32 to vector<16xi32>
        %add3A_814 = arith.addi %add3A_802, %add3A_813 : vector<16xi32>
        %add3A_815 = arith.constant 176 : i32
        %add3A_816 = arith.addi %mul3A_680, %add3A_815 : i32
        %get3A_817 = arith.index_cast %add3A_816 : i32 to index
        %get3A_818 = tpu.vector_load %arg6[%get3A_817] {strides = array<i32>} : memref<16384xf32, #tpu.memory_space<vmem>>, vector<16xf32>,
        %ge3A_819 = arith.cmpf oge, %get3A_818, %broadcast_in_dim3A_364 : vector<16xf32>
        %lt3A_820 = arith.cmpi slt, %add3A_811, %broadcast_in_dim3A_366 : vector<16xi32>
        %and3A_821 = arith.andi %ge3A_819, %lt3A_820 : vector<16xi1>
        tpu.vector_store_idx %arg7[%add3A_811], %add3A_814 masked %and3A_821 : memref<3072xi32, #tpu.memory_space<vmem>>[vector<16xi32>], vector<16xi32>, vector<16xi1>
        %select_n3A_822 = arith.select %ge3A_819, %broadcast_in_dim3A_368, %broadcast_in_dim3A_370 : vector<16xi1>, vector<16xi32>
        %add3A_823 = arith.addi %add3A_811, %select_n3A_822 : vector<16xi32>
        %add3A_824 = arith.constant 16 : i32
        %add3A_825 = vector.broadcast %add3A_824 : i32 to vector<16xi32>
        %add3A_826 = arith.addi %add3A_814, %add3A_825 : vector<16xi32>
        %add3A_827 = arith.constant 192 : i32
        %add3A_828 = arith.addi %mul3A_680, %add3A_827 : i32
        %get3A_829 = arith.index_cast %add3A_828 : i32 to index
        %get3A_830 = tpu.vector_load %arg6[%get3A_829] {strides = array<i32>} : memref<16384xf32, #tpu.memory_space<vmem>>, vector<16xf32>,
        %ge3A_831 = arith.cmpf oge, %get3A_830, %broadcast_in_dim3A_364 : vector<16xf32>
        %lt3A_832 = arith.cmpi slt, %add3A_823, %broadcast_in_dim3A_366 : vector<16xi32>
        %and3A_833 = arith.andi %ge3A_831, %lt3A_832 : vector<16xi1>
        tpu.vector_store_idx %arg7[%add3A_823], %add3A_826 masked %and3A_833 : memref<3072xi32, #tpu.memory_space<vmem>>[vector<16xi32>], vector<16xi32>, vector<16xi1>
        %select_n3A_834 = arith.select %ge3A_831, %broadcast_in_dim3A_368, %broadcast_in_dim3A_370 : vector<16xi1>, vector<16xi32>
        %add3A_835 = arith.addi %add3A_823, %select_n3A_834 : vector<16xi32>
        %add3A_836 = arith.constant 16 : i32
        %add3A_837 = vector.broadcast %add3A_836 : i32 to vector<16xi32>
        %add3A_838 = arith.addi %add3A_826, %add3A_837 : vector<16xi32>
        %add3A_839 = arith.constant 208 : i32
        %add3A_840 = arith.addi %mul3A_680, %add3A_839 : i32
        %get3A_841 = arith.index_cast %add3A_840 : i32 to index
        %get3A_842 = tpu.vector_load %arg6[%get3A_841] {strides = array<i32>} : memref<16384xf32, #tpu.memory_space<vmem>>, vector<16xf32>,
        %ge3A_843 = arith.cmpf oge, %get3A_842, %broadcast_in_dim3A_364 : vector<16xf32>
        %lt3A_844 = arith.cmpi slt, %add3A_835, %broadcast_in_dim3A_366 : vector<16xi32>
        %and3A_845 = arith.andi %ge3A_843, %lt3A_844 : vector<16xi1>
        tpu.vector_store_idx %arg7[%add3A_835], %add3A_838 masked %and3A_845 : memref<3072xi32, #tpu.memory_space<vmem>>[vector<16xi32>], vector<16xi32>, vector<16xi1>
        %select_n3A_846 = arith.select %ge3A_843, %broadcast_in_dim3A_368, %broadcast_in_dim3A_370 : vector<16xi1>, vector<16xi32>
        %add3A_847 = arith.addi %add3A_835, %select_n3A_846 : vector<16xi32>
        %add3A_848 = arith.constant 16 : i32
        %add3A_849 = vector.broadcast %add3A_848 : i32 to vector<16xi32>
        %add3A_850 = arith.addi %add3A_838, %add3A_849 : vector<16xi32>
        %add3A_851 = arith.constant 224 : i32
        %add3A_852 = arith.addi %mul3A_680, %add3A_851 : i32
        %get3A_853 = arith.index_cast %add3A_852 : i32 to index
        %get3A_854 = tpu.vector_load %arg6[%get3A_853] {strides = array<i32>} : memref<16384xf32, #tpu.memory_space<vmem>>, vector<16xf32>,
        %ge3A_855 = arith.cmpf oge, %get3A_854, %broadcast_in_dim3A_364 : vector<16xf32>
        %lt3A_856 = arith.cmpi slt, %add3A_847, %broadcast_in_dim3A_366 : vector<16xi32>
        %and3A_857 = arith.andi %ge3A_855, %lt3A_856 : vector<16xi1>
        tpu.vector_store_idx %arg7[%add3A_847], %add3A_850 masked %and3A_857 : memref<3072xi32, #tpu.memory_space<vmem>>[vector<16xi32>], vector<16xi32>, vector<16xi1>
        %select_n3A_858 = arith.select %ge3A_855, %broadcast_in_dim3A_368, %broadcast_in_dim3A_370 : vector<16xi1>, vector<16xi32>
        %add3A_859 = arith.addi %add3A_847, %select_n3A_858 : vector<16xi32>
        %add3A_860 = arith.constant 16 : i32
        %add3A_861 = vector.broadcast %add3A_860 : i32 to vector<16xi32>
        %add3A_862 = arith.addi %add3A_850, %add3A_861 : vector<16xi32>
        %add3A_863 = arith.constant 240 : i32
        %add3A_864 = arith.addi %mul3A_680, %add3A_863 : i32
        %get3A_865 = arith.index_cast %add3A_864 : i32 to index
        %get3A_866 = tpu.vector_load %arg6[%get3A_865] {strides = array<i32>} : memref<16384xf32, #tpu.memory_space<vmem>>, vector<16xf32>,
        %ge3A_867 = arith.cmpf oge, %get3A_866, %broadcast_in_dim3A_364 : vector<16xf32>
        %lt3A_868 = arith.cmpi slt, %add3A_859, %broadcast_in_dim3A_366 : vector<16xi32>
        %and3A_869 = arith.andi %ge3A_867, %lt3A_868 : vector<16xi1>
        tpu.vector_store_idx %arg7[%add3A_859], %add3A_862 masked %and3A_869 : memref<3072xi32, #tpu.memory_space<vmem>>[vector<16xi32>], vector<16xi32>, vector<16xi1>
        %select_n3A_870 = arith.select %ge3A_867, %broadcast_in_dim3A_368, %broadcast_in_dim3A_370 : vector<16xi1>, vector<16xi32>
        %add3A_871 = arith.addi %add3A_859, %select_n3A_870 : vector<16xi32>
        %add3A_872 = arith.constant 16 : i32
        %add3A_873 = vector.broadcast %add3A_872 : i32 to vector<16xi32>
        %add3A_874 = arith.addi %add3A_862, %add3A_873 : vector<16xi32>
        scf.yield %add3A_871 : vector<16xi32>
      }
      %scan3A_376 = arith.constant 64 : i32
      %sub3A_377 = arith.subi %scan3A_375, %iota3A : vector<16xi32>
      %reduce_max3A_378 = arith.constant true
      %reduce_max3A_379 = vector.broadcast %reduce_max3A_378 : i1 to vector<16xi1>
      %reduce_max3A_380 = arith.constant -2147483648 : i32
      %reduce_max3A_381 = vector.broadcast %reduce_max3A_380 : i32 to vector<16xi32>
      %reduce_max3A_382 = arith.xori %sub3A_377, %reduce_max3A_381 : vector<16xi32>
      %reduce_max3A_383 = tpu.scan <max>, %reduce_max3A_382 masked %reduce_max3A_379 : vector<16xi32>, vector<16xi1> -> vector<16xi32>
      %reduce_max3A_384 = arith.xori %reduce_max3A_383, %reduce_max3A_381 : vector<16xi32>
      %reduce_max3A_385 = vector.extract %reduce_max3A_384[15] : i32 from vector<16xi32>
      %jit3A_386 = arith.constant 16 : i32
      %div3A_387 = arith.divsi %reduce_max3A_385, %jit3A_386 : i32
      %sign3A_388 = arith.constant 0 : i32
      %sign3A_389 = arith.cmpi sgt, %reduce_max3A_385, %sign3A_388 : i32
      %sign3A_390 = arith.extui %sign3A_389 : i1 to i32
      %sign3A_391 = arith.constant 0 : i32
      %sign3A_392 = arith.cmpi slt, %reduce_max3A_385, %sign3A_391 : i32
      %sign3A_393 = arith.extui %sign3A_392 : i1 to i32
      %sign3A_394 = arith.subi %sign3A_390, %sign3A_393 : i32
      %sign3A_395 = arith.constant 0 : i32
      %sign3A_396 = arith.cmpi sgt, %jit3A_386, %sign3A_395 : i32
      %sign3A_397 = arith.extui %sign3A_396 : i1 to i32
      %sign3A_398 = arith.constant 0 : i32
      %sign3A_399 = arith.cmpi slt, %jit3A_386, %sign3A_398 : i32
      %sign3A_400 = arith.extui %sign3A_399 : i1 to i32
      %sign3A_401 = arith.subi %sign3A_397, %sign3A_400 : i32
      %ne3A_402 = arith.cmpi ne, %sign3A_394, %sign3A_401 : i32
      %rem3A_403 = arith.remsi %reduce_max3A_385, %jit3A_386 : i32
      %ne3A_404 = arith.constant 0 : i32
      %ne3A_405 = arith.cmpi ne, %rem3A_403, %ne3A_404 : i32
      %and3A_406 = arith.andi %ne3A_402, %ne3A_405 : i1
      %sub3A_407 = arith.constant 1 : i32
      %sub3A_408 = arith.subi %div3A_387, %sub3A_407 : i32
      %select_n3A_409 = arith.select %and3A_406, %sub3A_408, %div3A_387 : i32
      %add3A_410 = arith.constant 3 : i32
      %add3A_411 = arith.addi %select_n3A_409, %add3A_410 : i32
      %jit3A_412 = arith.constant 4 : i32
      %div3A_413 = arith.divsi %add3A_411, %jit3A_412 : i32
      %sign3A_414 = arith.constant 0 : i32
      %sign3A_415 = arith.cmpi sgt, %add3A_411, %sign3A_414 : i32
      %sign3A_416 = arith.extui %sign3A_415 : i1 to i32
      %sign3A_417 = arith.constant 0 : i32
      %sign3A_418 = arith.cmpi slt, %add3A_411, %sign3A_417 : i32
      %sign3A_419 = arith.extui %sign3A_418 : i1 to i32
      %sign3A_420 = arith.subi %sign3A_416, %sign3A_419 : i32
      %sign3A_421 = arith.constant 0 : i32
      %sign3A_422 = arith.cmpi sgt, %jit3A_412, %sign3A_421 : i32
      %sign3A_423 = arith.extui %sign3A_422 : i1 to i32
      %sign3A_424 = arith.constant 0 : i32
      %sign3A_425 = arith.cmpi slt, %jit3A_412, %sign3A_424 : i32
      %sign3A_426 = arith.extui %sign3A_425 : i1 to i32
      %sign3A_427 = arith.subi %sign3A_423, %sign3A_426 : i32
      %ne3A_428 = arith.cmpi ne, %sign3A_420, %sign3A_427 : i32
      %rem3A_429 = arith.remsi %add3A_411, %jit3A_412 : i32
      %ne3A_430 = arith.constant 0 : i32
      %ne3A_431 = arith.cmpi ne, %rem3A_429, %ne3A_430 : i32
      %and3A_432 = arith.andi %ne3A_428, %ne3A_431 : i1
      %sub3A_433 = arith.constant 1 : i32
      %sub3A_434 = arith.subi %div3A_413, %sub3A_433 : i32
      %select_n3A_435 = arith.select %and3A_432, %sub3A_434, %div3A_413 : i32
      %mul3A_436 = arith.constant 0 : i32
      %mul3A_437 = arith.constant 64 : i32
      %mul3A_438 = arith.muli %mul3A_436, %mul3A_437 : i32
      %add3A_439 = arith.constant 0 : i32
      %add3A_440 = arith.addi %mul3A_438, %add3A_439 : i32
      %get3A_441 = arith.index_cast %add3A_440 : i32 to index
      %get3A_442 = tpu.vector_load %arg7[%get3A_441] {strides = array<i32>} : memref<3072xi32, #tpu.memory_space<vmem>>, vector<16xi32>,
      %and3A_443 = arith.constant 16383 : i32
      %and3A_444 = vector.broadcast %and3A_443 : i32 to vector<16xi32>
      %and3A_445 = arith.andi %get3A_442, %and3A_444 : vector<16xi32>
      %gather3A_446 = tpu.vector_load_idx %arg6[%and3A_445] : memref<16384xf32, #tpu.memory_space<vmem>>[vector<16xi32>], vector<16xf32>,
      %broadcast_in_dim3A_447 = arith.constant 0 : i32
      %broadcast_in_dim3A_448 = vector.broadcast %broadcast_in_dim3A_447 : i32 to vector<16xi32>
      %add3A_449 = vector.broadcast %add3A_440 : i32 to vector<16xi32>
      %add3A_450 = arith.addi %broadcast_in_dim3A_448, %add3A_449 : vector<16xi32>
      %add3A_451 = arith.addi %add3A_450, %iota3A : vector<16xi32>
      %lt3A_452 = arith.cmpi slt, %add3A_451, %scan3A_375 : vector<16xi32>
      %select_n3A_453 = arith.select %lt3A_452, %gather3A_446, %broadcast_in_dim3A_3 : vector<16xi1>, vector<16xf32>
      %mul3A_454 = arith.constant 0 : i32
      %mul3A_455 = arith.constant 64 : i32
      %mul3A_456 = arith.muli %mul3A_454, %mul3A_455 : i32
      %add3A_457 = arith.constant 16 : i32
      %add3A_458 = arith.addi %mul3A_456, %add3A_457 : i32
      %get3A_459 = arith.index_cast %add3A_458 : i32 to index
      %get3A_460 = tpu.vector_load %arg7[%get3A_459] {strides = array<i32>} : memref<3072xi32, #tpu.memory_space<vmem>>, vector<16xi32>,
      %and3A_461 = arith.constant 16383 : i32
      %and3A_462 = vector.broadcast %and3A_461 : i32 to vector<16xi32>
      %and3A_463 = arith.andi %get3A_460, %and3A_462 : vector<16xi32>
      %gather3A_464 = tpu.vector_load_idx %arg6[%and3A_463] : memref<16384xf32, #tpu.memory_space<vmem>>[vector<16xi32>], vector<16xf32>,
      %broadcast_in_dim3A_465 = arith.constant 0 : i32
      %broadcast_in_dim3A_466 = vector.broadcast %broadcast_in_dim3A_465 : i32 to vector<16xi32>
      %add3A_467 = vector.broadcast %add3A_458 : i32 to vector<16xi32>
      %add3A_468 = arith.addi %broadcast_in_dim3A_466, %add3A_467 : vector<16xi32>
      %add3A_469 = arith.addi %add3A_468, %iota3A : vector<16xi32>
      %lt3A_470 = arith.cmpi slt, %add3A_469, %scan3A_375 : vector<16xi32>
      %select_n3A_471 = arith.select %lt3A_470, %gather3A_464, %broadcast_in_dim3A_3 : vector<16xi1>, vector<16xf32>
      %mul3A_472 = arith.constant 0 : i32
      %mul3A_473 = arith.constant 64 : i32
      %mul3A_474 = arith.muli %mul3A_472, %mul3A_473 : i32
      %add3A_475 = arith.constant 32 : i32
      %add3A_476 = arith.addi %mul3A_474, %add3A_475 : i32
      %get3A_477 = arith.index_cast %add3A_476 : i32 to index
      %get3A_478 = tpu.vector_load %arg7[%get3A_477] {strides = array<i32>} : memref<3072xi32, #tpu.memory_space<vmem>>, vector<16xi32>,
      %and3A_479 = arith.constant 16383 : i32
      %and3A_480 = vector.broadcast %and3A_479 : i32 to vector<16xi32>
      %and3A_481 = arith.andi %get3A_478, %and3A_480 : vector<16xi32>
      %gather3A_482 = tpu.vector_load_idx %arg6[%and3A_481] : memref<16384xf32, #tpu.memory_space<vmem>>[vector<16xi32>], vector<16xf32>,
      %broadcast_in_dim3A_483 = arith.constant 0 : i32
      %broadcast_in_dim3A_484 = vector.broadcast %broadcast_in_dim3A_483 : i32 to vector<16xi32>
      %add3A_485 = vector.broadcast %add3A_476 : i32 to vector<16xi32>
      %add3A_486 = arith.addi %broadcast_in_dim3A_484, %add3A_485 : vector<16xi32>
      %add3A_487 = arith.addi %add3A_486, %iota3A : vector<16xi32>
      %lt3A_488 = arith.cmpi slt, %add3A_487, %scan3A_375 : vector<16xi32>
      %select_n3A_489 = arith.select %lt3A_488, %gather3A_482, %broadcast_in_dim3A_3 : vector<16xi1>, vector<16xf32>
      %mul3A_490 = arith.constant 0 : i32
      %mul3A_491 = arith.constant 64 : i32
      %mul3A_492 = arith.muli %mul3A_490, %mul3A_491 : i32
      %add3A_493 = arith.constant 48 : i32
      %add3A_494 = arith.addi %mul3A_492, %add3A_493 : i32
      %get3A_495 = arith.index_cast %add3A_494 : i32 to index
      %get3A_496 = tpu.vector_load %arg7[%get3A_495] {strides = array<i32>} : memref<3072xi32, #tpu.memory_space<vmem>>, vector<16xi32>,
      %and3A_497 = arith.constant 16383 : i32
      %and3A_498 = vector.broadcast %and3A_497 : i32 to vector<16xi32>
      %and3A_499 = arith.andi %get3A_496, %and3A_498 : vector<16xi32>
      %gather3A_500 = tpu.vector_load_idx %arg6[%and3A_499] : memref<16384xf32, #tpu.memory_space<vmem>>[vector<16xi32>], vector<16xf32>,
      %broadcast_in_dim3A_501 = arith.constant 0 : i32
      %broadcast_in_dim3A_502 = vector.broadcast %broadcast_in_dim3A_501 : i32 to vector<16xi32>
      %add3A_503 = vector.broadcast %add3A_494 : i32 to vector<16xi32>
      %add3A_504 = arith.addi %broadcast_in_dim3A_502, %add3A_503 : vector<16xi32>
      %add3A_505 = arith.addi %add3A_504, %iota3A : vector<16xi32>
      %lt3A_506 = arith.cmpi slt, %add3A_505, %scan3A_375 : vector<16xi32>
      %select_n3A_507 = arith.select %lt3A_506, %gather3A_500, %broadcast_in_dim3A_3 : vector<16xi1>, vector<16xf32>
      %masked_sort3A_508 = arith.constant dense<true> : vector<16xi1>
      %masked_sort3A_509, %masked_sort3A_510, %masked_sort3A_511 = tpu.sort %select_n3A_453, %and3A_445 masked %masked_sort3A_508 {descending = true} : (vector<16xf32>, vector<16xi32>, vector<16xi1>) -> (vector<16xi1>, vector<16xf32>, vector<16xi32>)
      %masked_sort3A_512 = arith.constant dense<true> : vector<16xi1>
      %masked_sort3A_513, %masked_sort3A_514, %masked_sort3A_515 = tpu.sort %select_n3A_471, %and3A_463 masked %masked_sort3A_512 {descending = true} : (vector<16xf32>, vector<16xi32>, vector<16xi1>) -> (vector<16xi1>, vector<16xf32>, vector<16xi32>)
      %masked_sort3A_516 = arith.constant dense<true> : vector<16xi1>
      %masked_sort3A_517, %masked_sort3A_518, %masked_sort3A_519 = tpu.sort %select_n3A_489, %and3A_481 masked %masked_sort3A_516 {descending = true} : (vector<16xf32>, vector<16xi32>, vector<16xi1>) -> (vector<16xi1>, vector<16xf32>, vector<16xi32>)
      %masked_sort3A_520 = arith.constant dense<true> : vector<16xi1>
      %masked_sort3A_521, %masked_sort3A_522, %masked_sort3A_523 = tpu.sort %select_n3A_507, %and3A_499 masked %masked_sort3A_520 {descending = true} : (vector<16xf32>, vector<16xi32>, vector<16xi1>) -> (vector<16xi1>, vector<16xf32>, vector<16xi32>)
      %rev3A_524 = arith.constant 15 : i32
      %rev3A_525 = vector.broadcast %rev3A_524 : i32 to vector<16xi32>
      %rev3A_526 = tpu.iota {dimensions = array<i32: 0>} : vector<16xi32>
      %rev3A_527 = arith.subi %rev3A_525, %rev3A_526 : vector<16xi32>
      %rev3A_528 = tpu.dynamic_gather %masked_sort3A_514[%rev3A_527] in [0] : vector<16xf32>, vector<16xi32> -> vector<16xf32>
      %rev3A_529 = arith.constant 15 : i32
      %rev3A_530 = vector.broadcast %rev3A_529 : i32 to vector<16xi32>
      %rev3A_531 = tpu.iota {dimensions = array<i32: 0>} : vector<16xi32>
      %rev3A_532 = arith.subi %rev3A_530, %rev3A_531 : vector<16xi32>
      %rev3A_533 = tpu.dynamic_gather %masked_sort3A_515[%rev3A_532] in [0] : vector<16xi32>, vector<16xi32> -> vector<16xi32>
      %ge3A_534 = arith.cmpf oge, %masked_sort3A_510, %rev3A_528 : vector<16xf32>
      %select_n3A_535 = arith.select %ge3A_534, %masked_sort3A_510, %rev3A_528 : vector<16xi1>, vector<16xf32>
      %select_n3A_536 = arith.select %ge3A_534, %masked_sort3A_511, %rev3A_533 : vector<16xi1>, vector<16xi32>
      %select_n3A_537 = arith.select %ge3A_534, %rev3A_528, %masked_sort3A_510 : vector<16xi1>, vector<16xf32>
      %select_n3A_538 = arith.select %ge3A_534, %rev3A_533, %masked_sort3A_511 : vector<16xi1>, vector<16xi32>
      %masked_sort3A_539 = arith.constant dense<true> : vector<16xi1>
      %masked_sort3A_540, %masked_sort3A_541, %masked_sort3A_542 = tpu.sort %select_n3A_535, %select_n3A_536 masked %masked_sort3A_539 {descending = true} : (vector<16xf32>, vector<16xi32>, vector<16xi1>) -> (vector<16xi1>, vector<16xf32>, vector<16xi32>)
      %masked_sort3A_543 = arith.constant dense<true> : vector<16xi1>
      %masked_sort3A_544, %masked_sort3A_545, %masked_sort3A_546 = tpu.sort %select_n3A_537, %select_n3A_538 masked %masked_sort3A_543 {descending = true} : (vector<16xf32>, vector<16xi32>, vector<16xi1>) -> (vector<16xi1>, vector<16xf32>, vector<16xi32>)
      %rev3A_547 = arith.constant 15 : i32
      %rev3A_548 = vector.broadcast %rev3A_547 : i32 to vector<16xi32>
      %rev3A_549 = tpu.iota {dimensions = array<i32: 0>} : vector<16xi32>
      %rev3A_550 = arith.subi %rev3A_548, %rev3A_549 : vector<16xi32>
      %rev3A_551 = tpu.dynamic_gather %masked_sort3A_522[%rev3A_550] in [0] : vector<16xf32>, vector<16xi32> -> vector<16xf32>
      %rev3A_552 = arith.constant 15 : i32
      %rev3A_553 = vector.broadcast %rev3A_552 : i32 to vector<16xi32>
      %rev3A_554 = tpu.iota {dimensions = array<i32: 0>} : vector<16xi32>
      %rev3A_555 = arith.subi %rev3A_553, %rev3A_554 : vector<16xi32>
      %rev3A_556 = tpu.dynamic_gather %masked_sort3A_523[%rev3A_555] in [0] : vector<16xi32>, vector<16xi32> -> vector<16xi32>
      %ge3A_557 = arith.cmpf oge, %masked_sort3A_518, %rev3A_551 : vector<16xf32>
      %select_n3A_558 = arith.select %ge3A_557, %masked_sort3A_518, %rev3A_551 : vector<16xi1>, vector<16xf32>
      %select_n3A_559 = arith.select %ge3A_557, %masked_sort3A_519, %rev3A_556 : vector<16xi1>, vector<16xi32>
      %select_n3A_560 = arith.select %ge3A_557, %rev3A_551, %masked_sort3A_518 : vector<16xi1>, vector<16xf32>
      %select_n3A_561 = arith.select %ge3A_557, %rev3A_556, %masked_sort3A_519 : vector<16xi1>, vector<16xi32>
      %masked_sort3A_562 = arith.constant dense<true> : vector<16xi1>
      %masked_sort3A_563, %masked_sort3A_564, %masked_sort3A_565 = tpu.sort %select_n3A_558, %select_n3A_559 masked %masked_sort3A_562 {descending = true} : (vector<16xf32>, vector<16xi32>, vector<16xi1>) -> (vector<16xi1>, vector<16xf32>, vector<16xi32>)
      %masked_sort3A_566 = arith.constant dense<true> : vector<16xi1>
      %masked_sort3A_567, %masked_sort3A_568, %masked_sort3A_569 = tpu.sort %select_n3A_560, %select_n3A_561 masked %masked_sort3A_566 {descending = true} : (vector<16xf32>, vector<16xi32>, vector<16xi1>) -> (vector<16xi1>, vector<16xf32>, vector<16xi32>)
      %rev3A_570 = arith.constant 15 : i32
      %rev3A_571 = vector.broadcast %rev3A_570 : i32 to vector<16xi32>
      %rev3A_572 = tpu.iota {dimensions = array<i32: 0>} : vector<16xi32>
      %rev3A_573 = arith.subi %rev3A_571, %rev3A_572 : vector<16xi32>
      %rev3A_574 = tpu.dynamic_gather %masked_sort3A_568[%rev3A_573] in [0] : vector<16xf32>, vector<16xi32> -> vector<16xf32>
      %rev3A_575 = arith.constant 15 : i32
      %rev3A_576 = vector.broadcast %rev3A_575 : i32 to vector<16xi32>
      %rev3A_577 = tpu.iota {dimensions = array<i32: 0>} : vector<16xi32>
      %rev3A_578 = arith.subi %rev3A_576, %rev3A_577 : vector<16xi32>
      %rev3A_579 = tpu.dynamic_gather %masked_sort3A_569[%rev3A_578] in [0] : vector<16xi32>, vector<16xi32> -> vector<16xi32>
      %ge3A_580 = arith.cmpf oge, %masked_sort3A_541, %rev3A_574 : vector<16xf32>
      %select_n3A_581 = arith.select %ge3A_580, %masked_sort3A_541, %rev3A_574 : vector<16xi1>, vector<16xf32>
      %select_n3A_582 = arith.select %ge3A_580, %masked_sort3A_542, %rev3A_579 : vector<16xi1>, vector<16xi32>
      %select_n3A_583 = arith.select %ge3A_580, %rev3A_574, %masked_sort3A_541 : vector<16xi1>, vector<16xf32>
      %select_n3A_584 = arith.select %ge3A_580, %rev3A_579, %masked_sort3A_542 : vector<16xi1>, vector<16xi32>
      %rev3A_585 = arith.constant 15 : i32
      %rev3A_586 = vector.broadcast %rev3A_585 : i32 to vector<16xi32>
      %rev3A_587 = tpu.iota {dimensions = array<i32: 0>} : vector<16xi32>
      %rev3A_588 = arith.subi %rev3A_586, %rev3A_587 : vector<16xi32>
      %rev3A_589 = tpu.dynamic_gather %masked_sort3A_564[%rev3A_588] in [0] : vector<16xf32>, vector<16xi32> -> vector<16xf32>
      %rev3A_590 = arith.constant 15 : i32
      %rev3A_591 = vector.broadcast %rev3A_590 : i32 to vector<16xi32>
      %rev3A_592 = tpu.iota {dimensions = array<i32: 0>} : vector<16xi32>
      %rev3A_593 = arith.subi %rev3A_591, %rev3A_592 : vector<16xi32>
      %rev3A_594 = tpu.dynamic_gather %masked_sort3A_565[%rev3A_593] in [0] : vector<16xi32>, vector<16xi32> -> vector<16xi32>
      %ge3A_595 = arith.cmpf oge, %masked_sort3A_545, %rev3A_589 : vector<16xf32>
      %select_n3A_596 = arith.select %ge3A_595, %masked_sort3A_545, %rev3A_589 : vector<16xi1>, vector<16xf32>
      %select_n3A_597 = arith.select %ge3A_595, %masked_sort3A_546, %rev3A_594 : vector<16xi1>, vector<16xi32>
      %select_n3A_598 = arith.select %ge3A_595, %rev3A_589, %masked_sort3A_545 : vector<16xi1>, vector<16xf32>
      %select_n3A_599 = arith.select %ge3A_595, %rev3A_594, %masked_sort3A_546 : vector<16xi1>, vector<16xi32>
      %ge3A_600 = arith.cmpf oge, %select_n3A_581, %select_n3A_596 : vector<16xf32>
      %select_n3A_601 = arith.select %ge3A_600, %select_n3A_581, %select_n3A_596 : vector<16xi1>, vector<16xf32>
      %select_n3A_602 = arith.select %ge3A_600, %select_n3A_582, %select_n3A_597 : vector<16xi1>, vector<16xi32>
      %select_n3A_603 = arith.select %ge3A_600, %select_n3A_596, %select_n3A_581 : vector<16xi1>, vector<16xf32>
      %select_n3A_604 = arith.select %ge3A_600, %select_n3A_597, %select_n3A_582 : vector<16xi1>, vector<16xi32>
      %masked_sort3A_605 = arith.constant dense<true> : vector<16xi1>
      %masked_sort3A_606, %masked_sort3A_607, %masked_sort3A_608 = tpu.sort %select_n3A_601, %select_n3A_602 masked %masked_sort3A_605 {descending = true} : (vector<16xf32>, vector<16xi32>, vector<16xi1>) -> (vector<16xi1>, vector<16xf32>, vector<16xi32>)
      %masked_sort3A_609 = arith.constant dense<true> : vector<16xi1>
      %masked_sort3A_610, %masked_sort3A_611, %masked_sort3A_612 = tpu.sort %select_n3A_603, %select_n3A_604 masked %masked_sort3A_609 {descending = true} : (vector<16xf32>, vector<16xi32>, vector<16xi1>) -> (vector<16xi1>, vector<16xf32>, vector<16xi32>)
      %ge3A_613 = arith.cmpf oge, %select_n3A_583, %select_n3A_598 : vector<16xf32>
      %select_n3A_614 = arith.select %ge3A_613, %select_n3A_583, %select_n3A_598 : vector<16xi1>, vector<16xf32>
      %select_n3A_615 = arith.select %ge3A_613, %select_n3A_584, %select_n3A_599 : vector<16xi1>, vector<16xi32>
      %select_n3A_616 = arith.select %ge3A_613, %select_n3A_598, %select_n3A_583 : vector<16xi1>, vector<16xf32>
      %select_n3A_617 = arith.select %ge3A_613, %select_n3A_599, %select_n3A_584 : vector<16xi1>, vector<16xi32>
      %masked_sort3A_618 = arith.constant dense<true> : vector<16xi1>
      %masked_sort3A_619, %masked_sort3A_620, %masked_sort3A_621 = tpu.sort %select_n3A_614, %select_n3A_615 masked %masked_sort3A_618 {descending = true} : (vector<16xf32>, vector<16xi32>, vector<16xi1>) -> (vector<16xi1>, vector<16xf32>, vector<16xi32>)
      %masked_sort3A_622 = arith.constant dense<true> : vector<16xi1>
      %masked_sort3A_623, %masked_sort3A_624, %masked_sort3A_625 = tpu.sort %select_n3A_616, %select_n3A_617 masked %masked_sort3A_622 {descending = true} : (vector<16xf32>, vector<16xi32>, vector<16xi1>) -> (vector<16xi1>, vector<16xf32>, vector<16xi32>)
      %while3A_626 = arith.constant 1 : i32
      %while3A_627 = arith.subi %select_n3A_435, %while3A_626 : i32
      %while3A_628 = arith.addi %while3A_626, %while3A_627 : i32
      %while3A_629 = arith.constant 1 : i32
      %while3A_630 = arith.divsi %while3A_627, %while3A_629 : i32
      %while3A_631 = arith.muli %while3A_630, %while3A_629 : i32
      %while3A_632 = arith.addi %while3A_626, %while3A_631 : i32
      %while3A_633 = arith.constant 1 : i32
      %while3A_634:8 = scf.for %while3A_677 = %while3A_626 to %while3A_632 step %while3A_633 iter_args(%while3A_678 = %masked_sort3A_607, %while3A_679 = %masked_sort3A_611, %while3A_680 = %masked_sort3A_620, %while3A_681 = %masked_sort3A_624, %while3A_682 = %masked_sort3A_608, %while3A_683 = %masked_sort3A_612, %while3A_684 = %masked_sort3A_621, %while3A_685 = %masked_sort3A_625) -> (vector<16xf32>, vector<16xf32>, vector<16xf32>, vector<16xf32>, vector<16xi32>, vector<16xi32>, vector<16xi32>, vector<16xi32>)  : i32 {
        %mul3A_686 = arith.constant 64 : i32
        %mul3A_687 = arith.muli %while3A_677, %mul3A_686 : i32
        %add3A_688 = arith.constant 0 : i32
        %add3A_689 = arith.addi %mul3A_687, %add3A_688 : i32
        %get3A_690 = arith.index_cast %add3A_689 : i32 to index
        %get3A_691 = tpu.vector_load %arg7[%get3A_690] {strides = array<i32>} : memref<3072xi32, #tpu.memory_space<vmem>>, vector<16xi32>,
        %and3A_692 = arith.constant 16383 : i32
        %and3A_693 = vector.broadcast %and3A_692 : i32 to vector<16xi32>
        %and3A_694 = arith.andi %get3A_691, %and3A_693 : vector<16xi32>
        %gather3A_695 = tpu.vector_load_idx %arg6[%and3A_694] : memref<16384xf32, #tpu.memory_space<vmem>>[vector<16xi32>], vector<16xf32>,
        %broadcast_in_dim3A_696 = arith.constant 0 : i32
        %broadcast_in_dim3A_697 = vector.broadcast %broadcast_in_dim3A_696 : i32 to vector<16xi32>
        %add3A_698 = vector.broadcast %add3A_689 : i32 to vector<16xi32>
        %add3A_699 = arith.addi %broadcast_in_dim3A_697, %add3A_698 : vector<16xi32>
        %add3A_700 = arith.addi %add3A_699, %iota3A : vector<16xi32>
        %lt3A_701 = arith.cmpi slt, %add3A_700, %scan3A_375 : vector<16xi32>
        %select_n3A_702 = arith.select %lt3A_701, %gather3A_695, %broadcast_in_dim3A_3 : vector<16xi1>, vector<16xf32>
        %mul3A_703 = arith.constant 64 : i32
        %mul3A_704 = arith.muli %while3A_677, %mul3A_703 : i32
        %add3A_705 = arith.constant 16 : i32
        %add3A_706 = arith.addi %mul3A_704, %add3A_705 : i32
        %get3A_707 = arith.index_cast %add3A_706 : i32 to index
        %get3A_708 = tpu.vector_load %arg7[%get3A_707] {strides = array<i32>} : memref<3072xi32, #tpu.memory_space<vmem>>, vector<16xi32>,
        %and3A_709 = arith.constant 16383 : i32
        %and3A_710 = vector.broadcast %and3A_709 : i32 to vector<16xi32>
        %and3A_711 = arith.andi %get3A_708, %and3A_710 : vector<16xi32>
        %gather3A_712 = tpu.vector_load_idx %arg6[%and3A_711] : memref<16384xf32, #tpu.memory_space<vmem>>[vector<16xi32>], vector<16xf32>,
        %broadcast_in_dim3A_713 = arith.constant 0 : i32
        %broadcast_in_dim3A_714 = vector.broadcast %broadcast_in_dim3A_713 : i32 to vector<16xi32>
        %add3A_715 = vector.broadcast %add3A_706 : i32 to vector<16xi32>
        %add3A_716 = arith.addi %broadcast_in_dim3A_714, %add3A_715 : vector<16xi32>
        %add3A_717 = arith.addi %add3A_716, %iota3A : vector<16xi32>
        %lt3A_718 = arith.cmpi slt, %add3A_717, %scan3A_375 : vector<16xi32>
        %select_n3A_719 = arith.select %lt3A_718, %gather3A_712, %broadcast_in_dim3A_3 : vector<16xi1>, vector<16xf32>
        %mul3A_720 = arith.constant 64 : i32
        %mul3A_721 = arith.muli %while3A_677, %mul3A_720 : i32
        %add3A_722 = arith.constant 32 : i32
        %add3A_723 = arith.addi %mul3A_721, %add3A_722 : i32
        %get3A_724 = arith.index_cast %add3A_723 : i32 to index
        %get3A_725 = tpu.vector_load %arg7[%get3A_724] {strides = array<i32>} : memref<3072xi32, #tpu.memory_space<vmem>>, vector<16xi32>,
        %and3A_726 = arith.constant 16383 : i32
        %and3A_727 = vector.broadcast %and3A_726 : i32 to vector<16xi32>
        %and3A_728 = arith.andi %get3A_725, %and3A_727 : vector<16xi32>
        %gather3A_729 = tpu.vector_load_idx %arg6[%and3A_728] : memref<16384xf32, #tpu.memory_space<vmem>>[vector<16xi32>], vector<16xf32>,
        %broadcast_in_dim3A_730 = arith.constant 0 : i32
        %broadcast_in_dim3A_731 = vector.broadcast %broadcast_in_dim3A_730 : i32 to vector<16xi32>
        %add3A_732 = vector.broadcast %add3A_723 : i32 to vector<16xi32>
        %add3A_733 = arith.addi %broadcast_in_dim3A_731, %add3A_732 : vector<16xi32>
        %add3A_734 = arith.addi %add3A_733, %iota3A : vector<16xi32>
        %lt3A_735 = arith.cmpi slt, %add3A_734, %scan3A_375 : vector<16xi32>
        %select_n3A_736 = arith.select %lt3A_735, %gather3A_729, %broadcast_in_dim3A_3 : vector<16xi1>, vector<16xf32>
        %mul3A_737 = arith.constant 64 : i32
        %mul3A_738 = arith.muli %while3A_677, %mul3A_737 : i32
        %add3A_739 = arith.constant 48 : i32
        %add3A_740 = arith.addi %mul3A_738, %add3A_739 : i32
        %get3A_741 = arith.index_cast %add3A_740 : i32 to index
        %get3A_742 = tpu.vector_load %arg7[%get3A_741] {strides = array<i32>} : memref<3072xi32, #tpu.memory_space<vmem>>, vector<16xi32>,
        %and3A_743 = arith.constant 16383 : i32
        %and3A_744 = vector.broadcast %and3A_743 : i32 to vector<16xi32>
        %and3A_745 = arith.andi %get3A_742, %and3A_744 : vector<16xi32>
        %gather3A_746 = tpu.vector_load_idx %arg6[%and3A_745] : memref<16384xf32, #tpu.memory_space<vmem>>[vector<16xi32>], vector<16xf32>,
        %broadcast_in_dim3A_747 = arith.constant 0 : i32
        %broadcast_in_dim3A_748 = vector.broadcast %broadcast_in_dim3A_747 : i32 to vector<16xi32>
        %add3A_749 = vector.broadcast %add3A_740 : i32 to vector<16xi32>
        %add3A_750 = arith.addi %broadcast_in_dim3A_748, %add3A_749 : vector<16xi32>
        %add3A_751 = arith.addi %add3A_750, %iota3A : vector<16xi32>
        %lt3A_752 = arith.cmpi slt, %add3A_751, %scan3A_375 : vector<16xi32>
        %select_n3A_753 = arith.select %lt3A_752, %gather3A_746, %broadcast_in_dim3A_3 : vector<16xi1>, vector<16xf32>
        %masked_sort3A_754 = arith.constant dense<true> : vector<16xi1>
        %masked_sort3A_755, %masked_sort3A_756, %masked_sort3A_757 = tpu.sort %select_n3A_702, %and3A_694 masked %masked_sort3A_754 {descending = true} : (vector<16xf32>, vector<16xi32>, vector<16xi1>) -> (vector<16xi1>, vector<16xf32>, vector<16xi32>)
        %masked_sort3A_758 = arith.constant dense<true> : vector<16xi1>
        %masked_sort3A_759, %masked_sort3A_760, %masked_sort3A_761 = tpu.sort %select_n3A_719, %and3A_711 masked %masked_sort3A_758 {descending = true} : (vector<16xf32>, vector<16xi32>, vector<16xi1>) -> (vector<16xi1>, vector<16xf32>, vector<16xi32>)
        %masked_sort3A_762 = arith.constant dense<true> : vector<16xi1>
        %masked_sort3A_763, %masked_sort3A_764, %masked_sort3A_765 = tpu.sort %select_n3A_736, %and3A_728 masked %masked_sort3A_762 {descending = true} : (vector<16xf32>, vector<16xi32>, vector<16xi1>) -> (vector<16xi1>, vector<16xf32>, vector<16xi32>)
        %masked_sort3A_766 = arith.constant dense<true> : vector<16xi1>
        %masked_sort3A_767, %masked_sort3A_768, %masked_sort3A_769 = tpu.sort %select_n3A_753, %and3A_745 masked %masked_sort3A_766 {descending = true} : (vector<16xf32>, vector<16xi32>, vector<16xi1>) -> (vector<16xi1>, vector<16xf32>, vector<16xi32>)
        %rev3A_770 = arith.constant 15 : i32
        %rev3A_771 = vector.broadcast %rev3A_770 : i32 to vector<16xi32>
        %rev3A_772 = tpu.iota {dimensions = array<i32: 0>} : vector<16xi32>
        %rev3A_773 = arith.subi %rev3A_771, %rev3A_772 : vector<16xi32>
        %rev3A_774 = tpu.dynamic_gather %masked_sort3A_760[%rev3A_773] in [0] : vector<16xf32>, vector<16xi32> -> vector<16xf32>
        %rev3A_775 = arith.constant 15 : i32
        %rev3A_776 = vector.broadcast %rev3A_775 : i32 to vector<16xi32>
        %rev3A_777 = tpu.iota {dimensions = array<i32: 0>} : vector<16xi32>
        %rev3A_778 = arith.subi %rev3A_776, %rev3A_777 : vector<16xi32>
        %rev3A_779 = tpu.dynamic_gather %masked_sort3A_761[%rev3A_778] in [0] : vector<16xi32>, vector<16xi32> -> vector<16xi32>
        %ge3A_780 = arith.cmpf oge, %masked_sort3A_756, %rev3A_774 : vector<16xf32>
        %select_n3A_781 = arith.select %ge3A_780, %masked_sort3A_756, %rev3A_774 : vector<16xi1>, vector<16xf32>
        %select_n3A_782 = arith.select %ge3A_780, %masked_sort3A_757, %rev3A_779 : vector<16xi1>, vector<16xi32>
        %select_n3A_783 = arith.select %ge3A_780, %rev3A_774, %masked_sort3A_756 : vector<16xi1>, vector<16xf32>
        %select_n3A_784 = arith.select %ge3A_780, %rev3A_779, %masked_sort3A_757 : vector<16xi1>, vector<16xi32>
        %masked_sort3A_785 = arith.constant dense<true> : vector<16xi1>
        %masked_sort3A_786, %masked_sort3A_787, %masked_sort3A_788 = tpu.sort %select_n3A_781, %select_n3A_782 masked %masked_sort3A_785 {descending = true} : (vector<16xf32>, vector<16xi32>, vector<16xi1>) -> (vector<16xi1>, vector<16xf32>, vector<16xi32>)
        %masked_sort3A_789 = arith.constant dense<true> : vector<16xi1>
        %masked_sort3A_790, %masked_sort3A_791, %masked_sort3A_792 = tpu.sort %select_n3A_783, %select_n3A_784 masked %masked_sort3A_789 {descending = true} : (vector<16xf32>, vector<16xi32>, vector<16xi1>) -> (vector<16xi1>, vector<16xf32>, vector<16xi32>)
        %rev3A_793 = arith.constant 15 : i32
        %rev3A_794 = vector.broadcast %rev3A_793 : i32 to vector<16xi32>
        %rev3A_795 = tpu.iota {dimensions = array<i32: 0>} : vector<16xi32>
        %rev3A_796 = arith.subi %rev3A_794, %rev3A_795 : vector<16xi32>
        %rev3A_797 = tpu.dynamic_gather %masked_sort3A_768[%rev3A_796] in [0] : vector<16xf32>, vector<16xi32> -> vector<16xf32>
        %rev3A_798 = arith.constant 15 : i32
        %rev3A_799 = vector.broadcast %rev3A_798 : i32 to vector<16xi32>
        %rev3A_800 = tpu.iota {dimensions = array<i32: 0>} : vector<16xi32>
        %rev3A_801 = arith.subi %rev3A_799, %rev3A_800 : vector<16xi32>
        %rev3A_802 = tpu.dynamic_gather %masked_sort3A_769[%rev3A_801] in [0] : vector<16xi32>, vector<16xi32> -> vector<16xi32>
        %ge3A_803 = arith.cmpf oge, %masked_sort3A_764, %rev3A_797 : vector<16xf32>
        %select_n3A_804 = arith.select %ge3A_803, %masked_sort3A_764, %rev3A_797 : vector<16xi1>, vector<16xf32>
        %select_n3A_805 = arith.select %ge3A_803, %masked_sort3A_765, %rev3A_802 : vector<16xi1>, vector<16xi32>
        %select_n3A_806 = arith.select %ge3A_803, %rev3A_797, %masked_sort3A_764 : vector<16xi1>, vector<16xf32>
        %select_n3A_807 = arith.select %ge3A_803, %rev3A_802, %masked_sort3A_765 : vector<16xi1>, vector<16xi32>
        %masked_sort3A_808 = arith.constant dense<true> : vector<16xi1>
        %masked_sort3A_809, %masked_sort3A_810, %masked_sort3A_811 = tpu.sort %select_n3A_804, %select_n3A_805 masked %masked_sort3A_808 {descending = true} : (vector<16xf32>, vector<16xi32>, vector<16xi1>) -> (vector<16xi1>, vector<16xf32>, vector<16xi32>)
        %masked_sort3A_812 = arith.constant dense<true> : vector<16xi1>
        %masked_sort3A_813, %masked_sort3A_814, %masked_sort3A_815 = tpu.sort %select_n3A_806, %select_n3A_807 masked %masked_sort3A_812 {descending = true} : (vector<16xf32>, vector<16xi32>, vector<16xi1>) -> (vector<16xi1>, vector<16xf32>, vector<16xi32>)
        %rev3A_816 = arith.constant 15 : i32
        %rev3A_817 = vector.broadcast %rev3A_816 : i32 to vector<16xi32>
        %rev3A_818 = tpu.iota {dimensions = array<i32: 0>} : vector<16xi32>
        %rev3A_819 = arith.subi %rev3A_817, %rev3A_818 : vector<16xi32>
        %rev3A_820 = tpu.dynamic_gather %masked_sort3A_814[%rev3A_819] in [0] : vector<16xf32>, vector<16xi32> -> vector<16xf32>
        %rev3A_821 = arith.constant 15 : i32
        %rev3A_822 = vector.broadcast %rev3A_821 : i32 to vector<16xi32>
        %rev3A_823 = tpu.iota {dimensions = array<i32: 0>} : vector<16xi32>
        %rev3A_824 = arith.subi %rev3A_822, %rev3A_823 : vector<16xi32>
        %rev3A_825 = tpu.dynamic_gather %masked_sort3A_815[%rev3A_824] in [0] : vector<16xi32>, vector<16xi32> -> vector<16xi32>
        %ge3A_826 = arith.cmpf oge, %masked_sort3A_787, %rev3A_820 : vector<16xf32>
        %select_n3A_827 = arith.select %ge3A_826, %masked_sort3A_787, %rev3A_820 : vector<16xi1>, vector<16xf32>
        %select_n3A_828 = arith.select %ge3A_826, %masked_sort3A_788, %rev3A_825 : vector<16xi1>, vector<16xi32>
        %select_n3A_829 = arith.select %ge3A_826, %rev3A_820, %masked_sort3A_787 : vector<16xi1>, vector<16xf32>
        %select_n3A_830 = arith.select %ge3A_826, %rev3A_825, %masked_sort3A_788 : vector<16xi1>, vector<16xi32>
        %rev3A_831 = arith.constant 15 : i32
        %rev3A_832 = vector.broadcast %rev3A_831 : i32 to vector<16xi32>
        %rev3A_833 = tpu.iota {dimensions = array<i32: 0>} : vector<16xi32>
        %rev3A_834 = arith.subi %rev3A_832, %rev3A_833 : vector<16xi32>
        %rev3A_835 = tpu.dynamic_gather %masked_sort3A_810[%rev3A_834] in [0] : vector<16xf32>, vector<16xi32> -> vector<16xf32>
        %rev3A_836 = arith.constant 15 : i32
        %rev3A_837 = vector.broadcast %rev3A_836 : i32 to vector<16xi32>
        %rev3A_838 = tpu.iota {dimensions = array<i32: 0>} : vector<16xi32>
        %rev3A_839 = arith.subi %rev3A_837, %rev3A_838 : vector<16xi32>
        %rev3A_840 = tpu.dynamic_gather %masked_sort3A_811[%rev3A_839] in [0] : vector<16xi32>, vector<16xi32> -> vector<16xi32>
        %ge3A_841 = arith.cmpf oge, %masked_sort3A_791, %rev3A_835 : vector<16xf32>
        %select_n3A_842 = arith.select %ge3A_841, %masked_sort3A_791, %rev3A_835 : vector<16xi1>, vector<16xf32>
        %select_n3A_843 = arith.select %ge3A_841, %masked_sort3A_792, %rev3A_840 : vector<16xi1>, vector<16xi32>
        %select_n3A_844 = arith.select %ge3A_841, %rev3A_835, %masked_sort3A_791 : vector<16xi1>, vector<16xf32>
        %select_n3A_845 = arith.select %ge3A_841, %rev3A_840, %masked_sort3A_792 : vector<16xi1>, vector<16xi32>
        %ge3A_846 = arith.cmpf oge, %select_n3A_827, %select_n3A_842 : vector<16xf32>
        %select_n3A_847 = arith.select %ge3A_846, %select_n3A_827, %select_n3A_842 : vector<16xi1>, vector<16xf32>
        %select_n3A_848 = arith.select %ge3A_846, %select_n3A_828, %select_n3A_843 : vector<16xi1>, vector<16xi32>
        %select_n3A_849 = arith.select %ge3A_846, %select_n3A_842, %select_n3A_827 : vector<16xi1>, vector<16xf32>
        %select_n3A_850 = arith.select %ge3A_846, %select_n3A_843, %select_n3A_828 : vector<16xi1>, vector<16xi32>
        %masked_sort3A_851 = arith.constant dense<true> : vector<16xi1>
        %masked_sort3A_852, %masked_sort3A_853, %masked_sort3A_854 = tpu.sort %select_n3A_847, %select_n3A_848 masked %masked_sort3A_851 {descending = true} : (vector<16xf32>, vector<16xi32>, vector<16xi1>) -> (vector<16xi1>, vector<16xf32>, vector<16xi32>)
        %masked_sort3A_855 = arith.constant dense<true> : vector<16xi1>
        %masked_sort3A_856, %masked_sort3A_857, %masked_sort3A_858 = tpu.sort %select_n3A_849, %select_n3A_850 masked %masked_sort3A_855 {descending = true} : (vector<16xf32>, vector<16xi32>, vector<16xi1>) -> (vector<16xi1>, vector<16xf32>, vector<16xi32>)
        %ge3A_859 = arith.cmpf oge, %select_n3A_829, %select_n3A_844 : vector<16xf32>
        %select_n3A_860 = arith.select %ge3A_859, %select_n3A_829, %select_n3A_844 : vector<16xi1>, vector<16xf32>
        %select_n3A_861 = arith.select %ge3A_859, %select_n3A_830, %select_n3A_845 : vector<16xi1>, vector<16xi32>
        %select_n3A_862 = arith.select %ge3A_859, %select_n3A_844, %select_n3A_829 : vector<16xi1>, vector<16xf32>
        %select_n3A_863 = arith.select %ge3A_859, %select_n3A_845, %select_n3A_830 : vector<16xi1>, vector<16xi32>
        %masked_sort3A_864 = arith.constant dense<true> : vector<16xi1>
        %masked_sort3A_865, %masked_sort3A_866, %masked_sort3A_867 = tpu.sort %select_n3A_860, %select_n3A_861 masked %masked_sort3A_864 {descending = true} : (vector<16xf32>, vector<16xi32>, vector<16xi1>) -> (vector<16xi1>, vector<16xf32>, vector<16xi32>)
        %masked_sort3A_868 = arith.constant dense<true> : vector<16xi1>
        %masked_sort3A_869, %masked_sort3A_870, %masked_sort3A_871 = tpu.sort %select_n3A_862, %select_n3A_863 masked %masked_sort3A_868 {descending = true} : (vector<16xf32>, vector<16xi32>, vector<16xi1>) -> (vector<16xi1>, vector<16xf32>, vector<16xi32>)
        %rev3A_872 = arith.constant 15 : i32
        %rev3A_873 = vector.broadcast %rev3A_872 : i32 to vector<16xi32>
        %rev3A_874 = tpu.iota {dimensions = array<i32: 0>} : vector<16xi32>
        %rev3A_875 = arith.subi %rev3A_873, %rev3A_874 : vector<16xi32>
        %rev3A_876 = tpu.dynamic_gather %masked_sort3A_870[%rev3A_875] in [0] : vector<16xf32>, vector<16xi32> -> vector<16xf32>
        %rev3A_877 = arith.constant 15 : i32
        %rev3A_878 = vector.broadcast %rev3A_877 : i32 to vector<16xi32>
        %rev3A_879 = tpu.iota {dimensions = array<i32: 0>} : vector<16xi32>
        %rev3A_880 = arith.subi %rev3A_878, %rev3A_879 : vector<16xi32>
        %rev3A_881 = tpu.dynamic_gather %masked_sort3A_871[%rev3A_880] in [0] : vector<16xi32>, vector<16xi32> -> vector<16xi32>
        %ge3A_882 = arith.cmpf oge, %while3A_678, %rev3A_876 : vector<16xf32>
        %select_n3A_883 = arith.select %ge3A_882, %while3A_678, %rev3A_876 : vector<16xi1>, vector<16xf32>
        %select_n3A_884 = arith.select %ge3A_882, %while3A_682, %rev3A_881 : vector<16xi1>, vector<16xi32>
        %select_n3A_885 = arith.select %ge3A_882, %rev3A_876, %while3A_678 : vector<16xi1>, vector<16xf32>
        %select_n3A_886 = arith.select %ge3A_882, %rev3A_881, %while3A_682 : vector<16xi1>, vector<16xi32>
        %rev3A_887 = arith.constant 15 : i32
        %rev3A_888 = vector.broadcast %rev3A_887 : i32 to vector<16xi32>
        %rev3A_889 = tpu.iota {dimensions = array<i32: 0>} : vector<16xi32>
        %rev3A_890 = arith.subi %rev3A_888, %rev3A_889 : vector<16xi32>
        %rev3A_891 = tpu.dynamic_gather %masked_sort3A_866[%rev3A_890] in [0] : vector<16xf32>, vector<16xi32> -> vector<16xf32>
        %rev3A_892 = arith.constant 15 : i32
        %rev3A_893 = vector.broadcast %rev3A_892 : i32 to vector<16xi32>
        %rev3A_894 = tpu.iota {dimensions = array<i32: 0>} : vector<16xi32>
        %rev3A_895 = arith.subi %rev3A_893, %rev3A_894 : vector<16xi32>
        %rev3A_896 = tpu.dynamic_gather %masked_sort3A_867[%rev3A_895] in [0] : vector<16xi32>, vector<16xi32> -> vector<16xi32>
        %ge3A_897 = arith.cmpf oge, %while3A_679, %rev3A_891 : vector<16xf32>
        %select_n3A_898 = arith.select %ge3A_897, %while3A_679, %rev3A_891 : vector<16xi1>, vector<16xf32>
        %select_n3A_899 = arith.select %ge3A_897, %while3A_683, %rev3A_896 : vector<16xi1>, vector<16xi32>
        %select_n3A_900 = arith.select %ge3A_897, %rev3A_891, %while3A_679 : vector<16xi1>, vector<16xf32>
        %select_n3A_901 = arith.select %ge3A_897, %rev3A_896, %while3A_683 : vector<16xi1>, vector<16xi32>
        %rev3A_902 = arith.constant 15 : i32
        %rev3A_903 = vector.broadcast %rev3A_902 : i32 to vector<16xi32>
        %rev3A_904 = tpu.iota {dimensions = array<i32: 0>} : vector<16xi32>
        %rev3A_905 = arith.subi %rev3A_903, %rev3A_904 : vector<16xi32>
        %rev3A_906 = tpu.dynamic_gather %masked_sort3A_857[%rev3A_905] in [0] : vector<16xf32>, vector<16xi32> -> vector<16xf32>
        %rev3A_907 = arith.constant 15 : i32
        %rev3A_908 = vector.broadcast %rev3A_907 : i32 to vector<16xi32>
        %rev3A_909 = tpu.iota {dimensions = array<i32: 0>} : vector<16xi32>
        %rev3A_910 = arith.subi %rev3A_908, %rev3A_909 : vector<16xi32>
        %rev3A_911 = tpu.dynamic_gather %masked_sort3A_858[%rev3A_910] in [0] : vector<16xi32>, vector<16xi32> -> vector<16xi32>
        %ge3A_912 = arith.cmpf oge, %while3A_680, %rev3A_906 : vector<16xf32>
        %select_n3A_913 = arith.select %ge3A_912, %while3A_680, %rev3A_906 : vector<16xi1>, vector<16xf32>
        %select_n3A_914 = arith.select %ge3A_912, %while3A_684, %rev3A_911 : vector<16xi1>, vector<16xi32>
        %select_n3A_915 = arith.select %ge3A_912, %rev3A_906, %while3A_680 : vector<16xi1>, vector<16xf32>
        %select_n3A_916 = arith.select %ge3A_912, %rev3A_911, %while3A_684 : vector<16xi1>, vector<16xi32>
        %rev3A_917 = arith.constant 15 : i32
        %rev3A_918 = vector.broadcast %rev3A_917 : i32 to vector<16xi32>
        %rev3A_919 = tpu.iota {dimensions = array<i32: 0>} : vector<16xi32>
        %rev3A_920 = arith.subi %rev3A_918, %rev3A_919 : vector<16xi32>
        %rev3A_921 = tpu.dynamic_gather %masked_sort3A_853[%rev3A_920] in [0] : vector<16xf32>, vector<16xi32> -> vector<16xf32>
        %rev3A_922 = arith.constant 15 : i32
        %rev3A_923 = vector.broadcast %rev3A_922 : i32 to vector<16xi32>
        %rev3A_924 = tpu.iota {dimensions = array<i32: 0>} : vector<16xi32>
        %rev3A_925 = arith.subi %rev3A_923, %rev3A_924 : vector<16xi32>
        %rev3A_926 = tpu.dynamic_gather %masked_sort3A_854[%rev3A_925] in [0] : vector<16xi32>, vector<16xi32> -> vector<16xi32>
        %ge3A_927 = arith.cmpf oge, %while3A_681, %rev3A_921 : vector<16xf32>
        %select_n3A_928 = arith.select %ge3A_927, %while3A_681, %rev3A_921 : vector<16xi1>, vector<16xf32>
        %select_n3A_929 = arith.select %ge3A_927, %while3A_685, %rev3A_926 : vector<16xi1>, vector<16xi32>
        %select_n3A_930 = arith.select %ge3A_927, %rev3A_921, %while3A_681 : vector<16xi1>, vector<16xf32>
        %select_n3A_931 = arith.select %ge3A_927, %rev3A_926, %while3A_685 : vector<16xi1>, vector<16xi32>
        %ge3A_932 = arith.cmpf oge, %select_n3A_883, %select_n3A_913 : vector<16xf32>
        %select_n3A_933 = arith.select %ge3A_932, %select_n3A_883, %select_n3A_913 : vector<16xi1>, vector<16xf32>
        %select_n3A_934 = arith.select %ge3A_932, %select_n3A_884, %select_n3A_914 : vector<16xi1>, vector<16xi32>
        %select_n3A_935 = arith.select %ge3A_932, %select_n3A_913, %select_n3A_883 : vector<16xi1>, vector<16xf32>
        %select_n3A_936 = arith.select %ge3A_932, %select_n3A_914, %select_n3A_884 : vector<16xi1>, vector<16xi32>
        %ge3A_937 = arith.cmpf oge, %select_n3A_898, %select_n3A_928 : vector<16xf32>
        %select_n3A_938 = arith.select %ge3A_937, %select_n3A_898, %select_n3A_928 : vector<16xi1>, vector<16xf32>
        %select_n3A_939 = arith.select %ge3A_937, %select_n3A_899, %select_n3A_929 : vector<16xi1>, vector<16xi32>
        %select_n3A_940 = arith.select %ge3A_937, %select_n3A_928, %select_n3A_898 : vector<16xi1>, vector<16xf32>
        %select_n3A_941 = arith.select %ge3A_937, %select_n3A_929, %select_n3A_899 : vector<16xi1>, vector<16xi32>
        %ge3A_942 = arith.cmpf oge, %select_n3A_933, %select_n3A_938 : vector<16xf32>
        %select_n3A_943 = arith.select %ge3A_942, %select_n3A_933, %select_n3A_938 : vector<16xi1>, vector<16xf32>
        %select_n3A_944 = arith.select %ge3A_942, %select_n3A_934, %select_n3A_939 : vector<16xi1>, vector<16xi32>
        %select_n3A_945 = arith.select %ge3A_942, %select_n3A_938, %select_n3A_933 : vector<16xi1>, vector<16xf32>
        %select_n3A_946 = arith.select %ge3A_942, %select_n3A_939, %select_n3A_934 : vector<16xi1>, vector<16xi32>
        %masked_sort3A_947 = arith.constant dense<true> : vector<16xi1>
        %masked_sort3A_948, %masked_sort3A_949, %masked_sort3A_950 = tpu.sort %select_n3A_943, %select_n3A_944 masked %masked_sort3A_947 {descending = true} : (vector<16xf32>, vector<16xi32>, vector<16xi1>) -> (vector<16xi1>, vector<16xf32>, vector<16xi32>)
        %masked_sort3A_951 = arith.constant dense<true> : vector<16xi1>
        %masked_sort3A_952, %masked_sort3A_953, %masked_sort3A_954 = tpu.sort %select_n3A_945, %select_n3A_946 masked %masked_sort3A_951 {descending = true} : (vector<16xf32>, vector<16xi32>, vector<16xi1>) -> (vector<16xi1>, vector<16xf32>, vector<16xi32>)
        %ge3A_955 = arith.cmpf oge, %select_n3A_935, %select_n3A_940 : vector<16xf32>
        %select_n3A_956 = arith.select %ge3A_955, %select_n3A_935, %select_n3A_940 : vector<16xi1>, vector<16xf32>
        %select_n3A_957 = arith.select %ge3A_955, %select_n3A_936, %select_n3A_941 : vector<16xi1>, vector<16xi32>
        %select_n3A_958 = arith.select %ge3A_955, %select_n3A_940, %select_n3A_935 : vector<16xi1>, vector<16xf32>
        %select_n3A_959 = arith.select %ge3A_955, %select_n3A_941, %select_n3A_936 : vector<16xi1>, vector<16xi32>
        %masked_sort3A_960 = arith.constant dense<true> : vector<16xi1>
        %masked_sort3A_961, %masked_sort3A_962, %masked_sort3A_963 = tpu.sort %select_n3A_956, %select_n3A_957 masked %masked_sort3A_960 {descending = true} : (vector<16xf32>, vector<16xi32>, vector<16xi1>) -> (vector<16xi1>, vector<16xf32>, vector<16xi32>)
        %masked_sort3A_964 = arith.constant dense<true> : vector<16xi1>
        %masked_sort3A_965, %masked_sort3A_966, %masked_sort3A_967 = tpu.sort %select_n3A_958, %select_n3A_959 masked %masked_sort3A_964 {descending = true} : (vector<16xf32>, vector<16xi32>, vector<16xi1>) -> (vector<16xi1>, vector<16xf32>, vector<16xi32>)
        scf.yield %masked_sort3A_949, %masked_sort3A_953, %masked_sort3A_962, %masked_sort3A_966, %masked_sort3A_950, %masked_sort3A_954, %masked_sort3A_963, %masked_sort3A_967 : vector<16xf32>, vector<16xf32>, vector<16xf32>, vector<16xf32>, vector<16xi32>, vector<16xi32>, vector<16xi32>, vector<16xi32>
      }
      %while3A_635 = arith.constant 1 : i32
      %while3A_636:8 = scf.for %while3A_677 = %while3A_632 to %while3A_628 step %while3A_635 iter_args(%while3A_678 = %while3A_634#0, %while3A_679 = %while3A_634#1, %while3A_680 = %while3A_634#2, %while3A_681 = %while3A_634#3, %while3A_682 = %while3A_634#4, %while3A_683 = %while3A_634#5, %while3A_684 = %while3A_634#6, %while3A_685 = %while3A_634#7) -> (vector<16xf32>, vector<16xf32>, vector<16xf32>, vector<16xf32>, vector<16xi32>, vector<16xi32>, vector<16xi32>, vector<16xi32>)  : i32 {
        %mul3A_686 = arith.constant 64 : i32
        %mul3A_687 = arith.muli %while3A_677, %mul3A_686 : i32
        %add3A_688 = arith.constant 0 : i32
        %add3A_689 = arith.addi %mul3A_687, %add3A_688 : i32
        %get3A_690 = arith.index_cast %add3A_689 : i32 to index
        %get3A_691 = tpu.vector_load %arg7[%get3A_690] {strides = array<i32>} : memref<3072xi32, #tpu.memory_space<vmem>>, vector<16xi32>,
        %and3A_692 = arith.constant 16383 : i32
        %and3A_693 = vector.broadcast %and3A_692 : i32 to vector<16xi32>
        %and3A_694 = arith.andi %get3A_691, %and3A_693 : vector<16xi32>
        %gather3A_695 = tpu.vector_load_idx %arg6[%and3A_694] : memref<16384xf32, #tpu.memory_space<vmem>>[vector<16xi32>], vector<16xf32>,
        %broadcast_in_dim3A_696 = arith.constant 0 : i32
        %broadcast_in_dim3A_697 = vector.broadcast %broadcast_in_dim3A_696 : i32 to vector<16xi32>
        %add3A_698 = vector.broadcast %add3A_689 : i32 to vector<16xi32>
        %add3A_699 = arith.addi %broadcast_in_dim3A_697, %add3A_698 : vector<16xi32>
        %add3A_700 = arith.addi %add3A_699, %iota3A : vector<16xi32>
        %lt3A_701 = arith.cmpi slt, %add3A_700, %scan3A_375 : vector<16xi32>
        %select_n3A_702 = arith.select %lt3A_701, %gather3A_695, %broadcast_in_dim3A_3 : vector<16xi1>, vector<16xf32>
        %mul3A_703 = arith.constant 64 : i32
        %mul3A_704 = arith.muli %while3A_677, %mul3A_703 : i32
        %add3A_705 = arith.constant 16 : i32
        %add3A_706 = arith.addi %mul3A_704, %add3A_705 : i32
        %get3A_707 = arith.index_cast %add3A_706 : i32 to index
        %get3A_708 = tpu.vector_load %arg7[%get3A_707] {strides = array<i32>} : memref<3072xi32, #tpu.memory_space<vmem>>, vector<16xi32>,
        %and3A_709 = arith.constant 16383 : i32
        %and3A_710 = vector.broadcast %and3A_709 : i32 to vector<16xi32>
        %and3A_711 = arith.andi %get3A_708, %and3A_710 : vector<16xi32>
        %gather3A_712 = tpu.vector_load_idx %arg6[%and3A_711] : memref<16384xf32, #tpu.memory_space<vmem>>[vector<16xi32>], vector<16xf32>,
        %broadcast_in_dim3A_713 = arith.constant 0 : i32
        %broadcast_in_dim3A_714 = vector.broadcast %broadcast_in_dim3A_713 : i32 to vector<16xi32>
        %add3A_715 = vector.broadcast %add3A_706 : i32 to vector<16xi32>
        %add3A_716 = arith.addi %broadcast_in_dim3A_714, %add3A_715 : vector<16xi32>
        %add3A_717 = arith.addi %add3A_716, %iota3A : vector<16xi32>
        %lt3A_718 = arith.cmpi slt, %add3A_717, %scan3A_375 : vector<16xi32>
        %select_n3A_719 = arith.select %lt3A_718, %gather3A_712, %broadcast_in_dim3A_3 : vector<16xi1>, vector<16xf32>
        %mul3A_720 = arith.constant 64 : i32
        %mul3A_721 = arith.muli %while3A_677, %mul3A_720 : i32
        %add3A_722 = arith.constant 32 : i32
        %add3A_723 = arith.addi %mul3A_721, %add3A_722 : i32
        %get3A_724 = arith.index_cast %add3A_723 : i32 to index
        %get3A_725 = tpu.vector_load %arg7[%get3A_724] {strides = array<i32>} : memref<3072xi32, #tpu.memory_space<vmem>>, vector<16xi32>,
        %and3A_726 = arith.constant 16383 : i32
        %and3A_727 = vector.broadcast %and3A_726 : i32 to vector<16xi32>
        %and3A_728 = arith.andi %get3A_725, %and3A_727 : vector<16xi32>
        %gather3A_729 = tpu.vector_load_idx %arg6[%and3A_728] : memref<16384xf32, #tpu.memory_space<vmem>>[vector<16xi32>], vector<16xf32>,
        %broadcast_in_dim3A_730 = arith.constant 0 : i32
        %broadcast_in_dim3A_731 = vector.broadcast %broadcast_in_dim3A_730 : i32 to vector<16xi32>
        %add3A_732 = vector.broadcast %add3A_723 : i32 to vector<16xi32>
        %add3A_733 = arith.addi %broadcast_in_dim3A_731, %add3A_732 : vector<16xi32>
        %add3A_734 = arith.addi %add3A_733, %iota3A : vector<16xi32>
        %lt3A_735 = arith.cmpi slt, %add3A_734, %scan3A_375 : vector<16xi32>
        %select_n3A_736 = arith.select %lt3A_735, %gather3A_729, %broadcast_in_dim3A_3 : vector<16xi1>, vector<16xf32>
        %mul3A_737 = arith.constant 64 : i32
        %mul3A_738 = arith.muli %while3A_677, %mul3A_737 : i32
        %add3A_739 = arith.constant 48 : i32
        %add3A_740 = arith.addi %mul3A_738, %add3A_739 : i32
        %get3A_741 = arith.index_cast %add3A_740 : i32 to index
        %get3A_742 = tpu.vector_load %arg7[%get3A_741] {strides = array<i32>} : memref<3072xi32, #tpu.memory_space<vmem>>, vector<16xi32>,
        %and3A_743 = arith.constant 16383 : i32
        %and3A_744 = vector.broadcast %and3A_743 : i32 to vector<16xi32>
        %and3A_745 = arith.andi %get3A_742, %and3A_744 : vector<16xi32>
        %gather3A_746 = tpu.vector_load_idx %arg6[%and3A_745] : memref<16384xf32, #tpu.memory_space<vmem>>[vector<16xi32>], vector<16xf32>,
        %broadcast_in_dim3A_747 = arith.constant 0 : i32
        %broadcast_in_dim3A_748 = vector.broadcast %broadcast_in_dim3A_747 : i32 to vector<16xi32>
        %add3A_749 = vector.broadcast %add3A_740 : i32 to vector<16xi32>
        %add3A_750 = arith.addi %broadcast_in_dim3A_748, %add3A_749 : vector<16xi32>
        %add3A_751 = arith.addi %add3A_750, %iota3A : vector<16xi32>
        %lt3A_752 = arith.cmpi slt, %add3A_751, %scan3A_375 : vector<16xi32>
        %select_n3A_753 = arith.select %lt3A_752, %gather3A_746, %broadcast_in_dim3A_3 : vector<16xi1>, vector<16xf32>
        %masked_sort3A_754 = arith.constant dense<true> : vector<16xi1>
        %masked_sort3A_755, %masked_sort3A_756, %masked_sort3A_757 = tpu.sort %select_n3A_702, %and3A_694 masked %masked_sort3A_754 {descending = true} : (vector<16xf32>, vector<16xi32>, vector<16xi1>) -> (vector<16xi1>, vector<16xf32>, vector<16xi32>)
        %masked_sort3A_758 = arith.constant dense<true> : vector<16xi1>
        %masked_sort3A_759, %masked_sort3A_760, %masked_sort3A_761 = tpu.sort %select_n3A_719, %and3A_711 masked %masked_sort3A_758 {descending = true} : (vector<16xf32>, vector<16xi32>, vector<16xi1>) -> (vector<16xi1>, vector<16xf32>, vector<16xi32>)
        %masked_sort3A_762 = arith.constant dense<true> : vector<16xi1>
        %masked_sort3A_763, %masked_sort3A_764, %masked_sort3A_765 = tpu.sort %select_n3A_736, %and3A_728 masked %masked_sort3A_762 {descending = true} : (vector<16xf32>, vector<16xi32>, vector<16xi1>) -> (vector<16xi1>, vector<16xf32>, vector<16xi32>)
        %masked_sort3A_766 = arith.constant dense<true> : vector<16xi1>
        %masked_sort3A_767, %masked_sort3A_768, %masked_sort3A_769 = tpu.sort %select_n3A_753, %and3A_745 masked %masked_sort3A_766 {descending = true} : (vector<16xf32>, vector<16xi32>, vector<16xi1>) -> (vector<16xi1>, vector<16xf32>, vector<16xi32>)
        %rev3A_770 = arith.constant 15 : i32
        %rev3A_771 = vector.broadcast %rev3A_770 : i32 to vector<16xi32>
        %rev3A_772 = tpu.iota {dimensions = array<i32: 0>} : vector<16xi32>
        %rev3A_773 = arith.subi %rev3A_771, %rev3A_772 : vector<16xi32>
        %rev3A_774 = tpu.dynamic_gather %masked_sort3A_760[%rev3A_773] in [0] : vector<16xf32>, vector<16xi32> -> vector<16xf32>
        %rev3A_775 = arith.constant 15 : i32
        %rev3A_776 = vector.broadcast %rev3A_775 : i32 to vector<16xi32>
        %rev3A_777 = tpu.iota {dimensions = array<i32: 0>} : vector<16xi32>
        %rev3A_778 = arith.subi %rev3A_776, %rev3A_777 : vector<16xi32>
        %rev3A_779 = tpu.dynamic_gather %masked_sort3A_761[%rev3A_778] in [0] : vector<16xi32>, vector<16xi32> -> vector<16xi32>
        %ge3A_780 = arith.cmpf oge, %masked_sort3A_756, %rev3A_774 : vector<16xf32>
        %select_n3A_781 = arith.select %ge3A_780, %masked_sort3A_756, %rev3A_774 : vector<16xi1>, vector<16xf32>
        %select_n3A_782 = arith.select %ge3A_780, %masked_sort3A_757, %rev3A_779 : vector<16xi1>, vector<16xi32>
        %select_n3A_783 = arith.select %ge3A_780, %rev3A_774, %masked_sort3A_756 : vector<16xi1>, vector<16xf32>
        %select_n3A_784 = arith.select %ge3A_780, %rev3A_779, %masked_sort3A_757 : vector<16xi1>, vector<16xi32>
        %masked_sort3A_785 = arith.constant dense<true> : vector<16xi1>
        %masked_sort3A_786, %masked_sort3A_787, %masked_sort3A_788 = tpu.sort %select_n3A_781, %select_n3A_782 masked %masked_sort3A_785 {descending = true} : (vector<16xf32>, vector<16xi32>, vector<16xi1>) -> (vector<16xi1>, vector<16xf32>, vector<16xi32>)
        %masked_sort3A_789 = arith.constant dense<true> : vector<16xi1>
        %masked_sort3A_790, %masked_sort3A_791, %masked_sort3A_792 = tpu.sort %select_n3A_783, %select_n3A_784 masked %masked_sort3A_789 {descending = true} : (vector<16xf32>, vector<16xi32>, vector<16xi1>) -> (vector<16xi1>, vector<16xf32>, vector<16xi32>)
        %rev3A_793 = arith.constant 15 : i32
        %rev3A_794 = vector.broadcast %rev3A_793 : i32 to vector<16xi32>
        %rev3A_795 = tpu.iota {dimensions = array<i32: 0>} : vector<16xi32>
        %rev3A_796 = arith.subi %rev3A_794, %rev3A_795 : vector<16xi32>
        %rev3A_797 = tpu.dynamic_gather %masked_sort3A_768[%rev3A_796] in [0] : vector<16xf32>, vector<16xi32> -> vector<16xf32>
        %rev3A_798 = arith.constant 15 : i32
        %rev3A_799 = vector.broadcast %rev3A_798 : i32 to vector<16xi32>
        %rev3A_800 = tpu.iota {dimensions = array<i32: 0>} : vector<16xi32>
        %rev3A_801 = arith.subi %rev3A_799, %rev3A_800 : vector<16xi32>
        %rev3A_802 = tpu.dynamic_gather %masked_sort3A_769[%rev3A_801] in [0] : vector<16xi32>, vector<16xi32> -> vector<16xi32>
        %ge3A_803 = arith.cmpf oge, %masked_sort3A_764, %rev3A_797 : vector<16xf32>
        %select_n3A_804 = arith.select %ge3A_803, %masked_sort3A_764, %rev3A_797 : vector<16xi1>, vector<16xf32>
        %select_n3A_805 = arith.select %ge3A_803, %masked_sort3A_765, %rev3A_802 : vector<16xi1>, vector<16xi32>
        %select_n3A_806 = arith.select %ge3A_803, %rev3A_797, %masked_sort3A_764 : vector<16xi1>, vector<16xf32>
        %select_n3A_807 = arith.select %ge3A_803, %rev3A_802, %masked_sort3A_765 : vector<16xi1>, vector<16xi32>
        %masked_sort3A_808 = arith.constant dense<true> : vector<16xi1>
        %masked_sort3A_809, %masked_sort3A_810, %masked_sort3A_811 = tpu.sort %select_n3A_804, %select_n3A_805 masked %masked_sort3A_808 {descending = true} : (vector<16xf32>, vector<16xi32>, vector<16xi1>) -> (vector<16xi1>, vector<16xf32>, vector<16xi32>)
        %masked_sort3A_812 = arith.constant dense<true> : vector<16xi1>
        %masked_sort3A_813, %masked_sort3A_814, %masked_sort3A_815 = tpu.sort %select_n3A_806, %select_n3A_807 masked %masked_sort3A_812 {descending = true} : (vector<16xf32>, vector<16xi32>, vector<16xi1>) -> (vector<16xi1>, vector<16xf32>, vector<16xi32>)
        %rev3A_816 = arith.constant 15 : i32
        %rev3A_817 = vector.broadcast %rev3A_816 : i32 to vector<16xi32>
        %rev3A_818 = tpu.iota {dimensions = array<i32: 0>} : vector<16xi32>
        %rev3A_819 = arith.subi %rev3A_817, %rev3A_818 : vector<16xi32>
        %rev3A_820 = tpu.dynamic_gather %masked_sort3A_814[%rev3A_819] in [0] : vector<16xf32>, vector<16xi32> -> vector<16xf32>
        %rev3A_821 = arith.constant 15 : i32
        %rev3A_822 = vector.broadcast %rev3A_821 : i32 to vector<16xi32>
        %rev3A_823 = tpu.iota {dimensions = array<i32: 0>} : vector<16xi32>
        %rev3A_824 = arith.subi %rev3A_822, %rev3A_823 : vector<16xi32>
        %rev3A_825 = tpu.dynamic_gather %masked_sort3A_815[%rev3A_824] in [0] : vector<16xi32>, vector<16xi32> -> vector<16xi32>
        %ge3A_826 = arith.cmpf oge, %masked_sort3A_787, %rev3A_820 : vector<16xf32>
        %select_n3A_827 = arith.select %ge3A_826, %masked_sort3A_787, %rev3A_820 : vector<16xi1>, vector<16xf32>
        %select_n3A_828 = arith.select %ge3A_826, %masked_sort3A_788, %rev3A_825 : vector<16xi1>, vector<16xi32>
        %select_n3A_829 = arith.select %ge3A_826, %rev3A_820, %masked_sort3A_787 : vector<16xi1>, vector<16xf32>
        %select_n3A_830 = arith.select %ge3A_826, %rev3A_825, %masked_sort3A_788 : vector<16xi1>, vector<16xi32>
        %rev3A_831 = arith.constant 15 : i32
        %rev3A_832 = vector.broadcast %rev3A_831 : i32 to vector<16xi32>
        %rev3A_833 = tpu.iota {dimensions = array<i32: 0>} : vector<16xi32>
        %rev3A_834 = arith.subi %rev3A_832, %rev3A_833 : vector<16xi32>
        %rev3A_835 = tpu.dynamic_gather %masked_sort3A_810[%rev3A_834] in [0] : vector<16xf32>, vector<16xi32> -> vector<16xf32>
        %rev3A_836 = arith.constant 15 : i32
        %rev3A_837 = vector.broadcast %rev3A_836 : i32 to vector<16xi32>
        %rev3A_838 = tpu.iota {dimensions = array<i32: 0>} : vector<16xi32>
        %rev3A_839 = arith.subi %rev3A_837, %rev3A_838 : vector<16xi32>
        %rev3A_840 = tpu.dynamic_gather %masked_sort3A_811[%rev3A_839] in [0] : vector<16xi32>, vector<16xi32> -> vector<16xi32>
        %ge3A_841 = arith.cmpf oge, %masked_sort3A_791, %rev3A_835 : vector<16xf32>
        %select_n3A_842 = arith.select %ge3A_841, %masked_sort3A_791, %rev3A_835 : vector<16xi1>, vector<16xf32>
        %select_n3A_843 = arith.select %ge3A_841, %masked_sort3A_792, %rev3A_840 : vector<16xi1>, vector<16xi32>
        %select_n3A_844 = arith.select %ge3A_841, %rev3A_835, %masked_sort3A_791 : vector<16xi1>, vector<16xf32>
        %select_n3A_845 = arith.select %ge3A_841, %rev3A_840, %masked_sort3A_792 : vector<16xi1>, vector<16xi32>
        %ge3A_846 = arith.cmpf oge, %select_n3A_827, %select_n3A_842 : vector<16xf32>
        %select_n3A_847 = arith.select %ge3A_846, %select_n3A_827, %select_n3A_842 : vector<16xi1>, vector<16xf32>
        %select_n3A_848 = arith.select %ge3A_846, %select_n3A_828, %select_n3A_843 : vector<16xi1>, vector<16xi32>
        %select_n3A_849 = arith.select %ge3A_846, %select_n3A_842, %select_n3A_827 : vector<16xi1>, vector<16xf32>
        %select_n3A_850 = arith.select %ge3A_846, %select_n3A_843, %select_n3A_828 : vector<16xi1>, vector<16xi32>
        %masked_sort3A_851 = arith.constant dense<true> : vector<16xi1>
        %masked_sort3A_852, %masked_sort3A_853, %masked_sort3A_854 = tpu.sort %select_n3A_847, %select_n3A_848 masked %masked_sort3A_851 {descending = true} : (vector<16xf32>, vector<16xi32>, vector<16xi1>) -> (vector<16xi1>, vector<16xf32>, vector<16xi32>)
        %masked_sort3A_855 = arith.constant dense<true> : vector<16xi1>
        %masked_sort3A_856, %masked_sort3A_857, %masked_sort3A_858 = tpu.sort %select_n3A_849, %select_n3A_850 masked %masked_sort3A_855 {descending = true} : (vector<16xf32>, vector<16xi32>, vector<16xi1>) -> (vector<16xi1>, vector<16xf32>, vector<16xi32>)
        %ge3A_859 = arith.cmpf oge, %select_n3A_829, %select_n3A_844 : vector<16xf32>
        %select_n3A_860 = arith.select %ge3A_859, %select_n3A_829, %select_n3A_844 : vector<16xi1>, vector<16xf32>
        %select_n3A_861 = arith.select %ge3A_859, %select_n3A_830, %select_n3A_845 : vector<16xi1>, vector<16xi32>
        %select_n3A_862 = arith.select %ge3A_859, %select_n3A_844, %select_n3A_829 : vector<16xi1>, vector<16xf32>
        %select_n3A_863 = arith.select %ge3A_859, %select_n3A_845, %select_n3A_830 : vector<16xi1>, vector<16xi32>
        %masked_sort3A_864 = arith.constant dense<true> : vector<16xi1>
        %masked_sort3A_865, %masked_sort3A_866, %masked_sort3A_867 = tpu.sort %select_n3A_860, %select_n3A_861 masked %masked_sort3A_864 {descending = true} : (vector<16xf32>, vector<16xi32>, vector<16xi1>) -> (vector<16xi1>, vector<16xf32>, vector<16xi32>)
        %masked_sort3A_868 = arith.constant dense<true> : vector<16xi1>
        %masked_sort3A_869, %masked_sort3A_870, %masked_sort3A_871 = tpu.sort %select_n3A_862, %select_n3A_863 masked %masked_sort3A_868 {descending = true} : (vector<16xf32>, vector<16xi32>, vector<16xi1>) -> (vector<16xi1>, vector<16xf32>, vector<16xi32>)
        %rev3A_872 = arith.constant 15 : i32
        %rev3A_873 = vector.broadcast %rev3A_872 : i32 to vector<16xi32>
        %rev3A_874 = tpu.iota {dimensions = array<i32: 0>} : vector<16xi32>
        %rev3A_875 = arith.subi %rev3A_873, %rev3A_874 : vector<16xi32>
        %rev3A_876 = tpu.dynamic_gather %masked_sort3A_870[%rev3A_875] in [0] : vector<16xf32>, vector<16xi32> -> vector<16xf32>
        %rev3A_877 = arith.constant 15 : i32
        %rev3A_878 = vector.broadcast %rev3A_877 : i32 to vector<16xi32>
        %rev3A_879 = tpu.iota {dimensions = array<i32: 0>} : vector<16xi32>
        %rev3A_880 = arith.subi %rev3A_878, %rev3A_879 : vector<16xi32>
        %rev3A_881 = tpu.dynamic_gather %masked_sort3A_871[%rev3A_880] in [0] : vector<16xi32>, vector<16xi32> -> vector<16xi32>
        %ge3A_882 = arith.cmpf oge, %while3A_678, %rev3A_876 : vector<16xf32>
        %select_n3A_883 = arith.select %ge3A_882, %while3A_678, %rev3A_876 : vector<16xi1>, vector<16xf32>
        %select_n3A_884 = arith.select %ge3A_882, %while3A_682, %rev3A_881 : vector<16xi1>, vector<16xi32>
        %select_n3A_885 = arith.select %ge3A_882, %rev3A_876, %while3A_678 : vector<16xi1>, vector<16xf32>
        %select_n3A_886 = arith.select %ge3A_882, %rev3A_881, %while3A_682 : vector<16xi1>, vector<16xi32>
        %rev3A_887 = arith.constant 15 : i32
        %rev3A_888 = vector.broadcast %rev3A_887 : i32 to vector<16xi32>
        %rev3A_889 = tpu.iota {dimensions = array<i32: 0>} : vector<16xi32>
        %rev3A_890 = arith.subi %rev3A_888, %rev3A_889 : vector<16xi32>
        %rev3A_891 = tpu.dynamic_gather %masked_sort3A_866[%rev3A_890] in [0] : vector<16xf32>, vector<16xi32> -> vector<16xf32>
        %rev3A_892 = arith.constant 15 : i32
        %rev3A_893 = vector.broadcast %rev3A_892 : i32 to vector<16xi32>
        %rev3A_894 = tpu.iota {dimensions = array<i32: 0>} : vector<16xi32>
        %rev3A_895 = arith.subi %rev3A_893, %rev3A_894 : vector<16xi32>
        %rev3A_896 = tpu.dynamic_gather %masked_sort3A_867[%rev3A_895] in [0] : vector<16xi32>, vector<16xi32> -> vector<16xi32>
        %ge3A_897 = arith.cmpf oge, %while3A_679, %rev3A_891 : vector<16xf32>
        %select_n3A_898 = arith.select %ge3A_897, %while3A_679, %rev3A_891 : vector<16xi1>, vector<16xf32>
        %select_n3A_899 = arith.select %ge3A_897, %while3A_683, %rev3A_896 : vector<16xi1>, vector<16xi32>
        %select_n3A_900 = arith.select %ge3A_897, %rev3A_891, %while3A_679 : vector<16xi1>, vector<16xf32>
        %select_n3A_901 = arith.select %ge3A_897, %rev3A_896, %while3A_683 : vector<16xi1>, vector<16xi32>
        %rev3A_902 = arith.constant 15 : i32
        %rev3A_903 = vector.broadcast %rev3A_902 : i32 to vector<16xi32>
        %rev3A_904 = tpu.iota {dimensions = array<i32: 0>} : vector<16xi32>
        %rev3A_905 = arith.subi %rev3A_903, %rev3A_904 : vector<16xi32>
        %rev3A_906 = tpu.dynamic_gather %masked_sort3A_857[%rev3A_905] in [0] : vector<16xf32>, vector<16xi32> -> vector<16xf32>
        %rev3A_907 = arith.constant 15 : i32
        %rev3A_908 = vector.broadcast %rev3A_907 : i32 to vector<16xi32>
        %rev3A_909 = tpu.iota {dimensions = array<i32: 0>} : vector<16xi32>
        %rev3A_910 = arith.subi %rev3A_908, %rev3A_909 : vector<16xi32>
        %rev3A_911 = tpu.dynamic_gather %masked_sort3A_858[%rev3A_910] in [0] : vector<16xi32>, vector<16xi32> -> vector<16xi32>
        %ge3A_912 = arith.cmpf oge, %while3A_680, %rev3A_906 : vector<16xf32>
        %select_n3A_913 = arith.select %ge3A_912, %while3A_680, %rev3A_906 : vector<16xi1>, vector<16xf32>
        %select_n3A_914 = arith.select %ge3A_912, %while3A_684, %rev3A_911 : vector<16xi1>, vector<16xi32>
        %select_n3A_915 = arith.select %ge3A_912, %rev3A_906, %while3A_680 : vector<16xi1>, vector<16xf32>
        %select_n3A_916 = arith.select %ge3A_912, %rev3A_911, %while3A_684 : vector<16xi1>, vector<16xi32>
        %rev3A_917 = arith.constant 15 : i32
        %rev3A_918 = vector.broadcast %rev3A_917 : i32 to vector<16xi32>
        %rev3A_919 = tpu.iota {dimensions = array<i32: 0>} : vector<16xi32>
        %rev3A_920 = arith.subi %rev3A_918, %rev3A_919 : vector<16xi32>
        %rev3A_921 = tpu.dynamic_gather %masked_sort3A_853[%rev3A_920] in [0] : vector<16xf32>, vector<16xi32> -> vector<16xf32>
        %rev3A_922 = arith.constant 15 : i32
        %rev3A_923 = vector.broadcast %rev3A_922 : i32 to vector<16xi32>
        %rev3A_924 = tpu.iota {dimensions = array<i32: 0>} : vector<16xi32>
        %rev3A_925 = arith.subi %rev3A_923, %rev3A_924 : vector<16xi32>
        %rev3A_926 = tpu.dynamic_gather %masked_sort3A_854[%rev3A_925] in [0] : vector<16xi32>, vector<16xi32> -> vector<16xi32>
        %ge3A_927 = arith.cmpf oge, %while3A_681, %rev3A_921 : vector<16xf32>
        %select_n3A_928 = arith.select %ge3A_927, %while3A_681, %rev3A_921 : vector<16xi1>, vector<16xf32>
        %select_n3A_929 = arith.select %ge3A_927, %while3A_685, %rev3A_926 : vector<16xi1>, vector<16xi32>
        %select_n3A_930 = arith.select %ge3A_927, %rev3A_921, %while3A_681 : vector<16xi1>, vector<16xf32>
        %select_n3A_931 = arith.select %ge3A_927, %rev3A_926, %while3A_685 : vector<16xi1>, vector<16xi32>
        %ge3A_932 = arith.cmpf oge, %select_n3A_883, %select_n3A_913 : vector<16xf32>
        %select_n3A_933 = arith.select %ge3A_932, %select_n3A_883, %select_n3A_913 : vector<16xi1>, vector<16xf32>
        %select_n3A_934 = arith.select %ge3A_932, %select_n3A_884, %select_n3A_914 : vector<16xi1>, vector<16xi32>
        %select_n3A_935 = arith.select %ge3A_932, %select_n3A_913, %select_n3A_883 : vector<16xi1>, vector<16xf32>
        %select_n3A_936 = arith.select %ge3A_932, %select_n3A_914, %select_n3A_884 : vector<16xi1>, vector<16xi32>
        %ge3A_937 = arith.cmpf oge, %select_n3A_898, %select_n3A_928 : vector<16xf32>
        %select_n3A_938 = arith.select %ge3A_937, %select_n3A_898, %select_n3A_928 : vector<16xi1>, vector<16xf32>
        %select_n3A_939 = arith.select %ge3A_937, %select_n3A_899, %select_n3A_929 : vector<16xi1>, vector<16xi32>
        %select_n3A_940 = arith.select %ge3A_937, %select_n3A_928, %select_n3A_898 : vector<16xi1>, vector<16xf32>
        %select_n3A_941 = arith.select %ge3A_937, %select_n3A_929, %select_n3A_899 : vector<16xi1>, vector<16xi32>
        %ge3A_942 = arith.cmpf oge, %select_n3A_933, %select_n3A_938 : vector<16xf32>
        %select_n3A_943 = arith.select %ge3A_942, %select_n3A_933, %select_n3A_938 : vector<16xi1>, vector<16xf32>
        %select_n3A_944 = arith.select %ge3A_942, %select_n3A_934, %select_n3A_939 : vector<16xi1>, vector<16xi32>
        %select_n3A_945 = arith.select %ge3A_942, %select_n3A_938, %select_n3A_933 : vector<16xi1>, vector<16xf32>
        %select_n3A_946 = arith.select %ge3A_942, %select_n3A_939, %select_n3A_934 : vector<16xi1>, vector<16xi32>
        %masked_sort3A_947 = arith.constant dense<true> : vector<16xi1>
        %masked_sort3A_948, %masked_sort3A_949, %masked_sort3A_950 = tpu.sort %select_n3A_943, %select_n3A_944 masked %masked_sort3A_947 {descending = true} : (vector<16xf32>, vector<16xi32>, vector<16xi1>) -> (vector<16xi1>, vector<16xf32>, vector<16xi32>)
        %masked_sort3A_951 = arith.constant dense<true> : vector<16xi1>
        %masked_sort3A_952, %masked_sort3A_953, %masked_sort3A_954 = tpu.sort %select_n3A_945, %select_n3A_946 masked %masked_sort3A_951 {descending = true} : (vector<16xf32>, vector<16xi32>, vector<16xi1>) -> (vector<16xi1>, vector<16xf32>, vector<16xi32>)
        %ge3A_955 = arith.cmpf oge, %select_n3A_935, %select_n3A_940 : vector<16xf32>
        %select_n3A_956 = arith.select %ge3A_955, %select_n3A_935, %select_n3A_940 : vector<16xi1>, vector<16xf32>
        %select_n3A_957 = arith.select %ge3A_955, %select_n3A_936, %select_n3A_941 : vector<16xi1>, vector<16xi32>
        %select_n3A_958 = arith.select %ge3A_955, %select_n3A_940, %select_n3A_935 : vector<16xi1>, vector<16xf32>
        %select_n3A_959 = arith.select %ge3A_955, %select_n3A_941, %select_n3A_936 : vector<16xi1>, vector<16xi32>
        %masked_sort3A_960 = arith.constant dense<true> : vector<16xi1>
        %masked_sort3A_961, %masked_sort3A_962, %masked_sort3A_963 = tpu.sort %select_n3A_956, %select_n3A_957 masked %masked_sort3A_960 {descending = true} : (vector<16xf32>, vector<16xi32>, vector<16xi1>) -> (vector<16xi1>, vector<16xf32>, vector<16xi32>)
        %masked_sort3A_964 = arith.constant dense<true> : vector<16xi1>
        %masked_sort3A_965, %masked_sort3A_966, %masked_sort3A_967 = tpu.sort %select_n3A_958, %select_n3A_959 masked %masked_sort3A_964 {descending = true} : (vector<16xf32>, vector<16xi32>, vector<16xi1>) -> (vector<16xi1>, vector<16xf32>, vector<16xi32>)
        scf.yield %masked_sort3A_949, %masked_sort3A_953, %masked_sort3A_962, %masked_sort3A_966, %masked_sort3A_950, %masked_sort3A_954, %masked_sort3A_963, %masked_sort3A_967 : vector<16xf32>, vector<16xf32>, vector<16xf32>, vector<16xf32>, vector<16xi32>, vector<16xi32>, vector<16xi32>, vector<16xi32>
      }
      %mul3A_637 = arith.constant 64 : i32
      %mul3A_638 = arith.muli %add3A_343, %mul3A_637 : i32
      %add3A_639 = arith.constant 0 : i32
      %add3A_640 = arith.addi %mul3A_638, %add3A_639 : i32
      %swap3A_641 = arith.index_cast %add3A_640 : i32 to index
      %swap3A_642 = tpu.vector_load %arg8[%swap3A_641] {strides = array<i32>} : memref<8192xi32, #tpu.memory_space<vmem>>, vector<16xi32>,
      tpu.vector_store %arg8[%swap3A_641], %while3A_636#4 {strides = array<i32>} : memref<8192xi32, #tpu.memory_space<vmem>>, vector<16xi32>,
      %mul3A_643 = arith.constant 64 : i32
      %mul3A_644 = arith.muli %add3A_343, %mul3A_643 : i32
      %add3A_645 = arith.constant 16 : i32
      %add3A_646 = arith.addi %mul3A_644, %add3A_645 : i32
      %swap3A_647 = arith.index_cast %add3A_646 : i32 to index
      %swap3A_648 = tpu.vector_load %arg8[%swap3A_647] {strides = array<i32>} : memref<8192xi32, #tpu.memory_space<vmem>>, vector<16xi32>,
      tpu.vector_store %arg8[%swap3A_647], %while3A_636#5 {strides = array<i32>} : memref<8192xi32, #tpu.memory_space<vmem>>, vector<16xi32>,
      %mul3A_649 = arith.constant 64 : i32
      %mul3A_650 = arith.muli %add3A_343, %mul3A_649 : i32
      %add3A_651 = arith.constant 32 : i32
      %add3A_652 = arith.addi %mul3A_650, %add3A_651 : i32
      %swap3A_653 = arith.index_cast %add3A_652 : i32 to index
      %swap3A_654 = tpu.vector_load %arg8[%swap3A_653] {strides = array<i32>} : memref<8192xi32, #tpu.memory_space<vmem>>, vector<16xi32>,
      tpu.vector_store %arg8[%swap3A_653], %while3A_636#6 {strides = array<i32>} : memref<8192xi32, #tpu.memory_space<vmem>>, vector<16xi32>,
      %mul3A_655 = arith.constant 64 : i32
      %mul3A_656 = arith.muli %add3A_343, %mul3A_655 : i32
      %add3A_657 = arith.constant 48 : i32
      %add3A_658 = arith.addi %mul3A_656, %add3A_657 : i32
      %swap3A_659 = arith.index_cast %add3A_658 : i32 to index
      %swap3A_660 = tpu.vector_load %arg8[%swap3A_659] {strides = array<i32>} : memref<8192xi32, #tpu.memory_space<vmem>>, vector<16xi32>,
      tpu.vector_store %arg8[%swap3A_659], %while3A_636#7 {strides = array<i32>} : memref<8192xi32, #tpu.memory_space<vmem>>, vector<16xi32>,
      %reduce_min3A_661 = arith.constant true
      %reduce_min3A_662 = vector.broadcast %reduce_min3A_661 : i1 to vector<16xi1>
      %reduce_min3A_663 = tpu.scan <min>, %while3A_636#3 masked %reduce_min3A_662 : vector<16xf32>, vector<16xi1> -> vector<16xf32>
      %reduce_min3A_664 = vector.extract %reduce_min3A_663[15] : f32 from vector<16xf32>
      %broadcast_in_dim3A_665 = vector.broadcast %add3A_343 : i32 to vector<16xi32>
      %broadcast_in_dim3A_666 = vector.broadcast %reduce_min3A_664 : f32 to vector<16xf32>
      %eq3A_667 = arith.constant 0 : i32
      %eq3A_668 = vector.broadcast %eq3A_667 : i32 to vector<16xi32>
      %eq3A_669 = arith.cmpi eq, %iota3A, %eq3A_668 : vector<16xi32>
      tpu.vector_store_idx %arg9[%broadcast_in_dim3A_665], %broadcast_in_dim3A_666 masked %eq3A_669 : memref<128xf32, #tpu.memory_space<vmem>>[vector<16xi32>], vector<16xf32>, vector<16xi1>
      %add3A_670 = arith.constant 2 : i32
      %add3A_671 = arith.addi %add3A_343, %add3A_670 : i32
      %lt3A_672 = arith.constant 128 : i32
      %lt3A_673 = arith.cmpi slt, %add3A_671, %lt3A_672 : i32
      %convert_element_type3A_674 = arith.extui %lt3A_673 : i1 to i32
      %cond3A_675 = arith.constant 0 : i32
      %cond3A_676 = arith.cmpi ne, %convert_element_type3A_674, %cond3A_675 : i32
      scf.if %cond3A_676 {
        %add3A_677 = arith.addi %mul3A_2, %add3A_343 : i32
        %add3A_678 = arith.constant 2 : i32
        %add3A_679 = arith.addi %add3A_677, %add3A_678 : i32
        %dma_start3A_680 = arith.constant 0 : i32
        %dma_start3A_681 = tpu.memref_slice %arg2[%add3A_679, %dma_start3A_680] : memref<4096x16384xf32, #tpu.memory_space<hbm>> -> memref<1x16384xf32, #tpu.memory_space<hbm>>
        %dma_start3A_682 = tpu.memref_squeeze %dma_start3A_681 : memref<1x16384xf32, #tpu.memory_space<hbm>> -> memref<16384xf32, #tpu.memory_space<hbm>>
        %dma_start3A_683 = arith.constant 0 : i32
        %dma_start3A_684 = tpu.memref_slice %arg2[%add3A_679, %dma_start3A_683] : memref<4096x16384xf32, #tpu.memory_space<hbm>> -> memref<1x16384xf32, #tpu.memory_space<hbm>>
        %dma_start3A_685 = tpu.memref_squeeze %dma_start3A_684 : memref<1x16384xf32, #tpu.memory_space<hbm>> -> memref<16384xf32, #tpu.memory_space<hbm>>
        tpu.enqueue_dma source(%dma_start3A_685 : memref<16384xf32, #tpu.memory_space<hbm>>) target(%arg6 : memref<16384xf32, #tpu.memory_space<vmem>>) target_semaphore(%arg11 : memref<!tpu.dma_semaphore, #tpu.memory_space<semaphore_mem>>)
      } else {
      }
    }
    %scan3A_22 = arith.constant 64 : i32
    %mul3A_23 = arith.constant 64 : i32
    %mul3A_24 = arith.muli %mul3A_2, %mul3A_23 : i32
    "tpu.region"() ({
      %run_scoped3A = tpu.sem_alloc : memref<!tpu.dma_semaphore, #tpu.memory_space<semaphore_mem>>
      %dma_start3A_25 = tpu.memref_slice %arg3[%mul3A_24] : memref<262144xi32, #tpu.memory_space<hbm>> -> memref<8192xi32, #tpu.memory_space<hbm>>
      %dma_start3A_26 = tpu.memref_slice %arg3[%mul3A_24] : memref<262144xi32, #tpu.memory_space<hbm>> -> memref<8192xi32, #tpu.memory_space<hbm>>
      tpu.enqueue_dma source(%arg8 : memref<8192xi32, #tpu.memory_space<vmem>>) target(%dma_start3A_26 : memref<8192xi32, #tpu.memory_space<hbm>>) target_semaphore(%run_scoped3A : memref<!tpu.dma_semaphore, #tpu.memory_space<semaphore_mem>>)
      %dma_wait3A = tpu.memref_slice %arg3[%mul3A_24] : memref<262144xi32, #tpu.memory_space<hbm>> -> memref<8192xi32, #tpu.memory_space<hbm>>
      %dma_wait3A_27 = tpu.memref_slice %arg3[%mul3A_24] : memref<262144xi32, #tpu.memory_space<hbm>> -> memref<8192xi32, #tpu.memory_space<hbm>>
      tpu.wait_dma2 semaphore(%run_scoped3A : memref<!tpu.dma_semaphore, #tpu.memory_space<semaphore_mem>>) src(%arg8 : memref<8192xi32, #tpu.memory_space<vmem>>) dst(%dma_wait3A_27 : memref<8192xi32, #tpu.memory_space<hbm>>)
      tpu.yield
    }) : () -> ()
    "tpu.region"() ({
      %run_scoped3A = tpu.sem_alloc : memref<!tpu.dma_semaphore, #tpu.memory_space<semaphore_mem>>
      %dma_start3A_25 = tpu.memref_slice %arg4[%mul3A_2] : memref<4096xf32, #tpu.memory_space<hbm>> -> memref<128xf32, #tpu.memory_space<hbm>>
      %dma_start3A_26 = tpu.memref_slice %arg4[%mul3A_2] : memref<4096xf32, #tpu.memory_space<hbm>> -> memref<128xf32, #tpu.memory_space<hbm>>
      tpu.enqueue_dma source(%arg9 : memref<128xf32, #tpu.memory_space<vmem>>) target(%dma_start3A_26 : memref<128xf32, #tpu.memory_space<hbm>>) target_semaphore(%run_scoped3A : memref<!tpu.dma_semaphore, #tpu.memory_space<semaphore_mem>>)
      %dma_wait3A = tpu.memref_slice %arg4[%mul3A_2] : memref<4096xf32, #tpu.memory_space<hbm>> -> memref<128xf32, #tpu.memory_space<hbm>>
      %dma_wait3A_27 = tpu.memref_slice %arg4[%mul3A_2] : memref<4096xf32, #tpu.memory_space<hbm>> -> memref<128xf32, #tpu.memory_space<hbm>>
      tpu.wait_dma2 semaphore(%run_scoped3A : memref<!tpu.dma_semaphore, #tpu.memory_space<semaphore_mem>>) src(%arg9 : memref<128xf32, #tpu.memory_space<vmem>>) dst(%dma_wait3A_27 : memref<128xf32, #tpu.memory_space<hbm>>)
      tpu.yield
    }) : () -> ()
    return
  }
}

module attributes {stable_mosaic.version = 14 : i64} {
  func.func @_encode_body(%arg0: i32, %arg1: i32, %arg2: memref<128x768xf32, #tpu.memory_space<vmem>>, %arg3: memref<2048x768xf32, #tpu.memory_space<vmem>>, %arg4: memref<2048xf32, #tpu.memory_space<vmem>>, %arg5: memref<128x2048xf32, #tpu.memory_space<vmem>>, %arg6: memref<2048xf32, #tpu.memory_space<vmem>>) attributes {dimension_semantics = [#tpu.dimension_semantics<arbitrary>, #tpu.dimension_semantics<arbitrary>], iteration_bounds = array<i64: 8, 32>, scalar_prefetch = 0 : i64, scratch_operands = 0 : i64, tpu.core_type = #tpu.core_type<tc>, window_params = [{transform_indices = @transform_0, window_bounds = array<i64: 128, 768>}, {transform_indices = @transform_1, window_bounds = array<i64: 2048, 768>}, {transform_indices = @transform_2, window_bounds = array<i64: 2048>}, {transform_indices = @transform_3, window_bounds = array<i64: 128, 2048>}, {transform_indices = @transform_4, window_bounds = array<i64: 2048>}]} {
    %get3A = arith.constant 0 : index
    %get3A_0 = arith.constant 0 : index
    %get3A_1 = vector.load %arg2[%get3A, %get3A_0] : memref<128x768xf32, #tpu.memory_space<vmem>>, vector<128x768xf32>
    %get3A_2 = arith.constant 0 : index
    %get3A_3 = arith.constant 0 : index
    %get3A_4 = vector.load %arg3[%get3A_2, %get3A_3] : memref<2048x768xf32, #tpu.memory_space<vmem>>, vector<2048x768xf32>
    %dot_general3A = arith.constant dense<0.000000e+00> : vector<128x2048xf32>
    %dot_general3A_5 = tpu.matmul %get3A_1, %get3A_4, %dot_general3A {dimension_numbers = #tpu.dot_dimension_numbers<[1], [1], [0], [0], [0, 0, 1, 0], [], []>, transpose_lhs_hint = false} : vector<128x768xf32>, vector<2048x768xf32>, vector<128x2048xf32> -> vector<128x2048xf32>
    %get3A_6 = arith.constant 0 : index
    %get3A_7 = vector.load %arg4[%get3A_6] : memref<2048xf32, #tpu.memory_space<vmem>>, vector<2048xf32>
    %broadcast_in_dim3A = vector.shape_cast %get3A_7 : vector<2048xf32> to vector<1x2048xf32>
    %add3A = vector.broadcast %broadcast_in_dim3A : vector<1x2048xf32> to vector<128x2048xf32>
    %add3A_8 = arith.addf %dot_general3A_5, %add3A : vector<128x2048xf32>
    %swap3A = arith.constant 0 : index
    %swap3A_9 = arith.constant 0 : index
    %swap3A_10 = vector.load %arg5[%swap3A, %swap3A_9] : memref<128x2048xf32, #tpu.memory_space<vmem>>, vector<128x2048xf32>
    tpu.vector_store %arg5[%swap3A, %swap3A_9], %add3A_8 {strides = array<i32>} : memref<128x2048xf32, #tpu.memory_space<vmem>>, vector<128x2048xf32>,
    %eq3A = arith.constant 0 : i32
    %eq3A_11 = arith.cmpi eq, %arg1, %eq3A : i32
    %convert_element_type3A = arith.extui %eq3A_11 : i1 to i32
    %cond3A = arith.constant 0 : i32
    %cond3A_12 = arith.cmpi ne, %convert_element_type3A, %cond3A : i32
    scf.if %cond3A_12 {
      %get3A_13 = arith.constant 0 : index
      %get3A_14 = arith.constant 0 : index
      %get3A_15 = vector.load %arg3[%get3A_13, %get3A_14] : memref<2048x768xf32, #tpu.memory_space<vmem>>, vector<2048x768xf32>
      %mul3A = arith.mulf %get3A_15, %get3A_15 : vector<2048x768xf32>
      %reduce_sum3A = arith.constant dense<0.000000e+00> : vector<2048xf32>
      %reduce_sum3A_16 = vector.multi_reduction <add>, %mul3A, %reduce_sum3A [1] : vector<2048x768xf32> to vector<2048xf32>
      %sqrt3A = math.sqrt %reduce_sum3A_16 : vector<2048xf32>
      %max3A = arith.constant 9.99999996E-13 : f32
      %max3A_17 = vector.broadcast %max3A : f32 to vector<2048xf32>
      %max3A_18 = arith.maximumf %sqrt3A, %max3A_17 : vector<2048xf32>
      %div3A = arith.constant 1.000000e+00 : f32
      %div3A_19 = vector.broadcast %div3A : f32 to vector<2048xf32>
      %div3A_20 = arith.divf %div3A_19, %max3A_18 : vector<2048xf32>
      %swap3A_21 = arith.constant 0 : index
      %swap3A_22 = vector.load %arg6[%swap3A_21] : memref<2048xf32, #tpu.memory_space<vmem>>, vector<2048xf32>
      tpu.vector_store %arg6[%swap3A_21], %div3A_20 {strides = array<i32>} : memref<2048xf32, #tpu.memory_space<vmem>>, vector<2048xf32>,
    } else {
    }
    return
  }
  func.func @transform_0(%arg0: i32, %arg1: i32) -> (i32, i32) {
    %c0_i32 = arith.constant 0 : i32
    %c0_i32_0 = arith.constant 0 : i32
    return %arg1, %c0_i32 : i32, i32
  }
  func.func @transform_1(%arg0: i32, %arg1: i32) -> (i32, i32) {
    %c0_i32 = arith.constant 0 : i32
    %c0_i32_0 = arith.constant 0 : i32
    return %arg0, %c0_i32 : i32, i32
  }
  func.func @transform_2(%arg0: i32, %arg1: i32) -> i32 {
    %c0_i32 = arith.constant 0 : i32
    return %arg0 : i32
  }
  func.func @transform_3(%arg0: i32, %arg1: i32) -> (i32, i32) {
    %c0_i32 = arith.constant 0 : i32
    return %arg1, %arg0 : i32, i32
  }
  func.func @transform_4(%arg0: i32, %arg1: i32) -> i32 {
    %c0_i32 = arith.constant 0 : i32
    return %arg0 : i32
  }
}

module attributes {stable_mosaic.version = 14 : i64} {
  func.func @_decode_body(%arg0: i32, %arg1: i32, %arg2: memref<128x2048xf32, #tpu.memory_space<vmem>>, %arg3: memref<128x1xf32, #tpu.memory_space<vmem>>, %arg4: memref<2048x768xf32, #tpu.memory_space<vmem>>, %arg5: memref<2048xf32, #tpu.memory_space<vmem>>, %arg6: memref<128x2048xf32, #tpu.memory_space<vmem>>, %arg7: memref<128x768xf32, #tpu.memory_space<vmem>>, %arg8: memref<4096x768xf32, #tpu.memory_space<vmem>>) attributes {dimension_semantics = [#tpu.dimension_semantics<arbitrary>, #tpu.dimension_semantics<arbitrary>], iteration_bounds = array<i64: 8, 32>, scalar_prefetch = 0 : i64, scratch_operands = 1 : i64, tpu.core_type = #tpu.core_type<tc>, window_params = [{transform_indices = @transform_0, window_bounds = array<i64: 128, 2048>}, {transform_indices = @transform_1, window_bounds = array<i64: 128, 1>}, {transform_indices = @transform_2, window_bounds = array<i64: 2048, 768>}, {transform_indices = @transform_3, window_bounds = array<i64: 2048>}, {transform_indices = @transform_4, window_bounds = array<i64: 128, 2048>}, {transform_indices = @transform_5, window_bounds = array<i64: 128, 768>}]} {
    %get3A = arith.constant 0 : index
    %get3A_0 = arith.constant 0 : index
    %get3A_1 = vector.load %arg2[%get3A, %get3A_0] : memref<128x2048xf32, #tpu.memory_space<vmem>>, vector<128x2048xf32>
    %get3A_2 = arith.constant 0 : index
    %get3A_3 = arith.constant 0 : index
    %get3A_4 = vector.load %arg3[%get3A_2, %get3A_3] : memref<128x1xf32, #tpu.memory_space<vmem>>, vector<128x1xf32>
    %ge3A = vector.broadcast %get3A_4 : vector<128x1xf32> to vector<128x2048xf32>
    %ge3A_5 = arith.cmpf oge, %get3A_1, %ge3A : vector<128x2048xf32>
    %jit3A = arith.constant 0.000000e+00 : f32
    %broadcast_in_dim3A = vector.broadcast %jit3A : f32 to vector<128x2048xf32>
    %select_n3A = arith.select %ge3A_5, %get3A_1, %broadcast_in_dim3A : vector<128x2048xi1>, vector<128x2048xf32>
    %swap3A = arith.constant 0 : index
    %swap3A_6 = arith.constant 0 : index
    %swap3A_7 = vector.load %arg6[%swap3A, %swap3A_6] : memref<128x2048xf32, #tpu.memory_space<vmem>>, vector<128x2048xf32>
    tpu.vector_store %arg6[%swap3A, %swap3A_6], %select_n3A {strides = array<i32>} : memref<128x2048xf32, #tpu.memory_space<vmem>>, vector<128x2048xf32>,
    %get3A_8 = arith.constant 0 : index
    %get3A_9 = vector.load %arg5[%get3A_8] : memref<2048xf32, #tpu.memory_space<vmem>>, vector<2048xf32>
    %broadcast_in_dim3A_10 = vector.shape_cast %get3A_9 : vector<2048xf32> to vector<1x2048xf32>
    %mul3A = vector.broadcast %broadcast_in_dim3A_10 : vector<1x2048xf32> to vector<128x2048xf32>
    %mul3A_11 = arith.mulf %select_n3A, %mul3A : vector<128x2048xf32>
    %get3A_12 = arith.constant 0 : index
    %get3A_13 = arith.constant 0 : index
    %get3A_14 = vector.load %arg4[%get3A_12, %get3A_13] : memref<2048x768xf32, #tpu.memory_space<vmem>>, vector<2048x768xf32>
    %dot_general3A = arith.constant dense<0.000000e+00> : vector<128x768xf32>
    %dot_general3A_15 = tpu.matmul %mul3A_11, %get3A_14, %dot_general3A {dimension_numbers = #tpu.dot_dimension_numbers<[1], [0], [0], [1], [0, 0, 1, 1], [], []>, transpose_lhs_hint = false} : vector<128x2048xf32>, vector<2048x768xf32>, vector<128x768xf32> -> vector<128x768xf32>
    %mul3A_16 = arith.constant 128 : i32
    %mul3A_17 = arith.muli %arg1, %mul3A_16 : i32
    %eq3A = arith.constant 0 : i32
    %eq3A_18 = arith.cmpi eq, %arg0, %eq3A : i32
    %convert_element_type3A = arith.extui %eq3A_18 : i1 to i32
    %cond3A = arith.constant 0 : i32
    %cond3A_19 = arith.cmpi ne, %convert_element_type3A, %cond3A : i32
    scf.if %cond3A_19 {
      %swap3A_29 = arith.index_cast %mul3A_17 : i32 to index
      %swap3A_30 = arith.constant 0 : index
      %swap3A_31 = vector.load %arg8[%swap3A_29, %swap3A_30] : memref<4096x768xf32, #tpu.memory_space<vmem>>, vector<128x768xf32>
      tpu.vector_store %arg8[%swap3A_29, %swap3A_30], %dot_general3A_15 {strides = array<i32>} : memref<4096x768xf32, #tpu.memory_space<vmem>>, vector<128x768xf32>,
    } else {
    }
    %gt3A = arith.constant 0 : i32
    %gt3A_20 = arith.cmpi sgt, %arg0, %gt3A : i32
    %convert_element_type3A_21 = arith.extui %gt3A_20 : i1 to i32
    %cond3A_22 = arith.constant 0 : i32
    %cond3A_23 = arith.cmpi ne, %convert_element_type3A_21, %cond3A_22 : i32
    scf.if %cond3A_23 {
      %get3A_29 = arith.index_cast %mul3A_17 : i32 to index
      %get3A_30 = arith.constant 0 : index
      %get3A_31 = vector.load %arg8[%get3A_29, %get3A_30] : memref<4096x768xf32, #tpu.memory_space<vmem>>, vector<128x768xf32>
      %add3A = arith.addf %get3A_31, %dot_general3A_15 : vector<128x768xf32>
      %swap3A_32 = arith.index_cast %mul3A_17 : i32 to index
      %swap3A_33 = arith.constant 0 : index
      %swap3A_34 = vector.load %arg8[%swap3A_32, %swap3A_33] : memref<4096x768xf32, #tpu.memory_space<vmem>>, vector<128x768xf32>
      tpu.vector_store %arg8[%swap3A_32, %swap3A_33], %add3A {strides = array<i32>} : memref<4096x768xf32, #tpu.memory_space<vmem>>, vector<128x768xf32>,
    } else {
    }
    %eq3A_24 = arith.constant 7 : i32
    %eq3A_25 = arith.cmpi eq, %arg0, %eq3A_24 : i32
    %convert_element_type3A_26 = arith.extui %eq3A_25 : i1 to i32
    %cond3A_27 = arith.constant 0 : i32
    %cond3A_28 = arith.cmpi ne, %convert_element_type3A_26, %cond3A_27 : i32
    scf.if %cond3A_28 {
      %get3A_29 = arith.index_cast %mul3A_17 : i32 to index
      %get3A_30 = arith.constant 0 : index
      %get3A_31 = vector.load %arg8[%get3A_29, %get3A_30] : memref<4096x768xf32, #tpu.memory_space<vmem>>, vector<128x768xf32>
      %swap3A_32 = arith.constant 0 : index
      %swap3A_33 = arith.constant 0 : index
      %swap3A_34 = vector.load %arg7[%swap3A_32, %swap3A_33] : memref<128x768xf32, #tpu.memory_space<vmem>>, vector<128x768xf32>
      tpu.vector_store %arg7[%swap3A_32, %swap3A_33], %get3A_31 {strides = array<i32>} : memref<128x768xf32, #tpu.memory_space<vmem>>, vector<128x768xf32>,
    } else {
    }
    return
  }
  func.func @transform_0(%arg0: i32, %arg1: i32) -> (i32, i32) {
    %c0_i32 = arith.constant 0 : i32
    return %arg1, %arg0 : i32, i32
  }
  func.func @transform_1(%arg0: i32, %arg1: i32) -> (i32, i32) {
    %c0_i32 = arith.constant 0 : i32
    %c0_i32_0 = arith.constant 0 : i32
    return %arg1, %c0_i32 : i32, i32
  }
  func.func @transform_2(%arg0: i32, %arg1: i32) -> (i32, i32) {
    %c0_i32 = arith.constant 0 : i32
    %c0_i32_0 = arith.constant 0 : i32
    return %arg0, %c0_i32 : i32, i32
  }
  func.func @transform_3(%arg0: i32, %arg1: i32) -> i32 {
    %c0_i32 = arith.constant 0 : i32
    return %arg0 : i32
  }
  func.func @transform_4(%arg0: i32, %arg1: i32) -> (i32, i32) {
    %c0_i32 = arith.constant 0 : i32
    return %arg1, %arg0 : i32, i32
  }
  func.func @transform_5(%arg0: i32, %arg1: i32) -> (i32, i32) {
    %c0_i32 = arith.constant 0 : i32
    %c0_i32_0 = arith.constant 0 : i32
    return %arg1, %c0_i32 : i32, i32
  }
}

</mosaic_0001>

<sc_bundles>
// kernel: kernel.5.cloned.1.call-start
scs
__scs_entry_jumppad:
0x0: {  	(pc) =	sbr.rel $0x88, $3  }
0x1: {  	(tag) =	ssettag $0x0;
	lr =	simm.s32 $0x1  }
0x2: {  	[smem:$0x3F9E] =	sst lr;
	_ =	strace $0xD0000000  }
0x3: {  	_ = 	snop  }
0x4: {  	_ = 	snop  }
0x5: {  	_ = 	snop  }
0x6: {  	_ = 	snop  }
0x7: {  	_ = 	snop  }
__scs_overlays_trampoline_lowered:
0x8: {  	[smem:$0x3FAD] =	sst s0  }
0x9: {  	[smem:$0x3FAE] =	sst s1  }
0xa: {  	[smem:$0x3FAF] =	sst s2  }
0xb: {  	[smem:$0x3FB0] =	sst s3  }
0xc: {  	[smem:$0x3FB1] =	sst s4  }
0xd: {  	[smem:$0x3FB2] =	sst s5  }
0xe: {  	[smem:$0x3FB3] =	sst s6  }
0xf: {  	[smem:$0x3FB4] =	sst s7  }
0x10: {  	[smem:$0x3FB5] =	sst s8  }
0x11: {  	[smem:$0x3FB6] =	sst s9;
	s0 =	simm.s32 @!p0 $0x0  }
0x12: {  	s1 =	sld [smem:$0x3F9C];
	s0 =	simm.s32 @p0 $0x1  }
0x13: {  	[smem:$0x3FB7] =	sst s0;
	s0 =	simm.s32 @!p1 $0x0  }
0x14: {  	s2 =	sld [smem:$0x3F9B];
	s0 =	simm.s32 @p1 $0x1  }
0x15: {  	[smem:$0x3FB8] =	sst s0;
	s0 =	simm.s32 @!p2 $0x0  }
0x16: {  	s3 =	sld [smem:$0x3FDB];
	s0 =	simm.s32 @p2 $0x1  }
0x17: {  	s4 =	simm.s32 $0x1BF5;
	[smem:$0x3FBA] =	sst s0  }
0x18: {  	s0 =	sld [smem:$0x3F9D];
	_ =	swait.ge [sflag:s4], $0x0  }
0x19: {  	s7 =	sld [smem:$0x3F9E]  }
0x1a: {  	s8 =	sadd.s32 $0xFFFFE003, lr  }
0x1b: {  	s9 =	sadd.s32 $0xFFFFFEF7, lr;
	s5 =	simm.s32 $0xFFFFFFFF;
	p2 =	slt.u32 s8, $0xFFFFF086  }
0x1c: {  	p1 =	slt.u32 s9, $0xF7A;
	s5 =	simm.s32 @!p2 $0x0  }
0x1d: {  	s5 =	simm.s32 @p1 $0x1;
	p0 =	seq.s32 s7, s2  }
0x1e: {  	s7 =	smul.u32 @!p0 $0xF7A, s2;
	p2 =	seq.s32 @!p0 s5, $0x0  }
0x1f: {  	s9 =	smul.u32 $0xF7A, s1;
	s8 =	simm.s32 @!p0 $0x1BF5;
	p2 =	por !p2, p0  }
0x20: {  	[sflag:s8] =	ssyncset.s32 @!p0 $0xFFFFF086;
	s6 =	sadd.s32 @!p0 s3, s7;
	s7 =	simm.s32 @!p0 $0x108  }
0x21: {  	s3 =	sadd.s32 s3, s9;
	s6 =	sadd.s32 @!p0 $0x88, s6;
	s7 =	simm.s32 @p2 $0x1082  }
0x22: {  	[simem:s7], [sflag:s8] =	dma.local @!p0 [hbm:s6], $0xF7A  }
0x23: {  	s9 =	sor.u32 $0xD0000000, s2;
	s6 =	simm.s32 $0x108;
	_ =	swait.ge @!p0 [sflag:s8], $0x0  }
0x24: {  	s3 =	sadd.s32 $0x88, s3;
	s6 =	simm.s32 @!p1 $0x1082;
	[sflag:s4] =	ssyncset.s32 $0xFFFFF086  }
0x25: {  	[simem:s6], [sflag:s4] =	dma.local [hbm:s3], $0xF7A  }
0x26: {  	[smem:$0x3F9E] =	sst s1;
	(tag) =	ssettag s2;
	_ =	strace s9  }
0x27: {  	s1 =	sld [smem:$0x3FAE]  }
0x28: {  	s2 =	sld [smem:$0x3FAF]  }
0x29: {  	s4 =	sld [smem:$0x3FB1]  }
0x2a: {  	p0 =	seq.s32 s5, $0x0;
	s5 =	sld [smem:$0x3FB2]  }
0x2b: {  	s6 =	sld [smem:$0x3FB3]  }
0x2c: {  	s7 =	sld [smem:$0x3FB4]  }
0x2d: {  	s3 =	simm.s32 $0x108;
	s8 =	sld [smem:$0x3FB5]  }
0x2e: {  	s3 =	simm.s32 @!p0 $0x1082;
	s9 =	sld [smem:$0x3FB6]  }
0x2f: {  	lr =	sadd.s32 s0, s3;
	s0 =	sld [smem:$0x3FAD]  }
0x30: {  	s3 =	sld [smem:$0x3FB0]  }
0x31: {  	[smem:$0x3FB9] =	sst s10  }
0x32: {  	s10 =	sld [smem:$0x3FB7];
	_ =	sdelay $0x3  }
0x33: {  	p0 =	seq.s32 s10, $0x1;
	s10 =	sld [smem:$0x3FB9];
	_ =	sdelay $0x3  }
0x34: {  	[smem:$0x3FB9] =	sst s10  }
0x35: {  	s10 =	sld [smem:$0x3FB8];
	_ =	sdelay $0x3  }
0x36: {  	p1 =	seq.s32 s10, $0x1;
	s10 =	sld [smem:$0x3FB9];
	_ =	sdelay $0x3  }
0x37: {  	[smem:$0x3FB9] =	sst s10  }
0x38: {  	s10 =	sld [smem:$0x3FBA]  }
0x39: {  	_ = 	snop;
	(pc) =	sbr.ind lr, $3  }
0x3a: {  	_ = 	snop  }
0x3b: {  	_ = 	snop  }
0x3c: {  	p2 =	seq.s32 s10, $0x1;
	s10 =	sld [smem:$0x3FB9]  }
0x3d: {  	_ =	shalt  }
0x3e: {  	_ =	shalt  }
0x3f: {  	_ =	shalt  }
0x40: {  	_ =	shalt  }
0x41: {  	_ =	shalt  }
0x42: {  	_ =	shalt  }
0x43: {  	_ =	shalt  }
0x44: {  	_ =	shalt  }
0x45: {  	_ =	shalt  }
0x46: {  	_ =	shalt  }
0x47: {  	_ =	shalt  }
0x48: {  	_ =	shalt  }
0x49: {  	_ =	shalt  }
0x4a: {  	_ =	shalt  }
0x4b: {  	_ =	shalt  }
0x4c: {  	_ =	shalt  }
0x4d: {  	_ =	shalt  }
0x4e: {  	_ =	shalt  }
0x4f: {  	_ =	shalt  }
0x50: {  	_ =	shalt  }
0x51: {  	_ =	shalt  }
0x52: {  	_ =	shalt  }
0x53: {  	_ =	shalt  }
0x54: {  	_ =	shalt  }
0x55: {  	_ =	shalt  }
0x56: {  	_ =	shalt  }
0x57: {  	_ =	shalt  }
0x58: {  	_ =	shalt  }
0x59: {  	_ =	shalt  }
0x5a: {  	_ =	shalt  }
0x5b: {  	_ =	shalt  }
0x5c: {  	_ =	shalt  }
0x5d: {  	_ =	shalt  }
0x5e: {  	_ =	shalt  }
0x5f: {  	_ =	shalt  }
0x60: {  	_ =	shalt  }
0x61: {  	_ =	shalt  }
0x62: {  	_ =	shalt  }
0x63: {  	_ =	shalt  }
0x64: {  	_ =	shalt  }
0x65: {  	_ =	shalt  }
0x66: {  	_ =	shalt  }
0x67: {  	_ =	shalt  }
0x68: {  	_ =	shalt  }
0x69: {  	_ =	shalt  }
0x6a: {  	_ =	shalt  }
0x6b: {  	_ =	shalt  }
0x6c: {  	_ =	shalt  }
0x6d: {  	_ =	shalt  }
0x6e: {  	_ =	shalt  }
0x6f: {  	_ =	shalt  }
0x70: {  	_ =	shalt  }
0x71: {  	_ =	shalt  }
0x72: {  	_ =	shalt  }
0x73: {  	_ =	shalt  }
0x74: {  	_ =	shalt  }
0x75: {  	_ =	shalt  }
0x76: {  	_ =	shalt  }
0x77: {  	_ =	shalt  }
0x78: {  	_ =	shalt  }
0x79: {  	_ =	shalt  }
0x7a: {  	_ =	shalt  }
0x7b: {  	_ =	shalt  }
0x7c: {  	_ =	shalt  }
0x7d: {  	_ =	shalt  }
0x7e: {  	_ =	shalt  }
0x7f: {  	_ =	shalt  }
0x80: {  	_ =	shalt  }
0x81: {  	_ =	shalt  }
0x82: {  	_ =	shalt  }
0x83: {  	_ =	shalt  }
0x84: {  	_ =	shalt  }
0x85: {  	_ =	shalt  }
0x86: {  	_ =	shalt  }
0x87: {  	_ =	shalt  }
.Lfunc_end0:
.L_simem_size_0:
called_computation_lowered:
.L_overlay_start_0:
0x88: {  	s2 =	sld [smem:$0x3FD9]  }
0x89: {  	s3 =	sld [smem:$0x3FFE];
	_ =	sdelay $0x1  }
0x8a: {  	s1 =	srdreg.scid  }
0x8b: {  	s0 =	sand.u32 $0x1, s1  }
0x8c: {  	s14 =	sshll.u32 s0, $0xA;
	s2 =	sadd.s32 s3, s2  }
0x8d: {  	s2 =	sadd.s32 s2, s14  }
0x8e: {  	[smem:$0x3FC5] =	sst s2  }
0x8f: {  	_ = 	snop  }
0x90: {  	s2 =	sld [smem:$0x3FD0];
	_ =	sdelay $0x2  }
0x91: {  	s15 =	simm.s32 $0xA;
	s4 =	simm.s32 $0x10  }
0x92: {  	[smem:s4], [sflag:s15] =	dma.local [hbm:s2], $0x1  }
0x93: {  	_ =	swait.eq [sflag:s15], $0x1  }
0x94: {  	[sflag:s15] =	ssyncset.done $0x0  }
0x95: {  	s16 =	sld [smem:$0x11];
	[sflag:s15] =	ssyncadd.s32 $0xFFFFFFFF  }
0x96: {  	s17 =	sld [smem:$0x12];
	(tm) =	ssettm $0x1  }
0x97: {  	s18 =	sld [smem:$0x3FFB];
	_ =	sdelay $0x3  }
0x98: {  	_ =	strace s18  }
0x99: {  	s4 =	sld [smem:$0x3FFC];
	_ =	sdelay $0x3  }
0x9a: {  	_ =	strace s4  }
0x9b: {  	s4 =	sld [smem:$0x3FFD];
	_ =	sdelay $0x3  }
0x9c: {  	_ =	strace s4  }
0x9d: {  	_ =	strace $0x8FFFFFFF  }
0x9e: {  	s19 =	sld [smem:$0x3FDB];
	_ =	sdelay $0x1  }
0x9f: {  	s5 =	simm.s32 $_scs_section_size  }
0xa0: {  	s6 =	simm.s32 $_size__tile_overlayer_lowered;
	s7 =	simm.s32 $_tile_overlayer_lowered  }
0xa1: {  	s22 =	simm.s32 $0x1BFF;
	s21 =	sshll.u32 s7, $0x1;
	s4 =	sadd.s32 s5, s19  }
0xa2: {  	s8 =	simm.s32 $0x0;
	s20 =	sshll.u32 s6, $0x1;
	s6 =	sadd.s32 s21, s4  }
0xa3: {  	[timem:s8], [sflag:s22] =	dma.local [hbm:s6], s20  }
0xa4: {  	_ =	swait.ge [sflag:s22], s20  }
0xa5: {  	s5 =	ssub.s32 $0x0, s20;
	[sflag:s22] =	ssyncset.done $0x0  }
0xa6: {  	[sflag:s22] =	ssyncadd.s32 s5;
	_ =	sdelay $0x1  }
0xa7: {  	s23 =	simm.s32 $0x1B8B  }
0xa8: {  	_ =	swait.ge [sflag:s23], $0x1  }
0xa9: {  	[sflag:s23] =	ssyncset.done $0x0  }
0xaa: {  	s25 =	simm.s32 $0x1B8E;
	s24 =	sld [smem:$0x3FFE];
	[sflag:s23] =	ssyncadd.s32 $0xFFFFFFFF  }
0xab: {  	s26 =	simm.s32 $execute0_lowered;
	[smem:$0x3FD2] =	sst s25  }
0xac: {  	s6 =	sshll.u32 s26, $0x1;
	_ =	strace $0x80000046;
	[dreg:$0x1] =	wrdreg $0xFFFFFFFF  }
0xad: {  	s28 =	simm.s32 $_size_execute0_lowered;
	s4 =	sadd.s32 s4, s6;
	[dreg:$0x0] =	wrdreg $0x0  }
0xae: {  	s6 =	sshll.u32 s28, $0x1;
	[dreg:$0x2] =	wrdreg s4  }
0xaf: {  	[dreg:$0x3] =	wrdreg s6  }
0xb0: {  	[dreg:$0x4] =	wrdreg $0xC0  }
0xb1: {  	_ =	task [dreg:s8], $0x5FFFF  }
0xb2: {  	[dreg:$0x1] =	wrdreg $0xFFFFFFFF  }
0xb3: {  	[dreg:$0x0] =	wrdreg $0x60  }
0xb4: {  	[dreg:$0x2] =	wrdreg s24  }
0xb5: {  	[dreg:$0x3] =	wrdreg s17  }
0xb6: {  	[dreg:$0x4] =	wrdreg s16  }
0xb7: {  	[dreg:$0x5] =	wrdreg $0x9  }
0xb8: {  	_ =	task.clear_ibuf [dreg:s8], $0x6FFFF;
	_ =	strace $0x90000046  }
0xb9: {  	s29 =	simm.s32 $0x9;
	_ =	strace $0x80000048  }
0xba: {  	_ =	swait.ge [sflag:s29], $0x1  }
0xbb: {  	[sflag:s29] =	ssyncadd.s32 $0xFFFFFFFF  }
0xbc: {  	_ =	strace $0x90000048  }
0xbd: {  	_ =	sfence  }
0xbe: {  	s30 =	sld [smem:$0x0];
	_ =	sdelay $0x2  }
0xbf: {  	s31 =	sshll.u32 s1, $0xD;
	s1 =	sshrl.u32 s1, $0x2  }
0xc0: {  	s3 =	sand.u32 $0x4000, s31;
	s1 =	sadd.s32 s1, s30  }
0xc1: {  	s0 =	sor.u32 s3, s0;
	s1 =	sshll.u32 s1, $0x11  }
0xc2: {  	s0 =	sor.u32 s1, s0  }
0xc3: {  	s0 =	sadd.s32 $0x8F2B, s0  }
0xc4: {  	[sflag:s0] =	ssyncadd.remote.s32 $0x1  }
0xc5: {  	_ =	sfence.sel $0xFFFF  }
0xc6: {  	[dreg:$0x0] =	wrdreg $0xFFFFFFFF;
	(pc) =	sbr.abs _section_cstart, $3  }
0xc7: {  	[dreg:$0x1] =	wrdreg $0xFFFFFFFF  }
0xc8: {  	_ =	task.clear_ibuf [dreg:s8], $0x2FFFF;
	_ =	strace $0x9FFFFFFF  }
0xc9: {  	(tm) =	ssettm $0x7FFFFFFF  }
tec
execute0_lowered:
.L_overlay_start_1:
0x0: {  	(tag) =	ssettag $0x1  }
0x1: {  	s3 =	rddreg [dreg:$0x0]  }
0x2: {  	s7 =	rddreg [dreg:$0x1]  }
0x3: {  	s8 =	rddreg [dreg:$0x2]  }
0x4: {  	s0 =	rddreg [dreg:$0x3];
	s4 =	srdreg.scid;
	s2 =	simm.s32 $0x0  }
0x5: {  	s1 =	stileid.u32;
	s12 =	simm.s32 $0x4000;
	s13 =	simm.s32 $0x1  }
0x6: {  	s14 =	simm.s32 $0x8000;
	s15 =	simm.s32 $0xAC00;
	s16 =	simm.s32 $0x2  }
0x7: {  	s17 =	simm.s32 $0x8C00;
	s18 =	simm.s32 $0x3;
	s19 =	simm.s32 $0x0  }
0x8: {  	v0 =	vlaneseq.u32;
	s4 =	sand.u32 $0x1, s4;
	[smem:$0x7FF] =	sst s2;
	s6 =	sshll.u32 s1, $0x1  }
0x9: {  	v1 =	vimm.s32 $0x0;
	s3 =	sadd.s32 $0x1400, s3;
	v2 =	vor.u32 $0x10, v0;
	v3 =	vor.u32 $0x20, v0;
	s5 =	ssub.s32 $0x2, s4;
	_ =	strace $0x80000047  }
.Ltmp0:
0xa: {  	v4 =	vor.u32 $0x30, v0;
	v5 =	vor.u32 $0x40, v0;
	v6 =	vor.u32 $0x50, v0;
	s10 =	sor.u32 s4, s6;
	s9 =	sshrl.u32 s5, $0x1;
	(pc) =	sbr.rel .LBB2_1-.Ltmp0, $4  }
0xb: {  	v7 =	vor.u32 $0x60, v0;
	v8 =	vor.u32 $0x70, v0;
	v9 =	vor.u32 $0x80, v0;
	s31 =	sshll.u32 s10, $0x12;
	s4 =	sshll.u32 s10, $0x7;
	s11 =	sshll.u32 s10, $0xA  }
0xc: {  	v10 =	vor.u32 $0x90, v0;
	v11 =	vor.u32 $0xA0, v0;
	v61 =	vmul.u32 $0xFFFFFFFF, v0;
	s10 =	sshll.u32 s10, $0x4;
	s9 =	ssub.s32 s5, s9;
	s5 =	sadd.s32 s3, s31  }
0xd: {  	v13 =	vor.u32 $0xB0, v0;
	v14 =	vor.u32 $0xC0, v0;
	v15 =	vor.u32 $0xD0, v0;
	s7 =	sadd.s32 s7, s11;
	s8 =	sadd.s32 s8, s10;
	s10 =	simm.s32 $0x80  }
0xe: {  	v16 =	vor.u32 $0xE0, v0;
	v17 =	vor.u32 $0xF0, v0;
	v18 =	vadd.s32 $0xF, v61;
	[tilespmem:$0x1FFF0] =	vst v61;
	s11 =	simm.s32 $0x400;
	s6 =	sadd.s32 $0x10, s5;
	s9 =	smax.u32 s9, $0x1  }
.LBB2_36:
0xf: {  	[hbm4b:s7+s2] =	stream.linear.scatter [tilespmem:s17], [sflag:$0x3], $0x2000, $0x38;
	[tilespmem:$0xAC80] =	vst v63  }
0x10: {  	s19 =	sadd.s32 $0x1, s19;
	_ =	swait.ge [sflag:s18], $0x2000  }
0x11: {  	p0 =	sne.s32 s19, s9;
	[sflag:s18] =	ssyncset.done $0x0  }
.Ltmp1:
0x12: {  	[sflag:s18] =	ssyncadd.s32 $0xFFFFE000;
	(pc) =	sbr.rel @!p0 .LBB2_37-.Ltmp1, $4  }
0x13: {  	[hbm4b:s8+s2] =	stream.linear.scatter [tilespmem:s15], [sflag:$0x3], $0x80, $0x38;
	[tilespmem:$0xAC80] =	vst v63  }
0x14: {  	_ =	swait.ge [sflag:s18], $0x80  }
0x15: {  	[sflag:s18] =	ssyncset.done $0x0  }
0x16: {  	[sflag:s18] =	ssyncadd.s32 $0xFFFFFF80  }
.LBB2_1:
0x17: {  	[tilespmem:s2], [sflag:$0x1] =	stream.strided.gather [hbm4b:s5+s10], $0x4000, s11, s10, $0x38;
	[tilespmem:$0xAC80] =	vst v63  }
0x18: {  	s20 =	simm.s32 $0x0  }
0x19: {  	[tilespmem:s12], [sflag:$0x2] =	stream.strided.gather [hbm4b:s6+s10], $0x4000, s11, s10, $0x38;
	[tilespmem:$0xAC80] =	vst v63  }
.LBB2_2:
0x1a: {  	_ =	swait.ge [sflag:s13], $0x4000  }
0x1b: {  	[sflag:s13] =	ssyncset.done $0x0  }
0x1c: {  	s21 =	simm.s32 $0x0;
	[sflag:s13] =	ssyncadd.s32 $0xFFFFC000  }
0x1d: {  	v21 =	vld [tilespmem:s21+$0xC0]  }
0x1e: {  	v19 =	vld [tilespmem:s21+$0xD0]  }
0x1f: {  	v20 =	vld [tilespmem:s21+$0xE0]  }
0x20: {  	v24 =	vld [tilespmem:s21+$0x80]  }
0x21: {  	v22 =	vld [tilespmem:s21+$0x90]  }
0x22: {  	v23 =	vld [tilespmem:s21+$0xA0]  }
0x23: {  	v31 =	vld [tilespmem:s21+$0x40]  }
0x24: {  	v25 =	vld [tilespmem:s21+$0x50]  }
0x25: {  	v34 =	vld [tilespmem:s21+$0x0]  }
0x26: {  	v27 =	vld [tilespmem:s21+$0x60]  }
0x27: {  	v26 =	vimm.f32 $-3.000000010e+38;
	v32 =	vld [tilespmem:s21+$0x10]  }
0x28: {  	s22 =	simm.s32 $0x400;
	v28 =	vimm.f32 $-3.000000010e+38;
	v29 =	vimm.f32 $-3.000000010e+38;
	v30 =	vimm.f32 $-3.000000010e+38;
	v33 =	vld [tilespmem:s21+$0x20]  }
.LBB2_3:
0x29: {  	p0 =	sne.s32 s22, $0xFC00;
	v35 =	vld [tilespmem:s21+$0x30]  }
0x2a: {  	v36 =	vld [tilespmem:s21+$0x70];
	v26 =	vmax.f32 v26, v34  }
0x2b: {  	v34 =	vld [tilespmem:s21+$0xB0];
	v26 =	vmax.f32 v26, v31  }
0x2c: {  	v31 =	vld [tilespmem:s21+$0xF0];
	s21 =	sshra.s32 s22, $0x2;
	v24 =	vmax.f32 v26, v24  }
0x2d: {  	v26 =	vmax.f32 v24, v21;
	v21 =	vld [tilespmem:s21+$0xC0]  }
0x2e: {  	v24 =	vmax.f32 v28, v32;
	v28 =	vmax.f32 v29, v33;
	v37 =	vld [tilespmem:s21+$0xD0];
	v29 =	vmax.f32 v30, v35  }
0x2f: {  	v25 =	vmax.f32 v24, v25;
	v27 =	vmax.f32 v28, v27;
	v32 =	vld [tilespmem:s21+$0xE0];
	v28 =	vmax.f32 v29, v36  }
0x30: {  	v25 =	vmax.f32 v25, v22;
	v23 =	vmax.f32 v27, v23;
	v24 =	vld [tilespmem:s21+$0x80];
	v27 =	vmax.f32 v28, v34  }
0x31: {  	v28 =	vmax.f32 v25, v19;
	v29 =	vmax.f32 v23, v20;
	v22 =	vld [tilespmem:s21+$0x90];
	v30 =	vmax.f32 v27, v31  }
0x32: {  	v23 =	vld [tilespmem:s21+$0xA0]  }
0x33: {  	v31 =	vld [tilespmem:s21+$0x40];
	v19 =	vmov v37  }
.Ltmp2:
0x34: {  	v25 =	vld [tilespmem:s21+$0x50];
	v20 =	vmov v32;
	(pc) =	sbr.rel @p0 .LBB2_3-.Ltmp2, $4  }
0x35: {  	v34 =	vld [tilespmem:s21+$0x0]  }
0x36: {  	v27 =	vld [tilespmem:s21+$0x60]  }
0x37: {  	v32 =	vld [tilespmem:s21+$0x10]  }
0x38: {  	s22 =	sadd.s32 $0x400, s22;
	v33 =	vld [tilespmem:s21+$0x20]  }
0x39: {  	v35 =	vld [tilespmem:s21+$0x30]  }
0x3a: {  	v36 =	vld [tilespmem:s21+$0x70];
	v26 =	vmax.f32 v26, v34  }
0x3b: {  	v60 =	vld [tilespmem:s21+$0xB0];
	v26 =	vmax.f32 v26, v31  }
0x3c: {  	v62 =	vld [tilespmem:s21+$0xF0];
	v24 =	vmax.f32 v26, v24  }
0x3d: {  	v21 =	vmax.f32 v24, v21  }
0x3e: {  	v24 =	vmax.f32 v28, v32;
	v26 =	vmax.f32 v29, v33;
	v28 =	vmax.f32 v30, v35  }
0x3f: {  	v24 =	vmax.f32 v24, v25;
	v25 =	vmax.f32 v26, v27;
	v26 =	vmax.f32 v28, v36  }
0x40: {  	v22 =	vmax.f32 v24, v22;
	v23 =	vmax.f32 v25, v23;
	v24 =	vmax.f32 v26, v60  }
0x41: {  	v19 =	vmax.f32 v22, v19;
	v20 =	vmax.f32 v23, v20;
	v63 =	vmax.f32 v24, v62  }
0x42: {  	v19 =	vmin.f32 v21, v19;
	v20 =	vmin.f32 v20, v63  }
0x43: {  	v19 =	vmin.f32 v19, v20  }
0x44: {  	(xrf0) =	vmin.scan.msk.f32 $0xffff, v19;
	_ =	sdelay $0x5  }
0x45: {  	v19, _, _ =	vpop (xrf0)  }
0x46: {  	s21 =	simm.s32 $0x0;
	s22 =	simm.s32 $0x80;
	v27 =	vlaneseq.u32;
	v19 =	vbroadcast v19, $0xF  }
.LBB2_5:
0x47: {  	v20 =	vld [tilespmem:s22+$0xFFFFFF80];
	_ =	sdelay $0x4  }
0x48: {  	vm1 =	vlt.s32 v27, $0xC00;
	vm0 =	vge.f32 v20, v19  }
0x49: {  	vm1 =	vmand vm1, vm0;
	_ =	sdelay $0x4  }
0x4a: {  	v20 =	vor.u32 s21, v0  }
0x4b: {  	[tilespmem:v27+s14+$0x0] =	vst.idx.msk vm1, v20  }
0x4c: {  	v20 =	vld [tilespmem:s22+$0xFFFFFF90];
	_ =	sdelay $0x2  }
0x4d: {  	v21 =	vsel vm0, $0x10, v1  }
0x4e: {  	v21 =	vadd.s32 v27, v21  }
0x4f: {  	vm11 =	vlt.s32 v21, $0xC00;
	vm10 =	vge.f32 v20, v19  }
0x50: {  	vm1 =	vmand vm10, vm11;
	_ =	sdelay $0x4  }
0x51: {  	v20 =	vor.u32 s21, v2  }
0x52: {  	[tilespmem:v21+s14+$0x0] =	vst.idx.msk vm1, v20  }
0x53: {  	v20 =	vld [tilespmem:s22+$0xFFFFFFA0];
	_ =	sdelay $0x2  }
0x54: {  	v22 =	vsel vm10, $0x10, v1  }
0x55: {  	v21 =	vadd.s32 v21, v22  }
0x56: {  	vm13 =	vlt.s32 v21, $0xC00;
	vm12 =	vge.f32 v20, v19  }
0x57: {  	vm1 =	vmand vm12, vm13;
	_ =	sdelay $0x4  }
0x58: {  	v20 =	vor.u32 s21, v3  }
0x59: {  	[tilespmem:v21+s14+$0x0] =	vst.idx.msk vm1, v20  }
0x5a: {  	v20 =	vld [tilespmem:s22+$0xFFFFFFB0];
	_ =	sdelay $0x2  }
0x5b: {  	v49 =	vsel vm12, $0x10, v1  }
0x5c: {  	v21 =	vadd.s32 v21, v49  }
0x5d: {  	vm15 =	vlt.s32 v21, $0xC00;
	vm14 =	vge.f32 v20, v19  }
0x5e: {  	vm1 =	vmand vm14, vm15;
	_ =	sdelay $0x4  }
0x5f: {  	v20 =	vor.u32 s21, v4  }
0x60: {  	[tilespmem:v21+s14+$0x0] =	vst.idx.msk vm1, v20  }
0x61: {  	v20 =	vld [tilespmem:s22+$0xFFFFFFC0];
	_ =	sdelay $0x2  }
0x62: {  	v50 =	vsel vm14, $0x10, v1  }
0x63: {  	v21 =	vadd.s32 v21, v50  }
0x64: {  	vm5 =	vlt.s32 v21, $0xC00;
	vm4 =	vge.f32 v20, v19  }
0x65: {  	vm1 =	vmand vm4, vm5;
	_ =	sdelay $0x4  }
0x66: {  	v20 =	vor.u32 s21, v5  }
0x67: {  	[tilespmem:v21+s14+$0x0] =	vst.idx.msk vm1, v20  }
0x68: {  	v20 =	vld [tilespmem:s22+$0xFFFFFFD0];
	_ =	sdelay $0x2  }
0x69: {  	v51 =	vsel vm4, $0x10, v1  }
0x6a: {  	v21 =	vadd.s32 v21, v51  }
0x6b: {  	vm7 =	vlt.s32 v21, $0xC00;
	vm6 =	vge.f32 v20, v19  }
0x6c: {  	vm1 =	vmand vm6, vm7;
	_ =	sdelay $0x4  }
0x6d: {  	v20 =	vor.u32 s21, v6  }
0x6e: {  	[tilespmem:v21+s14+$0x0] =	vst.idx.msk vm1, v20  }
0x6f: {  	v20 =	vld [tilespmem:s22+$0xFFFFFFE0];
	_ =	sdelay $0x2  }
0x70: {  	v52 =	vsel vm6, $0x10, v1  }
0x71: {  	v21 =	vadd.s32 v21, v52  }
0x72: {  	vm9 =	vlt.s32 v21, $0xC00;
	vm8 =	vge.f32 v20, v19  }
0x73: {  	vm1 =	vmand vm8, vm9;
	_ =	sdelay $0x4  }
0x74: {  	v20 =	vor.u32 s21, v7  }
0x75: {  	[tilespmem:v21+s14+$0x0] =	vst.idx.msk vm1, v20  }
0x76: {  	v20 =	vld [tilespmem:s22+$0xFFFFFFF0];
	_ =	sdelay $0x2  }
0x77: {  	v53 =	vsel vm8, $0x10, v1  }
0x78: {  	v21 =	vadd.s32 v21, v53  }
0x79: {  	vm11 =	vlt.s32 v21, $0xC00;
	vm10 =	vge.f32 v20, v19  }
0x7a: {  	vm1 =	vmand vm10, vm11;
	_ =	sdelay $0x4  }
0x7b: {  	v20 =	vor.u32 s21, v8  }
0x7c: {  	[tilespmem:v21+s14+$0x0] =	vst.idx.msk vm1, v20  }
0x7d: {  	v20 =	vld [tilespmem:s22+$0x0];
	_ =	sdelay $0x2  }
0x7e: {  	v54 =	vsel vm10, $0x10, v1  }
0x7f: {  	v21 =	vadd.s32 v21, v54  }
0x80: {  	vm13 =	vlt.s32 v21, $0xC00;
	vm12 =	vge.f32 v20, v19  }
0x81: {  	vm1 =	vmand vm12, vm13;
	_ =	sdelay $0x4  }
0x82: {  	v20 =	vor.u32 s21, v9  }
0x83: {  	[tilespmem:v21+s14+$0x0] =	vst.idx.msk vm1, v20  }
0x84: {  	v20 =	vld [tilespmem:s22+$0x10];
	_ =	sdelay $0x2  }
0x85: {  	v55 =	vsel vm12, $0x10, v1  }
0x86: {  	v21 =	vadd.s32 v21, v55  }
0x87: {  	vm15 =	vlt.s32 v21, $0xC00;
	vm14 =	vge.f32 v20, v19  }
0x88: {  	vm1 =	vmand vm14, vm15;
	_ =	sdelay $0x4  }
0x89: {  	v20 =	vor.u32 s21, v10  }
0x8a: {  	[tilespmem:v21+s14+$0x0] =	vst.idx.msk vm1, v20  }
0x8b: {  	v20 =	vld [tilespmem:s22+$0x20];
	_ =	sdelay $0x2  }
0x8c: {  	v56 =	vsel vm14, $0x10, v1  }
0x8d: {  	v21 =	vadd.s32 v21, v56  }
0x8e: {  	vm5 =	vlt.s32 v21, $0xC00;
	vm4 =	vge.f32 v20, v19  }
0x8f: {  	vm1 =	vmand vm4, vm5;
	_ =	sdelay $0x4  }
0x90: {  	v20 =	vor.u32 s21, v11  }
0x91: {  	[tilespmem:v21+s14+$0x0] =	vst.idx.msk vm1, v20  }
0x92: {  	v20 =	vld [tilespmem:s22+$0x30];
	_ =	sdelay $0x2  }
0x93: {  	v57 =	vsel vm4, $0x10, v1  }
0x94: {  	v21 =	vadd.s32 v21, v57  }
0x95: {  	vm7 =	vlt.s32 v21, $0xC00;
	vm6 =	vge.f32 v20, v19  }
0x96: {  	vm1 =	vmand vm6, vm7;
	_ =	sdelay $0x4  }
0x97: {  	v20 =	vor.u32 s21, v13  }
0x98: {  	[tilespmem:v21+s14+$0x0] =	vst.idx.msk vm1, v20  }
0x99: {  	v20 =	vld [tilespmem:s22+$0x40];
	_ =	sdelay $0x2  }
0x9a: {  	v58 =	vsel vm6, $0x10, v1  }
0x9b: {  	v21 =	vadd.s32 v21, v58  }
0x9c: {  	vm9 =	vlt.s32 v21, $0xC00;
	vm8 =	vge.f32 v20, v19  }
0x9d: {  	vm1 =	vmand vm8, vm9;
	_ =	sdelay $0x4  }
0x9e: {  	v20 =	vor.u32 s21, v14  }
0x9f: {  	[tilespmem:v21+s14+$0x0] =	vst.idx.msk vm1, v20  }
0xa0: {  	v20 =	vld [tilespmem:s22+$0x50];
	_ =	sdelay $0x2  }
0xa1: {  	v59 =	vsel vm8, $0x10, v1  }
0xa2: {  	v21 =	vadd.s32 v21, v59  }
0xa3: {  	vm11 =	vlt.s32 v21, $0xC00;
	vm10 =	vge.f32 v20, v19  }
0xa4: {  	vm1 =	vmand vm10, vm11;
	_ =	sdelay $0x4  }
0xa5: {  	v20 =	vor.u32 s21, v15  }
0xa6: {  	[tilespmem:v21+s14+$0x0] =	vst.idx.msk vm1, v20  }
0xa7: {  	v20 =	vld [tilespmem:s22+$0x60];
	_ =	sdelay $0x2  }
0xa8: {  	v60 =	vsel vm10, $0x10, v1  }
0xa9: {  	v21 =	vadd.s32 v21, v60  }
0xaa: {  	vm13 =	vlt.s32 v21, $0xC00;
	vm12 =	vge.f32 v20, v19  }
0xab: {  	vm1 =	vmand vm12, vm13;
	_ =	sdelay $0x4  }
0xac: {  	v20 =	vor.u32 s21, v16  }
0xad: {  	[tilespmem:v21+s14+$0x0] =	vst.idx.msk vm1, v20  }
0xae: {  	v20 =	vld [tilespmem:s22+$0x70];
	_ =	sdelay $0x2  }
0xaf: {  	v62 =	vsel vm12, $0x10, v1  }
0xb0: {  	v21 =	vadd.s32 v21, v62  }
0xb1: {  	vm15 =	vlt.s32 v21, $0xC00;
	vm14 =	vge.f32 v20, v19  }
0xb2: {  	vm1 =	vmand vm14, vm15  }
0xb3: {  	p0 =	sne.s32 s21, $0x3F00  }
.Ltmp3:
0xb4: {  	_ = 	snop;
	(pc) =	sbr.rel @p0 .LBB2_5-.Ltmp3, $3  }
0xb5: {  	_ =	sdelay $0x1  }
0xb6: {  	v20 =	vor.u32 s21, v17;
	v63 =	vsel vm14, $0x10, v1  }
0xb7: {  	s22 =	sadd.s32 $0x100, s22;
	s21 =	sadd.s32 $0x100, s21;
	v27 =	vadd.s32 v21, v63;
	[tilespmem:v21+s14+$0x0] =	vst.idx.msk vm1, v20  }
0xb8: {  	v19 =	vld [tilespmem:$0x8000]  }
0xb9: {  	v20 =	vld [tilespmem:$0x8010];
	_ =	sdelay $0x1  }
0xba: {  	v21 =	vld [tilespmem:$0x8020]  }
0xbb: {  	v22 =	vld [tilespmem:$0x8030]  }
0xbc: {  	v19 =	vand.u32 $0x3FFF, v19  }
0xbd: {  	v20 =	vand.u32 $0x3FFF, v20;
	_ =	sdelay $0x1  }
0xbe: {  	v21 =	vand.u32 $0x3FFF, v21  }
0xbf: {  	v22 =	vand.u32 $0x3FFF, v22  }
0xc0: {  	v23 =	vld.idx.msk [tilespmem:v19+s2+$0x0], $0xffff  }
0xc1: {  	v24 =	vld.idx.msk [tilespmem:v20+s2+$0x0], $0xffff;
	_ =	sdelay $0x1  }
0xc2: {  	v25 =	vld.idx.msk [tilespmem:v21+s2+$0x0], $0xffff  }
0xc3: {  	vm0 =	vgt.s32 v27, v0;
	v26 =	vld.idx.msk [tilespmem:v22+s2+$0x0], $0xffff  }
0xc4: {  	vm8 =	vgt.s32 v27, v2;
	v23 =	vnsel vm0, $0xFF61B1E6, v23  }
0xc5: {  	v24 =	vnsel vm8, $0xFF61B1E6, v24;
	(xrf1) =	vsort.dscd.msk.f32 $0xffff, v23, v19  }
0xc6: {  	vm9 =	vgt.s32 v27, v3;
	(xrf1) =	vsort.dscd.msk.f32 $0xffff, v24, v20  }
0xc7: {  	vm10 =	vgt.s32 v27, v4;
	v19 =	vnsel vm9, $0xFF61B1E6, v25  }
0xc8: {  	v20 =	vnsel vm10, $0xFF61B1E6, v26;
	(xrf1) =	vsort.dscd.msk.f32 $0xffff, v19, v21  }
0xc9: {  	(xrf1) =	vsort.dscd.msk.f32 $0xffff, v20, v22;
	_ =	sdelay $0x9  }
0xca: {  	v19, v20, _ =	vpop (xrf1)  }
0xcb: {  	v21, v22, _ =	vpop (xrf1)  }
0xcc: {  	v21 =	vperm.xlane v21, v18  }
0xcd: {  	v23, v24, _ =	vpop (xrf1)  }
0xce: {  	v22 =	vperm.xlane v22, v18;
	v25, v26, _ =	vpop (xrf1);
	vm11 =	vge.f32 v19, v21  }
0xcf: {  	v25 =	vperm.xlane v25, v18;
	v28 =	vsel vm11, v19, v21  }
0xd0: {  	v29 =	vsel vm11, v20, v22;
	v19 =	vsel vm11, v21, v19;
	v21 =	vperm.xlane v26, v18  }
0xd1: {  	v20 =	vsel vm11, v22, v20;
	(xrf1) =	vsort.dscd.msk.f32 $0xffff, v28, v29;
	vm12 =	vge.f32 v23, v25  }
0xd2: {  	(xrf1) =	vsort.dscd.msk.f32 $0xffff, v19, v20;
	v19 =	vsel vm12, v23, v25;
	v20 =	vsel vm12, v24, v21  }
0xd3: {  	(xrf1) =	vsort.dscd.msk.f32 $0xffff, v19, v20;
	v19 =	vadd.s32 v61, v27  }
0xd4: {  	v19 =	vxor.u32 $0x80000000, v19  }
0xd5: {  	(xrf0) =	vmax.scan.msk.u32 $0xffff, v19;
	_ =	sdelay $0x1  }
0xd6: {  	v22 =	vsel vm12, v25, v23;
	v21 =	vsel vm12, v21, v24  }
0xd7: {  	(xrf1) =	vsort.dscd.msk.f32 $0xffff, v22, v21;
	_ =	sdelay $0x2  }
0xd8: {  	v19, _, _ =	vpop (xrf0)  }
0xd9: {  	(v2sf) =	vpush v19, $0xF;
	_ =	sdelay $0x6  }
0xda: {  	v19, v20, _ =	vpop (xrf1)  }
0xdb: {  	v21, v22, _ =	vpop (xrf1)  }
0xdc: {  	v23, v24, _ =	vpop (xrf1)  }
0xdd: {  	v25, v26, _ =	vpop (xrf1)  }
0xde: {  	v23 =	vperm.xlane v23, v18;
	v25 =	vperm.xlane v25, v18  }
0xdf: {  	v26 =	vperm.xlane v26, v18  }
0xe0: {  	v24 =	vperm.xlane v24, v18;
	vm1 =	vge.f32 v21, v23;
	vm13 =	vge.f32 v19, v25  }
0xe1: {  	v28 =	vsel vm13, v19, v25;
	v29 =	vsel vm13, v20, v26;
	v19 =	vsel vm13, v25, v19  }
0xe2: {  	v20 =	vsel vm13, v26, v20;
	v25 =	vsel vm1, v21, v23;
	v26 =	vsel vm1, v22, v24;
	s21 =	spop (v2sf)  }
0xe3: {  	v21 =	vsel vm1, v23, v21;
	v22 =	vsel vm1, v24, v22;
	vm14 =	vge.f32 v28, v25;
	s22 =	sxor.u32 $0x80000000, s21  }
0xe4: {  	vm15 =	vge.f32 v19, v21;
	v23 =	vsel vm14, v28, v25;
	v24 =	vsel vm14, v29, v26;
	p1 =	sgt.s32 s21, $0xFFFFFFFF;
	s21 =	sand.u32 $0xF, s21;
	p0 =	slt.s32 s22, $0x1  }
0xe5: {  	v25 =	vsel vm14, v25, v28;
	v26 =	vsel vm14, v26, v29;
	(xrf1) =	vsort.dscd.msk.f32 $0xffff, v23, v24;
	s23 =	sshra.s32 s22, $0x1F;
	p4 =	sne.s32 s21, $0x0;
	p0 =	por p1, p0  }
0xe6: {  	v23 =	vsel vm15, v19, v21;
	v24 =	vsel vm15, v20, v22;
	(xrf1) =	vsort.dscd.msk.f32 $0xffff, v25, v26;
	s29 =	sshrl.u32 s23, $0x1C;
	p0 =	por !p4, !p0  }
0xe7: {  	v19 =	vsel vm15, v21, v19;
	v20 =	vsel vm15, v22, v20;
	(xrf1) =	vsort.dscd.msk.f32 $0xffff, v23, v24;
	s21 =	sadd.s32 s29, s22;
	s22 =	simm.s32 $0x1;
	p0 =	por !p0, !p0  }
0xe8: {  	(xrf1) =	vsort.dscd.msk.f32 $0xffff, v19, v20;
	s21 =	sshra.s32 s21, $0x4;
	s22 =	simm.s32 @!p0 $0x0  }
0xe9: {  	s21 =	ssub.s32 s21, s22  }
0xea: {  	s22 =	sadd.s32 $0x3, s21  }
0xeb: {  	s30 =	sand.u32 $0x3, s22  }
0xec: {  	p5 =	slt.s32 s21, $0xFFFFFFFE;
	p6 =	sne.s32 s30, $0x0  }
0xed: {  	s31 =	sshrl.u32 s22, $0x1E;
	p0 =	por !p5, !p6  }
0xee: {  	s21 =	sadd.s32 s31, s22;
	s22 =	simm.s32 $0x1;
	p0 =	por !p0, !p0  }
0xef: {  	s21 =	sshra.s32 s21, $0x2;
	s22 =	simm.s32 @!p0 $0x0  }
0xf0: {  	s22 =	ssub.s32 s21, s22  }
0xf1: {  	p1 =	slt.s32 s22, $0x2  }
.Ltmp4:
0xf2: {  	_ = 	snop;
	(pc) =	sbr.rel @p1 .LBB2_18-.Ltmp4, $4  }
0xf3: {  	v26, v22, _ =	vpop (xrf1)  }
0xf4: {  	v24, v20, _ =	vpop (xrf1)  }
0xf5: {  	v25, v21, _ =	vpop (xrf1)  }
0xf6: {  	v23, v19, _ =	vpop (xrf1)  }
0xf7: {  	s22 =	simm.s32 $0x8070  }
0xf8: {  	v28 =	vld [tilespmem:s22+$0x0]  }
0xf9: {  	v29 =	vld [tilespmem:s22+$0xFFFFFFD0]  }
0xfa: {  	v30 =	vld [tilespmem:s22+$0xFFFFFFE0];
	_ =	sdelay $0x2  }
0xfb: {  	v28 =	vand.u32 $0x3FFF, v28  }
0xfc: {  	v29 =	vand.u32 $0x3FFF, v29  }
0xfd: {  	v30 =	vand.u32 $0x3FFF, v30;
	_ =	sdelay $0x2  }
0xfe: {  	v31 =	vld.idx.msk [tilespmem:v28+s2+$0x0], $0xffff  }
0xff: {  	v32 =	vld.idx.msk [tilespmem:v29+s2+$0x0], $0xffff  }
0x100: {  	s23 =	simm.s32 $0x70;
	v33 =	vld.idx.msk [tilespmem:v30+s2+$0x0], $0xffff  }
0x101: {  	s24 =	simm.s32 $0x40;
	v34 =	vor.u32 s23, v0  }
0x102: {  	s30 =	simm.s32 $0x50;
	v35 =	vor.u32 s24, v0;
	vm0 =	vlt.s32 v34, v27  }
0x103: {  	v59 =	vor.u32 s30, v0;
	vm1 =	vlt.s32 v35, v27;
	v31 =	vnsel vm0, $0xFF61B1E6, v31  }
0x104: {  	v60 =	vld [tilespmem:s22+$0xFFFFFFF0];
	vm14 =	vlt.s32 v59, v27;
	v32 =	vnsel vm1, $0xFF61B1E6, v32;
	(xrf1) =	vsort.dscd.msk.f32 $0xffff, v31, v28  }
0x105: {  	v28 =	vnsel vm14, $0xFF61B1E6, v33;
	(xrf1) =	vsort.dscd.msk.f32 $0xffff, v32, v29  }
0x106: {  	(xrf1) =	vsort.dscd.msk.f32 $0xffff, v28, v30;
	_ =	sdelay $0x2  }
0x107: {  	v28 =	vand.u32 $0x3FFF, v60;
	_ =	sdelay $0x1  }
0x108: {  	s22 =	simm.s32 $0xFFFFFFFF  }
0x109: {  	s22 =	simm.s32 @!p0 $0x0  }
0x10a: {  	s21 =	sadd.s32 s22, s21  }
0x10b: {  	s21 =	sadd.s32 $0xFFFFFFFF, s21;
	v29 =	vld.idx.msk [tilespmem:v28+s2+$0x0], $0xffff  }
0x10c: {  	p3 =	sne.s32 s21, $0x1  }
.Ltmp5:
0x10d: {  	s31 =	simm.s32 $0x60;
	(pc) =	sbr.rel @!p3 .LBB2_8-.Ltmp5, $4  }
0x10e: {  	v62 =	vor.u32 s31, v0  }
0x10f: {  	vm15 =	vlt.s32 v62, v27;
	v63, v49, _ =	vpop (xrf1)  }
0x110: {  	p1 =	por $0x0, $0x0;
	p2 =	por $0x0, $0x0;
	s23 =	simm.s32 $0x80B0;
	v29 =	vnsel vm15, $0xFF61B1E6, v29;
	v43, v44, _ =	vpop (xrf1)  }
0x111: {  	p0 =	por $0x0, $0x0;
	s22 =	simm.s32 $0x80;
	s21 =	sadd.s32 $0xFFFFFFFF, s21;
	(xrf1) =	vsort.dscd.msk.f32 $0xffff, v29, v28;
	v46 =	vperm.xlane v63, v18;
	v58, v56, _ =	vpop (xrf1)  }
0x112: {  	_ =	sdelay $0x5  }
0x113: {  	v28 =	vld [tilespmem:s23+$0x0]  }
0x114: {  	v29 =	vld [tilespmem:s23+$0xFFFFFFD0]  }
0x115: {  	v30 =	vld [tilespmem:s23+$0xFFFFFFE0];
	_ =	sdelay $0x2  }
0x116: {  	v28 =	vand.u32 $0x3FFF, v28  }
0x117: {  	v29 =	vand.u32 $0x3FFF, v29  }
0x118: {  	v33 =	vperm.xlane v58, v18;
	v34 =	vperm.xlane v49, v18;
	v30 =	vand.u32 $0x3FFF, v30;
	v31, v32, _ =	vpop (xrf1)  }
0x119: {  	v35 =	vperm.xlane v56, v18;
	vm0 =	vge.f32 v31, v46  }
0x11a: {  	v36 =	vld [tilespmem:s23+$0xFFFFFFF0];
	vm1 =	vge.f32 v43, v33;
	v37 =	vsel vm0, v46, v31;
	v38 =	vsel vm0, v34, v32  }
0x11b: {  	v47 =	vld.idx.msk [tilespmem:v28+s2+$0x0], $0xffff;
	v32 =	vsel vm0, v32, v34;
	v31 =	vsel vm0, v31, v46;
	(xrf1) =	vsort.dscd.msk.f32 $0xffff, v37, v38  }
0x11c: {  	v48 =	vsel vm1, v33, v43;
	v49 =	vsel vm1, v35, v44;
	v50 =	vld.idx.msk [tilespmem:v29+s2+$0x0], $0xffff;
	(xrf1) =	vsort.dscd.msk.f32 $0xffff, v31, v32  }
0x11d: {  	s29 =	simm.s32 $0xB0;
	v51 =	vsel vm1, v44, v35;
	v33 =	vsel vm1, v43, v33;
	v52 =	vld.idx.msk [tilespmem:v30+s2+$0x0], $0xffff;
	(xrf1) =	vsort.dscd.msk.f32 $0xffff, v48, v49  }
0x11e: {  	v53 =	vor.u32 s29, v0;
	(xrf1) =	vsort.dscd.msk.f32 $0xffff, v33, v51  }
0x11f: {  	v54 =	vor.u32 s22, v0;
	s30 =	simm.s32 $0x90;
	v57 =	vand.u32 $0x3FFF, v36;
	vm0 =	vlt.s32 v53, v27  }
0x120: {  	v55 =	vor.u32 s30, v0;
	vm1 =	vlt.s32 v54, v27;
	v56 =	vnsel vm0, $0xFF61B1E6, v47  }
0x121: {  	vm0 =	vlt.s32 v55, v27;
	v31 =	vnsel vm1, $0xFF61B1E6, v50;
	(xrf1) =	vsort.dscd.msk.f32 $0xffff, v56, v28  }
0x122: {  	v28 =	vnsel vm0, $0xFF61B1E6, v52;
	(xrf1) =	vsort.dscd.msk.f32 $0xffff, v31, v29  }
0x123: {  	(xrf1) =	vsort.dscd.msk.f32 $0xffff, v28, v30  }
0x124: {  	v28 =	vld.idx.msk [tilespmem:v57+s2+$0x0], $0xffff;
	_ =	sdelay $0x1  }
0x125: {  	s31 =	simm.s32 $0xA0  }
0x126: {  	v29 =	vor.u32 s31, v0  }
0x127: {  	vm0 =	vlt.s32 v29, v27  }
0x128: {  	v28 =	vnsel vm0, $0xFF61B1E6, v28;
	v59, v58, _ =	vpop (xrf1)  }
0x129: {  	v29, v60, _ =	vpop (xrf1)  }
0x12a: {  	v30 =	vperm.xlane v59, v18;
	v29 =	vperm.xlane v29, v18;
	v62, v34, _ =	vpop (xrf1)  }
0x12b: {  	p3 =	sne.s32 s21, $0x1;
	(xrf1) =	vsort.dscd.msk.f32 $0xffff, v28, v57;
	v28, v32, _ =	vpop (xrf1)  }
.Ltmp6:
0x12c: {  	v31 =	vperm.xlane v58, v18;
	vm2 =	vge.f32 v28, v30;
	vm0 =	vge.f32 v62, v29;
	(pc) =	sbr.rel @!p3 .LBB2_10-.Ltmp6, $4  }
0x12d: {  	v37 =	vperm.xlane v60, v18;
	v63 =	vsel vm2, v28, v30;
	v39 =	vsel vm0, v62, v29  }
0x12e: {  	v35 =	vsel vm2, v30, v28;
	v36 =	vsel vm0, v29, v62;
	v28, v49, _ =	vpop (xrf1);
	v40 =	vsel vm2, v32, v31  }
0x12f: {  	s21 =	sadd.s32 $0xFFFFFFFF, s21;
	v42 =	vsel vm0, v34, v37;
	v38 =	vsel vm2, v31, v32;
	vm1 =	vge.f32 v63, v39;
	v43, v44, _ =	vpop (xrf1)  }
0x130: {  	s23 =	simm.s32 $0xC0;
	s22 =	simm.s32 $0x80F0;
	p0 =	por $0x1, $0x1;
	v46 =	vperm.xlane v28, v18;
	v41 =	vsel vm1, v63, v39;
	v39 =	vsel vm1, v39, v63;
	v58, v56, _ =	vpop (xrf1)  }
0x131: {  	_ =	sdelay $0x1  }
0x132: {  	v28 =	vld [tilespmem:s22+$0x0]  }
0x133: {  	v29 =	vld [tilespmem:s22+$0xFFFFFFD0]  }
0x134: {  	v30 =	vld [tilespmem:s22+$0xFFFFFFE0];
	_ =	sdelay $0x1  }
0x135: {  	v31 =	vor.u32 s23, v0  }
0x136: {  	v45 =	vperm.xlane v58, v18;
	v47 =	vperm.xlane v56, v18;
	v28 =	vand.u32 $0x3FFF, v28  }
0x137: {  	v48 =	vperm.xlane v49, v18;
	vm2 =	vlt.s32 v31, v27;
	v29 =	vand.u32 $0x3FFF, v29;
	v32, v33, _ =	vpop (xrf1)  }
0x138: {  	vm4 =	vge.f32 v43, v45;
	v30 =	vand.u32 $0x3FFF, v30;
	vm3 =	vge.f32 v32, v46  }
0x139: {  	v50 =	vsel vm4, v45, v43;
	v31 =	vsel vm3, v46, v32;
	v49 =	vsel vm3, v48, v33  }
0x13a: {  	v51 =	vld [tilespmem:s22+$0xFFFFFFF0];
	v33 =	vsel vm3, v33, v48;
	v32 =	vsel vm3, v32, v46;
	(xrf1) =	vsort.dscd.msk.f32 $0xffff, v31, v49  }
0x13b: {  	v60 =	vsel vm4, v47, v44;
	v63 =	vsel vm4, v43, v45;
	v62 =	vld.idx.msk [tilespmem:v28+s2+$0x0], $0xffff;
	(xrf1) =	vsort.dscd.msk.f32 $0xffff, v32, v33  }
0x13c: {  	v48 =	vsel vm1, v40, v42;
	v31 =	vsel vm4, v44, v47;
	v49 =	vld.idx.msk [tilespmem:v29+s2+$0x0], $0xffff;
	(xrf1) =	vsort.dscd.msk.f32 $0xffff, v50, v60  }
0x13d: {  	s29 =	simm.s32 $0xF0;
	vm3 =	vge.f32 v35, v36;
	v50 =	vsel vm0, v37, v34;
	(xrf1) =	vsort.dscd.msk.f32 $0xffff, v63, v31;
	v31 =	vld.idx.msk [tilespmem:v30+s2+$0x0], $0xffff  }
0x13e: {  	v52 =	vor.u32 s29, v0;
	v53 =	vsel vm3, v35, v36;
	v54 =	vsel vm3, v38, v50;
	(xrf1) =	vsort.dscd.msk.f32 $0xffff, v41, v48  }
0x13f: {  	s30 =	simm.s32 $0xD0;
	v55 =	vsel vm1, v42, v40;
	vm0 =	vlt.s32 v52, v27;
	(xrf1) =	vsort.dscd.msk.f32 $0xffff, v53, v54  }
0x140: {  	v56 =	vor.u32 s30, v0;
	v57 =	vand.u32 $0x3FFF, v51;
	v32 =	vnsel vm0, $0xFF61B1E6, v62;
	(xrf1) =	vsort.dscd.msk.f32 $0xffff, v39, v55  }
0x141: {  	vm0 =	vlt.s32 v56, v27;
	v58 =	vnsel vm2, $0xFF61B1E6, v49;
	(xrf1) =	vsort.dscd.msk.f32 $0xffff, v32, v28  }
0x142: {  	v28 =	vnsel vm0, $0xFF61B1E6, v31;
	(xrf1) =	vsort.dscd.msk.f32 $0xffff, v58, v29  }
0x143: {  	(xrf1) =	vsort.dscd.msk.f32 $0xffff, v28, v30;
	_ =	sdelay $0x1  }
0x144: {  	s31 =	simm.s32 $0xE0;
	v28 =	vld.idx.msk [tilespmem:v57+s2+$0x0], $0xffff  }
0x145: {  	v29 =	vor.u32 s31, v0;
	_ =	sdelay $0x1  }
0x146: {  	v30, v31, _ =	vpop (xrf1)  }
0x147: {  	v63 =	vsel vm3, v36, v35;
	vm0 =	vlt.s32 v29, v27;
	v29, v59, _ =	vpop (xrf1)  }
0x148: {  	v28 =	vnsel vm0, $0xFF61B1E6, v28;
	v42 =	vperm.xlane v30, v18;
	v43, v34, _ =	vpop (xrf1)  }
0x149: {  	v30 =	vsel vm3, v50, v38;
	(xrf1) =	vsort.dscd.msk.f32 $0xffff, v28, v57;
	v52 =	vperm.xlane v29, v18;
	v54, v53, _ =	vpop (xrf1)  }
0x14a: {  	p3 =	sne.s32 s21, $0x1;
	v55 =	vperm.xlane v31, v18;
	(xrf1) =	vsort.dscd.msk.f32 $0xffff, v63, v30;
	vm2 =	vge.f32 v54, v42;
	v63, v62, _ =	vpop (xrf1)  }
.Ltmp7:
0x14b: {  	v37 =	vperm.xlane v59, v18;
	vm0 =	vge.f32 v43, v52;
	v56 =	vsel vm2, v54, v42;
	v57, v31, _ =	vpop (xrf1);
	(pc) =	sbr.rel @!p3 .LBB2_12-.Ltmp7, $4  }
0x14c: {  	v35 =	vsel vm2, v42, v54;
	v58 =	vsel vm0, v43, v52;
	v36 =	vsel vm0, v52, v43;
	v59, v12, _ =	vpop (xrf1)  }
0x14d: {  	v40 =	vsel vm2, v53, v55;
	v42 =	vsel vm0, v34, v37;
	vm1 =	vge.f32 v56, v58;
	v60, v49, _ =	vpop (xrf1)  }
0x14e: {  	s21 =	sadd.s32 $0xFFFFFFFF, s21;
	v38 =	vsel vm2, v55, v53;
	v32 =	vperm.xlane v57, v18;
	v41 =	vsel vm1, v56, v58;
	v43, v44, _ =	vpop (xrf1)  }
0x14f: {  	s23 =	simm.s32 $0x100;
	s22 =	simm.s32 $0x8130;
	p1 =	por $0x1, $0x1;
	v33 =	vperm.xlane v59, v18;
	v39 =	vsel vm1, v58, v56;
	[tilespmem:$0x1FFE0] =	vst v12;
	v46 =	vperm.xlane v60, v18;
	v58, v56, _ =	vpop (xrf1)  }
0x150: {  	_ =	sdelay $0x5  }
0x151: {  	v45 =	vor.u32 s23, v0;
	v47 =	vld [tilespmem:s22+$0x0];
	v54 =	vperm.xlane v58, v18;
	v55 =	vperm.xlane v56, v18  }
0x152: {  	v52 =	vld [tilespmem:s22+$0xFFFFFFD0];
	v49 =	vperm.xlane v49, v18;
	vm12 =	vge.f32 v35, v36;
	v34 =	vsel vm0, v37, v34;
	v50, v51, _ =	vpop (xrf1)  }
0x153: {  	s24 =	simm.s32 $0x120;
	s31 =	simm.s32 $0x110;
	vm0 =	vge.f32 v24, v32;
	vm2 =	vlt.s32 v45, v27;
	v45 =	vld [tilespmem:s22+$0xFFFFFFE0];
	vm4 =	vge.f32 v50, v46  }
0x154: {  	v56 =	vld [tilespmem:s22+$0xFFFFFFF0];
	v48 =	vor.u32 s24, v0;
	v57 =	vor.u32 s31, v0;
	v60 =	vsel vm4, v46, v50  }
0x155: {  	v37 =	vsel vm12, v38, v34;
	vm5 =	vge.f32 v43, v54;
	v61 =	vsel vm4, v49, v51  }
0x156: {  	v47 =	vand.u32 $0x3FFF, v47;
	v49 =	vsel vm4, v51, v49;
	v46 =	vsel vm4, v50, v46;
	(xrf1) =	vsort.dscd.msk.f32 $0xffff, v60, v61  }
0x157: {  	vm6 =	vge.f32 v25, v33;
	v59 =	vsel vm5, v54, v43;
	v52 =	vand.u32 $0x3FFF, v52;
	v60, v51, _ =	vpop (xrf1);
	(xrf1) =	vsort.dscd.msk.f32 $0xffff, v46, v49  }
0x158: {  	[tilespmem:$0x1FFC0] =	vst v31;
	v45 =	vand.u32 $0x3FFF, v45;
	v61 =	vsel vm5, v44, v55;
	v55 =	vsel vm5, v55, v44  }
0x159: {  	s30 =	simm.s32 $0x130;
	v34 =	vsel vm12, v34, v38;
	v58 =	vsel vm5, v43, v54;
	v49 =	vand.u32 $0x3FFF, v56;
	(xrf1) =	vsort.dscd.msk.f32 $0xffff, v59, v55  }
0x15a: {  	v53 =	vor.u32 s30, v0;
	vm3 =	vlt.s32 v57, v27;
	v43 =	vperm.xlane v31, v18;
	(xrf1) =	vsort.dscd.msk.f32 $0xffff, v58, v61  }
0x15b: {  	vm13 =	vlt.s32 v53, v27;
	vm7 =	vlt.s32 v48, v27;
	v54 =	vperm.xlane v12, v18;
	v50 =	vld.idx.msk [tilespmem:v47+s2+$0x0], $0xffff  }
0x15c: {  	[tilespmem:$0x1FFD0] =	vst v62;
	v31 =	vmov v63;
	v43 =	vsel vm0, v20, v43;
	v46 =	vperm.xlane v60, v18;
	v60 =	vld.idx.msk [tilespmem:v52+s2+$0x0], $0xffff  }
0x15d: {  	v44 =	vsel vm1, v42, v40;
	v59 =	vsel vm1, v40, v42;
	v55 =	vperm.xlane v63, v18;
	v61 =	vld.idx.msk [tilespmem:v45+s2+$0x0], $0xffff  }
0x15e: {  	(xrf1) =	vsort.dscd.msk.f32 $0xffff, v41, v59;
	v41 =	vperm.xlane v62, v18;
	v62 =	vsel vm12, v35, v36;
	v63 =	vld.idx.msk [tilespmem:v49+s2+$0x0], $0xffff  }
0x15f: {  	v42 =	vsel vm12, v36, v35;
	v40 =	vperm.xlane v51, v18;
	(xrf1) =	vsort.dscd.msk.f32 $0xffff, v62, v37  }
0x160: {  	vm1 =	vge.f32 v26, v46;
	v58 =	vnsel vm13, $0xFF61B1E6, v50;
	v59 =	vsel vm6, v25, v33;
	(xrf1) =	vsort.dscd.msk.f32 $0xffff, v39, v44  }
0x161: {  	v57 =	vsel vm1, v26, v46;
	v46 =	vsel vm6, v21, v54;
	v60 =	vnsel vm2, $0xFF61B1E6, v60;
	(xrf1) =	vsort.dscd.msk.f32 $0xffff, v58, v47  }
0x162: {  	v39 =	vsel vm1, v22, v40;
	vm1 =	vge.f32 v23, v55;
	v61 =	vnsel vm3, $0xFF61B1E6, v61;
	(xrf1) =	vsort.dscd.msk.f32 $0xffff, v60, v52  }
0x163: {  	vm2 =	vge.f32 v57, v59;
	v38 =	vsel vm1, v23, v55;
	(xrf1) =	vsort.dscd.msk.f32 $0xffff, v61, v45;
	v36 =	vnsel vm7, $0xFF61B1E6, v63  }
0x164: {  	v50 =	vsel vm2, v46, v39;
	v51 =	vsel vm2, v59, v57;
	(xrf1) =	vsort.dscd.msk.f32 $0xffff, v36, v49;
	v63, v62, _ =	vpop (xrf1)  }
0x165: {  	v44 =	vsel vm2, v57, v59;
	v39 =	vsel vm2, v39, v46;
	v35, v40, _ =	vpop (xrf1);
	(xrf1) =	vsort.dscd.msk.f32 $0xffff, v42, v34  }
0x166: {  	v49 =	vsel vm1, v19, v41;
	v36 =	vperm.xlane v63, v18;
	v42 =	vsel vm0, v24, v32  }
0x167: {  	v56 =	vperm.xlane v62, v18;
	v41 =	vperm.xlane v35, v18;
	v45, v34, _ =	vpop (xrf1);
	vm3 =	vge.f32 v42, v38  }
0x168: {  	v37 =	vperm.xlane v40, v18;
	v48, v58, _ =	vpop (xrf1);
	v52 =	vsel vm3, v42, v38;
	v55 =	vsel vm3, v49, v43  }
0x169: {  	v57 =	vsel vm3, v38, v42;
	v43 =	vsel vm3, v43, v49;
	vm14 =	vge.f32 v48, v36  }
0x16a: {  	vm0 =	vge.f32 v45, v41;
	vm15 =	vge.f32 v44, v52;
	vm2 =	vge.f32 v51, v57  }
0x16b: {  	v60 =	vsel vm14, v48, v36;
	v35 =	vsel vm14, v36, v48;
	v61 =	vsel vm0, v45, v41  }
0x16c: {  	p3 =	sne.s32 s21, $0x1;
	v36 =	vsel vm0, v41, v45;
	v40 =	vsel vm14, v58, v56;
	v47, v48, _ =	vpop (xrf1);
	v42 =	vsel vm0, v34, v37  }
.Ltmp8:
0x16d: {  	v62 =	vsel vm15, v44, v52;
	v63 =	vsel vm15, v52, v44;
	v12 =	vsel vm15, v39, v43;
	v59, v53, _ =	vpop (xrf1);
	(pc) =	sbr.rel @!p3 .LBB2_14-.Ltmp8, $4  }
0x16e: {  	v28 =	vsel vm15, v43, v39;
	vm1 =	vge.f32 v60, v61;
	(xrf1) =	vsort.dscd.msk.f32 $0xffff, v62, v12;
	v38, v54, _ =	vpop (xrf1)  }
0x16f: {  	v41 =	vsel vm1, v60, v61;
	v45 =	vperm.xlane v59, v18;
	v59 =	vsel vm2, v51, v57;
	v46, v49, _ =	vpop (xrf1)  }
0x170: {  	s21 =	sadd.s32 $0xFFFFFFFF, s21;
	v39 =	vsel vm1, v61, v60;
	v60 =	vsel vm2, v50, v55;
	(xrf1) =	vsort.dscd.msk.f32 $0xffff, v63, v28;
	v43, v44, _ =	vpop (xrf1)  }
0x171: {  	s23 =	simm.s32 $0x8170;
	p2 =	por $0x1, $0x1;
	s22 =	simm.s32 $0x140;
	v52 =	vperm.xlane v38, v18;
	v38 =	vsel vm14, v56, v58;
	v46 =	vperm.xlane v46, v18;
	v58, v56, _ =	vpop (xrf1)  }
.LBB2_15:
0x172: {  	v12 =	vor.u32 s22, v0;
	s24 =	sadd.s32 $0x20, s22;
	s25 =	sadd.s32 $0x30, s22;
	v28 =	vld [tilespmem:s23+$0x0];
	p3 =	sne.s32 s21, $0x1;
	v61, v62, _ =	vpop (xrf1);
	v51 =	vsel vm2, v57, v51;
	v50 =	vsel vm2, v55, v50;
	(xrf1) =	vsort.dscd.msk.f32 $0xffff, v59, v60  }
0x173: {  	s21 =	sadd.s32 $0xFFFFFFFF, s21;
	v58 =	vperm.xlane v58, v18;
	v55 =	vld [tilespmem:s23+$0xFFFFFFD0];
	v57 =	vor.u32 s24, v0;
	v59 =	vor.u32 s25, v0;
	v60, v63, _ =	vpop (xrf1);
	(xrf1) =	vsort.dscd.msk.f32 $0xffff, v51, v50  }
0x174: {  	v49 =	vperm.xlane v49, v18;
	s24 =	sadd.s32 $0x10, s22;
	v51 =	vperm.xlane v56, v18;
	vm4 =	vge.f32 v61, v46;
	v50 =	vld [tilespmem:s23+$0xFFFFFFF0]  }
0x175: {  	vm2 =	vlt.s32 v12, v27;
	v56 =	vor.u32 s24, v0;
	v29 =	vsel vm4, v46, v61;
	v12 =	vld [tilespmem:s23+$0xFFFFFFE0]  }
0x176: {  	vm5 =	vge.f32 v43, v58;
	vm3 =	vlt.s32 v56, v27;
	v56 =	vsel vm4, v49, v62  }
0x177: {  	v30 =	vsel vm5, v58, v43;
	v49 =	vsel vm4, v62, v49;
	v28 =	vand.u32 $0x3FFF, v28  }
0x178: {  	v46 =	vsel vm4, v61, v46;
	v60 =	vperm.xlane v60, v18;
	v62 =	vsel vm5, v44, v51  }
0x179: {  	v44 =	vsel vm5, v51, v44;
	v55 =	vand.u32 $0x3FFF, v55;
	(xrf1) =	vsort.dscd.msk.f32 $0xffff, v29, v56;
	v29 =	vsel vm1, v42, v40  }
0x17a: {  	v43 =	vsel vm5, v43, v58;
	v40 =	vsel vm1, v40, v42;
	v12 =	vand.u32 $0x3FFF, v12;
	(xrf1) =	vsort.dscd.msk.f32 $0xffff, v46, v49  }
0x17b: {  	v42 =	vand.u32 $0x3FFF, v50;
	vm1 =	vge.f32 v35, v36;
	(xrf1) =	vsort.dscd.msk.f32 $0xffff, v30, v44  }
0x17c: {  	v44 =	vperm.xlane v53, v18;
	v30 =	vld.idx.msk [tilespmem:v28+s2+$0x0], $0xffff;
	(xrf1) =	vsort.dscd.msk.f32 $0xffff, v43, v62;
	v43 =	vsel vm1, v36, v35  }
0x17d: {  	(xrf1) =	vsort.dscd.msk.f32 $0xffff, v41, v40  }
0x17e: {  	v46 =	vperm.xlane v48, v18;
	v41 =	vperm.xlane v63, v18;
	v40 =	vld.idx.msk [tilespmem:v55+s2+$0x0], $0xffff;
	v48, v49, _ =	vpop (xrf1)  }
0x17f: {  	v47 =	vperm.xlane v47, v18;
	v51 =	vperm.xlane v54, v18;
	v50 =	vld.idx.msk [tilespmem:v12+s2+$0x0], $0xffff;
	vm4 =	vge.f32 v48, v60;
	v53, v54, _ =	vpop (xrf1)  }
0x180: {  	v34 =	vsel vm0, v37, v34;
	v35 =	vsel vm1, v35, v36;
	v56 =	vld.idx.msk [tilespmem:v42+s2+$0x0], $0xffff;
	vm0 =	vge.f32 v53, v45;
	v36, v37, _ =	vpop (xrf1)  }
0x181: {  	vm5 =	vlt.s32 v59, v27;
	v58 =	vsel vm1, v38, v34;
	vm6 =	vge.f32 v36, v52;
	v61, v59, _ =	vpop (xrf1)  }
0x182: {  	vm7 =	vlt.s32 v57, v27;
	v30 =	vnsel vm5, $0xFF61B1E6, v30;
	(xrf1) =	vsort.dscd.msk.f32 $0xffff, v35, v58;
	v35 =	vsel vm4, v48, v60  }
0x183: {  	v36 =	vsel vm6, v36, v52;
	(xrf1) =	vsort.dscd.msk.f32 $0xffff, v39, v29;
	v29 =	vsel vm4, v49, v41  }
0x184: {  	v39 =	vnsel vm2, $0xFF61B1E6, v40;
	vm2 =	vge.f32 v35, v36;
	(xrf1) =	vsort.dscd.msk.f32 $0xffff, v30, v28;
	v28 =	vsel vm6, v37, v51  }
0x185: {  	v40 =	vnsel vm3, $0xFF61B1E6, v50;
	vm3 =	vge.f32 v61, v47;
	(xrf1) =	vsort.dscd.msk.f32 $0xffff, v39, v55;
	v50 =	vsel vm2, v28, v29  }
0x186: {  	v51 =	vsel vm2, v36, v35;
	v39 =	vnsel vm7, $0xFF61B1E6, v56;
	(xrf1) =	vsort.dscd.msk.f32 $0xffff, v40, v12;
	v12 =	vsel vm1, v34, v38  }
0x187: {  	v38 =	vsel vm3, v61, v47;
	(xrf1) =	vsort.dscd.msk.f32 $0xffff, v39, v42;
	v30, v37, _ =	vpop (xrf1);
	v39 =	vsel vm2, v35, v36  }
0x188: {  	v41, v35, _ =	vpop (xrf1);
	(xrf1) =	vsort.dscd.msk.f32 $0xffff, v43, v12;
	v12 =	vsel vm0, v53, v45;
	v43 =	vsel vm3, v59, v46  }
0x189: {  	v44 =	vsel vm0, v54, v44;
	v30 =	vperm.xlane v30, v18;
	v36 =	vperm.xlane v41, v18;
	v40, v34, _ =	vpop (xrf1)  }
0x18a: {  	v46 =	vperm.xlane v37, v18;
	v37 =	vperm.xlane v35, v18;
	vm4 =	vge.f32 v12, v38;
	v35, v56, _ =	vpop (xrf1)  }
0x18b: {  	v45 =	vsel vm4, v12, v38;
	vm3 =	vge.f32 v35, v30;
	vm0 =	vge.f32 v40, v36;
	v47, v48, _ =	vpop (xrf1)  }
0x18c: {  	v55 =	vsel vm4, v43, v44;
	v58 =	vsel vm3, v35, v30;
	v35 =	vsel vm3, v30, v35  }
0x18d: {  	vm5 =	vge.f32 v39, v45;
	v30 =	vsel vm0, v40, v36;
	v36 =	vsel vm0, v36, v40  }
0x18e: {  	v57 =	vsel vm4, v38, v12;
	v40 =	vsel vm3, v56, v46;
	vm1 =	vge.f32 v58, v30  }
0x18f: {  	v42 =	vsel vm0, v34, v37;
	v12 =	vsel vm5, v39, v45;
	v41 =	vsel vm1, v58, v30  }
.Ltmp9:
0x190: {  	v28 =	vsel vm2, v29, v28;
	vm2 =	vge.f32 v51, v57;
	v29 =	vsel vm5, v45, v39;
	v38, v53, _ =	vpop (xrf1);
	(pc) =	sbr.rel @p3 .LBB2_15-.Ltmp9, $4  }
0x191: {  	v39 =	vsel vm4, v44, v43;
	v59 =	vsel vm2, v51, v57;
	v45 =	vperm.xlane v38, v18;
	v38, v54, _ =	vpop (xrf1)  }
0x192: {  	v61 =	vsel vm5, v28, v39;
	v28 =	vsel vm5, v39, v28;
	v60, v49, _ =	vpop (xrf1);
	v52 =	vperm.xlane v38, v18  }
0x193: {  	v39 =	vsel vm1, v30, v58;
	v38 =	vsel vm3, v46, v56;
	v43, v44, _ =	vpop (xrf1);
	(xrf1) =	vsort.dscd.msk.f32 $0xffff, v12, v61  }
0x194: {  	s22 =	sadd.s32 $0x40, s22;
	s23 =	sadd.s32 $0x40, s23;
	v46 =	vperm.xlane v60, v18;
	v60 =	vsel vm2, v50, v55;
	v58, v56, _ =	vpop (xrf1);
	(xrf1) =	vsort.dscd.msk.f32 $0xffff, v29, v28  }
0x195: {  	v61 =	vld [tilespmem:$0x1FFF0]  }
0x196: {  	v62 =	vld [tilespmem:$0x1FFD0]  }
0x197: {  	v63 =	vmov v31;
	v31 =	vld [tilespmem:$0x1FFC0]  }
.LBB2_17:
0x198: {  	(xrf1) =	vsort.dscd.msk.f32 @p2 $0xffff, v59, v60;
	v12 =	vsel @p2 vm2, v57, v51;
	v27 =	vsel @p2 vm2, v55, v50  }
0x199: {  	v28 =	vperm.xlane v58, v18;
	(xrf1) =	vsort.dscd.msk.f32 @p2 $0xffff, v12, v27  }
0x19a: {  	v29, v30, _ =	vpop (xrf1);
	v47 =	vperm.xlane @p1 v47, v18;
	v34 =	vsel @p0 vm0, v37, v34;
	v12 =	vperm.xlane v49, v18  }
0x19b: {  	v27 =	vperm.xlane v56, v18;
	vm15 =	vge.f32 v29, v46;
	v55, v56, _ =	vpop @p1 (xrf1);
	vm3 =	vge.f32 v43, v28  }
0x19c: {  	v49 =	vsel vm15, v46, v29;
	v29 =	vsel vm15, v29, v46;
	v46 =	vperm.xlane @p1 v55, v18  }
0x19d: {  	v50 =	vsel vm15, v12, v30;
	v51 =	vsel vm3, v28, v43;
	v12 =	vsel vm15, v30, v12  }
0x19e: {  	v60 =	vsel vm3, v44, v27;
	v27 =	vsel vm3, v27, v44;
	(xrf1) =	vsort.dscd.msk.f32 $0xffff, v49, v50  }
0x19f: {  	v44 =	vsel @p0 vm1, v42, v40;
	v28 =	vsel vm3, v43, v28;
	(xrf1) =	vsort.dscd.msk.f32 $0xffff, v29, v12  }
0x1a0: {  	v12 =	vsel @p0 vm1, v40, v42;
	vm1 =	vge.f32 @p0 v35, v36;
	v40 =	vperm.xlane @p1 v48, v18  }
0x1a1: {  	(xrf1) =	vsort.dscd.msk.f32 $0xffff, v51, v27;
	v27 =	vsel @p0 vm1, v36, v35;
	v35 =	vsel @p0 vm1, v35, v36  }
0x1a2: {  	v48 =	vsel @p0 vm1, v38, v34;
	v34 =	vsel @p0 vm1, v34, v38;
	(xrf1) =	vsort.dscd.msk.f32 $0xffff, v28, v60  }
0x1a3: {  	v28 =	vperm.xlane @p1 v53, v18;
	(xrf1) =	vsort.dscd.msk.f32 @p0 $0xffff, v41, v12;
	v12 =	vperm.xlane @p1 v56, v18;
	v29, v30, _ =	vpop @p2 (xrf1)  }
0x1a4: {  	v41 =	vperm.xlane @p1 v54, v18;
	(xrf1) =	vsort.dscd.msk.f32 @p0 $0xffff, v35, v48;
	v29 =	vpsel p2, v29, v26;
	v42, v43, _ =	vpop @p2 (xrf1)  }
0x1a5: {  	(xrf1) =	vsort.dscd.msk.f32 @p0 $0xffff, v39, v44;
	v30 =	vpsel p2, v30, v22;
	v42 =	vpsel p2, v42, v24  }
0x1a6: {  	vm2 =	vge.f32 @p1 v29, v46;
	(xrf1) =	vsort.dscd.msk.f32 @p0 $0xffff, v27, v34;
	vm0 =	vge.f32 @p1 v42, v45;
	v36, v37, _ =	vpop @p2 (xrf1)  }
0x1a7: {  	v29 =	vsel @p1 vm2, v29, v46;
	v12 =	vsel @p1 vm2, v30, v12;
	v36 =	vpsel p2, v36, v25;
	v35, v39, _ =	vpop @p2 (xrf1)  }
0x1a8: {  	v27 =	vsel @p1 vm0, v42, v45;
	vm3 =	vge.f32 @p1 v36, v52;
	v35 =	vpsel p2, v35, v23  }
0x1a9: {  	v34 =	vpsel p2, v39, v19;
	v30 =	vsel @p1 vm3, v36, v52;
	v36 =	vpsel p2, v37, v21  }
0x1aa: {  	v36 =	vsel @p1 vm3, v36, v41;
	vm2 =	vge.f32 @p1 v29, v30;
	vm3 =	vge.f32 @p1 v35, v47  }
0x1ab: {  	v37 =	vsel @p1 vm2, v36, v12;
	v38 =	vsel @p1 vm2, v30, v29;
	v35 =	vsel @p1 vm3, v35, v47  }
0x1ac: {  	v49, v48, _ =	vpop (xrf1);
	v29 =	vsel @p1 vm2, v29, v30;
	v34 =	vsel @p1 vm3, v34, v40;
	v40 =	vpsel p2, v43, v20  }
0x1ad: {  	v30 =	vperm.xlane v49, v18;
	v28 =	vsel @p1 vm0, v40, v28;
	vm0 =	vge.f32 @p1 v27, v35  }
0x1ae: {  	v52 =	vperm.xlane v48, v18;
	v12 =	vsel @p1 vm2, v12, v36;
	v41 =	vsel @p1 vm0, v27, v35  }
0x1af: {  	v43 =	vsel @p1 vm0, v34, v28;
	v27 =	vsel @p1 vm0, v35, v27;
	vm1 =	vge.f32 @p1 v29, v41  }
0x1b0: {  	v28 =	vsel @p1 vm0, v28, v34;
	vm2 =	vge.f32 @p1 v38, v27;
	v34 =	vsel @p1 vm1, v29, v41  }
0x1b1: {  	v35 =	vsel @p1 vm1, v12, v28;
	v29 =	vsel @p1 vm1, v41, v29;
	v36 =	vsel @p1 vm2, v38, v27  }
0x1b2: {  	v12 =	vsel @p1 vm1, v28, v12;
	v28 =	vsel @p1 vm2, v37, v43;
	(xrf1) =	vsort.dscd.msk.f32 @p1 $0xffff, v34, v35  }
0x1b3: {  	v51, v50, _ =	vpop (xrf1);
	v28 =	vpsel p1, v28, v0;
	(xrf1) =	vsort.dscd.msk.f32 @p1 $0xffff, v29, v12;
	v12 =	vpsel p1, v36, v0  }
0x1b4: {  	v39 =	vperm.xlane v51, v18;
	vm2 =	vmmov @p1 vm2;
	v36 =	vpsel p1, v37, v0;
	(xrf1) =	vsort.dscd.msk.f32 @p1 $0xffff, v12, v28  }
0x1b5: {  	v12 =	vpsel p1, v27, v0;
	v27 =	vpsel p1, v38, v0;
	v28 =	vpsel p1, v43, v0;
	v34, v35, _ =	vpop (xrf1)  }
0x1b6: {  	v55 =	vperm.xlane v50, v18;
	v12 =	vsel @p1 vm2, v12, v27;
	v54, v53, _ =	vpop (xrf1);
	vm5 =	vge.f32 v34, v39  }
0x1b7: {  	v27 =	vsel @p1 vm2, v28, v36;
	vm4 =	vge.f32 v54, v30;
	v57 =	vsel vm5, v34, v39  }
0x1b8: {  	v28, v36, _ =	vpop @p0 (xrf1);
	(xrf1) =	vsort.dscd.msk.f32 @p1 $0xffff, v12, v27;
	v12 =	vsel vm5, v39, v34;
	v59 =	vsel vm5, v35, v55  }
0x1b9: {  	v47 =	vld [tilespmem:$0x1FFE0];
	v29 =	vsel vm5, v55, v35;
	v56 =	vsel vm4, v54, v30;
	v30 =	vsel vm4, v30, v54  }
0x1ba: {  	v58 =	vsel vm4, v53, v52;
	v34, v39, _ =	vpop @p0 (xrf1);
	v40 =	vsel vm4, v52, v53;
	v36 =	vpsel p0, v36, v62  }
0x1bb: {  	v28 =	vpsel p0, v28, v63;
	vm6 =	vge.f32 v56, v57;
	v34 =	vperm.xlane @p0 v34, v18  }
0x1bc: {  	v43, v45, _ =	vpop @p0 (xrf1);
	v38 =	vpsel p0, v39, v31;
	vm7 =	vge.f32 v30, v12;
	v36 =	vperm.xlane @p0 v36, v18  }
0x1bd: {  	v28 =	vperm.xlane @p0 v28, v18;
	v60 =	vsel vm6, v56, v57;
	v43 =	vperm.xlane @p0 v43, v18  }
0x1be: {  	v37 =	vsel vm6, v57, v56;
	v31 =	vpsel p0, v45, v47;
	v48 =	vsel vm6, v59, v58  }
0x1bf: {  	v27 =	vsel vm6, v58, v59;
	v49 =	vsel vm7, v12, v30;
	v38 =	vperm.xlane @p0 v38, v18  }
0x1c0: {  	v12 =	vsel vm7, v30, v12;
	v50 =	vsel vm7, v40, v29;
	v32 =	vpsel p0, v34, v32;
	v34, v39, _ =	vpop @p0 (xrf1)  }
0x1c1: {  	v29 =	vsel vm7, v29, v40;
	(xrf1) =	vsort.dscd.msk.f32 $0xffff, v60, v27;
	v34 =	vperm.xlane @p0 v34, v18;
	v44, v45, _ =	vpop @p1 (xrf1)  }
0x1c2: {  	v31 =	vperm.xlane @p0 v31, v18;
	v27 =	vperm.xlane @p0 v39, v18;
	v39 =	vpsel p1, v44, v26  }
0x1c3: {  	v33 =	vpsel p0, v43, v33;
	(xrf1) =	vsort.dscd.msk.f32 $0xffff, v12, v50;
	vm2 =	vge.f32 @p0 v39, v34;
	v42, v44, _ =	vpop @p1 (xrf1)  }
0x1c4: {  	(xrf1) =	vsort.dscd.msk.f32 $0xffff, v37, v48;
	v30, v35, _ =	vpop @p1 (xrf1);
	v42 =	vpsel p1, v42, v24;
	v12 =	vsel @p0 vm2, v39, v34  }
0x1c5: {  	v34 =	vpsel p1, v45, v22;
	v30 =	vpsel p1, v30, v25;
	vm0 =	vge.f32 @p0 v42, v32  }
0x1c6: {  	v27 =	vsel @p0 vm2, v34, v27;
	vm3 =	vge.f32 @p0 v30, v33;
	v32 =	vsel @p0 vm0, v42, v32  }
0x1c7: {  	v37, v39, _ =	vpop @p1 (xrf1);
	(xrf1) =	vsort.dscd.msk.f32 $0xffff, v49, v29;
	v30 =	vsel @p0 vm3, v30, v33;
	v33 =	vpsel p1, v35, v21  }
0x1c8: {  	v31 =	vsel @p0 vm3, v33, v31;
	vm2 =	vge.f32 @p0 v12, v30;
	v33 =	vpsel p1, v37, v23  }
0x1c9: {  	v29 =	vpsel p1, v39, v19;
	vm3 =	vge.f32 @p0 v33, v28;
	v34 =	vsel @p0 vm2, v31, v27  }
0x1ca: {  	v35 =	vsel @p0 vm2, v30, v12;
	v12 =	vsel @p0 vm2, v12, v30;
	v28 =	vsel @p0 vm3, v33, v28  }
0x1cb: {  	v30 =	vpsel p1, v44, v20;
	v27 =	vsel @p0 vm2, v27, v31;
	vm1 =	vge.f32 @p0 v32, v28  }
0x1cc: {  	v29 =	vsel @p0 vm3, v29, v36;
	v30 =	vsel @p0 vm0, v30, v38;
	v33 =	vsel @p0 vm1, v32, v28  }
0x1cd: {  	v36 =	vsel @p0 vm1, v29, v30;
	v28 =	vsel @p0 vm1, v28, v32;
	vm0 =	vge.f32 @p0 v12, v33  }
0x1ce: {  	v29 =	vsel @p0 vm1, v30, v29;
	vm2 =	vge.f32 @p0 v35, v28;
	v32 =	vsel @p0 vm0, v12, v33  }
0x1cf: {  	v12 =	vsel @p0 vm0, v33, v12;
	v30 =	vsel @p0 vm2, v35, v28;
	v31 =	vsel @p0 vm0, v27, v29  }
0x1d0: {  	v27 =	vsel @p0 vm0, v29, v27;
	v29 =	vsel @p0 vm2, v34, v36;
	(xrf1) =	vsort.dscd.msk.f32 @p0 $0xffff, v32, v31  }
0x1d1: {  	(xrf1) =	vsort.dscd.msk.f32 @p0 $0xffff, v12, v27;
	v12 =	vpsel p0, v30, v0;
	v27 =	vpsel p0, v29, v0  }
0x1d2: {  	vm0 =	vmmov @p0 vm2;
	v28 =	vpsel p0, v28, v0;
	(xrf1) =	vsort.dscd.msk.f32 @p0 $0xffff, v12, v27  }
0x1d3: {  	v29 =	vpsel p0, v34, v0;
	v12 =	vpsel p0, v35, v0;
	v27 =	vpsel p0, v36, v0  }
0x1d4: {  	v12 =	vsel @p0 vm0, v28, v12;
	v27 =	vsel @p0 vm0, v27, v29  }
0x1d5: {  	(xrf1) =	vsort.dscd.msk.f32 @p0 $0xffff, v12, v27;
	_ =	sdelay $0x4  }
0x1d6: {  	v12, v27, _ =	vpop (xrf1)  }
0x1d7: {  	v51, v52, _ =	vpop (xrf1)  }
0x1d8: {  	v27 =	vperm.xlane v27, v18;
	v12 =	vperm.xlane v12, v18;
	v54, v53, _ =	vpop (xrf1)  }
0x1d9: {  	v28 =	vperm.xlane v51, v18;
	v29 =	vperm.xlane v52, v18;
	v56, v55, _ =	vpop (xrf1)  }
0x1da: {  	v30 =	vperm.xlane v54, v18;
	v32 =	vperm.xlane v56, v18;
	v34, v35, _ =	vpop @p0 (xrf1)  }
0x1db: {  	v31 =	vperm.xlane v53, v18;
	v33 =	vperm.xlane v55, v18;
	v57 =	vpsel p0, v34, v26;
	v34, v36, _ =	vpop @p0 (xrf1)  }
0x1dc: {  	v22 =	vpsel p0, v35, v22;
	vm8 =	vge.f32 v57, v32;
	v37, v38, _ =	vpop @p0 (xrf1);
	v58 =	vpsel p0, v34, v24  }
0x1dd: {  	v20 =	vpsel p0, v36, v20;
	v59 =	vpsel p0, v37, v25;
	v26 =	vsel vm8, v57, v32  }
0x1de: {  	v22 =	vsel vm8, v22, v33;
	v21 =	vpsel p0, v38, v21;
	vm11 =	vge.f32 v58, v28  }
0x1df: {  	vm9 =	vge.f32 v59, v30;
	v32, v34, _ =	vpop @p0 (xrf1);
	v24 =	vsel vm11, v58, v28;
	v20 =	vsel vm11, v20, v29  }
0x1e0: {  	v25 =	vsel vm9, v59, v30;
	v21 =	vsel vm9, v21, v31;
	v23 =	vpsel p0, v32, v23  }
0x1e1: {  	v19 =	vpsel p0, v34, v19;
	vm10 =	vge.f32 v26, v25;
	vm12 =	vge.f32 v23, v12  }
0x1e2: {  	v60 =	vsel vm10, v21, v22;
	v12 =	vsel vm12, v23, v12;
	v23 =	vsel vm10, v26, v25  }
0x1e3: {  	v19 =	vsel vm12, v19, v27;
	v25 =	vsel vm10, v25, v26;
	vm13 =	vge.f32 v24, v12  }
0x1e4: {  	v21 =	vsel vm10, v22, v21;
	v62 =	vsel vm13, v24, v12;
	v63 =	vsel vm13, v19, v20  }
0x1e5: {  	v12 =	vsel vm13, v12, v24;
	v19 =	vsel vm13, v20, v19;
	vm14 =	vge.f32 v23, v62  }
0x1e6: {  	v20 =	vsel vm14, v23, v62;
	v22 =	vsel vm14, v62, v23;
	v23 =	vsel vm14, v21, v19  }
0x1e7: {  	vm15 =	vge.f32 v25, v12;
	v19 =	vsel vm14, v19, v21;
	(xrf1) =	vsort.dscd.msk.f32 $0xffff, v20, v23  }
0x1e8: {  	v21 =	vsel vm15, v60, v63;
	v20 =	vsel vm15, v25, v12;
	(xrf1) =	vsort.dscd.msk.f32 $0xffff, v22, v19  }
0x1e9: {  	v12 =	vsel vm15, v12, v25;
	v19 =	vsel vm15, v63, v60;
	(xrf1) =	vsort.dscd.msk.f32 $0xffff, v20, v21  }
0x1ea: {  	(xrf1) =	vsort.dscd.msk.f32 $0xffff, v12, v19;
	_ =	sdelay $0xa  }
0x1eb: {  	v12, v22, _ =	vpop (xrf1)  }
0x1ec: {  	v12, v20, _ =	vpop (xrf1)  }
0x1ed: {  	v12, v21, _ =	vpop (xrf1)  }
0x1ee: {  	v23, v19, _ =	vpop (xrf1)  }
.LBB2_18:
0x1ef: {  	s21 =	sshll.u32 s20, $0x1;
	(xrf0) =	vmin.scan.msk.f32 $0xffff, v23  }
0x1f0: {  	v12 =	vmov s21  }
0x1f1: {  	v12 =	vand.u32 $0xFFFFFFFE, v12  }
0x1f2: {  	s23 =	sshll.u32 s20, $0x7;
	v12 =	vbroadcast v12, $0x0  }
0x1f3: {  	p0 =	seq.s32 s20, $0x3F;
	s22 =	sor.u32 s4, s21;
	s23 =	sand.u32 $0x3FFFFF80, s23  }
0x1f4: {  	s22 =	sadd.s32 @!p0 $0x2, s22;
	[tilespmem:s23+$0x8C00] =	vst v22  }
0x1f5: {  	[tilespmem:s23+$0x8C10] =	vst v20;
	s24 =	sshll.u32 @!p0 s22, $0x4;
	v20, _, _ =	vpop (xrf0)  }
0x1f6: {  	[tilespmem:s23+$0x8C20] =	vst v21;
	s22 =	sshll.u32 @!p0 s22, $0xB;
	s24 =	sand.u32 @!p0 $0x60, s24;
	v20 =	vbroadcast v20, $0xF  }
0x1f7: {  	s25 =	simm.s32 @!p0 $0x0;
	[tilespmem:s23+$0x8C30] =	vst v19;
	s22 =	sand.u32 @!p0 $0xFFFC000, s22;
	s24 =	sadd.s32 @!p0 s3, s24  }
0x1f8: {  	s23 =	simm.s32 @!p0 $0x80;
	s22 =	sadd.s32 @!p0 s22, s24;
	s24 =	simm.s32 @!p0 $0x400;
	[tilespmem:v12+s15+$0x0] =	vst.idx.msk $0x1, v20  }
0x1f9: {  	[tilespmem:s25], [sflag:$0x1] =	stream.strided.gather @!p0 [hbm4b:s22+s23], $0x4000, s24, s23, $0x38;
	[tilespmem:$0xAC80] =	vst v63  }
0x1fa: {  	_ =	swait.ge [sflag:s16], $0x4000  }
0x1fb: {  	[sflag:s16] =	ssyncset.done $0x0  }
0x1fc: {  	s22 =	simm.s32 $0x0;
	[sflag:s16] =	ssyncadd.s32 $0xFFFFC000  }
0x1fd: {  	v21 =	vld [tilespmem:s22+$0x40C0]  }
0x1fe: {  	v19 =	vld [tilespmem:s22+$0x40D0]  }
0x1ff: {  	v20 =	vld [tilespmem:s22+$0x40E0]  }
0x200: {  	v24 =	vld [tilespmem:s22+$0x4080]  }
0x201: {  	v22 =	vld [tilespmem:s22+$0x4090]  }
0x202: {  	v23 =	vld [tilespmem:s22+$0x40A0]  }
0x203: {  	v31 =	vld [tilespmem:s22+$0x4040]  }
0x204: {  	v25 =	vld [tilespmem:s22+$0x4050]  }
0x205: {  	v34 =	vld [tilespmem:s22+$0x4000]  }
0x206: {  	v27 =	vld [tilespmem:s22+$0x4060]  }
0x207: {  	v26 =	vimm.f32 $-3.000000010e+38;
	v32 =	vld [tilespmem:s22+$0x4010]  }
0x208: {  	v28 =	vimm.f32 $-3.000000010e+38;
	v29 =	vimm.f32 $-3.000000010e+38;
	v30 =	vimm.f32 $-3.000000010e+38;
	s23 =	simm.s32 $0x400;
	v33 =	vld [tilespmem:s22+$0x4020]  }
.LBB2_19:
0x209: {  	p1 =	sne.s32 s23, $0xFC00;
	v12 =	vld [tilespmem:s22+$0x4030]  }
0x20a: {  	v35 =	vld [tilespmem:s22+$0x4070];
	v26 =	vmax.f32 v26, v34  }
0x20b: {  	v34 =	vld [tilespmem:s22+$0x40B0];
	v26 =	vmax.f32 v26, v31  }
0x20c: {  	v31 =	vld [tilespmem:s22+$0x40F0];
	s22 =	sshra.s32 s23, $0x2;
	v24 =	vmax.f32 v26, v24  }
0x20d: {  	v26 =	vmax.f32 v24, v21;
	v21 =	vld [tilespmem:s22+$0x40C0]  }
0x20e: {  	v24 =	vmax.f32 v28, v32;
	v28 =	vmax.f32 v29, v33;
	v36 =	vld [tilespmem:s22+$0x40D0];
	v12 =	vmax.f32 v30, v12  }
0x20f: {  	v25 =	vmax.f32 v24, v25;
	v27 =	vmax.f32 v28, v27;
	v32 =	vld [tilespmem:s22+$0x40E0];
	v12 =	vmax.f32 v12, v35  }
0x210: {  	v25 =	vmax.f32 v25, v22;
	v23 =	vmax.f32 v27, v23;
	v24 =	vld [tilespmem:s22+$0x4080];
	v12 =	vmax.f32 v12, v34  }
0x211: {  	v28 =	vmax.f32 v25, v19;
	v29 =	vmax.f32 v23, v20;
	v22 =	vld [tilespmem:s22+$0x4090];
	v30 =	vmax.f32 v12, v31  }
0x212: {  	v23 =	vld [tilespmem:s22+$0x40A0]  }
0x213: {  	v31 =	vld [tilespmem:s22+$0x4040];
	v19 =	vmov v36  }
.Ltmp10:
0x214: {  	v25 =	vld [tilespmem:s22+$0x4050];
	v20 =	vmov v32;
	(pc) =	sbr.rel @p1 .LBB2_19-.Ltmp10, $4  }
0x215: {  	v34 =	vld [tilespmem:s22+$0x4000]  }
0x216: {  	v27 =	vld [tilespmem:s22+$0x4060]  }
0x217: {  	v32 =	vld [tilespmem:s22+$0x4010]  }
0x218: {  	s23 =	sadd.s32 $0x400, s23;
	v33 =	vld [tilespmem:s22+$0x4020]  }
0x219: {  	v12 =	vld [tilespmem:s22+$0x4030]  }
0x21a: {  	v35 =	vld [tilespmem:s22+$0x4070];
	v26 =	vmax.f32 v26, v34  }
0x21b: {  	v62 =	vld [tilespmem:s22+$0x40B0];
	v26 =	vmax.f32 v26, v31  }
0x21c: {  	v63 =	vld [tilespmem:s22+$0x40F0];
	v24 =	vmax.f32 v26, v24  }
0x21d: {  	v21 =	vmax.f32 v24, v21  }
0x21e: {  	v24 =	vmax.f32 v28, v32;
	v26 =	vmax.f32 v29, v33;
	v12 =	vmax.f32 v30, v12  }
0x21f: {  	v24 =	vmax.f32 v24, v25;
	v25 =	vmax.f32 v26, v27;
	v12 =	vmax.f32 v12, v35  }
0x220: {  	v22 =	vmax.f32 v24, v22;
	v23 =	vmax.f32 v25, v23;
	v12 =	vmax.f32 v12, v62  }
0x221: {  	v19 =	vmax.f32 v22, v19;
	v20 =	vmax.f32 v23, v20;
	v12 =	vmax.f32 v12, v63  }
0x222: {  	v19 =	vmin.f32 v21, v19;
	v12 =	vmin.f32 v20, v12  }
0x223: {  	v12 =	vmin.f32 v19, v12  }
0x224: {  	(xrf0) =	vmin.scan.msk.f32 $0xffff, v12;
	_ =	sdelay $0x5  }
0x225: {  	v12, _, _ =	vpop (xrf0)  }
0x226: {  	s22 =	simm.s32 $0x0;
	s23 =	simm.s32 $0x4080;
	v27 =	vlaneseq.u32;
	v19 =	vbroadcast v12, $0xF  }
.LBB2_21:
0x227: {  	v12 =	vld [tilespmem:s23+$0xFFFFFF80];
	_ =	sdelay $0x4  }
0x228: {  	vm1 =	vlt.s32 v27, $0xC00;
	vm0 =	vge.f32 v12, v19  }
0x229: {  	vm1 =	vmand vm1, vm0;
	_ =	sdelay $0x4  }
0x22a: {  	v12 =	vor.u32 s22, v0  }
0x22b: {  	[tilespmem:v27+s14+$0x0] =	vst.idx.msk vm1, v12  }
0x22c: {  	v12 =	vld [tilespmem:s23+$0xFFFFFF90];
	_ =	sdelay $0x2  }
0x22d: {  	v20 =	vsel vm0, $0x10, v1  }
0x22e: {  	v20 =	vadd.s32 v27, v20  }
0x22f: {  	vm11 =	vlt.s32 v20, $0xC00;
	vm10 =	vge.f32 v12, v19  }
0x230: {  	vm1 =	vmand vm10, vm11;
	_ =	sdelay $0x4  }
0x231: {  	v12 =	vor.u32 s22, v2  }
0x232: {  	[tilespmem:v20+s14+$0x0] =	vst.idx.msk vm1, v12  }
0x233: {  	v12 =	vld [tilespmem:s23+$0xFFFFFFA0];
	_ =	sdelay $0x2  }
0x234: {  	v21 =	vsel vm10, $0x10, v1  }
0x235: {  	v20 =	vadd.s32 v20, v21  }
0x236: {  	vm13 =	vlt.s32 v20, $0xC00;
	vm12 =	vge.f32 v12, v19  }
0x237: {  	vm1 =	vmand vm12, vm13;
	_ =	sdelay $0x4  }
0x238: {  	v12 =	vor.u32 s22, v3  }
0x239: {  	[tilespmem:v20+s14+$0x0] =	vst.idx.msk vm1, v12  }
0x23a: {  	v12 =	vld [tilespmem:s23+$0xFFFFFFB0];
	_ =	sdelay $0x2  }
0x23b: {  	v49 =	vsel vm12, $0x10, v1  }
0x23c: {  	v20 =	vadd.s32 v20, v49  }
0x23d: {  	vm15 =	vlt.s32 v20, $0xC00;
	vm14 =	vge.f32 v12, v19  }
0x23e: {  	vm1 =	vmand vm14, vm15;
	_ =	sdelay $0x4  }
0x23f: {  	v12 =	vor.u32 s22, v4  }
0x240: {  	[tilespmem:v20+s14+$0x0] =	vst.idx.msk vm1, v12  }
0x241: {  	v12 =	vld [tilespmem:s23+$0xFFFFFFC0];
	_ =	sdelay $0x2  }
0x242: {  	v50 =	vsel vm14, $0x10, v1  }
0x243: {  	v20 =	vadd.s32 v20, v50  }
0x244: {  	vm5 =	vlt.s32 v20, $0xC00;
	vm4 =	vge.f32 v12, v19  }
0x245: {  	vm1 =	vmand vm4, vm5;
	_ =	sdelay $0x4  }
0x246: {  	v12 =	vor.u32 s22, v5  }
0x247: {  	[tilespmem:v20+s14+$0x0] =	vst.idx.msk vm1, v12  }
0x248: {  	v12 =	vld [tilespmem:s23+$0xFFFFFFD0];
	_ =	sdelay $0x2  }
0x249: {  	v51 =	vsel vm4, $0x10, v1  }
0x24a: {  	v20 =	vadd.s32 v20, v51  }
0x24b: {  	vm7 =	vlt.s32 v20, $0xC00;
	vm6 =	vge.f32 v12, v19  }
0x24c: {  	vm1 =	vmand vm6, vm7;
	_ =	sdelay $0x4  }
0x24d: {  	v12 =	vor.u32 s22, v6  }
0x24e: {  	[tilespmem:v20+s14+$0x0] =	vst.idx.msk vm1, v12  }
0x24f: {  	v12 =	vld [tilespmem:s23+$0xFFFFFFE0];
	_ =	sdelay $0x2  }
0x250: {  	v52 =	vsel vm6, $0x10, v1  }
0x251: {  	v20 =	vadd.s32 v20, v52  }
0x252: {  	vm9 =	vlt.s32 v20, $0xC00;
	vm8 =	vge.f32 v12, v19  }
0x253: {  	vm1 =	vmand vm8, vm9;
	_ =	sdelay $0x4  }
0x254: {  	v12 =	vor.u32 s22, v7  }
0x255: {  	[tilespmem:v20+s14+$0x0] =	vst.idx.msk vm1, v12  }
0x256: {  	v12 =	vld [tilespmem:s23+$0xFFFFFFF0];
	_ =	sdelay $0x2  }
0x257: {  	v53 =	vsel vm8, $0x10, v1  }
0x258: {  	v20 =	vadd.s32 v20, v53  }
0x259: {  	vm11 =	vlt.s32 v20, $0xC00;
	vm10 =	vge.f32 v12, v19  }
0x25a: {  	vm1 =	vmand vm10, vm11;
	_ =	sdelay $0x4  }
0x25b: {  	v12 =	vor.u32 s22, v8  }
0x25c: {  	[tilespmem:v20+s14+$0x0] =	vst.idx.msk vm1, v12  }
0x25d: {  	v12 =	vld [tilespmem:s23+$0x0];
	_ =	sdelay $0x2  }
0x25e: {  	v54 =	vsel vm10, $0x10, v1  }
0x25f: {  	v20 =	vadd.s32 v20, v54  }
0x260: {  	vm13 =	vlt.s32 v20, $0xC00;
	vm12 =	vge.f32 v12, v19  }
0x261: {  	vm1 =	vmand vm12, vm13;
	_ =	sdelay $0x4  }
0x262: {  	v12 =	vor.u32 s22, v9  }
0x263: {  	[tilespmem:v20+s14+$0x0] =	vst.idx.msk vm1, v12  }
0x264: {  	v12 =	vld [tilespmem:s23+$0x10];
	_ =	sdelay $0x2  }
0x265: {  	v55 =	vsel vm12, $0x10, v1  }
0x266: {  	v20 =	vadd.s32 v20, v55  }
0x267: {  	vm15 =	vlt.s32 v20, $0xC00;
	vm14 =	vge.f32 v12, v19  }
0x268: {  	vm1 =	vmand vm14, vm15;
	_ =	sdelay $0x4  }
0x269: {  	v12 =	vor.u32 s22, v10  }
0x26a: {  	[tilespmem:v20+s14+$0x0] =	vst.idx.msk vm1, v12  }
0x26b: {  	v12 =	vld [tilespmem:s23+$0x20];
	_ =	sdelay $0x2  }
0x26c: {  	v56 =	vsel vm14, $0x10, v1  }
0x26d: {  	v20 =	vadd.s32 v20, v56  }
0x26e: {  	vm5 =	vlt.s32 v20, $0xC00;
	vm4 =	vge.f32 v12, v19  }
0x26f: {  	vm1 =	vmand vm4, vm5;
	_ =	sdelay $0x4  }
0x270: {  	v12 =	vor.u32 s22, v11  }
0x271: {  	[tilespmem:v20+s14+$0x0] =	vst.idx.msk vm1, v12  }
0x272: {  	v12 =	vld [tilespmem:s23+$0x30];
	_ =	sdelay $0x2  }
0x273: {  	v57 =	vsel vm4, $0x10, v1  }
0x274: {  	v20 =	vadd.s32 v20, v57  }
0x275: {  	vm7 =	vlt.s32 v20, $0xC00;
	vm6 =	vge.f32 v12, v19  }
0x276: {  	vm1 =	vmand vm6, vm7;
	_ =	sdelay $0x4  }
0x277: {  	v12 =	vor.u32 s22, v13  }
0x278: {  	[tilespmem:v20+s14+$0x0] =	vst.idx.msk vm1, v12  }
0x279: {  	v12 =	vld [tilespmem:s23+$0x40];
	_ =	sdelay $0x2  }
0x27a: {  	v58 =	vsel vm6, $0x10, v1  }
0x27b: {  	v20 =	vadd.s32 v20, v58  }
0x27c: {  	vm9 =	vlt.s32 v20, $0xC00;
	vm8 =	vge.f32 v12, v19  }
0x27d: {  	vm1 =	vmand vm8, vm9;
	_ =	sdelay $0x4  }
0x27e: {  	v12 =	vor.u32 s22, v14  }
0x27f: {  	[tilespmem:v20+s14+$0x0] =	vst.idx.msk vm1, v12  }
0x280: {  	v12 =	vld [tilespmem:s23+$0x50];
	_ =	sdelay $0x2  }
0x281: {  	v59 =	vsel vm8, $0x10, v1  }
0x282: {  	v20 =	vadd.s32 v20, v59  }
0x283: {  	vm11 =	vlt.s32 v20, $0xC00;
	vm10 =	vge.f32 v12, v19  }
0x284: {  	vm1 =	vmand vm10, vm11;
	_ =	sdelay $0x4  }
0x285: {  	v12 =	vor.u32 s22, v15  }
0x286: {  	[tilespmem:v20+s14+$0x0] =	vst.idx.msk vm1, v12  }
0x287: {  	v12 =	vld [tilespmem:s23+$0x60];
	_ =	sdelay $0x2  }
0x288: {  	v60 =	vsel vm10, $0x10, v1  }
0x289: {  	v20 =	vadd.s32 v20, v60  }
0x28a: {  	vm13 =	vlt.s32 v20, $0xC00;
	vm12 =	vge.f32 v12, v19  }
0x28b: {  	vm1 =	vmand vm12, vm13;
	_ =	sdelay $0x4  }
0x28c: {  	v12 =	vor.u32 s22, v16  }
0x28d: {  	[tilespmem:v20+s14+$0x0] =	vst.idx.msk vm1, v12  }
0x28e: {  	v12 =	vld [tilespmem:s23+$0x70];
	_ =	sdelay $0x2  }
0x28f: {  	v62 =	vsel vm12, $0x10, v1  }
0x290: {  	v20 =	vadd.s32 v20, v62  }
0x291: {  	vm15 =	vlt.s32 v20, $0xC00;
	vm14 =	vge.f32 v12, v19  }
0x292: {  	vm1 =	vmand vm14, vm15  }
0x293: {  	p1 =	sne.s32 s22, $0x3F00  }
.Ltmp11:
0x294: {  	_ = 	snop;
	(pc) =	sbr.rel @p1 .LBB2_21-.Ltmp11, $3  }
0x295: {  	_ =	sdelay $0x1  }
0x296: {  	v12 =	vor.u32 s22, v17;
	v63 =	vsel vm14, $0x10, v1  }
0x297: {  	s23 =	sadd.s32 $0x100, s23;
	s22 =	sadd.s32 $0x100, s22;
	v27 =	vadd.s32 v20, v63;
	[tilespmem:v20+s14+$0x0] =	vst.idx.msk vm1, v12  }
0x298: {  	v12 =	vld [tilespmem:$0x8000]  }
0x299: {  	v19 =	vld [tilespmem:$0x8010];
	_ =	sdelay $0x1  }
0x29a: {  	v20 =	vld [tilespmem:$0x8020]  }
0x29b: {  	v21 =	vld [tilespmem:$0x8030]  }
0x29c: {  	v12 =	vand.u32 $0x3FFF, v12  }
0x29d: {  	v19 =	vand.u32 $0x3FFF, v19;
	_ =	sdelay $0x1  }
0x29e: {  	v20 =	vand.u32 $0x3FFF, v20  }
0x29f: {  	v21 =	vand.u32 $0x3FFF, v21  }
0x2a0: {  	v22 =	vld.idx.msk [tilespmem:v12+s12+$0x0], $0xffff  }
0x2a1: {  	v23 =	vld.idx.msk [tilespmem:v19+s12+$0x0], $0xffff;
	_ =	sdelay $0x1  }
0x2a2: {  	v24 =	vld.idx.msk [tilespmem:v20+s12+$0x0], $0xffff  }
0x2a3: {  	vm0 =	vgt.s32 v27, v0;
	v25 =	vld.idx.msk [tilespmem:v21+s12+$0x0], $0xffff  }
0x2a4: {  	vm8 =	vgt.s32 v27, v2;
	v22 =	vnsel vm0, $0xFF61B1E6, v22  }
0x2a5: {  	v23 =	vnsel vm8, $0xFF61B1E6, v23;
	(xrf1) =	vsort.dscd.msk.f32 $0xffff, v22, v12  }
0x2a6: {  	vm9 =	vgt.s32 v27, v3;
	(xrf1) =	vsort.dscd.msk.f32 $0xffff, v23, v19  }
0x2a7: {  	vm10 =	vgt.s32 v27, v4;
	v12 =	vnsel vm9, $0xFF61B1E6, v24  }
0x2a8: {  	v19 =	vnsel vm10, $0xFF61B1E6, v25;
	(xrf1) =	vsort.dscd.msk.f32 $0xffff, v12, v20  }
0x2a9: {  	(xrf1) =	vsort.dscd.msk.f32 $0xffff, v19, v21;
	_ =	sdelay $0x9  }
0x2aa: {  	v12, v19, _ =	vpop (xrf1)  }
0x2ab: {  	v20, v21, _ =	vpop (xrf1)  }
0x2ac: {  	v20 =	vperm.xlane v20, v18  }
0x2ad: {  	v22, v23, _ =	vpop (xrf1)  }
0x2ae: {  	v21 =	vperm.xlane v21, v18;
	v24, v25, _ =	vpop (xrf1);
	vm11 =	vge.f32 v12, v20  }
0x2af: {  	v24 =	vperm.xlane v24, v18;
	v26 =	vsel vm11, v12, v20  }
0x2b0: {  	v28 =	vsel vm11, v19, v21;
	v12 =	vsel vm11, v20, v12;
	v20 =	vperm.xlane v25, v18  }
0x2b1: {  	v19 =	vsel vm11, v21, v19;
	(xrf1) =	vsort.dscd.msk.f32 $0xffff, v26, v28;
	vm12 =	vge.f32 v22, v24  }
0x2b2: {  	(xrf1) =	vsort.dscd.msk.f32 $0xffff, v12, v19;
	v12 =	vsel vm12, v22, v24;
	v19 =	vsel vm12, v23, v20  }
0x2b3: {  	(xrf1) =	vsort.dscd.msk.f32 $0xffff, v12, v19;
	v12 =	vadd.s32 v61, v27  }
0x2b4: {  	v12 =	vxor.u32 $0x80000000, v12  }
0x2b5: {  	(xrf0) =	vmax.scan.msk.u32 $0xffff, v12;
	_ =	sdelay $0x1  }
0x2b6: {  	v21 =	vsel vm12, v24, v22;
	v20 =	vsel vm12, v20, v23  }
0x2b7: {  	(xrf1) =	vsort.dscd.msk.f32 $0xffff, v21, v20;
	_ =	sdelay $0x2  }
0x2b8: {  	v12, _, _ =	vpop (xrf0)  }
0x2b9: {  	(v2sf) =	vpush v12, $0xF;
	_ =	sdelay $0x6  }
0x2ba: {  	v12, v19, _ =	vpop (xrf1)  }
0x2bb: {  	v20, v21, _ =	vpop (xrf1)  }
0x2bc: {  	v22, v23, _ =	vpop (xrf1)  }
0x2bd: {  	v24, v25, _ =	vpop (xrf1)  }
0x2be: {  	v22 =	vperm.xlane v22, v18;
	v24 =	vperm.xlane v24, v18  }
0x2bf: {  	v25 =	vperm.xlane v25, v18  }
0x2c0: {  	v23 =	vperm.xlane v23, v18;
	vm1 =	vge.f32 v20, v22;
	vm13 =	vge.f32 v12, v24  }
0x2c1: {  	v26 =	vsel vm13, v12, v24;
	v28 =	vsel vm13, v19, v25;
	v12 =	vsel vm13, v24, v12  }
0x2c2: {  	v19 =	vsel vm13, v25, v19;
	v24 =	vsel vm1, v20, v22;
	v25 =	vsel vm1, v21, v23;
	s22 =	spop (v2sf)  }
0x2c3: {  	v20 =	vsel vm1, v22, v20;
	v21 =	vsel vm1, v23, v21;
	vm14 =	vge.f32 v26, v24;
	s23 =	sxor.u32 $0x80000000, s22  }
0x2c4: {  	vm15 =	vge.f32 v12, v20;
	v22 =	vsel vm14, v26, v24;
	v23 =	vsel vm14, v28, v25;
	p2 =	sgt.s32 s22, $0xFFFFFFFF;
	s22 =	sand.u32 $0xF, s22;
	p1 =	slt.s32 s23, $0x1  }
0x2c5: {  	v24 =	vsel vm14, v24, v26;
	v25 =	vsel vm14, v25, v28;
	(xrf1) =	vsort.dscd.msk.f32 $0xffff, v22, v23;
	s24 =	sshra.s32 s23, $0x1F;
	p4 =	sne.s32 s22, $0x0;
	p1 =	por p2, p1  }
0x2c6: {  	v22 =	vsel vm15, v12, v20;
	v23 =	vsel vm15, v19, v21;
	(xrf1) =	vsort.dscd.msk.f32 $0xffff, v24, v25;
	s29 =	sshrl.u32 s24, $0x1C;
	p1 =	por !p4, !p1  }
0x2c7: {  	v12 =	vsel vm15, v20, v12;
	v19 =	vsel vm15, v21, v19;
	(xrf1) =	vsort.dscd.msk.f32 $0xffff, v22, v23;
	s22 =	sadd.s32 s29, s23;
	s23 =	simm.s32 $0x1;
	p1 =	por !p1, !p1  }
0x2c8: {  	(xrf1) =	vsort.dscd.msk.f32 $0xffff, v12, v19;
	s22 =	sshra.s32 s22, $0x4;
	s23 =	simm.s32 @!p1 $0x0  }
0x2c9: {  	s22 =	ssub.s32 s22, s23  }
0x2ca: {  	s23 =	sadd.s32 $0x3, s22  }
0x2cb: {  	s30 =	sand.u32 $0x3, s23  }
0x2cc: {  	p5 =	slt.s32 s22, $0xFFFFFFFE;
	p6 =	sne.s32 s30, $0x0  }
0x2cd: {  	s31 =	sshrl.u32 s23, $0x1E;
	p1 =	por !p5, !p6  }
0x2ce: {  	s22 =	sadd.s32 s31, s23;
	s23 =	simm.s32 $0x1;
	p1 =	por !p1, !p1  }
0x2cf: {  	s22 =	sshra.s32 s22, $0x2;
	s23 =	simm.s32 @!p1 $0x0  }
0x2d0: {  	s23 =	ssub.s32 s22, s23  }
0x2d1: {  	p2 =	slt.s32 s23, $0x2  }
.Ltmp12:
0x2d2: {  	_ = 	snop;
	(pc) =	sbr.rel @p2 .LBB2_34-.Ltmp12, $4  }
0x2d3: {  	v26, v22, _ =	vpop (xrf1)  }
0x2d4: {  	v24, v19, _ =	vpop (xrf1)  }
0x2d5: {  	v25, v21, _ =	vpop (xrf1)  }
0x2d6: {  	v23, v20, _ =	vpop (xrf1)  }
0x2d7: {  	s23 =	simm.s32 $0x8070  }
0x2d8: {  	v12 =	vld [tilespmem:s23+$0x0]  }
0x2d9: {  	v28 =	vld [tilespmem:s23+$0xFFFFFFD0]  }
0x2da: {  	v29 =	vld [tilespmem:s23+$0xFFFFFFE0];
	_ =	sdelay $0x2  }
0x2db: {  	v12 =	vand.u32 $0x3FFF, v12  }
0x2dc: {  	v28 =	vand.u32 $0x3FFF, v28  }
0x2dd: {  	v29 =	vand.u32 $0x3FFF, v29;
	_ =	sdelay $0x2  }
0x2de: {  	v30 =	vld.idx.msk [tilespmem:v12+s12+$0x0], $0xffff  }
0x2df: {  	v31 =	vld.idx.msk [tilespmem:v28+s12+$0x0], $0xffff  }
0x2e0: {  	s24 =	simm.s32 $0x70;
	v32 =	vld.idx.msk [tilespmem:v29+s12+$0x0], $0xffff  }
0x2e1: {  	s25 =	simm.s32 $0x40;
	v33 =	vor.u32 s24, v0  }
0x2e2: {  	s30 =	simm.s32 $0x50;
	v34 =	vor.u32 s25, v0;
	vm0 =	vlt.s32 v33, v27  }
0x2e3: {  	v62 =	vor.u32 s30, v0;
	vm1 =	vlt.s32 v34, v27;
	v30 =	vnsel vm0, $0xFF61B1E6, v30  }
0x2e4: {  	v63 =	vld [tilespmem:s23+$0xFFFFFFF0];
	vm14 =	vlt.s32 v62, v27;
	v31 =	vnsel vm1, $0xFF61B1E6, v31;
	(xrf1) =	vsort.dscd.msk.f32 $0xffff, v30, v12  }
0x2e5: {  	v12 =	vnsel vm14, $0xFF61B1E6, v32;
	(xrf1) =	vsort.dscd.msk.f32 $0xffff, v31, v28  }
0x2e6: {  	(xrf1) =	vsort.dscd.msk.f32 $0xffff, v12, v29;
	_ =	sdelay $0x2  }
0x2e7: {  	v12 =	vand.u32 $0x3FFF, v63;
	_ =	sdelay $0x1  }
0x2e8: {  	s23 =	simm.s32 $0xFFFFFFFF  }
0x2e9: {  	s23 =	simm.s32 @!p1 $0x0  }
0x2ea: {  	s22 =	sadd.s32 s23, s22  }
0x2eb: {  	s31 =	simm.s32 $0x60;
	s22 =	sadd.s32 $0xFFFFFFFF, s22;
	v28 =	vld.idx.msk [tilespmem:v12+s12+$0x0], $0xffff  }
0x2ec: {  	p4 =	sne.s32 s22, $0x1;
	v29 =	vor.u32 s31, v0  }
.Ltmp13:
0x2ed: {  	_ = 	snop;
	(pc) =	sbr.rel @!p4 .LBB2_24-.Ltmp13, $4  }
0x2ee: {  	_ = 	snop  }
0x2ef: {  	vm15 =	vlt.s32 v29, v27;
	v29, v49, _ =	vpop (xrf1)  }
0x2f0: {  	p2 =	por $0x0, $0x0;
	p3 =	por $0x0, $0x0;
	s24 =	simm.s32 $0x80B0;
	v28 =	vnsel vm15, $0xFF61B1E6, v28;
	v43, v44, _ =	vpop (xrf1)  }
0x2f1: {  	p1 =	por $0x0, $0x0;
	s23 =	simm.s32 $0x80;
	s22 =	sadd.s32 $0xFFFFFFFF, s22;
	(xrf1) =	vsort.dscd.msk.f32 $0xffff, v28, v12;
	v46 =	vperm.xlane v29, v18;
	v58, v56, _ =	vpop (xrf1)  }
0x2f2: {  	_ =	sdelay $0x5  }
0x2f3: {  	v12 =	vld [tilespmem:s24+$0x0]  }
0x2f4: {  	v28 =	vld [tilespmem:s24+$0xFFFFFFD0]  }
0x2f5: {  	v29 =	vld [tilespmem:s24+$0xFFFFFFE0];
	_ =	sdelay $0x2  }
0x2f6: {  	v12 =	vand.u32 $0x3FFF, v12  }
0x2f7: {  	v28 =	vand.u32 $0x3FFF, v28  }
0x2f8: {  	v32 =	vperm.xlane v58, v18;
	v33 =	vperm.xlane v49, v18;
	v29 =	vand.u32 $0x3FFF, v29;
	v30, v31, _ =	vpop (xrf1)  }
0x2f9: {  	v34 =	vperm.xlane v56, v18;
	vm0 =	vge.f32 v30, v46  }
0x2fa: {  	v35 =	vld [tilespmem:s24+$0xFFFFFFF0];
	vm1 =	vge.f32 v43, v32;
	v36 =	vsel vm0, v46, v30;
	v37 =	vsel vm0, v33, v31  }
0x2fb: {  	v48 =	vld.idx.msk [tilespmem:v12+s12+$0x0], $0xffff;
	v31 =	vsel vm0, v31, v33;
	v30 =	vsel vm0, v30, v46;
	(xrf1) =	vsort.dscd.msk.f32 $0xffff, v36, v37  }
0x2fc: {  	v49 =	vsel vm1, v32, v43;
	v50 =	vsel vm1, v34, v44;
	v51 =	vld.idx.msk [tilespmem:v28+s12+$0x0], $0xffff;
	(xrf1) =	vsort.dscd.msk.f32 $0xffff, v30, v31  }
0x2fd: {  	s29 =	simm.s32 $0xB0;
	v52 =	vsel vm1, v44, v34;
	v32 =	vsel vm1, v43, v32;
	v53 =	vld.idx.msk [tilespmem:v29+s12+$0x0], $0xffff;
	(xrf1) =	vsort.dscd.msk.f32 $0xffff, v49, v50  }
0x2fe: {  	v54 =	vor.u32 s29, v0;
	(xrf1) =	vsort.dscd.msk.f32 $0xffff, v32, v52  }
0x2ff: {  	v55 =	vor.u32 s23, v0;
	s30 =	simm.s32 $0x90;
	v58 =	vand.u32 $0x3FFF, v35;
	vm0 =	vlt.s32 v54, v27  }
0x300: {  	v56 =	vor.u32 s30, v0;
	vm1 =	vlt.s32 v55, v27;
	v57 =	vnsel vm0, $0xFF61B1E6, v48  }
0x301: {  	vm0 =	vlt.s32 v56, v27;
	v30 =	vnsel vm1, $0xFF61B1E6, v51;
	(xrf1) =	vsort.dscd.msk.f32 $0xffff, v57, v12  }
0x302: {  	v12 =	vnsel vm0, $0xFF61B1E6, v53;
	(xrf1) =	vsort.dscd.msk.f32 $0xffff, v30, v28  }
0x303: {  	(xrf1) =	vsort.dscd.msk.f32 $0xffff, v12, v29  }
0x304: {  	v12 =	vld.idx.msk [tilespmem:v58+s12+$0x0], $0xffff;
	_ =	sdelay $0x1  }
0x305: {  	s31 =	simm.s32 $0xA0  }
0x306: {  	v28 =	vor.u32 s31, v0  }
0x307: {  	vm0 =	vlt.s32 v28, v27  }
0x308: {  	v12 =	vnsel vm0, $0xFF61B1E6, v12;
	v29, v59, _ =	vpop (xrf1)  }
0x309: {  	v28, v60, _ =	vpop (xrf1)  }
0x30a: {  	v29 =	vperm.xlane v29, v18;
	v28 =	vperm.xlane v28, v18;
	v62, v34, _ =	vpop (xrf1)  }
0x30b: {  	p4 =	sne.s32 s22, $0x1;
	(xrf1) =	vsort.dscd.msk.f32 $0xffff, v12, v58;
	v12, v31, _ =	vpop (xrf1)  }
.Ltmp14:
0x30c: {  	v30 =	vperm.xlane v59, v18;
	vm2 =	vge.f32 v12, v29;
	vm0 =	vge.f32 v62, v28;
	(pc) =	sbr.rel @!p4 .LBB2_26-.Ltmp14, $4  }
0x30d: {  	v37 =	vperm.xlane v60, v18;
	v63 =	vsel vm2, v12, v29;
	v39 =	vsel vm0, v62, v28  }
0x30e: {  	v35 =	vsel vm2, v29, v12;
	v36 =	vsel vm0, v28, v62;
	v12, v49, _ =	vpop (xrf1);
	v40 =	vsel vm2, v31, v30  }
0x30f: {  	s22 =	sadd.s32 $0xFFFFFFFF, s22;
	v42 =	vsel vm0, v34, v37;
	v38 =	vsel vm2, v30, v31;
	vm1 =	vge.f32 v63, v39;
	v43, v44, _ =	vpop (xrf1)  }
0x310: {  	s24 =	simm.s32 $0xC0;
	s23 =	simm.s32 $0x80F0;
	p1 =	por $0x1, $0x1;
	v46 =	vperm.xlane v12, v18;
	v41 =	vsel vm1, v63, v39;
	v39 =	vsel vm1, v39, v63;
	v58, v56, _ =	vpop (xrf1)  }
0x311: {  	_ =	sdelay $0x1  }
0x312: {  	v12 =	vld [tilespmem:s23+$0x0]  }
0x313: {  	v28 =	vld [tilespmem:s23+$0xFFFFFFD0]  }
0x314: {  	v29 =	vld [tilespmem:s23+$0xFFFFFFE0];
	_ =	sdelay $0x1  }
0x315: {  	v30 =	vor.u32 s24, v0  }
0x316: {  	v33 =	vperm.xlane v58, v18;
	v45 =	vperm.xlane v56, v18;
	v12 =	vand.u32 $0x3FFF, v12  }
0x317: {  	v47 =	vperm.xlane v49, v18;
	v62 =	vsel vm1, v40, v42;
	v28 =	vand.u32 $0x3FFF, v28;
	v31, v32, _ =	vpop (xrf1)  }
0x318: {  	vm2 =	vlt.s32 v30, v27;
	v29 =	vand.u32 $0x3FFF, v29;
	vm3 =	vge.f32 v31, v46  }
0x319: {  	vm4 =	vge.f32 v43, v33;
	v30 =	vsel vm3, v46, v31;
	v48 =	vsel vm3, v47, v32  }
0x31a: {  	v50 =	vld [tilespmem:s23+$0xFFFFFFF0];
	v32 =	vsel vm3, v32, v47;
	v31 =	vsel vm3, v31, v46;
	(xrf1) =	vsort.dscd.msk.f32 $0xffff, v30, v48  }
0x31b: {  	v58 =	vsel vm4, v33, v43;
	v59 =	vsel vm4, v45, v44;
	(xrf1) =	vsort.dscd.msk.f32 $0xffff, v31, v32;
	v31 =	vld.idx.msk [tilespmem:v12+s12+$0x0], $0xffff  }
0x31c: {  	v60 =	vsel vm4, v43, v33;
	v63 =	vld.idx.msk [tilespmem:v28+s12+$0x0], $0xffff;
	v30 =	vsel vm4, v44, v45;
	(xrf1) =	vsort.dscd.msk.f32 $0xffff, v58, v59  }
0x31d: {  	s29 =	simm.s32 $0xF0;
	vm3 =	vge.f32 v35, v36;
	v45 =	vsel vm0, v37, v34;
	(xrf1) =	vsort.dscd.msk.f32 $0xffff, v60, v30;
	v30 =	vld.idx.msk [tilespmem:v29+s12+$0x0], $0xffff  }
0x31e: {  	v46 =	vor.u32 s29, v0;
	v47 =	vsel vm3, v35, v36;
	v37 =	vsel vm3, v38, v45;
	(xrf1) =	vsort.dscd.msk.f32 $0xffff, v41, v62  }
0x31f: {  	s30 =	simm.s32 $0xD0;
	v51 =	vand.u32 $0x3FFF, v50;
	v48 =	vsel vm1, v42, v40;
	vm0 =	vlt.s32 v46, v27;
	(xrf1) =	vsort.dscd.msk.f32 $0xffff, v47, v37  }
0x320: {  	v49 =	vor.u32 s30, v0;
	v31 =	vnsel vm0, $0xFF61B1E6, v31;
	(xrf1) =	vsort.dscd.msk.f32 $0xffff, v39, v48  }
0x321: {  	v52 =	vnsel vm2, $0xFF61B1E6, v63;
	vm0 =	vlt.s32 v49, v27;
	(xrf1) =	vsort.dscd.msk.f32 $0xffff, v31, v12  }
0x322: {  	v12 =	vnsel vm0, $0xFF61B1E6, v30;
	(xrf1) =	vsort.dscd.msk.f32 $0xffff, v52, v28  }
0x323: {  	(xrf1) =	vsort.dscd.msk.f32 $0xffff, v12, v29  }
0x324: {  	v12 =	vld.idx.msk [tilespmem:v51+s12+$0x0], $0xffff  }
0x325: {  	s31 =	simm.s32 $0xE0  }
0x326: {  	v28 =	vor.u32 s31, v0;
	_ =	sdelay $0x1  }
0x327: {  	vm0 =	vlt.s32 v28, v27;
	v29, v30, _ =	vpop (xrf1)  }
0x328: {  	v12 =	vnsel vm0, $0xFF61B1E6, v12;
	v28, v31, _ =	vpop (xrf1)  }
0x329: {  	v54 =	vperm.xlane v29, v18;
	(xrf1) =	vsort.dscd.msk.f32 $0xffff, v12, v51;
	v55, v34, _ =	vpop (xrf1);
	v12 =	vperm.xlane v28, v18  }
0x32a: {  	v53 =	vsel vm3, v36, v35;
	v29 =	vsel vm3, v45, v38;
	v32, v38, _ =	vpop (xrf1)  }
0x32b: {  	p4 =	sne.s32 s22, $0x1;
	v56 =	vperm.xlane v30, v18;
	(xrf1) =	vsort.dscd.msk.f32 $0xffff, v53, v29;
	vm2 =	vge.f32 v32, v54;
	v63, v62, _ =	vpop (xrf1)  }
.Ltmp15:
0x32c: {  	v37 =	vperm.xlane v31, v18;
	vm0 =	vge.f32 v55, v12;
	v57 =	vsel vm2, v32, v54;
	v58, v31, _ =	vpop (xrf1);
	(pc) =	sbr.rel @!p4 .LBB2_28-.Ltmp15, $4  }
0x32d: {  	v35 =	vsel vm2, v54, v32;
	v59 =	vsel vm0, v55, v12;
	v36 =	vsel vm0, v12, v55;
	v12, v28, _ =	vpop (xrf1)  }
0x32e: {  	v40 =	vsel vm2, v38, v56;
	v42 =	vsel vm0, v34, v37;
	vm1 =	vge.f32 v57, v59;
	v60, v49, _ =	vpop (xrf1)  }
0x32f: {  	s22 =	sadd.s32 $0xFFFFFFFF, s22;
	v38 =	vsel vm2, v56, v38;
	v32 =	vperm.xlane v58, v18;
	v41 =	vsel vm1, v57, v59;
	v43, v44, _ =	vpop (xrf1)  }
0x330: {  	s24 =	simm.s32 $0x100;
	s23 =	simm.s32 $0x8130;
	p2 =	por $0x1, $0x1;
	v33 =	vperm.xlane v12, v18;
	v39 =	vsel vm1, v59, v57;
	[tilespmem:$0x1FFB0] =	vst v28;
	v46 =	vperm.xlane v60, v18;
	v58, v56, _ =	vpop (xrf1)  }
0x331: {  	_ =	sdelay $0x3  }
0x332: {  	v12 =	vor.u32 s24, v0;
	v45 =	vld [tilespmem:s23+$0x0];
	v53 =	vperm.xlane v58, v18;
	v54 =	vperm.xlane v56, v18  }
0x333: {  	s30 =	simm.s32 $0x130;
	v51 =	vld [tilespmem:s23+$0xFFFFFFD0];
	v49 =	vperm.xlane v49, v18;
	vm12 =	vge.f32 v35, v36;
	v34 =	vsel vm0, v37, v34  }
0x334: {  	s31 =	simm.s32 $0x110;
	vm0 =	vge.f32 v24, v32;
	v52 =	vor.u32 s30, v0;
	vm2 =	vlt.s32 v12, v27;
	v12 =	vld [tilespmem:s23+$0xFFFFFFE0];
	v48, v50, _ =	vpop (xrf1)  }
0x335: {  	v55 =	vld [tilespmem:s23+$0xFFFFFFF0];
	v60 =	vor.u32 s31, v0;
	v56 =	vsel vm12, v35, v36;
	vm4 =	vge.f32 v48, v46  }
0x336: {  	vm5 =	vge.f32 v43, v53;
	v57 =	vsel vm4, v46, v48;
	v61 =	vsel vm4, v49, v50  }
0x337: {  	v45 =	vand.u32 $0x3FFF, v45;
	v49 =	vsel vm4, v50, v49;
	v46 =	vsel vm4, v48, v46;
	(xrf1) =	vsort.dscd.msk.f32 $0xffff, v57, v61  }
0x338: {  	vm3 =	vlt.s32 v60, v27;
	v58 =	vsel vm5, v53, v43;
	v51 =	vand.u32 $0x3FFF, v51;
	v60, v50, _ =	vpop (xrf1);
	(xrf1) =	vsort.dscd.msk.f32 $0xffff, v46, v49  }
0x339: {  	v12 =	vand.u32 $0x3FFF, v12;
	v61 =	vsel vm5, v44, v54;
	v54 =	vsel vm5, v54, v44  }
0x33a: {  	s25 =	simm.s32 $0x120;
	v37 =	vsel vm12, v38, v34;
	v48 =	vand.u32 $0x3FFF, v55;
	v57 =	vsel vm5, v43, v53;
	(xrf1) =	vsort.dscd.msk.f32 $0xffff, v58, v54  }
0x33b: {  	v47 =	vor.u32 s25, v0;
	vm6 =	vge.f32 v25, v33;
	vm13 =	vlt.s32 v52, v27;
	(xrf1) =	vsort.dscd.msk.f32 $0xffff, v57, v61  }
0x33c: {  	vm7 =	vlt.s32 v47, v27;
	v44 =	vsel vm1, v42, v40;
	v43 =	vperm.xlane v31, v18;
	v59 =	vld.idx.msk [tilespmem:v45+s12+$0x0], $0xffff  }
0x33d: {  	[tilespmem:$0x1FF90] =	vst v31;
	v31 =	vmov v63;
	v46 =	vperm.xlane v60, v18;
	v60 =	vperm.xlane v50, v18;
	v61 =	vld.idx.msk [tilespmem:v51+s12+$0x0], $0xffff  }
0x33e: {  	v58 =	vsel vm1, v40, v42;
	v42 =	vsel vm12, v36, v35;
	v54 =	vperm.xlane v63, v18;
	v63 =	vld.idx.msk [tilespmem:v12+s12+$0x0], $0xffff  }
0x33f: {  	v43 =	vsel vm0, v19, v43;
	vm1 =	vge.f32 v26, v46;
	(xrf1) =	vsort.dscd.msk.f32 $0xffff, v41, v58;
	v57 =	vld.idx.msk [tilespmem:v48+s12+$0x0], $0xffff  }
0x340: {  	[tilespmem:$0x1FFA0] =	vst v62;
	v41 =	vperm.xlane v62, v18;
	v62 =	vperm.xlane v28, v18;
	(xrf1) =	vsort.dscd.msk.f32 $0xffff, v56, v37  }
0x341: {  	v58 =	vsel vm1, v26, v46;
	v59 =	vnsel vm13, $0xFF61B1E6, v59;
	(xrf1) =	vsort.dscd.msk.f32 $0xffff, v39, v44;
	v39 =	vsel vm1, v22, v60  }
0x342: {  	v60 =	vsel vm6, v25, v33;
	vm1 =	vge.f32 v23, v54;
	(xrf1) =	vsort.dscd.msk.f32 $0xffff, v59, v45;
	v61 =	vnsel vm2, $0xFF61B1E6, v61  }
0x343: {  	v45 =	vsel vm6, v21, v62;
	v62 =	vnsel vm3, $0xFF61B1E6, v63;
	vm2 =	vge.f32 v58, v60;
	(xrf1) =	vsort.dscd.msk.f32 $0xffff, v61, v51  }
0x344: {  	v46 =	vsel vm1, v20, v41;
	v50 =	vsel vm2, v45, v39;
	v36 =	vnsel vm7, $0xFF61B1E6, v57;
	(xrf1) =	vsort.dscd.msk.f32 $0xffff, v62, v12  }
0x345: {  	v51 =	vsel vm2, v60, v58;
	v12 =	vsel vm12, v34, v38;
	(xrf1) =	vsort.dscd.msk.f32 $0xffff, v36, v48;
	v63, v48, _ =	vpop (xrf1)  }
0x346: {  	v44 =	vsel vm2, v58, v60;
	v39 =	vsel vm2, v39, v45;
	v52, v49, _ =	vpop (xrf1);
	(xrf1) =	vsort.dscd.msk.f32 $0xffff, v42, v12  }
0x347: {  	v38 =	vsel vm1, v23, v54;
	v12 =	vsel vm0, v24, v32;
	v53 =	vperm.xlane v63, v18  }
0x348: {  	v56 =	vperm.xlane v48, v18;
	v41 =	vperm.xlane v52, v18;
	v47, v34, _ =	vpop (xrf1);
	vm3 =	vge.f32 v12, v38  }
0x349: {  	v37 =	vperm.xlane v49, v18;
	v55, v58, _ =	vpop (xrf1);
	v49 =	vsel vm3, v12, v38;
	v57 =	vsel vm3, v38, v12  }
0x34a: {  	vm14 =	vge.f32 v55, v53;
	vm0 =	vge.f32 v47, v41;
	vm15 =	vge.f32 v44, v49  }
0x34b: {  	vm2 =	vge.f32 v51, v57;
	v60 =	vsel vm14, v55, v53;
	v35 =	vsel vm14, v53, v55  }
0x34c: {  	v55 =	vsel vm3, v46, v43;
	v61 =	vsel vm0, v47, v41;
	v36 =	vsel vm0, v41, v47  }
0x34d: {  	p4 =	sne.s32 s22, $0x1;
	v40 =	vsel vm14, v58, v56;
	v47, v48, _ =	vpop (xrf1);
	v42 =	vsel vm0, v34, v37;
	v12 =	vsel vm15, v44, v49  }
.Ltmp16:
0x34e: {  	v62 =	vsel vm15, v49, v44;
	v43 =	vsel vm3, v43, v46;
	vm1 =	vge.f32 v60, v61;
	v59, v53, _ =	vpop (xrf1);
	(pc) =	sbr.rel @!p4 .LBB2_30-.Ltmp16, $4  }
0x34f: {  	v38 =	vsel vm14, v56, v58;
	v28 =	vsel vm15, v43, v39;
	v41 =	vsel vm1, v60, v61;
	v63, v54, _ =	vpop (xrf1)  }
0x350: {  	v45 =	vperm.xlane v59, v18;
	v46, v49, _ =	vpop (xrf1);
	v52 =	vperm.xlane v63, v18;
	v63 =	vsel vm15, v39, v43  }
0x351: {  	s22 =	sadd.s32 $0xFFFFFFFF, s22;
	v59 =	vsel vm2, v51, v57;
	v39 =	vsel vm1, v61, v60;
	v43, v44, _ =	vpop (xrf1);
	(xrf1) =	vsort.dscd.msk.f32 $0xffff, v12, v63  }
0x352: {  	s24 =	simm.s32 $0x8170;
	p3 =	por $0x1, $0x1;
	s23 =	simm.s32 $0x140;
	v60 =	vsel vm2, v50, v55;
	v46 =	vperm.xlane v46, v18;
	v58, v56, _ =	vpop (xrf1);
	(xrf1) =	vsort.dscd.msk.f32 $0xffff, v62, v28  }
.LBB2_31:
0x353: {  	v12 =	vor.u32 s23, v0;
	s25 =	sadd.s32 $0x20, s23;
	s26 =	sadd.s32 $0x30, s23;
	v28 =	vld [tilespmem:s24+$0x0];
	p4 =	sne.s32 s22, $0x1;
	v61, v62, _ =	vpop (xrf1);
	v51 =	vsel vm2, v57, v51;
	v50 =	vsel vm2, v55, v50;
	(xrf1) =	vsort.dscd.msk.f32 $0xffff, v59, v60  }
0x354: {  	s22 =	sadd.s32 $0xFFFFFFFF, s22;
	v58 =	vperm.xlane v58, v18;
	v55 =	vld [tilespmem:s24+$0xFFFFFFD0];
	v57 =	vor.u32 s25, v0;
	v59 =	vor.u32 s26, v0;
	v60, v63, _ =	vpop (xrf1);
	(xrf1) =	vsort.dscd.msk.f32 $0xffff, v51, v50  }
0x355: {  	v49 =	vperm.xlane v49, v18;
	s25 =	sadd.s32 $0x10, s23;
	v51 =	vperm.xlane v56, v18;
	vm4 =	vge.f32 v61, v46;
	v50 =	vld [tilespmem:s24+$0xFFFFFFF0]  }
0x356: {  	vm2 =	vlt.s32 v12, v27;
	v56 =	vor.u32 s25, v0;
	v29 =	vsel vm4, v46, v61;
	v12 =	vld [tilespmem:s24+$0xFFFFFFE0]  }
0x357: {  	vm5 =	vge.f32 v43, v58;
	vm3 =	vlt.s32 v56, v27;
	v56 =	vsel vm4, v49, v62  }
0x358: {  	v30 =	vsel vm5, v58, v43;
	v49 =	vsel vm4, v62, v49;
	v28 =	vand.u32 $0x3FFF, v28  }
0x359: {  	v46 =	vsel vm4, v61, v46;
	v60 =	vperm.xlane v60, v18;
	v62 =	vsel vm5, v44, v51  }
0x35a: {  	v44 =	vsel vm5, v51, v44;
	v55 =	vand.u32 $0x3FFF, v55;
	(xrf1) =	vsort.dscd.msk.f32 $0xffff, v29, v56;
	v29 =	vsel vm1, v42, v40  }
0x35b: {  	v43 =	vsel vm5, v43, v58;
	v40 =	vsel vm1, v40, v42;
	v12 =	vand.u32 $0x3FFF, v12;
	(xrf1) =	vsort.dscd.msk.f32 $0xffff, v46, v49  }
0x35c: {  	v42 =	vand.u32 $0x3FFF, v50;
	vm1 =	vge.f32 v35, v36;
	(xrf1) =	vsort.dscd.msk.f32 $0xffff, v30, v44  }
0x35d: {  	v44 =	vperm.xlane v53, v18;
	v30 =	vld.idx.msk [tilespmem:v28+s12+$0x0], $0xffff;
	(xrf1) =	vsort.dscd.msk.f32 $0xffff, v43, v62;
	v43 =	vsel vm1, v36, v35  }
0x35e: {  	(xrf1) =	vsort.dscd.msk.f32 $0xffff, v41, v40  }
0x35f: {  	v46 =	vperm.xlane v48, v18;
	v41 =	vperm.xlane v63, v18;
	v40 =	vld.idx.msk [tilespmem:v55+s12+$0x0], $0xffff;
	v48, v49, _ =	vpop (xrf1)  }
0x360: {  	v47 =	vperm.xlane v47, v18;
	v51 =	vperm.xlane v54, v18;
	v50 =	vld.idx.msk [tilespmem:v12+s12+$0x0], $0xffff;
	vm4 =	vge.f32 v48, v60;
	v53, v54, _ =	vpop (xrf1)  }
0x361: {  	v34 =	vsel vm0, v37, v34;
	v35 =	vsel vm1, v35, v36;
	v56 =	vld.idx.msk [tilespmem:v42+s12+$0x0], $0xffff;
	vm0 =	vge.f32 v53, v45;
	v36, v37, _ =	vpop (xrf1)  }
0x362: {  	vm5 =	vlt.s32 v59, v27;
	v58 =	vsel vm1, v38, v34;
	vm6 =	vge.f32 v36, v52;
	v61, v59, _ =	vpop (xrf1)  }
0x363: {  	vm7 =	vlt.s32 v57, v27;
	v30 =	vnsel vm5, $0xFF61B1E6, v30;
	(xrf1) =	vsort.dscd.msk.f32 $0xffff, v35, v58;
	v35 =	vsel vm4, v48, v60  }
0x364: {  	v36 =	vsel vm6, v36, v52;
	(xrf1) =	vsort.dscd.msk.f32 $0xffff, v39, v29;
	v29 =	vsel vm4, v49, v41  }
0x365: {  	v39 =	vnsel vm2, $0xFF61B1E6, v40;
	vm2 =	vge.f32 v35, v36;
	(xrf1) =	vsort.dscd.msk.f32 $0xffff, v30, v28;
	v28 =	vsel vm6, v37, v51  }
0x366: {  	v40 =	vnsel vm3, $0xFF61B1E6, v50;
	vm3 =	vge.f32 v61, v47;
	(xrf1) =	vsort.dscd.msk.f32 $0xffff, v39, v55;
	v50 =	vsel vm2, v28, v29  }
0x367: {  	v51 =	vsel vm2, v36, v35;
	v39 =	vnsel vm7, $0xFF61B1E6, v56;
	(xrf1) =	vsort.dscd.msk.f32 $0xffff, v40, v12;
	v12 =	vsel vm1, v34, v38  }
0x368: {  	v38 =	vsel vm3, v61, v47;
	(xrf1) =	vsort.dscd.msk.f32 $0xffff, v39, v42;
	v30, v37, _ =	vpop (xrf1);
	v39 =	vsel vm2, v35, v36  }
0x369: {  	v41, v35, _ =	vpop (xrf1);
	(xrf1) =	vsort.dscd.msk.f32 $0xffff, v43, v12;
	v12 =	vsel vm0, v53, v45;
	v43 =	vsel vm3, v59, v46  }
0x36a: {  	v44 =	vsel vm0, v54, v44;
	v30 =	vperm.xlane v30, v18;
	v36 =	vperm.xlane v41, v18;
	v40, v34, _ =	vpop (xrf1)  }
0x36b: {  	v46 =	vperm.xlane v37, v18;
	v37 =	vperm.xlane v35, v18;
	vm4 =	vge.f32 v12, v38;
	v35, v56, _ =	vpop (xrf1)  }
0x36c: {  	v45 =	vsel vm4, v12, v38;
	vm3 =	vge.f32 v35, v30;
	vm0 =	vge.f32 v40, v36;
	v47, v48, _ =	vpop (xrf1)  }
0x36d: {  	v55 =	vsel vm4, v43, v44;
	v58 =	vsel vm3, v35, v30;
	v35 =	vsel vm3, v30, v35  }
0x36e: {  	vm5 =	vge.f32 v39, v45;
	v30 =	vsel vm0, v40, v36;
	v36 =	vsel vm0, v36, v40  }
0x36f: {  	v57 =	vsel vm4, v38, v12;
	v40 =	vsel vm3, v56, v46;
	vm1 =	vge.f32 v58, v30  }
0x370: {  	v42 =	vsel vm0, v34, v37;
	v12 =	vsel vm5, v39, v45;
	v41 =	vsel vm1, v58, v30  }
.Ltmp17:
0x371: {  	v28 =	vsel vm2, v29, v28;
	vm2 =	vge.f32 v51, v57;
	v29 =	vsel vm5, v45, v39;
	v38, v53, _ =	vpop (xrf1);
	(pc) =	sbr.rel @p4 .LBB2_31-.Ltmp17, $4  }
0x372: {  	v39 =	vsel vm4, v44, v43;
	v59 =	vsel vm2, v51, v57;
	v45 =	vperm.xlane v38, v18;
	v38, v54, _ =	vpop (xrf1)  }
0x373: {  	v61 =	vsel vm5, v28, v39;
	v28 =	vsel vm5, v39, v28;
	v60, v49, _ =	vpop (xrf1);
	v52 =	vperm.xlane v38, v18  }
0x374: {  	v39 =	vsel vm1, v30, v58;
	v38 =	vsel vm3, v46, v56;
	v43, v44, _ =	vpop (xrf1);
	(xrf1) =	vsort.dscd.msk.f32 $0xffff, v12, v61  }
0x375: {  	s23 =	sadd.s32 $0x40, s23;
	s24 =	sadd.s32 $0x40, s24;
	v46 =	vperm.xlane v60, v18;
	v60 =	vsel vm2, v50, v55;
	v58, v56, _ =	vpop (xrf1);
	(xrf1) =	vsort.dscd.msk.f32 $0xffff, v29, v28  }
0x376: {  	v61 =	vld [tilespmem:$0x1FFF0]  }
0x377: {  	v62 =	vld [tilespmem:$0x1FFA0]  }
0x378: {  	v63 =	vmov v31;
	v31 =	vld [tilespmem:$0x1FF90]  }
.LBB2_33:
0x379: {  	(xrf1) =	vsort.dscd.msk.f32 @p3 $0xffff, v59, v60;
	v12 =	vsel @p3 vm2, v57, v51;
	v27 =	vsel @p3 vm2, v55, v50  }
0x37a: {  	v28 =	vperm.xlane v58, v18;
	(xrf1) =	vsort.dscd.msk.f32 @p3 $0xffff, v12, v27  }
0x37b: {  	v29, v30, _ =	vpop (xrf1);
	v47 =	vperm.xlane @p2 v47, v18;
	v34 =	vsel @p1 vm0, v37, v34;
	v12 =	vperm.xlane v49, v18  }
0x37c: {  	v27 =	vperm.xlane v56, v18;
	vm15 =	vge.f32 v29, v46;
	v55, v56, _ =	vpop @p2 (xrf1);
	vm3 =	vge.f32 v43, v28  }
0x37d: {  	v49 =	vsel vm15, v46, v29;
	v29 =	vsel vm15, v29, v46;
	v46 =	vperm.xlane @p2 v55, v18  }
0x37e: {  	v50 =	vsel vm15, v12, v30;
	v51 =	vsel vm3, v28, v43;
	v12 =	vsel vm15, v30, v12  }
0x37f: {  	v60 =	vsel vm3, v44, v27;
	v27 =	vsel vm3, v27, v44;
	(xrf1) =	vsort.dscd.msk.f32 $0xffff, v49, v50  }
0x380: {  	v44 =	vsel @p1 vm1, v42, v40;
	v28 =	vsel vm3, v43, v28;
	(xrf1) =	vsort.dscd.msk.f32 $0xffff, v29, v12  }
0x381: {  	v12 =	vsel @p1 vm1, v40, v42;
	vm1 =	vge.f32 @p1 v35, v36;
	v40 =	vperm.xlane @p2 v48, v18  }
0x382: {  	(xrf1) =	vsort.dscd.msk.f32 $0xffff, v51, v27;
	v27 =	vsel @p1 vm1, v36, v35;
	v35 =	vsel @p1 vm1, v35, v36  }
0x383: {  	v48 =	vsel @p1 vm1, v38, v34;
	v34 =	vsel @p1 vm1, v34, v38;
	(xrf1) =	vsort.dscd.msk.f32 $0xffff, v28, v60  }
0x384: {  	v28 =	vperm.xlane @p2 v53, v18;
	(xrf1) =	vsort.dscd.msk.f32 @p1 $0xffff, v41, v12;
	v12 =	vperm.xlane @p2 v56, v18;
	v29, v30, _ =	vpop @p3 (xrf1)  }
0x385: {  	v41 =	vperm.xlane @p2 v54, v18;
	(xrf1) =	vsort.dscd.msk.f32 @p1 $0xffff, v35, v48;
	v29 =	vpsel p3, v29, v26;
	v42, v43, _ =	vpop @p3 (xrf1)  }
0x386: {  	(xrf1) =	vsort.dscd.msk.f32 @p1 $0xffff, v39, v44;
	v30 =	vpsel p3, v30, v22;
	v42 =	vpsel p3, v42, v24  }
0x387: {  	vm2 =	vge.f32 @p2 v29, v46;
	(xrf1) =	vsort.dscd.msk.f32 @p1 $0xffff, v27, v34;
	vm0 =	vge.f32 @p2 v42, v45;
	v36, v37, _ =	vpop @p3 (xrf1)  }
0x388: {  	v29 =	vsel @p2 vm2, v29, v46;
	v12 =	vsel @p2 vm2, v30, v12;
	v36 =	vpsel p3, v36, v25;
	v35, v39, _ =	vpop @p3 (xrf1)  }
0x389: {  	v27 =	vsel @p2 vm0, v42, v45;
	vm3 =	vge.f32 @p2 v36, v52;
	v35 =	vpsel p3, v35, v23  }
0x38a: {  	v34 =	vpsel p3, v39, v20;
	v30 =	vsel @p2 vm3, v36, v52;
	v36 =	vpsel p3, v37, v21  }
0x38b: {  	v36 =	vsel @p2 vm3, v36, v41;
	vm2 =	vge.f32 @p2 v29, v30;
	vm3 =	vge.f32 @p2 v35, v47  }
0x38c: {  	v37 =	vsel @p2 vm2, v36, v12;
	v38 =	vsel @p2 vm2, v30, v29;
	v35 =	vsel @p2 vm3, v35, v47  }
0x38d: {  	v49, v48, _ =	vpop (xrf1);
	v29 =	vsel @p2 vm2, v29, v30;
	v34 =	vsel @p2 vm3, v34, v40;
	v40 =	vpsel p3, v43, v19  }
0x38e: {  	v30 =	vperm.xlane v49, v18;
	v28 =	vsel @p2 vm0, v40, v28;
	vm0 =	vge.f32 @p2 v27, v35  }
0x38f: {  	v52 =	vperm.xlane v48, v18;
	v12 =	vsel @p2 vm2, v12, v36;
	v41 =	vsel @p2 vm0, v27, v35  }
0x390: {  	v43 =	vsel @p2 vm0, v34, v28;
	v27 =	vsel @p2 vm0, v35, v27;
	vm1 =	vge.f32 @p2 v29, v41  }
0x391: {  	v28 =	vsel @p2 vm0, v28, v34;
	vm2 =	vge.f32 @p2 v38, v27;
	v34 =	vsel @p2 vm1, v29, v41  }
0x392: {  	v35 =	vsel @p2 vm1, v12, v28;
	v29 =	vsel @p2 vm1, v41, v29;
	v36 =	vsel @p2 vm2, v38, v27  }
0x393: {  	v12 =	vsel @p2 vm1, v28, v12;
	v28 =	vsel @p2 vm2, v37, v43;
	(xrf1) =	vsort.dscd.msk.f32 @p2 $0xffff, v34, v35  }
0x394: {  	v51, v50, _ =	vpop (xrf1);
	v28 =	vpsel p2, v28, v0;
	(xrf1) =	vsort.dscd.msk.f32 @p2 $0xffff, v29, v12;
	v12 =	vpsel p2, v36, v0  }
0x395: {  	v39 =	vperm.xlane v51, v18;
	vm2 =	vmmov @p2 vm2;
	v36 =	vpsel p2, v37, v0;
	(xrf1) =	vsort.dscd.msk.f32 @p2 $0xffff, v12, v28  }
0x396: {  	v12 =	vpsel p2, v27, v0;
	v27 =	vpsel p2, v38, v0;
	v28 =	vpsel p2, v43, v0;
	v34, v35, _ =	vpop (xrf1)  }
0x397: {  	v55 =	vperm.xlane v50, v18;
	v12 =	vsel @p2 vm2, v12, v27;
	v54, v53, _ =	vpop (xrf1);
	vm5 =	vge.f32 v34, v39  }
0x398: {  	v27 =	vsel @p2 vm2, v28, v36;
	vm4 =	vge.f32 v54, v30;
	v57 =	vsel vm5, v34, v39  }
0x399: {  	v28, v36, _ =	vpop @p1 (xrf1);
	(xrf1) =	vsort.dscd.msk.f32 @p2 $0xffff, v12, v27;
	v12 =	vsel vm5, v39, v34;
	v59 =	vsel vm5, v35, v55  }
0x39a: {  	v47 =	vld [tilespmem:$0x1FFB0];
	v29 =	vsel vm5, v55, v35;
	v56 =	vsel vm4, v54, v30;
	v30 =	vsel vm4, v30, v54  }
0x39b: {  	v58 =	vsel vm4, v53, v52;
	v34, v39, _ =	vpop @p1 (xrf1);
	v40 =	vsel vm4, v52, v53;
	v36 =	vpsel p1, v36, v62  }
0x39c: {  	v28 =	vpsel p1, v28, v63;
	vm6 =	vge.f32 v56, v57;
	v34 =	vperm.xlane @p1 v34, v18  }
0x39d: {  	v43, v45, _ =	vpop @p1 (xrf1);
	v38 =	vpsel p1, v39, v31;
	vm7 =	vge.f32 v30, v12;
	v36 =	vperm.xlane @p1 v36, v18  }
0x39e: {  	v28 =	vperm.xlane @p1 v28, v18;
	v60 =	vsel vm6, v56, v57;
	v43 =	vperm.xlane @p1 v43, v18  }
0x39f: {  	v37 =	vsel vm6, v57, v56;
	v31 =	vpsel p1, v45, v47;
	v48 =	vsel vm6, v59, v58  }
0x3a0: {  	v27 =	vsel vm6, v58, v59;
	v49 =	vsel vm7, v12, v30;
	v38 =	vperm.xlane @p1 v38, v18  }
0x3a1: {  	v12 =	vsel vm7, v30, v12;
	v50 =	vsel vm7, v40, v29;
	v32 =	vpsel p1, v34, v32;
	v34, v39, _ =	vpop @p1 (xrf1)  }
0x3a2: {  	v29 =	vsel vm7, v29, v40;
	(xrf1) =	vsort.dscd.msk.f32 $0xffff, v60, v27;
	v34 =	vperm.xlane @p1 v34, v18;
	v44, v45, _ =	vpop @p2 (xrf1)  }
0x3a3: {  	v31 =	vperm.xlane @p1 v31, v18;
	v27 =	vperm.xlane @p1 v39, v18;
	v39 =	vpsel p2, v44, v26  }
0x3a4: {  	v33 =	vpsel p1, v43, v33;
	(xrf1) =	vsort.dscd.msk.f32 $0xffff, v12, v50;
	vm2 =	vge.f32 @p1 v39, v34;
	v42, v44, _ =	vpop @p2 (xrf1)  }
0x3a5: {  	(xrf1) =	vsort.dscd.msk.f32 $0xffff, v37, v48;
	v30, v35, _ =	vpop @p2 (xrf1);
	v42 =	vpsel p2, v42, v24;
	v12 =	vsel @p1 vm2, v39, v34  }
0x3a6: {  	v34 =	vpsel p2, v45, v22;
	v30 =	vpsel p2, v30, v25;
	vm0 =	vge.f32 @p1 v42, v32  }
0x3a7: {  	v27 =	vsel @p1 vm2, v34, v27;
	vm3 =	vge.f32 @p1 v30, v33;
	v32 =	vsel @p1 vm0, v42, v32  }
0x3a8: {  	v37, v39, _ =	vpop @p2 (xrf1);
	(xrf1) =	vsort.dscd.msk.f32 $0xffff, v49, v29;
	v30 =	vsel @p1 vm3, v30, v33;
	v33 =	vpsel p2, v35, v21  }
0x3a9: {  	v31 =	vsel @p1 vm3, v33, v31;
	vm2 =	vge.f32 @p1 v12, v30;
	v33 =	vpsel p2, v37, v23  }
0x3aa: {  	v29 =	vpsel p2, v39, v20;
	vm3 =	vge.f32 @p1 v33, v28;
	v34 =	vsel @p1 vm2, v31, v27  }
0x3ab: {  	v35 =	vsel @p1 vm2, v30, v12;
	v12 =	vsel @p1 vm2, v12, v30;
	v28 =	vsel @p1 vm3, v33, v28  }
0x3ac: {  	v30 =	vpsel p2, v44, v19;
	v27 =	vsel @p1 vm2, v27, v31;
	vm1 =	vge.f32 @p1 v32, v28  }
0x3ad: {  	v29 =	vsel @p1 vm3, v29, v36;
	v30 =	vsel @p1 vm0, v30, v38;
	v33 =	vsel @p1 vm1, v32, v28  }
0x3ae: {  	v36 =	vsel @p1 vm1, v29, v30;
	v28 =	vsel @p1 vm1, v28, v32;
	vm0 =	vge.f32 @p1 v12, v33  }
0x3af: {  	v29 =	vsel @p1 vm1, v30, v29;
	vm2 =	vge.f32 @p1 v35, v28;
	v32 =	vsel @p1 vm0, v12, v33  }
0x3b0: {  	v12 =	vsel @p1 vm0, v33, v12;
	v30 =	vsel @p1 vm2, v35, v28;
	v31 =	vsel @p1 vm0, v27, v29  }
0x3b1: {  	v27 =	vsel @p1 vm0, v29, v27;
	v29 =	vsel @p1 vm2, v34, v36;
	(xrf1) =	vsort.dscd.msk.f32 @p1 $0xffff, v32, v31  }
0x3b2: {  	(xrf1) =	vsort.dscd.msk.f32 @p1 $0xffff, v12, v27;
	v12 =	vpsel p1, v30, v0;
	v27 =	vpsel p1, v29, v0  }
0x3b3: {  	vm0 =	vmmov @p1 vm2;
	v28 =	vpsel p1, v28, v0;
	(xrf1) =	vsort.dscd.msk.f32 @p1 $0xffff, v12, v27  }
0x3b4: {  	v29 =	vpsel p1, v34, v0;
	v12 =	vpsel p1, v35, v0;
	v27 =	vpsel p1, v36, v0  }
0x3b5: {  	v12 =	vsel @p1 vm0, v28, v12;
	v27 =	vsel @p1 vm0, v27, v29  }
0x3b6: {  	(xrf1) =	vsort.dscd.msk.f32 @p1 $0xffff, v12, v27;
	_ =	sdelay $0x4  }
0x3b7: {  	v12, v27, _ =	vpop (xrf1)  }
0x3b8: {  	v51, v52, _ =	vpop (xrf1)  }
0x3b9: {  	v27 =	vperm.xlane v27, v18;
	v12 =	vperm.xlane v12, v18;
	v54, v53, _ =	vpop (xrf1)  }
0x3ba: {  	v28 =	vperm.xlane v51, v18;
	v29 =	vperm.xlane v52, v18;
	v56, v55, _ =	vpop (xrf1)  }
0x3bb: {  	v30 =	vperm.xlane v54, v18;
	v32 =	vperm.xlane v56, v18;
	v34, v35, _ =	vpop @p1 (xrf1)  }
0x3bc: {  	v31 =	vperm.xlane v53, v18;
	v33 =	vperm.xlane v55, v18;
	v57 =	vpsel p1, v34, v26;
	v34, v36, _ =	vpop @p1 (xrf1)  }
0x3bd: {  	v22 =	vpsel p1, v35, v22;
	vm8 =	vge.f32 v57, v32;
	v37, v38, _ =	vpop @p1 (xrf1);
	v58 =	vpsel p1, v34, v24  }
0x3be: {  	v19 =	vpsel p1, v36, v19;
	v59 =	vpsel p1, v37, v25;
	v26 =	vsel vm8, v57, v32  }
0x3bf: {  	v22 =	vsel vm8, v22, v33;
	v21 =	vpsel p1, v38, v21;
	vm11 =	vge.f32 v58, v28  }
0x3c0: {  	vm9 =	vge.f32 v59, v30;
	v32, v34, _ =	vpop @p1 (xrf1);
	v24 =	vsel vm11, v58, v28;
	v19 =	vsel vm11, v19, v29  }
0x3c1: {  	v25 =	vsel vm9, v59, v30;
	v21 =	vsel vm9, v21, v31;
	v23 =	vpsel p1, v32, v23  }
0x3c2: {  	v20 =	vpsel p1, v34, v20;
	vm10 =	vge.f32 v26, v25;
	vm12 =	vge.f32 v23, v12  }
0x3c3: {  	v60 =	vsel vm10, v21, v22;
	v12 =	vsel vm12, v23, v12;
	v23 =	vsel vm10, v26, v25  }
0x3c4: {  	v20 =	vsel vm12, v20, v27;
	v25 =	vsel vm10, v25, v26;
	vm13 =	vge.f32 v24, v12  }
0x3c5: {  	v21 =	vsel vm10, v22, v21;
	v62 =	vsel vm13, v24, v12;
	v63 =	vsel vm13, v20, v19  }
0x3c6: {  	v12 =	vsel vm13, v12, v24;
	v19 =	vsel vm13, v19, v20;
	vm14 =	vge.f32 v23, v62  }
0x3c7: {  	v20 =	vsel vm14, v23, v62;
	v22 =	vsel vm14, v62, v23;
	v23 =	vsel vm14, v21, v19  }
0x3c8: {  	vm15 =	vge.f32 v25, v12;
	v19 =	vsel vm14, v19, v21;
	(xrf1) =	vsort.dscd.msk.f32 $0xffff, v20, v23  }
0x3c9: {  	v21 =	vsel vm15, v60, v63;
	v20 =	vsel vm15, v25, v12;
	(xrf1) =	vsort.dscd.msk.f32 $0xffff, v22, v19  }
0x3ca: {  	v12 =	vsel vm15, v12, v25;
	v19 =	vsel vm15, v63, v60;
	(xrf1) =	vsort.dscd.msk.f32 $0xffff, v20, v21  }
0x3cb: {  	(xrf1) =	vsort.dscd.msk.f32 $0xffff, v12, v19;
	_ =	sdelay $0xa  }
0x3cc: {  	v12, v22, _ =	vpop (xrf1)  }
0x3cd: {  	v12, v19, _ =	vpop (xrf1)  }
0x3ce: {  	v12, v21, _ =	vpop (xrf1)  }
0x3cf: {  	v23, v20, _ =	vpop (xrf1)  }
.LBB2_34:
0x3d0: {  	(xrf0) =	vmin.scan.msk.f32 $0xffff, v23;
	_ =	sdelay $0x2  }
0x3d1: {  	s21 =	sor.u32 $0x1, s21  }
0x3d2: {  	s22 =	sshll.u32 s21, $0x6;
	v12 =	vmov s21  }
.Ltmp18:
0x3d3: {  	[tilespmem:s22+$0x8C00] =	vst v22;
	s23 =	sor.u32 $0x50, s22;
	(pc) =	sbr.rel @p0 .LBB2_36-.Ltmp18, $4  }
0x3d4: {  	s31 =	sor.u32 $0x60, s22;
	[tilespmem:s23+$0x8C00] =	vst v19;
	v19, _, _ =	vpop (xrf0)  }
0x3d5: {  	s22 =	sor.u32 $0x70, s22;
	[tilespmem:s31+$0x8C00] =	vst v21;
	v19 =	vbroadcast v19, $0xF  }
0x3d6: {  	[tilespmem:s22+$0x8C00] =	vst v20  }
0x3d7: {  	[tilespmem:v12+s15+$0x0] =	vst.idx.msk $0x1, v19  }
0x3d8: {  	s21 =	sor.u32 s4, s21  }
0x3d9: {  	s21 =	sadd.s32 $0x2, s21  }
.Ltmp19:
0x3da: {  	s22 =	sshll.u32 s21, $0x4;
	(pc) =	sbr.rel .LBB2_2-.Ltmp19, $4  }
0x3db: {  	s21 =	sshll.u32 s21, $0xB;
	s22 =	sand.u32 $0x70, s22  }
0x3dc: {  	s21 =	sand.u32 $0xFFFC000, s21;
	s22 =	sadd.s32 s3, s22  }
0x3dd: {  	s20 =	sadd.s32 $0x1, s20;
	s21 =	sadd.s32 s21, s22  }
0x3de: {  	[tilespmem:s12], [sflag:$0x2] =	stream.strided.gather [hbm4b:s21+s10], $0x4000, s11, s10, $0x38;
	[tilespmem:$0xAC80] =	vst v63  }
.LBB2_8:
.Ltmp20:
0x3df: {  	(pc) =	sbr.rel .LBB2_17-.Ltmp20, $2  }
0x3e0: {  	_ =	sdelay $0x2  }
0x3e1: {  	_ = 	snop  }
.LBB2_24:
.Ltmp21:
0x3e2: {  	(pc) =	sbr.rel .LBB2_33-.Ltmp21, $2  }
0x3e3: {  	_ =	sdelay $0x2  }
0x3e4: {  	_ = 	snop  }
.LBB2_10:
.Ltmp22:
0x3e5: {  	(pc) =	sbr.rel .LBB2_17-.Ltmp22, $2  }
0x3e6: {  	_ =	sdelay $0x2  }
0x3e7: {  	_ = 	snop  }
.LBB2_26:
.Ltmp23:
0x3e8: {  	(pc) =	sbr.rel .LBB2_33-.Ltmp23, $2  }
0x3e9: {  	_ =	sdelay $0x2  }
0x3ea: {  	_ = 	snop  }
.LBB2_12:
.Ltmp24:
0x3eb: {  	(pc) =	sbr.rel .LBB2_17-.Ltmp24, $3  }
0x3ec: {  	_ =	sdelay $0x1  }
0x3ed: {  	v53 =	vmov v31  }
0x3ee: {  	v48 =	vmovc v62;
	v54 =	vmovc v12;
	v47 =	vmov v63;
	v45 =	vmov v32;
	v52 =	vmov v33  }
.LBB2_28:
.Ltmp25:
0x3ef: {  	(pc) =	sbr.rel .LBB2_33-.Ltmp25, $3  }
0x3f0: {  	_ =	sdelay $0x1  }
0x3f1: {  	v53 =	vmov v31  }
0x3f2: {  	v48 =	vmovc v62;
	v54 =	vmovc v28;
	v47 =	vmov v63;
	v45 =	vmov v32;
	v52 =	vmov v33  }
.LBB2_14:
.Ltmp26:
0x3f3: {  	(pc) =	sbr.rel .LBB2_17-.Ltmp26, $4  }
0x3f4: {  	_ = 	snop  }
0x3f5: {  	v61 =	vld [tilespmem:$0x1FFF0]  }
0x3f6: {  	v62 =	vld [tilespmem:$0x1FFD0]  }
0x3f7: {  	v63 =	vmov v31;
	v31 =	vld [tilespmem:$0x1FFC0]  }
.LBB2_30:
.Ltmp27:
0x3f8: {  	(pc) =	sbr.rel .LBB2_33-.Ltmp27, $4  }
0x3f9: {  	_ = 	snop  }
0x3fa: {  	v61 =	vld [tilespmem:$0x1FFF0]  }
0x3fb: {  	v62 =	vld [tilespmem:$0x1FFA0]  }
0x3fc: {  	v63 =	vmov v31;
	v31 =	vld [tilespmem:$0x1FF90]  }
.LBB2_37:
0x3fd: {  	_ =	sfence.sel $0x180000  }
0x3fe: {  	[bflag:$0x0] =	sbarrier.arrive $0xFFFF  }
0x3ff: {  	p0 =	sne.s32 s1, $0x0;
	_ =	strace $0x90000047  }
0x400: {  	s0 =	sadd.s32 @!p0 $0x100000, s0;
	[bflag:$0x2] =	sbarrier.arrive $0xFFFF  }
0x401: {  	[sflag:s0] =	ssyncadd.tile.s32 @!p0 $0x1;
	_ =	shalt  }
.Lfunc_end2:
_tile_overlayer_lowered:
.L_overlay_start_2:
0x402: {  	(tag) =	ssettag $0x2  }
0x403: {  	s0 =	rddreg [dreg:$0x0];
	s2 =	stileid.u32  }
0x404: {  	s1 =	rddreg [dreg:$0x1];
	p0 =	sne.s32 s2, $0x0  }
0x405: {  	s3 =	rddreg [dreg:$0x2];
	[bflag:$0x3] =	sbarrier.arrive $0xFFFF;
	s2 =	simm.s32 @!p0 $0x1C03  }
0x406: {  	[timem:s3], [sflag:s2] =	dma.local @!p0 [hbm:s0], s1  }
0x407: {  	s0 =	simm.s32 @!p0 $0x3  }
0x408: {  	_ =	swait.ge @!p0 [sflag:s0], s1  }
0x409: {  	s1 =	ssub.s32 @!p0 $0x0, s1;
	[sflag:s0] =	ssyncset.done @!p0 $0x0  }
0x40a: {  	[sflag:s0] =	ssyncadd.s32 @!p0 s1  }
0x40b: {  	[bflag:$0x3] =	sbarrier.arrive $0xFFFF  }
0x40c: {  	_ =	shalt  }

</sc_bundles>
